<compile_context>
chip_gen: v7x
topology: tpu7x:2x2x1
jax: 0.10.2.dev20260603
libtpu: 0.0.44.dev20260713+nightly
codegen_flags: <defaults>
</compile_context>

<pallas_src>
import functools

import jax
import jax.numpy as jnp
from jax import lax
from jax.experimental import pallas as pl
from jax.experimental.pallas import tpu as pltpu
from jax.experimental.pallas import tpu_sc as plsc

N = 10000
E = 5000
NNZ = 320000
D = 128
H = 64
KEPT = (1, 2, 4, 8, 16)
NP = 10112
EP = 5120
NT = NP // 16
ET = EP // 16
SUB = 160
C = 400
PPT = NNZ // 16
NCH = PPT // C

NSUBS = [(0, 160), (160, 160), (320, 160), (480, 152)]
ESUBS = [(0, 160), (160, 160)]

_mesh = plsc.VectorSubcoreMesh(core_axis_name="c", subcore_axis_name="s")
_f32 = jnp.float32


def _zero_buf(buf, nrows):
    def body(r, _):
        for k in range(H // 16):
            buf[r, pl.ds(k * 16, 16)] = jnp.zeros((16,), _f32)
        return 0
    lax.fori_loop(0, nrows, body, 0)


def _scatter_phase(src, src_off, gidx, sidx, acc,
                   rows0, rows1, gib0, gib1, sib0, sib1, sem0, sem1):
    bufs = ((rows0, gib0, sib0, sem0), (rows1, gib1, sib1, sem1))

    def load_and_fire(ch, rows, gib, sib, sem):
        b = pl.multiple_of(ch * C, 8)
        pltpu.sync_copy(gidx.at[pl.ds(b, C)], gib)
        pltpu.sync_copy(sidx.at[pl.ds(b, C)], sib)
        def adj(k, _):
            gib[pl.ds(k * 16, 16)] = gib[pl.ds(k * 16, 16)] + src_off
            return 0
        lax.fori_loop(0, C // 16, adj, 0)
        pltpu.async_copy(src.at[gib], rows, sem)

    def drain_and_scatter(rows, sib, sem):
        pltpu.make_async_copy(src.at[pl.ds(0, C)], rows, sem).wait()
        pltpu.sync_copy(rows, acc.at[sib], add=True)

    load_and_fire(0, *bufs[0])

    def pipe(i, _):
        rA, gA, sA, mA = bufs[0]
        rB, gB, sB, mB = bufs[1]
        load_and_fire(2 * i + 1, rB, gB, sB, mB)
        drain_and_scatter(rA, sA, mA)
        @pl.when(i < NCH // 2 - 1)
        def _():
            load_and_fire(2 * i + 2, rA, gA, sA, mA)
        drain_and_scatter(rB, sB, mB)
        return 0
    lax.fori_loop(0, NCH // 2, pipe, 0)


def _deg_phase(idx, acc, ones, gib0, gib1):
    def chunk(i, _):
        b = pl.multiple_of(2 * i * C, 8)
        pltpu.sync_copy(idx.at[pl.ds(b, C)], gib0)
        b1 = pl.multiple_of((2 * i + 1) * C, 8)
        pltpu.sync_copy(idx.at[pl.ds(b1, C)], gib1)
        pltpu.sync_copy(ones, acc.at[gib0], add=True)
        pltpu.sync_copy(ones, acc.at[gib1], add=True)
        return 0
    lax.fori_loop(0, NCH // 2, chunk, 0)


def _inv_phase(acc, inv_out, buf, zbuf, o, subs):
    for (so, sn) in subs:
        oo = pl.multiple_of(o + so, 8)
        pltpu.sync_copy(acc.at[pl.ds(oo, sn)], buf.at[pl.ds(0, sn)])
        def body(r, _):
            for k in range(H // 16):
                d = buf[r, pl.ds(k * 16, 16)]
                buf[r, pl.ds(k * 16, 16)] = jnp.where(d > 0, 1.0 / d, 0.0)
            return 0
        lax.fori_loop(0, sn, body, 0)
        pltpu.sync_copy(buf.at[pl.ds(0, sn)], inv_out.at[pl.ds(oo, sn)])
        pltpu.sync_copy(zbuf.at[pl.ds(0, sn)], acc.at[pl.ds(oo, sn)])


def _combine_phase(acc, inv_hbm, state, state_off, o, subs,
                   buf, ibuf, zbuf, lvl_arr, core, slot, sem0, sem1):
    for (so, sn) in subs:
        oo = pl.multiple_of(o + so, 8)
        d_acc = pltpu.async_copy(acc.at[pl.ds(oo, sn)],
                                 buf.at[pl.ds(0, sn)], sem0)
        d_inv = pltpu.async_copy(inv_hbm.at[pl.ds(oo, sn)],
                                 ibuf.at[pl.ds(0, sn)], sem1)
        d_acc.wait()
        d_inv.wait()
        def body(r, _):
            for k in range(H // 16):
                ibuf[r, pl.ds(k * 16, 16)] = (buf[r, pl.ds(k * 16, 16)]
                                              * ibuf[r, pl.ds(k * 16, 16)])
            return 0
        lax.fori_loop(0, sn, body, 0)
        sso = pl.multiple_of(state_off + o + so, 8)
        d_lvl = pltpu.async_copy(buf.at[pl.ds(0, sn)],
                                 lvl_arr.at[core, slot, pl.ds(oo, sn)], sem0)
        d_st = pltpu.async_copy(ibuf.at[pl.ds(0, sn)],
                                state.at[pl.ds(sso, sn)], sem1)
        pltpu.sync_copy(zbuf.at[pl.ds(0, sn)], acc.at[pl.ds(oo, sn)])
        d_lvl.wait()
        d_st.wait()


@functools.partial(
    pl.kernel,
    out_type=(
        jax.ShapeDtypeStruct((2, 16, NP, H), _f32),
        jax.ShapeDtypeStruct((2, 16, EP, H), _f32),
        jax.ShapeDtypeStruct((2 * NP, H), _f32),
        jax.ShapeDtypeStruct((2 * EP, H), _f32),
        jax.ShapeDtypeStruct((NP, H), _f32),
        jax.ShapeDtypeStruct((EP, H), _f32),
    ),
    mesh=_mesh,
    scratch_types=[
        pltpu.VMEM((C, H), _f32),
        pltpu.VMEM((C, H), _f32),
        pltpu.VMEM((SUB, H), _f32),
        pltpu.VMEM((SUB, H), _f32),
        pltpu.VMEM((SUB, H), _f32),
        pltpu.VMEM((C,), jnp.int32),
        pltpu.VMEM((C,), jnp.int32),
        pltpu.VMEM((C,), jnp.int32),
        pltpu.VMEM((C,), jnp.int32),
        pltpu.VMEM_SHARED((NP, H), _f32),
        pltpu.SemaphoreType.DMA,
        pltpu.SemaphoreType.DMA,
    ],
    compiler_params=pltpu.CompilerParams(use_tc_tiling_on_sc=False),
)
def _diffusion(xh, iv, ie, lvl_n, lvl_e, state_n, state_e, inv_v, inv_e,
               rows0, rows1, buf, ibuf, zbuf, gib0, gib1, sib0, sib1, acc,
               sem0, sem1):
    c = lax.axis_index("c")
    s = lax.axis_index("s")
    no = pl.multiple_of(s * NT, 8)
    eo = pl.multiple_of(s * ET, 8)
    pb = pl.multiple_of(s * PPT, 8)
    ivs = iv.at[pl.ds(pb, PPT)]
    ies = ie.at[pl.ds(pb, PPT)]

    _zero_buf(zbuf, SUB)
    for (so, sn) in NSUBS:
        pltpu.sync_copy(zbuf.at[pl.ds(0, sn)],
                        acc.at[pl.ds(pl.multiple_of(no + so, 8), sn)])
    plsc.subcore_barrier()

    def fill(r, _):
        for k in range(H // 16):
            rows0[r, pl.ds(k * 16, 16)] = jnp.full((16,), 1.0, _f32)
        return 0
    lax.fori_loop(0, C, fill, 0)
    _deg_phase(ivs, acc, rows0, gib0, gib1)
    plsc.subcore_barrier()
    _inv_phase(acc, inv_v, buf, zbuf, no, NSUBS)
    plsc.subcore_barrier()
    _deg_phase(ies, acc, rows0, gib0, gib1)
    plsc.subcore_barrier()
    _inv_phase(acc, inv_e, buf, zbuf, eo, ESUBS)
    plsc.subcore_barrier()

    for (so, sn) in NSUBS:
        oo = pl.multiple_of(no + so, 8)
        pltpu.sync_copy(xh.at[c, pl.ds(oo, sn)], buf.at[pl.ds(0, sn)])
        pltpu.sync_copy(inv_v.at[pl.ds(oo, sn)], ibuf.at[pl.ds(0, sn)])
        def nrm(r, _):
            for k in range(H // 16):
                buf[r, pl.ds(k * 16, 16)] = (buf[r, pl.ds(k * 16, 16)]
                                             * ibuf[r, pl.ds(k * 16, 16)])
            return 0
        lax.fori_loop(0, sn, nrm, 0)
        sso = pl.multiple_of(c * NP + no + so, 8)
        pltpu.sync_copy(buf.at[pl.ds(0, sn)], state_n.at[pl.ds(sso, sn)])
    plsc.subcore_barrier()

    def round_body(t, _):
        _scatter_phase(state_n, c * NP, ivs, ies, acc,
                       rows0, rows1, gib0, gib1, sib0, sib1, sem0, sem1)
        plsc.subcore_barrier()
        _combine_phase(acc, inv_e, state_e, c * EP, eo, ESUBS, buf, ibuf,
                       zbuf, lvl_e, c, t, sem0, sem1)
        plsc.subcore_barrier()
        _scatter_phase(state_e, c * EP, ies, ivs, acc,
                       rows0, rows1, gib0, gib1, sib0, sib1, sem0, sem1)
        plsc.subcore_barrier()
        _combine_phase(acc, inv_v, state_n, c * NP, no, NSUBS, buf, ibuf,
                       zbuf, lvl_n, c, t, sem0, sem1)
        plsc.subcore_barrier()
        return 0
    lax.fori_loop(0, 16, round_body, 0)


def _wavelet_body(*refs):
    halves = refs[:12]
    out_ref = refs[12]
    for w in range(6):
        for h in range(2):
            cur = halves[h * 6 + w][...]
            coeff = cur - halves[h * 6 + w + 1][...] if w < 5 else cur
            pos = jnp.maximum(coeff, 0.0)
            neg = jnp.maximum(-coeff, 0.0)
            inter = jnp.stack([pos, neg], axis=-1).reshape(cur.shape[0], H * 2)
            base = w * D * 2 + h * H * 2
            out_ref[:, base:base + H * 2] = inter


def _wavelet(levels, rows, BLK):
    spec = pl.BlockSpec((BLK, H), lambda i: (i, 0))
    return pl.pallas_call(
        _wavelet_body,
        grid=(rows // BLK,),
        in_specs=[spec] * 12,
        out_specs=pl.BlockSpec((BLK, 6 * D * 2), lambda i: (i, 0)),
        out_shape=jax.ShapeDtypeStruct((rows, 6 * D * 2), _f32),
    )(*levels)


def kernel(X, Y, incidence_v, incidence_e, W):
    iv = incidence_v.astype(jnp.int32)
    ie = incidence_e.astype(jnp.int32)
    xh = jnp.stack([X[:, :H], X[:, H:]])
    xh = jnp.pad(xh, ((0, 0), (0, NP - N), (0, 0)))

    lvl_n, lvl_e, _, _, _, _ = _diffusion(xh, iv, ie)

    def half_levels(base, lvls, rows):
        out = []
        for h in range(2):
            out.append(base[:, h * H:(h + 1) * H])
            for t in KEPT:
                out.append(lvls[h, t - 1, :rows, :])
        return out

    s_nodes = _wavelet(half_levels(X, lvl_n, N), N, 80)
    s_edges = _wavelet(half_levels(Y, lvl_e, E), E, 40)
    return (s_nodes, s_edges)

# --- scband reference (transcript-rebuilt; emitter-appended) ---
"""Pipeline reference for scband-hyper-scattering-module-22393959481940 (READ-ONLY COPY).

The authoritative reference and input builder live on the scoring server;
editing this copy changes nothing except your own understanding.
"""

import jax, jax.numpy as jnp
import numpy as np

N = 10000   # nodes
E = 5000    # hyperedges
NNZ = 320000  # incidence pairs
D = 128     # in_channels


def _wavelet_constructor():
    W = np.zeros((6, 17), dtype=np.float32)
    W[0, 0] = 1.0; W[0, 1] = -1.0
    W[1, 1] = 1.0; W[1, 2] = -1.0
    W[2, 2] = 1.0; W[2, 4] = -1.0
    W[3, 4] = 1.0; W[3, 8] = -1.0
    W[4, 8] = 1.0; W[4, 16] = -1.0
    W[5, 16] = 1.0
    return jnp.asarray(W)


def setup_inputs(seed: int = 0) -> dict:
    key = jax.random.key(seed)
    k1, k2, k3, k4 = jax.random.split(key, 4)
    X = jax.random.normal(k1, (N, D), dtype=jnp.float32)
    Y = jax.random.normal(k2, (E, D), dtype=jnp.float32)
    incidence_v = jax.random.randint(k3, (NNZ,), 0, N, dtype=jnp.int64)
    incidence_e = jax.random.randint(k4, (NNZ,), 0, E, dtype=jnp.int64)
    W = _wavelet_constructor()
    return {"X": X, "Y": Y, "incidence_v": incidence_v, "incidence_e": incidence_e, "W": W}


def reference(X, Y, incidence_v, incidence_e, W):
    ones = jnp.ones((NNZ,), dtype=jnp.float32)
    deg_v = jax.ops.segment_sum(ones, incidence_v, num_segments=N)
    deg_e = jax.ops.segment_sum(ones, incidence_e, num_segments=E)
    # D_v^-1 / D_e^-1 with nan_to_num semantics (0 where degree == 0)
    inv_deg_v = jnp.where(deg_v > 0, 1.0 / deg_v, 0.0)
    inv_deg_e = jnp.where(deg_e > 0, 1.0 / deg_e, 0.0)

    node_features = [X]
    edge_features = [Y]
    for _ in range(16):
        Xc = node_features[-1]
        X_norm = Xc * inv_deg_v[:, None]                      # einsum('ij,i->ij')
        edge_feat = jax.ops.segment_sum(X_norm[incidence_v], incidence_e, num_segments=E)  # v2e sum
        edge_feat_norm = edge_feat * inv_deg_e[:, None]
        node_feat = jax.ops.segment_sum(edge_feat_norm[incidence_e], incidence_v, num_segments=N)  # e2v sum
        node_features.append(node_feat)
        edge_features.append(edge_feat)

    diffusion_levels = jnp.stack(node_features, axis=0)        # [17, N, D]
    edge_diffusion_levels = jnp.stack(edge_features, axis=0)   # [17, E, D]

    wavelet_coeffs = jnp.einsum('ij,jkl->ikl', W, diffusion_levels)          # [6, N, D]
    wavelet_coeffs_edges = jnp.einsum('ij,jkl->ikl', W, edge_diffusion_levels)  # [6, E, D]

    # blis activations: [relu(x), relu(-x)] stacked on axis a
    act = jnp.stack([jax.nn.relu(wavelet_coeffs), jax.nn.relu(-wavelet_coeffs)], axis=0)          # [2, 6, N, D]
    act_e = jnp.stack([jax.nn.relu(wavelet_coeffs_edges), jax.nn.relu(-wavelet_coeffs_edges)], axis=0)  # [2, 6, E, D]

    # rearrange 'a w n f -> n (w f a)'
    s_nodes = jnp.transpose(act, (2, 1, 3, 0)).reshape(N, 6 * D * 2)
    s_edges = jnp.transpose(act_e, (2, 1, 3, 0)).reshape(E, 6 * D * 2)
    return (s_nodes, s_edges)

if __name__ == "__main__":
    import jax
    _d = setup_inputs()
    print(jax.jit(kernel)(*tuple(_d.values())))

</pallas_src>

<mosaic_0001>
#map = affine_map<(d0, d1) -> (0, 0, 0)>
#map1 = affine_map<(d0, d1) -> (0)>
#map2 = affine_map<(d0, d1) -> (0, 0, 0, 0)>
#map3 = affine_map<(d0, d1) -> (0, 0)>
module attributes {stable_mosaic.version = 14 : i64} {
  func.func @_diffusion(%arg0: i32, %arg1: i32, %arg2: memref<2x10112x64xf32, #tpu.memory_space<hbm>>, %arg3: memref<320000xi32, #tpu.memory_space<hbm>>, %arg4: memref<320000xi32, #tpu.memory_space<hbm>>, %arg5: memref<2x16x10112x64xf32, #tpu.memory_space<hbm>>, %arg6: memref<2x16x5120x64xf32, #tpu.memory_space<hbm>>, %arg7: memref<20224x64xf32, #tpu.memory_space<hbm>>, %arg8: memref<10240x64xf32, #tpu.memory_space<hbm>>, %arg9: memref<10112x64xf32, #tpu.memory_space<hbm>>, %arg10: memref<5120x64xf32, #tpu.memory_space<hbm>>, %arg11: memref<400x64xf32, #tpu.memory_space<vmem>>, %arg12: memref<400x64xf32, #tpu.memory_space<vmem>>, %arg13: memref<160x64xf32, #tpu.memory_space<vmem>>, %arg14: memref<160x64xf32, #tpu.memory_space<vmem>>, %arg15: memref<160x64xf32, #tpu.memory_space<vmem>>, %arg16: memref<400xi32, #tpu.memory_space<vmem>>, %arg17: memref<400xi32, #tpu.memory_space<vmem>>, %arg18: memref<400xi32, #tpu.memory_space<vmem>>, %arg19: memref<400xi32, #tpu.memory_space<vmem>>, %arg20: memref<10112x64xf32, #tpu.memory_space<vmem_shared>>, %arg21: memref<!tpu.dma_semaphore, #tpu.memory_space<semaphore_mem>>, %arg22: memref<!tpu.dma_semaphore, #tpu.memory_space<semaphore_mem>>) attributes {dimension_semantics = [#tpu.dimension_semantics<core_parallel>, #tpu.dimension_semantics<subcore_parallel>], iteration_bounds = array<i64: 2, 16>, scalar_prefetch = 0 : i64, scratch_operands = 12 : i64, tpu.core_type = #tpu.core_type<sc_vector_subcore>, window_params = [{transform_indices = #map}, {transform_indices = #map1}, {transform_indices = #map1}, {transform_indices = #map2}, {transform_indices = #map2}, {transform_indices = #map3}, {transform_indices = #map3}, {transform_indices = #map3}, {transform_indices = #map3}]} {
    %mul3A = arith.constant 632 : i32
    %mul3A_0 = arith.muli %arg1, %mul3A : i32
    %multiple_of3A = tpu.assume_multiple %mul3A_0, 8 : i32
    %mul3A_1 = arith.constant 320 : i32
    %mul3A_2 = arith.muli %arg1, %mul3A_1 : i32
    %multiple_of3A_3 = tpu.assume_multiple %mul3A_2, 8 : i32
    %mul3A_4 = arith.constant 20000 : i32
    %mul3A_5 = arith.muli %arg1, %mul3A_4 : i32
    %multiple_of3A_6 = tpu.assume_multiple %mul3A_5, 8 : i32
    %scan3A = arith.constant 0 : i32
    %scan3A_7 = arith.constant 0 : i32
    %scan3A_8 = arith.constant 160 : i32
    %scan3A_9 = arith.addi %scan3A_7, %scan3A_8 : i32
    %scan3A_10 = arith.constant 1 : i32
    %scan3A_11 = scf.for %scan3A_181 = %scan3A_7 to %scan3A_9 step %scan3A_10 iter_args(%scan3A_182 = %scan3A) -> (i32)  : i32 {
      %broadcast_in_dim3A = arith.constant 0.000000e+00 : f32
      %broadcast_in_dim3A_183 = vector.broadcast %broadcast_in_dim3A : f32 to vector<16xf32>
      %swap3A = arith.index_cast %scan3A_181 : i32 to index
      %swap3A_184 = arith.constant 0 : index
      %swap3A_185 = tpu.vector_load %arg15[%swap3A, %swap3A_184] {strides = array<i32>} : memref<160x64xf32, #tpu.memory_space<vmem>>, vector<1x16xf32>,
      %swap3A_186 = vector.shape_cast %swap3A_185 : vector<1x16xf32> to vector<16xf32>
      %swap3A_187 = vector.shape_cast %broadcast_in_dim3A_183 : vector<16xf32> to vector<1x16xf32>
      tpu.vector_store %arg15[%swap3A, %swap3A_184], %swap3A_187 {strides = array<i32>} : memref<160x64xf32, #tpu.memory_space<vmem>>, vector<1x16xf32>,
      %broadcast_in_dim3A_188 = arith.constant 0.000000e+00 : f32
      %broadcast_in_dim3A_189 = vector.broadcast %broadcast_in_dim3A_188 : f32 to vector<16xf32>
      %swap3A_190 = arith.index_cast %scan3A_181 : i32 to index
      %swap3A_191 = arith.constant 16 : index
      %swap3A_192 = tpu.vector_load %arg15[%swap3A_190, %swap3A_191] {strides = array<i32>} : memref<160x64xf32, #tpu.memory_space<vmem>>, vector<1x16xf32>,
      %swap3A_193 = vector.shape_cast %swap3A_192 : vector<1x16xf32> to vector<16xf32>
      %swap3A_194 = vector.shape_cast %broadcast_in_dim3A_189 : vector<16xf32> to vector<1x16xf32>
      tpu.vector_store %arg15[%swap3A_190, %swap3A_191], %swap3A_194 {strides = array<i32>} : memref<160x64xf32, #tpu.memory_space<vmem>>, vector<1x16xf32>,
      %broadcast_in_dim3A_195 = arith.constant 0.000000e+00 : f32
      %broadcast_in_dim3A_196 = vector.broadcast %broadcast_in_dim3A_195 : f32 to vector<16xf32>
      %swap3A_197 = arith.index_cast %scan3A_181 : i32 to index
      %swap3A_198 = arith.constant 32 : index
      %swap3A_199 = tpu.vector_load %arg15[%swap3A_197, %swap3A_198] {strides = array<i32>} : memref<160x64xf32, #tpu.memory_space<vmem>>, vector<1x16xf32>,
      %swap3A_200 = vector.shape_cast %swap3A_199 : vector<1x16xf32> to vector<16xf32>
      %swap3A_201 = vector.shape_cast %broadcast_in_dim3A_196 : vector<16xf32> to vector<1x16xf32>
      tpu.vector_store %arg15[%swap3A_197, %swap3A_198], %swap3A_201 {strides = array<i32>} : memref<160x64xf32, #tpu.memory_space<vmem>>, vector<1x16xf32>,
      %broadcast_in_dim3A_202 = arith.constant 0.000000e+00 : f32
      %broadcast_in_dim3A_203 = vector.broadcast %broadcast_in_dim3A_202 : f32 to vector<16xf32>
      %swap3A_204 = arith.index_cast %scan3A_181 : i32 to index
      %swap3A_205 = arith.constant 48 : index
      %swap3A_206 = tpu.vector_load %arg15[%swap3A_204, %swap3A_205] {strides = array<i32>} : memref<160x64xf32, #tpu.memory_space<vmem>>, vector<1x16xf32>,
      %swap3A_207 = vector.shape_cast %swap3A_206 : vector<1x16xf32> to vector<16xf32>
      %swap3A_208 = vector.shape_cast %broadcast_in_dim3A_203 : vector<16xf32> to vector<1x16xf32>
      tpu.vector_store %arg15[%swap3A_204, %swap3A_205], %swap3A_208 {strides = array<i32>} : memref<160x64xf32, #tpu.memory_space<vmem>>, vector<1x16xf32>,
      %scan3A_209 = arith.constant 0 : i32
      scf.yield %scan3A_209 : i32
    }
    %scan3A_12 = arith.constant 160 : i32
    %add3A = arith.constant 0 : i32
    %add3A_13 = arith.addi %multiple_of3A, %add3A : i32
    %multiple_of3A_14 = tpu.assume_multiple %add3A_13, 8 : i32
    "tpu.region"() ({
      %run_scoped3A = tpu.sem_alloc : memref<!tpu.dma_semaphore, #tpu.memory_space<semaphore_mem>>
      %dma_start3A = arith.constant 0 : i32
      %dma_start3A_181 = arith.constant 0 : i32
      %dma_start3A_182 = tpu.memref_slice %arg15[%dma_start3A, %dma_start3A_181] : memref<160x64xf32, #tpu.memory_space<vmem>> -> memref<160x64xf32, #tpu.memory_space<vmem>>
      %dma_start3A_183 = arith.constant 0 : i32
      %dma_start3A_184 = tpu.memref_slice %arg20[%multiple_of3A_14, %dma_start3A_183] : memref<10112x64xf32, #tpu.memory_space<vmem_shared>> -> memref<160x64xf32, #tpu.memory_space<vmem_shared>>
      %dma_start3A_185 = arith.constant 0 : i32
      %dma_start3A_186 = tpu.memref_slice %arg20[%multiple_of3A_14, %dma_start3A_185] : memref<10112x64xf32, #tpu.memory_space<vmem_shared>> -> memref<160x64xf32, #tpu.memory_space<vmem_shared>>
      %dma_start3A_187 = arith.constant 0 : i32
      %dma_start3A_188 = arith.constant 0 : i32
      %dma_start3A_189 = tpu.memref_slice %arg15[%dma_start3A_187, %dma_start3A_188] : memref<160x64xf32, #tpu.memory_space<vmem>> -> memref<160x64xf32, #tpu.memory_space<vmem>>
      tpu.enqueue_dma source(%dma_start3A_189 : memref<160x64xf32, #tpu.memory_space<vmem>>) target(%dma_start3A_186 : memref<160x64xf32, #tpu.memory_space<vmem_shared>>) target_semaphore(%run_scoped3A : memref<!tpu.dma_semaphore, #tpu.memory_space<semaphore_mem>>)
      %dma_wait3A = arith.constant 0 : i32
      %dma_wait3A_190 = arith.constant 0 : i32
      %dma_wait3A_191 = tpu.memref_slice %arg15[%dma_wait3A, %dma_wait3A_190] : memref<160x64xf32, #tpu.memory_space<vmem>> -> memref<160x64xf32, #tpu.memory_space<vmem>>
      %dma_wait3A_192 = arith.constant 0 : i32
      %dma_wait3A_193 = tpu.memref_slice %arg20[%multiple_of3A_14, %dma_wait3A_192] : memref<10112x64xf32, #tpu.memory_space<vmem_shared>> -> memref<160x64xf32, #tpu.memory_space<vmem_shared>>
      %dma_wait3A_194 = arith.constant 0 : i32
      %dma_wait3A_195 = tpu.memref_slice %arg20[%multiple_of3A_14, %dma_wait3A_194] : memref<10112x64xf32, #tpu.memory_space<vmem_shared>> -> memref<160x64xf32, #tpu.memory_space<vmem_shared>>
      %dma_wait3A_196 = arith.constant 0 : i32
      %dma_wait3A_197 = arith.constant 0 : i32
      %dma_wait3A_198 = tpu.memref_slice %arg15[%dma_wait3A_196, %dma_wait3A_197] : memref<160x64xf32, #tpu.memory_space<vmem>> -> memref<160x64xf32, #tpu.memory_space<vmem>>
      tpu.wait_dma2 semaphore(%run_scoped3A : memref<!tpu.dma_semaphore, #tpu.memory_space<semaphore_mem>>) src(%dma_wait3A_198 : memref<160x64xf32, #tpu.memory_space<vmem>>) dst(%dma_wait3A_195 : memref<160x64xf32, #tpu.memory_space<vmem_shared>>)
      tpu.yield
    }) : () -> ()
    %add3A_15 = arith.constant 160 : i32
    %add3A_16 = arith.addi %multiple_of3A, %add3A_15 : i32
    %multiple_of3A_17 = tpu.assume_multiple %add3A_16, 8 : i32
    "tpu.region"() ({
      %run_scoped3A = tpu.sem_alloc : memref<!tpu.dma_semaphore, #tpu.memory_space<semaphore_mem>>
      %dma_start3A = arith.constant 0 : i32
      %dma_start3A_181 = arith.constant 0 : i32
      %dma_start3A_182 = tpu.memref_slice %arg15[%dma_start3A, %dma_start3A_181] : memref<160x64xf32, #tpu.memory_space<vmem>> -> memref<160x64xf32, #tpu.memory_space<vmem>>
      %dma_start3A_183 = arith.constant 0 : i32
      %dma_start3A_184 = tpu.memref_slice %arg20[%multiple_of3A_17, %dma_start3A_183] : memref<10112x64xf32, #tpu.memory_space<vmem_shared>> -> memref<160x64xf32, #tpu.memory_space<vmem_shared>>
      %dma_start3A_185 = arith.constant 0 : i32
      %dma_start3A_186 = tpu.memref_slice %arg20[%multiple_of3A_17, %dma_start3A_185] : memref<10112x64xf32, #tpu.memory_space<vmem_shared>> -> memref<160x64xf32, #tpu.memory_space<vmem_shared>>
      %dma_start3A_187 = arith.constant 0 : i32
      %dma_start3A_188 = arith.constant 0 : i32
      %dma_start3A_189 = tpu.memref_slice %arg15[%dma_start3A_187, %dma_start3A_188] : memref<160x64xf32, #tpu.memory_space<vmem>> -> memref<160x64xf32, #tpu.memory_space<vmem>>
      tpu.enqueue_dma source(%dma_start3A_189 : memref<160x64xf32, #tpu.memory_space<vmem>>) target(%dma_start3A_186 : memref<160x64xf32, #tpu.memory_space<vmem_shared>>) target_semaphore(%run_scoped3A : memref<!tpu.dma_semaphore, #tpu.memory_space<semaphore_mem>>)
      %dma_wait3A = arith.constant 0 : i32
      %dma_wait3A_190 = arith.constant 0 : i32
      %dma_wait3A_191 = tpu.memref_slice %arg15[%dma_wait3A, %dma_wait3A_190] : memref<160x64xf32, #tpu.memory_space<vmem>> -> memref<160x64xf32, #tpu.memory_space<vmem>>
      %dma_wait3A_192 = arith.constant 0 : i32
      %dma_wait3A_193 = tpu.memref_slice %arg20[%multiple_of3A_17, %dma_wait3A_192] : memref<10112x64xf32, #tpu.memory_space<vmem_shared>> -> memref<160x64xf32, #tpu.memory_space<vmem_shared>>
      %dma_wait3A_194 = arith.constant 0 : i32
      %dma_wait3A_195 = tpu.memref_slice %arg20[%multiple_of3A_17, %dma_wait3A_194] : memref<10112x64xf32, #tpu.memory_space<vmem_shared>> -> memref<160x64xf32, #tpu.memory_space<vmem_shared>>
      %dma_wait3A_196 = arith.constant 0 : i32
      %dma_wait3A_197 = arith.constant 0 : i32
      %dma_wait3A_198 = tpu.memref_slice %arg15[%dma_wait3A_196, %dma_wait3A_197] : memref<160x64xf32, #tpu.memory_space<vmem>> -> memref<160x64xf32, #tpu.memory_space<vmem>>
      tpu.wait_dma2 semaphore(%run_scoped3A : memref<!tpu.dma_semaphore, #tpu.memory_space<semaphore_mem>>) src(%dma_wait3A_198 : memref<160x64xf32, #tpu.memory_space<vmem>>) dst(%dma_wait3A_195 : memref<160x64xf32, #tpu.memory_space<vmem_shared>>)
      tpu.yield
    }) : () -> ()
    %add3A_18 = arith.constant 320 : i32
    %add3A_19 = arith.addi %multiple_of3A, %add3A_18 : i32
    %multiple_of3A_20 = tpu.assume_multiple %add3A_19, 8 : i32
    "tpu.region"() ({
      %run_scoped3A = tpu.sem_alloc : memref<!tpu.dma_semaphore, #tpu.memory_space<semaphore_mem>>
      %dma_start3A = arith.constant 0 : i32
      %dma_start3A_181 = arith.constant 0 : i32
      %dma_start3A_182 = tpu.memref_slice %arg15[%dma_start3A, %dma_start3A_181] : memref<160x64xf32, #tpu.memory_space<vmem>> -> memref<160x64xf32, #tpu.memory_space<vmem>>
      %dma_start3A_183 = arith.constant 0 : i32
      %dma_start3A_184 = tpu.memref_slice %arg20[%multiple_of3A_20, %dma_start3A_183] : memref<10112x64xf32, #tpu.memory_space<vmem_shared>> -> memref<160x64xf32, #tpu.memory_space<vmem_shared>>
      %dma_start3A_185 = arith.constant 0 : i32
      %dma_start3A_186 = tpu.memref_slice %arg20[%multiple_of3A_20, %dma_start3A_185] : memref<10112x64xf32, #tpu.memory_space<vmem_shared>> -> memref<160x64xf32, #tpu.memory_space<vmem_shared>>
      %dma_start3A_187 = arith.constant 0 : i32
      %dma_start3A_188 = arith.constant 0 : i32
      %dma_start3A_189 = tpu.memref_slice %arg15[%dma_start3A_187, %dma_start3A_188] : memref<160x64xf32, #tpu.memory_space<vmem>> -> memref<160x64xf32, #tpu.memory_space<vmem>>
      tpu.enqueue_dma source(%dma_start3A_189 : memref<160x64xf32, #tpu.memory_space<vmem>>) target(%dma_start3A_186 : memref<160x64xf32, #tpu.memory_space<vmem_shared>>) target_semaphore(%run_scoped3A : memref<!tpu.dma_semaphore, #tpu.memory_space<semaphore_mem>>)
      %dma_wait3A = arith.constant 0 : i32
      %dma_wait3A_190 = arith.constant 0 : i32
      %dma_wait3A_191 = tpu.memref_slice %arg15[%dma_wait3A, %dma_wait3A_190] : memref<160x64xf32, #tpu.memory_space<vmem>> -> memref<160x64xf32, #tpu.memory_space<vmem>>
      %dma_wait3A_192 = arith.constant 0 : i32
      %dma_wait3A_193 = tpu.memref_slice %arg20[%multiple_of3A_20, %dma_wait3A_192] : memref<10112x64xf32, #tpu.memory_space<vmem_shared>> -> memref<160x64xf32, #tpu.memory_space<vmem_shared>>
      %dma_wait3A_194 = arith.constant 0 : i32
      %dma_wait3A_195 = tpu.memref_slice %arg20[%multiple_of3A_20, %dma_wait3A_194] : memref<10112x64xf32, #tpu.memory_space<vmem_shared>> -> memref<160x64xf32, #tpu.memory_space<vmem_shared>>
      %dma_wait3A_196 = arith.constant 0 : i32
      %dma_wait3A_197 = arith.constant 0 : i32
      %dma_wait3A_198 = tpu.memref_slice %arg15[%dma_wait3A_196, %dma_wait3A_197] : memref<160x64xf32, #tpu.memory_space<vmem>> -> memref<160x64xf32, #tpu.memory_space<vmem>>
      tpu.wait_dma2 semaphore(%run_scoped3A : memref<!tpu.dma_semaphore, #tpu.memory_space<semaphore_mem>>) src(%dma_wait3A_198 : memref<160x64xf32, #tpu.memory_space<vmem>>) dst(%dma_wait3A_195 : memref<160x64xf32, #tpu.memory_space<vmem_shared>>)
      tpu.yield
    }) : () -> ()
    %add3A_21 = arith.constant 480 : i32
    %add3A_22 = arith.addi %multiple_of3A, %add3A_21 : i32
    %multiple_of3A_23 = tpu.assume_multiple %add3A_22, 8 : i32
    "tpu.region"() ({
      %run_scoped3A = tpu.sem_alloc : memref<!tpu.dma_semaphore, #tpu.memory_space<semaphore_mem>>
      %dma_start3A = arith.constant 0 : i32
      %dma_start3A_181 = arith.constant 0 : i32
      %dma_start3A_182 = tpu.memref_slice %arg15[%dma_start3A, %dma_start3A_181] : memref<160x64xf32, #tpu.memory_space<vmem>> -> memref<152x64xf32, #tpu.memory_space<vmem>>
      %dma_start3A_183 = arith.constant 0 : i32
      %dma_start3A_184 = tpu.memref_slice %arg20[%multiple_of3A_23, %dma_start3A_183] : memref<10112x64xf32, #tpu.memory_space<vmem_shared>> -> memref<152x64xf32, #tpu.memory_space<vmem_shared>>
      %dma_start3A_185 = arith.constant 0 : i32
      %dma_start3A_186 = tpu.memref_slice %arg20[%multiple_of3A_23, %dma_start3A_185] : memref<10112x64xf32, #tpu.memory_space<vmem_shared>> -> memref<152x64xf32, #tpu.memory_space<vmem_shared>>
      %dma_start3A_187 = arith.constant 0 : i32
      %dma_start3A_188 = arith.constant 0 : i32
      %dma_start3A_189 = tpu.memref_slice %arg15[%dma_start3A_187, %dma_start3A_188] : memref<160x64xf32, #tpu.memory_space<vmem>> -> memref<152x64xf32, #tpu.memory_space<vmem>>
      tpu.enqueue_dma source(%dma_start3A_189 : memref<152x64xf32, #tpu.memory_space<vmem>>) target(%dma_start3A_186 : memref<152x64xf32, #tpu.memory_space<vmem_shared>>) target_semaphore(%run_scoped3A : memref<!tpu.dma_semaphore, #tpu.memory_space<semaphore_mem>>)
      %dma_wait3A = arith.constant 0 : i32
      %dma_wait3A_190 = arith.constant 0 : i32
      %dma_wait3A_191 = tpu.memref_slice %arg15[%dma_wait3A, %dma_wait3A_190] : memref<160x64xf32, #tpu.memory_space<vmem>> -> memref<152x64xf32, #tpu.memory_space<vmem>>
      %dma_wait3A_192 = arith.constant 0 : i32
      %dma_wait3A_193 = tpu.memref_slice %arg20[%multiple_of3A_23, %dma_wait3A_192] : memref<10112x64xf32, #tpu.memory_space<vmem_shared>> -> memref<152x64xf32, #tpu.memory_space<vmem_shared>>
      %dma_wait3A_194 = arith.constant 0 : i32
      %dma_wait3A_195 = tpu.memref_slice %arg20[%multiple_of3A_23, %dma_wait3A_194] : memref<10112x64xf32, #tpu.memory_space<vmem_shared>> -> memref<152x64xf32, #tpu.memory_space<vmem_shared>>
      %dma_wait3A_196 = arith.constant 0 : i32
      %dma_wait3A_197 = arith.constant 0 : i32
      %dma_wait3A_198 = tpu.memref_slice %arg15[%dma_wait3A_196, %dma_wait3A_197] : memref<160x64xf32, #tpu.memory_space<vmem>> -> memref<152x64xf32, #tpu.memory_space<vmem>>
      tpu.wait_dma2 semaphore(%run_scoped3A : memref<!tpu.dma_semaphore, #tpu.memory_space<semaphore_mem>>) src(%dma_wait3A_198 : memref<152x64xf32, #tpu.memory_space<vmem>>) dst(%dma_wait3A_195 : memref<152x64xf32, #tpu.memory_space<vmem_shared>>)
      tpu.yield
    }) : () -> ()
    %barrier3A = arith.constant 0 : index
    tpu.barrier barrier_id(%barrier3A)
    %scan3A_24 = arith.constant 0 : i32
    %scan3A_25 = arith.constant 0 : i32
    %scan3A_26 = arith.constant 400 : i32
    %scan3A_27 = arith.addi %scan3A_25, %scan3A_26 : i32
    %scan3A_28 = arith.constant 1 : i32
    %scan3A_29 = scf.for %scan3A_181 = %scan3A_25 to %scan3A_27 step %scan3A_28 iter_args(%scan3A_182 = %scan3A_24) -> (i32)  : i32 {
      %broadcast_in_dim3A = arith.constant 1.000000e+00 : f32
      %broadcast_in_dim3A_183 = vector.broadcast %broadcast_in_dim3A : f32 to vector<16xf32>
      %swap3A = arith.index_cast %scan3A_181 : i32 to index
      %swap3A_184 = arith.constant 0 : index
      %swap3A_185 = tpu.vector_load %arg11[%swap3A, %swap3A_184] {strides = array<i32>} : memref<400x64xf32, #tpu.memory_space<vmem>>, vector<1x16xf32>,
      %swap3A_186 = vector.shape_cast %swap3A_185 : vector<1x16xf32> to vector<16xf32>
      %swap3A_187 = vector.shape_cast %broadcast_in_dim3A_183 : vector<16xf32> to vector<1x16xf32>
      tpu.vector_store %arg11[%swap3A, %swap3A_184], %swap3A_187 {strides = array<i32>} : memref<400x64xf32, #tpu.memory_space<vmem>>, vector<1x16xf32>,
      %broadcast_in_dim3A_188 = arith.constant 1.000000e+00 : f32
      %broadcast_in_dim3A_189 = vector.broadcast %broadcast_in_dim3A_188 : f32 to vector<16xf32>
      %swap3A_190 = arith.index_cast %scan3A_181 : i32 to index
      %swap3A_191 = arith.constant 16 : index
      %swap3A_192 = tpu.vector_load %arg11[%swap3A_190, %swap3A_191] {strides = array<i32>} : memref<400x64xf32, #tpu.memory_space<vmem>>, vector<1x16xf32>,
      %swap3A_193 = vector.shape_cast %swap3A_192 : vector<1x16xf32> to vector<16xf32>
      %swap3A_194 = vector.shape_cast %broadcast_in_dim3A_189 : vector<16xf32> to vector<1x16xf32>
      tpu.vector_store %arg11[%swap3A_190, %swap3A_191], %swap3A_194 {strides = array<i32>} : memref<400x64xf32, #tpu.memory_space<vmem>>, vector<1x16xf32>,
      %broadcast_in_dim3A_195 = arith.constant 1.000000e+00 : f32
      %broadcast_in_dim3A_196 = vector.broadcast %broadcast_in_dim3A_195 : f32 to vector<16xf32>
      %swap3A_197 = arith.index_cast %scan3A_181 : i32 to index
      %swap3A_198 = arith.constant 32 : index
      %swap3A_199 = tpu.vector_load %arg11[%swap3A_197, %swap3A_198] {strides = array<i32>} : memref<400x64xf32, #tpu.memory_space<vmem>>, vector<1x16xf32>,
      %swap3A_200 = vector.shape_cast %swap3A_199 : vector<1x16xf32> to vector<16xf32>
      %swap3A_201 = vector.shape_cast %broadcast_in_dim3A_196 : vector<16xf32> to vector<1x16xf32>
      tpu.vector_store %arg11[%swap3A_197, %swap3A_198], %swap3A_201 {strides = array<i32>} : memref<400x64xf32, #tpu.memory_space<vmem>>, vector<1x16xf32>,
      %broadcast_in_dim3A_202 = arith.constant 1.000000e+00 : f32
      %broadcast_in_dim3A_203 = vector.broadcast %broadcast_in_dim3A_202 : f32 to vector<16xf32>
      %swap3A_204 = arith.index_cast %scan3A_181 : i32 to index
      %swap3A_205 = arith.constant 48 : index
      %swap3A_206 = tpu.vector_load %arg11[%swap3A_204, %swap3A_205] {strides = array<i32>} : memref<400x64xf32, #tpu.memory_space<vmem>>, vector<1x16xf32>,
      %swap3A_207 = vector.shape_cast %swap3A_206 : vector<1x16xf32> to vector<16xf32>
      %swap3A_208 = vector.shape_cast %broadcast_in_dim3A_203 : vector<16xf32> to vector<1x16xf32>
      tpu.vector_store %arg11[%swap3A_204, %swap3A_205], %swap3A_208 {strides = array<i32>} : memref<400x64xf32, #tpu.memory_space<vmem>>, vector<1x16xf32>,
      %scan3A_209 = arith.constant 0 : i32
      scf.yield %scan3A_209 : i32
    }
    %scan3A_30 = arith.constant 400 : i32
    %scan3A_31 = arith.constant 0 : i32
    %scan3A_32 = arith.constant 0 : i32
    %scan3A_33 = arith.constant 25 : i32
    %scan3A_34 = arith.addi %scan3A_32, %scan3A_33 : i32
    %scan3A_35 = arith.constant 1 : i32
    %scan3A_36 = scf.for %scan3A_181 = %scan3A_32 to %scan3A_34 step %scan3A_35 iter_args(%scan3A_182 = %scan3A_31) -> (i32)  : i32 {
      %mul3A_183 = arith.constant 2 : i32
      %mul3A_184 = arith.muli %mul3A_183, %scan3A_181 : i32
      %mul3A_185 = arith.constant 400 : i32
      %mul3A_186 = arith.muli %mul3A_184, %mul3A_185 : i32
      %multiple_of3A_187 = tpu.assume_multiple %mul3A_186, 8 : i32
      "tpu.region"() ({
        %run_scoped3A = tpu.sem_alloc : memref<!tpu.dma_semaphore, #tpu.memory_space<semaphore_mem>>
        %dma_start3A = tpu.memref_slice %arg3[%multiple_of3A_6] : memref<320000xi32, #tpu.memory_space<hbm>> -> memref<20000xi32, #tpu.memory_space<hbm>>
        %dma_start3A_196 = tpu.memref_slice %dma_start3A[%multiple_of3A_187] : memref<20000xi32, #tpu.memory_space<hbm>> -> memref<400xi32, #tpu.memory_space<hbm>>
        %dma_start3A_197 = tpu.memref_slice %arg3[%multiple_of3A_6] : memref<320000xi32, #tpu.memory_space<hbm>> -> memref<20000xi32, #tpu.memory_space<hbm>>
        %dma_start3A_198 = tpu.memref_slice %dma_start3A_197[%multiple_of3A_187] : memref<20000xi32, #tpu.memory_space<hbm>> -> memref<400xi32, #tpu.memory_space<hbm>>
        tpu.enqueue_dma source(%dma_start3A_198 : memref<400xi32, #tpu.memory_space<hbm>>) target(%arg16 : memref<400xi32, #tpu.memory_space<vmem>>) target_semaphore(%run_scoped3A : memref<!tpu.dma_semaphore, #tpu.memory_space<semaphore_mem>>)
        %dma_wait3A = tpu.memref_slice %arg3[%multiple_of3A_6] : memref<320000xi32, #tpu.memory_space<hbm>> -> memref<20000xi32, #tpu.memory_space<hbm>>
        %dma_wait3A_199 = tpu.memref_slice %dma_wait3A[%multiple_of3A_187] : memref<20000xi32, #tpu.memory_space<hbm>> -> memref<400xi32, #tpu.memory_space<hbm>>
        %dma_wait3A_200 = tpu.memref_slice %arg3[%multiple_of3A_6] : memref<320000xi32, #tpu.memory_space<hbm>> -> memref<20000xi32, #tpu.memory_space<hbm>>
        %dma_wait3A_201 = tpu.memref_slice %dma_wait3A_200[%multiple_of3A_187] : memref<20000xi32, #tpu.memory_space<hbm>> -> memref<400xi32, #tpu.memory_space<hbm>>
        tpu.wait_dma2 semaphore(%run_scoped3A : memref<!tpu.dma_semaphore, #tpu.memory_space<semaphore_mem>>) src(%dma_wait3A_201 : memref<400xi32, #tpu.memory_space<hbm>>) dst(%arg16 : memref<400xi32, #tpu.memory_space<vmem>>)
        tpu.yield
      }) : () -> ()
      %mul3A_188 = arith.constant 2 : i32
      %mul3A_189 = arith.muli %mul3A_188, %scan3A_181 : i32
      %add3A_190 = arith.constant 1 : i32
      %add3A_191 = arith.addi %mul3A_189, %add3A_190 : i32
      %mul3A_192 = arith.constant 400 : i32
      %mul3A_193 = arith.muli %add3A_191, %mul3A_192 : i32
      %multiple_of3A_194 = tpu.assume_multiple %mul3A_193, 8 : i32
      "tpu.region"() ({
        %run_scoped3A = tpu.sem_alloc : memref<!tpu.dma_semaphore, #tpu.memory_space<semaphore_mem>>
        %dma_start3A = tpu.memref_slice %arg3[%multiple_of3A_6] : memref<320000xi32, #tpu.memory_space<hbm>> -> memref<20000xi32, #tpu.memory_space<hbm>>
        %dma_start3A_196 = tpu.memref_slice %dma_start3A[%multiple_of3A_194] : memref<20000xi32, #tpu.memory_space<hbm>> -> memref<400xi32, #tpu.memory_space<hbm>>
        %dma_start3A_197 = tpu.memref_slice %arg3[%multiple_of3A_6] : memref<320000xi32, #tpu.memory_space<hbm>> -> memref<20000xi32, #tpu.memory_space<hbm>>
        %dma_start3A_198 = tpu.memref_slice %dma_start3A_197[%multiple_of3A_194] : memref<20000xi32, #tpu.memory_space<hbm>> -> memref<400xi32, #tpu.memory_space<hbm>>
        tpu.enqueue_dma source(%dma_start3A_198 : memref<400xi32, #tpu.memory_space<hbm>>) target(%arg17 : memref<400xi32, #tpu.memory_space<vmem>>) target_semaphore(%run_scoped3A : memref<!tpu.dma_semaphore, #tpu.memory_space<semaphore_mem>>)
        %dma_wait3A = tpu.memref_slice %arg3[%multiple_of3A_6] : memref<320000xi32, #tpu.memory_space<hbm>> -> memref<20000xi32, #tpu.memory_space<hbm>>
        %dma_wait3A_199 = tpu.memref_slice %dma_wait3A[%multiple_of3A_194] : memref<20000xi32, #tpu.memory_space<hbm>> -> memref<400xi32, #tpu.memory_space<hbm>>
        %dma_wait3A_200 = tpu.memref_slice %arg3[%multiple_of3A_6] : memref<320000xi32, #tpu.memory_space<hbm>> -> memref<20000xi32, #tpu.memory_space<hbm>>
        %dma_wait3A_201 = tpu.memref_slice %dma_wait3A_200[%multiple_of3A_194] : memref<20000xi32, #tpu.memory_space<hbm>> -> memref<400xi32, #tpu.memory_space<hbm>>
        tpu.wait_dma2 semaphore(%run_scoped3A : memref<!tpu.dma_semaphore, #tpu.memory_space<semaphore_mem>>) src(%dma_wait3A_201 : memref<400xi32, #tpu.memory_space<hbm>>) dst(%arg17 : memref<400xi32, #tpu.memory_space<vmem>>)
        tpu.yield
      }) : () -> ()
      "tpu.region"() ({
        %run_scoped3A = tpu.sem_alloc : memref<!tpu.dma_semaphore, #tpu.memory_space<semaphore_mem>>
        %dma_start3A = arith.constant 0 : i32
        %dma_start3A_196 = arith.constant 0 : i32
        %dma_start3A_197 = tpu.memref_slice %arg20[%dma_start3A, %dma_start3A_196] : memref<10112x64xf32, #tpu.memory_space<vmem_shared>> -> memref<10112x64xf32, #tpu.memory_space<vmem_shared>>
        tpu.enqueue_indirect_dma source(%arg11 : memref<400x64xf32, #tpu.memory_space<vmem>>) target(%dma_start3A_197 : memref<10112x64xf32, #tpu.memory_space<vmem_shared>>) offsets(%arg16 : memref<400xi32, #tpu.memory_space<vmem>>) semaphore(%run_scoped3A : memref<!tpu.dma_semaphore, #tpu.memory_space<semaphore_mem>>) {add = true}
        %dma_wait3A = arith.constant 0 : i32
        %dma_wait3A_198 = arith.constant 0 : i32
        %dma_wait3A_199 = tpu.memref_slice %arg20[%dma_wait3A, %dma_wait3A_198] : memref<10112x64xf32, #tpu.memory_space<vmem_shared>> -> memref<10112x64xf32, #tpu.memory_space<vmem_shared>>
        tpu.wait_indirect_dma semaphore(%run_scoped3A : memref<!tpu.dma_semaphore, #tpu.memory_space<semaphore_mem>>) src(%arg11 : memref<400x64xf32, #tpu.memory_space<vmem>>) dst(%dma_wait3A_199 : memref<10112x64xf32, #tpu.memory_space<vmem_shared>>)
        tpu.yield
      }) : () -> ()
      "tpu.region"() ({
        %run_scoped3A = tpu.sem_alloc : memref<!tpu.dma_semaphore, #tpu.memory_space<semaphore_mem>>
        %dma_start3A = arith.constant 0 : i32
        %dma_start3A_196 = arith.constant 0 : i32
        %dma_start3A_197 = tpu.memref_slice %arg20[%dma_start3A, %dma_start3A_196] : memref<10112x64xf32, #tpu.memory_space<vmem_shared>> -> memref<10112x64xf32, #tpu.memory_space<vmem_shared>>
        tpu.enqueue_indirect_dma source(%arg11 : memref<400x64xf32, #tpu.memory_space<vmem>>) target(%dma_start3A_197 : memref<10112x64xf32, #tpu.memory_space<vmem_shared>>) offsets(%arg17 : memref<400xi32, #tpu.memory_space<vmem>>) semaphore(%run_scoped3A : memref<!tpu.dma_semaphore, #tpu.memory_space<semaphore_mem>>) {add = true}
        %dma_wait3A = arith.constant 0 : i32
        %dma_wait3A_198 = arith.constant 0 : i32
        %dma_wait3A_199 = tpu.memref_slice %arg20[%dma_wait3A, %dma_wait3A_198] : memref<10112x64xf32, #tpu.memory_space<vmem_shared>> -> memref<10112x64xf32, #tpu.memory_space<vmem_shared>>
        tpu.wait_indirect_dma semaphore(%run_scoped3A : memref<!tpu.dma_semaphore, #tpu.memory_space<semaphore_mem>>) src(%arg11 : memref<400x64xf32, #tpu.memory_space<vmem>>) dst(%dma_wait3A_199 : memref<10112x64xf32, #tpu.memory_space<vmem_shared>>)
        tpu.yield
      }) : () -> ()
      %scan3A_195 = arith.constant 0 : i32
      scf.yield %scan3A_195 : i32
    }
    %scan3A_37 = arith.constant 25 : i32
    %barrier3A_38 = arith.constant 0 : index
    tpu.barrier barrier_id(%barrier3A_38)
    %add3A_39 = arith.constant 0 : i32
    %add3A_40 = arith.addi %multiple_of3A, %add3A_39 : i32
    %multiple_of3A_41 = tpu.assume_multiple %add3A_40, 8 : i32
    "tpu.region"() ({
      %run_scoped3A = tpu.sem_alloc : memref<!tpu.dma_semaphore, #tpu.memory_space<semaphore_mem>>
      %dma_start3A = arith.constant 0 : i32
      %dma_start3A_181 = arith.constant 0 : i32
      %dma_start3A_182 = tpu.memref_slice %arg13[%dma_start3A, %dma_start3A_181] : memref<160x64xf32, #tpu.memory_space<vmem>> -> memref<160x64xf32, #tpu.memory_space<vmem>>
      %dma_start3A_183 = arith.constant 0 : i32
      %dma_start3A_184 = tpu.memref_slice %arg20[%multiple_of3A_41, %dma_start3A_183] : memref<10112x64xf32, #tpu.memory_space<vmem_shared>> -> memref<160x64xf32, #tpu.memory_space<vmem_shared>>
      %dma_start3A_185 = arith.constant 0 : i32
      %dma_start3A_186 = arith.constant 0 : i32
      %dma_start3A_187 = tpu.memref_slice %arg13[%dma_start3A_185, %dma_start3A_186] : memref<160x64xf32, #tpu.memory_space<vmem>> -> memref<160x64xf32, #tpu.memory_space<vmem>>
      %dma_start3A_188 = arith.constant 0 : i32
      %dma_start3A_189 = tpu.memref_slice %arg20[%multiple_of3A_41, %dma_start3A_188] : memref<10112x64xf32, #tpu.memory_space<vmem_shared>> -> memref<160x64xf32, #tpu.memory_space<vmem_shared>>
      tpu.enqueue_dma source(%dma_start3A_189 : memref<160x64xf32, #tpu.memory_space<vmem_shared>>) target(%dma_start3A_187 : memref<160x64xf32, #tpu.memory_space<vmem>>) target_semaphore(%run_scoped3A : memref<!tpu.dma_semaphore, #tpu.memory_space<semaphore_mem>>)
      %dma_wait3A = arith.constant 0 : i32
      %dma_wait3A_190 = arith.constant 0 : i32
      %dma_wait3A_191 = tpu.memref_slice %arg13[%dma_wait3A, %dma_wait3A_190] : memref<160x64xf32, #tpu.memory_space<vmem>> -> memref<160x64xf32, #tpu.memory_space<vmem>>
      %dma_wait3A_192 = arith.constant 0 : i32
      %dma_wait3A_193 = tpu.memref_slice %arg20[%multiple_of3A_41, %dma_wait3A_192] : memref<10112x64xf32, #tpu.memory_space<vmem_shared>> -> memref<160x64xf32, #tpu.memory_space<vmem_shared>>
      %dma_wait3A_194 = arith.constant 0 : i32
      %dma_wait3A_195 = arith.constant 0 : i32
      %dma_wait3A_196 = tpu.memref_slice %arg13[%dma_wait3A_194, %dma_wait3A_195] : memref<160x64xf32, #tpu.memory_space<vmem>> -> memref<160x64xf32, #tpu.memory_space<vmem>>
      %dma_wait3A_197 = arith.constant 0 : i32
      %dma_wait3A_198 = tpu.memref_slice %arg20[%multiple_of3A_41, %dma_wait3A_197] : memref<10112x64xf32, #tpu.memory_space<vmem_shared>> -> memref<160x64xf32, #tpu.memory_space<vmem_shared>>
      tpu.wait_dma2 semaphore(%run_scoped3A : memref<!tpu.dma_semaphore, #tpu.memory_space<semaphore_mem>>) src(%dma_wait3A_198 : memref<160x64xf32, #tpu.memory_space<vmem_shared>>) dst(%dma_wait3A_196 : memref<160x64xf32, #tpu.memory_space<vmem>>)
      tpu.yield
    }) : () -> ()
    %scan3A_42 = arith.constant 0 : i32
    %scan3A_43 = arith.constant 0 : i32
    %scan3A_44 = arith.constant 160 : i32
    %scan3A_45 = arith.addi %scan3A_43, %scan3A_44 : i32
    %scan3A_46 = arith.constant 1 : i32
    %scan3A_47 = scf.for %scan3A_181 = %scan3A_43 to %scan3A_45 step %scan3A_46 iter_args(%scan3A_182 = %scan3A_42) -> (i32)  : i32 {
      %get3A = arith.index_cast %scan3A_181 : i32 to index
      %get3A_183 = arith.constant 0 : index
      %get3A_184 = tpu.vector_load %arg13[%get3A, %get3A_183] {strides = array<i32>} : memref<160x64xf32, #tpu.memory_space<vmem>>, vector<1x16xf32>,
      %get3A_185 = vector.shape_cast %get3A_184 : vector<1x16xf32> to vector<16xf32>
      %gt3A = arith.constant 0.000000e+00 : f32
      %gt3A_186 = vector.broadcast %gt3A : f32 to vector<16xf32>
      %gt3A_187 = arith.cmpf ogt, %get3A_185, %gt3A_186 : vector<16xf32>
      %div3A = arith.constant 1.000000e+00 : f32
      %div3A_188 = vector.broadcast %div3A : f32 to vector<16xf32>
      %div3A_189 = arith.divf %div3A_188, %get3A_185 : vector<16xf32>
      %jit3A = arith.constant 0.000000e+00 : f32
      %broadcast_in_dim3A = vector.broadcast %jit3A : f32 to vector<16xf32>
      %select_n3A = arith.select %gt3A_187, %div3A_189, %broadcast_in_dim3A : vector<16xi1>, vector<16xf32>
      %swap3A = arith.index_cast %scan3A_181 : i32 to index
      %swap3A_190 = arith.constant 0 : index
      %swap3A_191 = tpu.vector_load %arg13[%swap3A, %swap3A_190] {strides = array<i32>} : memref<160x64xf32, #tpu.memory_space<vmem>>, vector<1x16xf32>,
      %swap3A_192 = vector.shape_cast %swap3A_191 : vector<1x16xf32> to vector<16xf32>
      %swap3A_193 = vector.shape_cast %select_n3A : vector<16xf32> to vector<1x16xf32>
      tpu.vector_store %arg13[%swap3A, %swap3A_190], %swap3A_193 {strides = array<i32>} : memref<160x64xf32, #tpu.memory_space<vmem>>, vector<1x16xf32>,
      %get3A_194 = arith.index_cast %scan3A_181 : i32 to index
      %get3A_195 = arith.constant 16 : index
      %get3A_196 = tpu.vector_load %arg13[%get3A_194, %get3A_195] {strides = array<i32>} : memref<160x64xf32, #tpu.memory_space<vmem>>, vector<1x16xf32>,
      %get3A_197 = vector.shape_cast %get3A_196 : vector<1x16xf32> to vector<16xf32>
      %gt3A_198 = arith.constant 0.000000e+00 : f32
      %gt3A_199 = vector.broadcast %gt3A_198 : f32 to vector<16xf32>
      %gt3A_200 = arith.cmpf ogt, %get3A_197, %gt3A_199 : vector<16xf32>
      %div3A_201 = arith.constant 1.000000e+00 : f32
      %div3A_202 = vector.broadcast %div3A_201 : f32 to vector<16xf32>
      %div3A_203 = arith.divf %div3A_202, %get3A_197 : vector<16xf32>
      %jit3A_204 = arith.constant 0.000000e+00 : f32
      %broadcast_in_dim3A_205 = vector.broadcast %jit3A_204 : f32 to vector<16xf32>
      %select_n3A_206 = arith.select %gt3A_200, %div3A_203, %broadcast_in_dim3A_205 : vector<16xi1>, vector<16xf32>
      %swap3A_207 = arith.index_cast %scan3A_181 : i32 to index
      %swap3A_208 = arith.constant 16 : index
      %swap3A_209 = tpu.vector_load %arg13[%swap3A_207, %swap3A_208] {strides = array<i32>} : memref<160x64xf32, #tpu.memory_space<vmem>>, vector<1x16xf32>,
      %swap3A_210 = vector.shape_cast %swap3A_209 : vector<1x16xf32> to vector<16xf32>
      %swap3A_211 = vector.shape_cast %select_n3A_206 : vector<16xf32> to vector<1x16xf32>
      tpu.vector_store %arg13[%swap3A_207, %swap3A_208], %swap3A_211 {strides = array<i32>} : memref<160x64xf32, #tpu.memory_space<vmem>>, vector<1x16xf32>,
      %get3A_212 = arith.index_cast %scan3A_181 : i32 to index
      %get3A_213 = arith.constant 32 : index
      %get3A_214 = tpu.vector_load %arg13[%get3A_212, %get3A_213] {strides = array<i32>} : memref<160x64xf32, #tpu.memory_space<vmem>>, vector<1x16xf32>,
      %get3A_215 = vector.shape_cast %get3A_214 : vector<1x16xf32> to vector<16xf32>
      %gt3A_216 = arith.constant 0.000000e+00 : f32
      %gt3A_217 = vector.broadcast %gt3A_216 : f32 to vector<16xf32>
      %gt3A_218 = arith.cmpf ogt, %get3A_215, %gt3A_217 : vector<16xf32>
      %div3A_219 = arith.constant 1.000000e+00 : f32
      %div3A_220 = vector.broadcast %div3A_219 : f32 to vector<16xf32>
      %div3A_221 = arith.divf %div3A_220, %get3A_215 : vector<16xf32>
      %jit3A_222 = arith.constant 0.000000e+00 : f32
      %broadcast_in_dim3A_223 = vector.broadcast %jit3A_222 : f32 to vector<16xf32>
      %select_n3A_224 = arith.select %gt3A_218, %div3A_221, %broadcast_in_dim3A_223 : vector<16xi1>, vector<16xf32>
      %swap3A_225 = arith.index_cast %scan3A_181 : i32 to index
      %swap3A_226 = arith.constant 32 : index
      %swap3A_227 = tpu.vector_load %arg13[%swap3A_225, %swap3A_226] {strides = array<i32>} : memref<160x64xf32, #tpu.memory_space<vmem>>, vector<1x16xf32>,
      %swap3A_228 = vector.shape_cast %swap3A_227 : vector<1x16xf32> to vector<16xf32>
      %swap3A_229 = vector.shape_cast %select_n3A_224 : vector<16xf32> to vector<1x16xf32>
      tpu.vector_store %arg13[%swap3A_225, %swap3A_226], %swap3A_229 {strides = array<i32>} : memref<160x64xf32, #tpu.memory_space<vmem>>, vector<1x16xf32>,
      %get3A_230 = arith.index_cast %scan3A_181 : i32 to index
      %get3A_231 = arith.constant 48 : index
      %get3A_232 = tpu.vector_load %arg13[%get3A_230, %get3A_231] {strides = array<i32>} : memref<160x64xf32, #tpu.memory_space<vmem>>, vector<1x16xf32>,
      %get3A_233 = vector.shape_cast %get3A_232 : vector<1x16xf32> to vector<16xf32>
      %gt3A_234 = arith.constant 0.000000e+00 : f32
      %gt3A_235 = vector.broadcast %gt3A_234 : f32 to vector<16xf32>
      %gt3A_236 = arith.cmpf ogt, %get3A_233, %gt3A_235 : vector<16xf32>
      %div3A_237 = arith.constant 1.000000e+00 : f32
      %div3A_238 = vector.broadcast %div3A_237 : f32 to vector<16xf32>
      %div3A_239 = arith.divf %div3A_238, %get3A_233 : vector<16xf32>
      %jit3A_240 = arith.constant 0.000000e+00 : f32
      %broadcast_in_dim3A_241 = vector.broadcast %jit3A_240 : f32 to vector<16xf32>
      %select_n3A_242 = arith.select %gt3A_236, %div3A_239, %broadcast_in_dim3A_241 : vector<16xi1>, vector<16xf32>
      %swap3A_243 = arith.index_cast %scan3A_181 : i32 to index
      %swap3A_244 = arith.constant 48 : index
      %swap3A_245 = tpu.vector_load %arg13[%swap3A_243, %swap3A_244] {strides = array<i32>} : memref<160x64xf32, #tpu.memory_space<vmem>>, vector<1x16xf32>,
      %swap3A_246 = vector.shape_cast %swap3A_245 : vector<1x16xf32> to vector<16xf32>
      %swap3A_247 = vector.shape_cast %select_n3A_242 : vector<16xf32> to vector<1x16xf32>
      tpu.vector_store %arg13[%swap3A_243, %swap3A_244], %swap3A_247 {strides = array<i32>} : memref<160x64xf32, #tpu.memory_space<vmem>>, vector<1x16xf32>,
      %scan3A_248 = arith.constant 0 : i32
      scf.yield %scan3A_248 : i32
    }
    %scan3A_48 = arith.constant 160 : i32
    "tpu.region"() ({
      %run_scoped3A = tpu.sem_alloc : memref<!tpu.dma_semaphore, #tpu.memory_space<semaphore_mem>>
      %dma_start3A = arith.constant 0 : i32
      %dma_start3A_181 = arith.constant 0 : i32
      %dma_start3A_182 = tpu.memref_slice %arg13[%dma_start3A, %dma_start3A_181] : memref<160x64xf32, #tpu.memory_space<vmem>> -> memref<160x64xf32, #tpu.memory_space<vmem>>
      %dma_start3A_183 = arith.constant 0 : i32
      %dma_start3A_184 = tpu.memref_slice %arg9[%multiple_of3A_41, %dma_start3A_183] : memref<10112x64xf32, #tpu.memory_space<hbm>> -> memref<160x64xf32, #tpu.memory_space<hbm>>
      %dma_start3A_185 = arith.constant 0 : i32
      %dma_start3A_186 = tpu.memref_slice %arg9[%multiple_of3A_41, %dma_start3A_185] : memref<10112x64xf32, #tpu.memory_space<hbm>> -> memref<160x64xf32, #tpu.memory_space<hbm>>
      %dma_start3A_187 = arith.constant 0 : i32
      %dma_start3A_188 = arith.constant 0 : i32
      %dma_start3A_189 = tpu.memref_slice %arg13[%dma_start3A_187, %dma_start3A_188] : memref<160x64xf32, #tpu.memory_space<vmem>> -> memref<160x64xf32, #tpu.memory_space<vmem>>
      tpu.enqueue_dma source(%dma_start3A_189 : memref<160x64xf32, #tpu.memory_space<vmem>>) target(%dma_start3A_186 : memref<160x64xf32, #tpu.memory_space<hbm>>) target_semaphore(%run_scoped3A : memref<!tpu.dma_semaphore, #tpu.memory_space<semaphore_mem>>)
      %dma_wait3A = arith.constant 0 : i32
      %dma_wait3A_190 = arith.constant 0 : i32
      %dma_wait3A_191 = tpu.memref_slice %arg13[%dma_wait3A, %dma_wait3A_190] : memref<160x64xf32, #tpu.memory_space<vmem>> -> memref<160x64xf32, #tpu.memory_space<vmem>>
      %dma_wait3A_192 = arith.constant 0 : i32
      %dma_wait3A_193 = tpu.memref_slice %arg9[%multiple_of3A_41, %dma_wait3A_192] : memref<10112x64xf32, #tpu.memory_space<hbm>> -> memref<160x64xf32, #tpu.memory_space<hbm>>
      %dma_wait3A_194 = arith.constant 0 : i32
      %dma_wait3A_195 = tpu.memref_slice %arg9[%multiple_of3A_41, %dma_wait3A_194] : memref<10112x64xf32, #tpu.memory_space<hbm>> -> memref<160x64xf32, #tpu.memory_space<hbm>>
      %dma_wait3A_196 = arith.constant 0 : i32
      %dma_wait3A_197 = arith.constant 0 : i32
      %dma_wait3A_198 = tpu.memref_slice %arg13[%dma_wait3A_196, %dma_wait3A_197] : memref<160x64xf32, #tpu.memory_space<vmem>> -> memref<160x64xf32, #tpu.memory_space<vmem>>
      tpu.wait_dma2 semaphore(%run_scoped3A : memref<!tpu.dma_semaphore, #tpu.memory_space<semaphore_mem>>) src(%dma_wait3A_198 : memref<160x64xf32, #tpu.memory_space<vmem>>) dst(%dma_wait3A_195 : memref<160x64xf32, #tpu.memory_space<hbm>>)
      tpu.yield
    }) : () -> ()
    "tpu.region"() ({
      %run_scoped3A = tpu.sem_alloc : memref<!tpu.dma_semaphore, #tpu.memory_space<semaphore_mem>>
      %dma_start3A = arith.constant 0 : i32
      %dma_start3A_181 = arith.constant 0 : i32
      %dma_start3A_182 = tpu.memref_slice %arg15[%dma_start3A, %dma_start3A_181] : memref<160x64xf32, #tpu.memory_space<vmem>> -> memref<160x64xf32, #tpu.memory_space<vmem>>
      %dma_start3A_183 = arith.constant 0 : i32
      %dma_start3A_184 = tpu.memref_slice %arg20[%multiple_of3A_41, %dma_start3A_183] : memref<10112x64xf32, #tpu.memory_space<vmem_shared>> -> memref<160x64xf32, #tpu.memory_space<vmem_shared>>
      %dma_start3A_185 = arith.constant 0 : i32
      %dma_start3A_186 = tpu.memref_slice %arg20[%multiple_of3A_41, %dma_start3A_185] : memref<10112x64xf32, #tpu.memory_space<vmem_shared>> -> memref<160x64xf32, #tpu.memory_space<vmem_shared>>
      %dma_start3A_187 = arith.constant 0 : i32
      %dma_start3A_188 = arith.constant 0 : i32
      %dma_start3A_189 = tpu.memref_slice %arg15[%dma_start3A_187, %dma_start3A_188] : memref<160x64xf32, #tpu.memory_space<vmem>> -> memref<160x64xf32, #tpu.memory_space<vmem>>
      tpu.enqueue_dma source(%dma_start3A_189 : memref<160x64xf32, #tpu.memory_space<vmem>>) target(%dma_start3A_186 : memref<160x64xf32, #tpu.memory_space<vmem_shared>>) target_semaphore(%run_scoped3A : memref<!tpu.dma_semaphore, #tpu.memory_space<semaphore_mem>>)
      %dma_wait3A = arith.constant 0 : i32
      %dma_wait3A_190 = arith.constant 0 : i32
      %dma_wait3A_191 = tpu.memref_slice %arg15[%dma_wait3A, %dma_wait3A_190] : memref<160x64xf32, #tpu.memory_space<vmem>> -> memref<160x64xf32, #tpu.memory_space<vmem>>
      %dma_wait3A_192 = arith.constant 0 : i32
      %dma_wait3A_193 = tpu.memref_slice %arg20[%multiple_of3A_41, %dma_wait3A_192] : memref<10112x64xf32, #tpu.memory_space<vmem_shared>> -> memref<160x64xf32, #tpu.memory_space<vmem_shared>>
      %dma_wait3A_194 = arith.constant 0 : i32
      %dma_wait3A_195 = tpu.memref_slice %arg20[%multiple_of3A_41, %dma_wait3A_194] : memref<10112x64xf32, #tpu.memory_space<vmem_shared>> -> memref<160x64xf32, #tpu.memory_space<vmem_shared>>
      %dma_wait3A_196 = arith.constant 0 : i32
      %dma_wait3A_197 = arith.constant 0 : i32
      %dma_wait3A_198 = tpu.memref_slice %arg15[%dma_wait3A_196, %dma_wait3A_197] : memref<160x64xf32, #tpu.memory_space<vmem>> -> memref<160x64xf32, #tpu.memory_space<vmem>>
      tpu.wait_dma2 semaphore(%run_scoped3A : memref<!tpu.dma_semaphore, #tpu.memory_space<semaphore_mem>>) src(%dma_wait3A_198 : memref<160x64xf32, #tpu.memory_space<vmem>>) dst(%dma_wait3A_195 : memref<160x64xf32, #tpu.memory_space<vmem_shared>>)
      tpu.yield
    }) : () -> ()
    %add3A_49 = arith.constant 160 : i32
    %add3A_50 = arith.addi %multiple_of3A, %add3A_49 : i32
    %multiple_of3A_51 = tpu.assume_multiple %add3A_50, 8 : i32
    "tpu.region"() ({
      %run_scoped3A = tpu.sem_alloc : memref<!tpu.dma_semaphore, #tpu.memory_space<semaphore_mem>>
      %dma_start3A = arith.constant 0 : i32
      %dma_start3A_181 = arith.constant 0 : i32
      %dma_start3A_182 = tpu.memref_slice %arg13[%dma_start3A, %dma_start3A_181] : memref<160x64xf32, #tpu.memory_space<vmem>> -> memref<160x64xf32, #tpu.memory_space<vmem>>
      %dma_start3A_183 = arith.constant 0 : i32
      %dma_start3A_184 = tpu.memref_slice %arg20[%multiple_of3A_51, %dma_start3A_183] : memref<10112x64xf32, #tpu.memory_space<vmem_shared>> -> memref<160x64xf32, #tpu.memory_space<vmem_shared>>
      %dma_start3A_185 = arith.constant 0 : i32
      %dma_start3A_186 = arith.constant 0 : i32
      %dma_start3A_187 = tpu.memref_slice %arg13[%dma_start3A_185, %dma_start3A_186] : memref<160x64xf32, #tpu.memory_space<vmem>> -> memref<160x64xf32, #tpu.memory_space<vmem>>
      %dma_start3A_188 = arith.constant 0 : i32
      %dma_start3A_189 = tpu.memref_slice %arg20[%multiple_of3A_51, %dma_start3A_188] : memref<10112x64xf32, #tpu.memory_space<vmem_shared>> -> memref<160x64xf32, #tpu.memory_space<vmem_shared>>
      tpu.enqueue_dma source(%dma_start3A_189 : memref<160x64xf32, #tpu.memory_space<vmem_shared>>) target(%dma_start3A_187 : memref<160x64xf32, #tpu.memory_space<vmem>>) target_semaphore(%run_scoped3A : memref<!tpu.dma_semaphore, #tpu.memory_space<semaphore_mem>>)
      %dma_wait3A = arith.constant 0 : i32
      %dma_wait3A_190 = arith.constant 0 : i32
      %dma_wait3A_191 = tpu.memref_slice %arg13[%dma_wait3A, %dma_wait3A_190] : memref<160x64xf32, #tpu.memory_space<vmem>> -> memref<160x64xf32, #tpu.memory_space<vmem>>
      %dma_wait3A_192 = arith.constant 0 : i32
      %dma_wait3A_193 = tpu.memref_slice %arg20[%multiple_of3A_51, %dma_wait3A_192] : memref<10112x64xf32, #tpu.memory_space<vmem_shared>> -> memref<160x64xf32, #tpu.memory_space<vmem_shared>>
      %dma_wait3A_194 = arith.constant 0 : i32
      %dma_wait3A_195 = arith.constant 0 : i32
      %dma_wait3A_196 = tpu.memref_slice %arg13[%dma_wait3A_194, %dma_wait3A_195] : memref<160x64xf32, #tpu.memory_space<vmem>> -> memref<160x64xf32, #tpu.memory_space<vmem>>
      %dma_wait3A_197 = arith.constant 0 : i32
      %dma_wait3A_198 = tpu.memref_slice %arg20[%multiple_of3A_51, %dma_wait3A_197] : memref<10112x64xf32, #tpu.memory_space<vmem_shared>> -> memref<160x64xf32, #tpu.memory_space<vmem_shared>>
      tpu.wait_dma2 semaphore(%run_scoped3A : memref<!tpu.dma_semaphore, #tpu.memory_space<semaphore_mem>>) src(%dma_wait3A_198 : memref<160x64xf32, #tpu.memory_space<vmem_shared>>) dst(%dma_wait3A_196 : memref<160x64xf32, #tpu.memory_space<vmem>>)
      tpu.yield
    }) : () -> ()
    %scan3A_52 = arith.constant 0 : i32
    %scan3A_53 = arith.constant 0 : i32
    %scan3A_54 = arith.constant 160 : i32
    %scan3A_55 = arith.addi %scan3A_53, %scan3A_54 : i32
    %scan3A_56 = arith.constant 1 : i32
    %scan3A_57 = scf.for %scan3A_181 = %scan3A_53 to %scan3A_55 step %scan3A_56 iter_args(%scan3A_182 = %scan3A_52) -> (i32)  : i32 {
      %get3A = arith.index_cast %scan3A_181 : i32 to index
      %get3A_183 = arith.constant 0 : index
      %get3A_184 = tpu.vector_load %arg13[%get3A, %get3A_183] {strides = array<i32>} : memref<160x64xf32, #tpu.memory_space<vmem>>, vector<1x16xf32>,
      %get3A_185 = vector.shape_cast %get3A_184 : vector<1x16xf32> to vector<16xf32>
      %gt3A = arith.constant 0.000000e+00 : f32
      %gt3A_186 = vector.broadcast %gt3A : f32 to vector<16xf32>
      %gt3A_187 = arith.cmpf ogt, %get3A_185, %gt3A_186 : vector<16xf32>
      %div3A = arith.constant 1.000000e+00 : f32
      %div3A_188 = vector.broadcast %div3A : f32 to vector<16xf32>
      %div3A_189 = arith.divf %div3A_188, %get3A_185 : vector<16xf32>
      %jit3A = arith.constant 0.000000e+00 : f32
      %broadcast_in_dim3A = vector.broadcast %jit3A : f32 to vector<16xf32>
      %select_n3A = arith.select %gt3A_187, %div3A_189, %broadcast_in_dim3A : vector<16xi1>, vector<16xf32>
      %swap3A = arith.index_cast %scan3A_181 : i32 to index
      %swap3A_190 = arith.constant 0 : index
      %swap3A_191 = tpu.vector_load %arg13[%swap3A, %swap3A_190] {strides = array<i32>} : memref<160x64xf32, #tpu.memory_space<vmem>>, vector<1x16xf32>,
      %swap3A_192 = vector.shape_cast %swap3A_191 : vector<1x16xf32> to vector<16xf32>
      %swap3A_193 = vector.shape_cast %select_n3A : vector<16xf32> to vector<1x16xf32>
      tpu.vector_store %arg13[%swap3A, %swap3A_190], %swap3A_193 {strides = array<i32>} : memref<160x64xf32, #tpu.memory_space<vmem>>, vector<1x16xf32>,
      %get3A_194 = arith.index_cast %scan3A_181 : i32 to index
      %get3A_195 = arith.constant 16 : index
      %get3A_196 = tpu.vector_load %arg13[%get3A_194, %get3A_195] {strides = array<i32>} : memref<160x64xf32, #tpu.memory_space<vmem>>, vector<1x16xf32>,
      %get3A_197 = vector.shape_cast %get3A_196 : vector<1x16xf32> to vector<16xf32>
      %gt3A_198 = arith.constant 0.000000e+00 : f32
      %gt3A_199 = vector.broadcast %gt3A_198 : f32 to vector<16xf32>
      %gt3A_200 = arith.cmpf ogt, %get3A_197, %gt3A_199 : vector<16xf32>
      %div3A_201 = arith.constant 1.000000e+00 : f32
      %div3A_202 = vector.broadcast %div3A_201 : f32 to vector<16xf32>
      %div3A_203 = arith.divf %div3A_202, %get3A_197 : vector<16xf32>
      %jit3A_204 = arith.constant 0.000000e+00 : f32
      %broadcast_in_dim3A_205 = vector.broadcast %jit3A_204 : f32 to vector<16xf32>
      %select_n3A_206 = arith.select %gt3A_200, %div3A_203, %broadcast_in_dim3A_205 : vector<16xi1>, vector<16xf32>
      %swap3A_207 = arith.index_cast %scan3A_181 : i32 to index
      %swap3A_208 = arith.constant 16 : index
      %swap3A_209 = tpu.vector_load %arg13[%swap3A_207, %swap3A_208] {strides = array<i32>} : memref<160x64xf32, #tpu.memory_space<vmem>>, vector<1x16xf32>,
      %swap3A_210 = vector.shape_cast %swap3A_209 : vector<1x16xf32> to vector<16xf32>
      %swap3A_211 = vector.shape_cast %select_n3A_206 : vector<16xf32> to vector<1x16xf32>
      tpu.vector_store %arg13[%swap3A_207, %swap3A_208], %swap3A_211 {strides = array<i32>} : memref<160x64xf32, #tpu.memory_space<vmem>>, vector<1x16xf32>,
      %get3A_212 = arith.index_cast %scan3A_181 : i32 to index
      %get3A_213 = arith.constant 32 : index
      %get3A_214 = tpu.vector_load %arg13[%get3A_212, %get3A_213] {strides = array<i32>} : memref<160x64xf32, #tpu.memory_space<vmem>>, vector<1x16xf32>,
      %get3A_215 = vector.shape_cast %get3A_214 : vector<1x16xf32> to vector<16xf32>
      %gt3A_216 = arith.constant 0.000000e+00 : f32
      %gt3A_217 = vector.broadcast %gt3A_216 : f32 to vector<16xf32>
      %gt3A_218 = arith.cmpf ogt, %get3A_215, %gt3A_217 : vector<16xf32>
      %div3A_219 = arith.constant 1.000000e+00 : f32
      %div3A_220 = vector.broadcast %div3A_219 : f32 to vector<16xf32>
      %div3A_221 = arith.divf %div3A_220, %get3A_215 : vector<16xf32>
      %jit3A_222 = arith.constant 0.000000e+00 : f32
      %broadcast_in_dim3A_223 = vector.broadcast %jit3A_222 : f32 to vector<16xf32>
      %select_n3A_224 = arith.select %gt3A_218, %div3A_221, %broadcast_in_dim3A_223 : vector<16xi1>, vector<16xf32>
      %swap3A_225 = arith.index_cast %scan3A_181 : i32 to index
      %swap3A_226 = arith.constant 32 : index
      %swap3A_227 = tpu.vector_load %arg13[%swap3A_225, %swap3A_226] {strides = array<i32>} : memref<160x64xf32, #tpu.memory_space<vmem>>, vector<1x16xf32>,
      %swap3A_228 = vector.shape_cast %swap3A_227 : vector<1x16xf32> to vector<16xf32>
      %swap3A_229 = vector.shape_cast %select_n3A_224 : vector<16xf32> to vector<1x16xf32>
      tpu.vector_store %arg13[%swap3A_225, %swap3A_226], %swap3A_229 {strides = array<i32>} : memref<160x64xf32, #tpu.memory_space<vmem>>, vector<1x16xf32>,
      %get3A_230 = arith.index_cast %scan3A_181 : i32 to index
      %get3A_231 = arith.constant 48 : index
      %get3A_232 = tpu.vector_load %arg13[%get3A_230, %get3A_231] {strides = array<i32>} : memref<160x64xf32, #tpu.memory_space<vmem>>, vector<1x16xf32>,
      %get3A_233 = vector.shape_cast %get3A_232 : vector<1x16xf32> to vector<16xf32>
      %gt3A_234 = arith.constant 0.000000e+00 : f32
      %gt3A_235 = vector.broadcast %gt3A_234 : f32 to vector<16xf32>
      %gt3A_236 = arith.cmpf ogt, %get3A_233, %gt3A_235 : vector<16xf32>
      %div3A_237 = arith.constant 1.000000e+00 : f32
      %div3A_238 = vector.broadcast %div3A_237 : f32 to vector<16xf32>
      %div3A_239 = arith.divf %div3A_238, %get3A_233 : vector<16xf32>
      %jit3A_240 = arith.constant 0.000000e+00 : f32
      %broadcast_in_dim3A_241 = vector.broadcast %jit3A_240 : f32 to vector<16xf32>
      %select_n3A_242 = arith.select %gt3A_236, %div3A_239, %broadcast_in_dim3A_241 : vector<16xi1>, vector<16xf32>
      %swap3A_243 = arith.index_cast %scan3A_181 : i32 to index
      %swap3A_244 = arith.constant 48 : index
      %swap3A_245 = tpu.vector_load %arg13[%swap3A_243, %swap3A_244] {strides = array<i32>} : memref<160x64xf32, #tpu.memory_space<vmem>>, vector<1x16xf32>,
      %swap3A_246 = vector.shape_cast %swap3A_245 : vector<1x16xf32> to vector<16xf32>
      %swap3A_247 = vector.shape_cast %select_n3A_242 : vector<16xf32> to vector<1x16xf32>
      tpu.vector_store %arg13[%swap3A_243, %swap3A_244], %swap3A_247 {strides = array<i32>} : memref<160x64xf32, #tpu.memory_space<vmem>>, vector<1x16xf32>,
      %scan3A_248 = arith.constant 0 : i32
      scf.yield %scan3A_248 : i32
    }
    %scan3A_58 = arith.constant 160 : i32
    "tpu.region"() ({
      %run_scoped3A = tpu.sem_alloc : memref<!tpu.dma_semaphore, #tpu.memory_space<semaphore_mem>>
      %dma_start3A = arith.constant 0 : i32
      %dma_start3A_181 = arith.constant 0 : i32
      %dma_start3A_182 = tpu.memref_slice %arg13[%dma_start3A, %dma_start3A_181] : memref<160x64xf32, #tpu.memory_space<vmem>> -> memref<160x64xf32, #tpu.memory_space<vmem>>
      %dma_start3A_183 = arith.constant 0 : i32
      %dma_start3A_184 = tpu.memref_slice %arg9[%multiple_of3A_51, %dma_start3A_183] : memref<10112x64xf32, #tpu.memory_space<hbm>> -> memref<160x64xf32, #tpu.memory_space<hbm>>
      %dma_start3A_185 = arith.constant 0 : i32
      %dma_start3A_186 = tpu.memref_slice %arg9[%multiple_of3A_51, %dma_start3A_185] : memref<10112x64xf32, #tpu.memory_space<hbm>> -> memref<160x64xf32, #tpu.memory_space<hbm>>
      %dma_start3A_187 = arith.constant 0 : i32
      %dma_start3A_188 = arith.constant 0 : i32
      %dma_start3A_189 = tpu.memref_slice %arg13[%dma_start3A_187, %dma_start3A_188] : memref<160x64xf32, #tpu.memory_space<vmem>> -> memref<160x64xf32, #tpu.memory_space<vmem>>
      tpu.enqueue_dma source(%dma_start3A_189 : memref<160x64xf32, #tpu.memory_space<vmem>>) target(%dma_start3A_186 : memref<160x64xf32, #tpu.memory_space<hbm>>) target_semaphore(%run_scoped3A : memref<!tpu.dma_semaphore, #tpu.memory_space<semaphore_mem>>)
      %dma_wait3A = arith.constant 0 : i32
      %dma_wait3A_190 = arith.constant 0 : i32
      %dma_wait3A_191 = tpu.memref_slice %arg13[%dma_wait3A, %dma_wait3A_190] : memref<160x64xf32, #tpu.memory_space<vmem>> -> memref<160x64xf32, #tpu.memory_space<vmem>>
      %dma_wait3A_192 = arith.constant 0 : i32
      %dma_wait3A_193 = tpu.memref_slice %arg9[%multiple_of3A_51, %dma_wait3A_192] : memref<10112x64xf32, #tpu.memory_space<hbm>> -> memref<160x64xf32, #tpu.memory_space<hbm>>
      %dma_wait3A_194 = arith.constant 0 : i32
      %dma_wait3A_195 = tpu.memref_slice %arg9[%multiple_of3A_51, %dma_wait3A_194] : memref<10112x64xf32, #tpu.memory_space<hbm>> -> memref<160x64xf32, #tpu.memory_space<hbm>>
      %dma_wait3A_196 = arith.constant 0 : i32
      %dma_wait3A_197 = arith.constant 0 : i32
      %dma_wait3A_198 = tpu.memref_slice %arg13[%dma_wait3A_196, %dma_wait3A_197] : memref<160x64xf32, #tpu.memory_space<vmem>> -> memref<160x64xf32, #tpu.memory_space<vmem>>
      tpu.wait_dma2 semaphore(%run_scoped3A : memref<!tpu.dma_semaphore, #tpu.memory_space<semaphore_mem>>) src(%dma_wait3A_198 : memref<160x64xf32, #tpu.memory_space<vmem>>) dst(%dma_wait3A_195 : memref<160x64xf32, #tpu.memory_space<hbm>>)
      tpu.yield
    }) : () -> ()
    "tpu.region"() ({
      %run_scoped3A = tpu.sem_alloc : memref<!tpu.dma_semaphore, #tpu.memory_space<semaphore_mem>>
      %dma_start3A = arith.constant 0 : i32
      %dma_start3A_181 = arith.constant 0 : i32
      %dma_start3A_182 = tpu.memref_slice %arg15[%dma_start3A, %dma_start3A_181] : memref<160x64xf32, #tpu.memory_space<vmem>> -> memref<160x64xf32, #tpu.memory_space<vmem>>
      %dma_start3A_183 = arith.constant 0 : i32
      %dma_start3A_184 = tpu.memref_slice %arg20[%multiple_of3A_51, %dma_start3A_183] : memref<10112x64xf32, #tpu.memory_space<vmem_shared>> -> memref<160x64xf32, #tpu.memory_space<vmem_shared>>
      %dma_start3A_185 = arith.constant 0 : i32
      %dma_start3A_186 = tpu.memref_slice %arg20[%multiple_of3A_51, %dma_start3A_185] : memref<10112x64xf32, #tpu.memory_space<vmem_shared>> -> memref<160x64xf32, #tpu.memory_space<vmem_shared>>
      %dma_start3A_187 = arith.constant 0 : i32
      %dma_start3A_188 = arith.constant 0 : i32
      %dma_start3A_189 = tpu.memref_slice %arg15[%dma_start3A_187, %dma_start3A_188] : memref<160x64xf32, #tpu.memory_space<vmem>> -> memref<160x64xf32, #tpu.memory_space<vmem>>
      tpu.enqueue_dma source(%dma_start3A_189 : memref<160x64xf32, #tpu.memory_space<vmem>>) target(%dma_start3A_186 : memref<160x64xf32, #tpu.memory_space<vmem_shared>>) target_semaphore(%run_scoped3A : memref<!tpu.dma_semaphore, #tpu.memory_space<semaphore_mem>>)
      %dma_wait3A = arith.constant 0 : i32
      %dma_wait3A_190 = arith.constant 0 : i32
      %dma_wait3A_191 = tpu.memref_slice %arg15[%dma_wait3A, %dma_wait3A_190] : memref<160x64xf32, #tpu.memory_space<vmem>> -> memref<160x64xf32, #tpu.memory_space<vmem>>
      %dma_wait3A_192 = arith.constant 0 : i32
      %dma_wait3A_193 = tpu.memref_slice %arg20[%multiple_of3A_51, %dma_wait3A_192] : memref<10112x64xf32, #tpu.memory_space<vmem_shared>> -> memref<160x64xf32, #tpu.memory_space<vmem_shared>>
      %dma_wait3A_194 = arith.constant 0 : i32
      %dma_wait3A_195 = tpu.memref_slice %arg20[%multiple_of3A_51, %dma_wait3A_194] : memref<10112x64xf32, #tpu.memory_space<vmem_shared>> -> memref<160x64xf32, #tpu.memory_space<vmem_shared>>
      %dma_wait3A_196 = arith.constant 0 : i32
      %dma_wait3A_197 = arith.constant 0 : i32
      %dma_wait3A_198 = tpu.memref_slice %arg15[%dma_wait3A_196, %dma_wait3A_197] : memref<160x64xf32, #tpu.memory_space<vmem>> -> memref<160x64xf32, #tpu.memory_space<vmem>>
      tpu.wait_dma2 semaphore(%run_scoped3A : memref<!tpu.dma_semaphore, #tpu.memory_space<semaphore_mem>>) src(%dma_wait3A_198 : memref<160x64xf32, #tpu.memory_space<vmem>>) dst(%dma_wait3A_195 : memref<160x64xf32, #tpu.memory_space<vmem_shared>>)
      tpu.yield
    }) : () -> ()
    %add3A_59 = arith.constant 320 : i32
    %add3A_60 = arith.addi %multiple_of3A, %add3A_59 : i32
    %multiple_of3A_61 = tpu.assume_multiple %add3A_60, 8 : i32
    "tpu.region"() ({
      %run_scoped3A = tpu.sem_alloc : memref<!tpu.dma_semaphore, #tpu.memory_space<semaphore_mem>>
      %dma_start3A = arith.constant 0 : i32
      %dma_start3A_181 = arith.constant 0 : i32
      %dma_start3A_182 = tpu.memref_slice %arg13[%dma_start3A, %dma_start3A_181] : memref<160x64xf32, #tpu.memory_space<vmem>> -> memref<160x64xf32, #tpu.memory_space<vmem>>
      %dma_start3A_183 = arith.constant 0 : i32
      %dma_start3A_184 = tpu.memref_slice %arg20[%multiple_of3A_61, %dma_start3A_183] : memref<10112x64xf32, #tpu.memory_space<vmem_shared>> -> memref<160x64xf32, #tpu.memory_space<vmem_shared>>
      %dma_start3A_185 = arith.constant 0 : i32
      %dma_start3A_186 = arith.constant 0 : i32
      %dma_start3A_187 = tpu.memref_slice %arg13[%dma_start3A_185, %dma_start3A_186] : memref<160x64xf32, #tpu.memory_space<vmem>> -> memref<160x64xf32, #tpu.memory_space<vmem>>
      %dma_start3A_188 = arith.constant 0 : i32
      %dma_start3A_189 = tpu.memref_slice %arg20[%multiple_of3A_61, %dma_start3A_188] : memref<10112x64xf32, #tpu.memory_space<vmem_shared>> -> memref<160x64xf32, #tpu.memory_space<vmem_shared>>
      tpu.enqueue_dma source(%dma_start3A_189 : memref<160x64xf32, #tpu.memory_space<vmem_shared>>) target(%dma_start3A_187 : memref<160x64xf32, #tpu.memory_space<vmem>>) target_semaphore(%run_scoped3A : memref<!tpu.dma_semaphore, #tpu.memory_space<semaphore_mem>>)
      %dma_wait3A = arith.constant 0 : i32
      %dma_wait3A_190 = arith.constant 0 : i32
      %dma_wait3A_191 = tpu.memref_slice %arg13[%dma_wait3A, %dma_wait3A_190] : memref<160x64xf32, #tpu.memory_space<vmem>> -> memref<160x64xf32, #tpu.memory_space<vmem>>
      %dma_wait3A_192 = arith.constant 0 : i32
      %dma_wait3A_193 = tpu.memref_slice %arg20[%multiple_of3A_61, %dma_wait3A_192] : memref<10112x64xf32, #tpu.memory_space<vmem_shared>> -> memref<160x64xf32, #tpu.memory_space<vmem_shared>>
      %dma_wait3A_194 = arith.constant 0 : i32
      %dma_wait3A_195 = arith.constant 0 : i32
      %dma_wait3A_196 = tpu.memref_slice %arg13[%dma_wait3A_194, %dma_wait3A_195] : memref<160x64xf32, #tpu.memory_space<vmem>> -> memref<160x64xf32, #tpu.memory_space<vmem>>
      %dma_wait3A_197 = arith.constant 0 : i32
      %dma_wait3A_198 = tpu.memref_slice %arg20[%multiple_of3A_61, %dma_wait3A_197] : memref<10112x64xf32, #tpu.memory_space<vmem_shared>> -> memref<160x64xf32, #tpu.memory_space<vmem_shared>>
      tpu.wait_dma2 semaphore(%run_scoped3A : memref<!tpu.dma_semaphore, #tpu.memory_space<semaphore_mem>>) src(%dma_wait3A_198 : memref<160x64xf32, #tpu.memory_space<vmem_shared>>) dst(%dma_wait3A_196 : memref<160x64xf32, #tpu.memory_space<vmem>>)
      tpu.yield
    }) : () -> ()
    %scan3A_62 = arith.constant 0 : i32
    %scan3A_63 = arith.constant 0 : i32
    %scan3A_64 = arith.constant 160 : i32
    %scan3A_65 = arith.addi %scan3A_63, %scan3A_64 : i32
    %scan3A_66 = arith.constant 1 : i32
    %scan3A_67 = scf.for %scan3A_181 = %scan3A_63 to %scan3A_65 step %scan3A_66 iter_args(%scan3A_182 = %scan3A_62) -> (i32)  : i32 {
      %get3A = arith.index_cast %scan3A_181 : i32 to index
      %get3A_183 = arith.constant 0 : index
      %get3A_184 = tpu.vector_load %arg13[%get3A, %get3A_183] {strides = array<i32>} : memref<160x64xf32, #tpu.memory_space<vmem>>, vector<1x16xf32>,
      %get3A_185 = vector.shape_cast %get3A_184 : vector<1x16xf32> to vector<16xf32>
      %gt3A = arith.constant 0.000000e+00 : f32
      %gt3A_186 = vector.broadcast %gt3A : f32 to vector<16xf32>
      %gt3A_187 = arith.cmpf ogt, %get3A_185, %gt3A_186 : vector<16xf32>
      %div3A = arith.constant 1.000000e+00 : f32
      %div3A_188 = vector.broadcast %div3A : f32 to vector<16xf32>
      %div3A_189 = arith.divf %div3A_188, %get3A_185 : vector<16xf32>
      %jit3A = arith.constant 0.000000e+00 : f32
      %broadcast_in_dim3A = vector.broadcast %jit3A : f32 to vector<16xf32>
      %select_n3A = arith.select %gt3A_187, %div3A_189, %broadcast_in_dim3A : vector<16xi1>, vector<16xf32>
      %swap3A = arith.index_cast %scan3A_181 : i32 to index
      %swap3A_190 = arith.constant 0 : index
      %swap3A_191 = tpu.vector_load %arg13[%swap3A, %swap3A_190] {strides = array<i32>} : memref<160x64xf32, #tpu.memory_space<vmem>>, vector<1x16xf32>,
      %swap3A_192 = vector.shape_cast %swap3A_191 : vector<1x16xf32> to vector<16xf32>
      %swap3A_193 = vector.shape_cast %select_n3A : vector<16xf32> to vector<1x16xf32>
      tpu.vector_store %arg13[%swap3A, %swap3A_190], %swap3A_193 {strides = array<i32>} : memref<160x64xf32, #tpu.memory_space<vmem>>, vector<1x16xf32>,
      %get3A_194 = arith.index_cast %scan3A_181 : i32 to index
      %get3A_195 = arith.constant 16 : index
      %get3A_196 = tpu.vector_load %arg13[%get3A_194, %get3A_195] {strides = array<i32>} : memref<160x64xf32, #tpu.memory_space<vmem>>, vector<1x16xf32>,
      %get3A_197 = vector.shape_cast %get3A_196 : vector<1x16xf32> to vector<16xf32>
      %gt3A_198 = arith.constant 0.000000e+00 : f32
      %gt3A_199 = vector.broadcast %gt3A_198 : f32 to vector<16xf32>
      %gt3A_200 = arith.cmpf ogt, %get3A_197, %gt3A_199 : vector<16xf32>
      %div3A_201 = arith.constant 1.000000e+00 : f32
      %div3A_202 = vector.broadcast %div3A_201 : f32 to vector<16xf32>
      %div3A_203 = arith.divf %div3A_202, %get3A_197 : vector<16xf32>
      %jit3A_204 = arith.constant 0.000000e+00 : f32
      %broadcast_in_dim3A_205 = vector.broadcast %jit3A_204 : f32 to vector<16xf32>
      %select_n3A_206 = arith.select %gt3A_200, %div3A_203, %broadcast_in_dim3A_205 : vector<16xi1>, vector<16xf32>
      %swap3A_207 = arith.index_cast %scan3A_181 : i32 to index
      %swap3A_208 = arith.constant 16 : index
      %swap3A_209 = tpu.vector_load %arg13[%swap3A_207, %swap3A_208] {strides = array<i32>} : memref<160x64xf32, #tpu.memory_space<vmem>>, vector<1x16xf32>,
      %swap3A_210 = vector.shape_cast %swap3A_209 : vector<1x16xf32> to vector<16xf32>
      %swap3A_211 = vector.shape_cast %select_n3A_206 : vector<16xf32> to vector<1x16xf32>
      tpu.vector_store %arg13[%swap3A_207, %swap3A_208], %swap3A_211 {strides = array<i32>} : memref<160x64xf32, #tpu.memory_space<vmem>>, vector<1x16xf32>,
      %get3A_212 = arith.index_cast %scan3A_181 : i32 to index
      %get3A_213 = arith.constant 32 : index
      %get3A_214 = tpu.vector_load %arg13[%get3A_212, %get3A_213] {strides = array<i32>} : memref<160x64xf32, #tpu.memory_space<vmem>>, vector<1x16xf32>,
      %get3A_215 = vector.shape_cast %get3A_214 : vector<1x16xf32> to vector<16xf32>
      %gt3A_216 = arith.constant 0.000000e+00 : f32
      %gt3A_217 = vector.broadcast %gt3A_216 : f32 to vector<16xf32>
      %gt3A_218 = arith.cmpf ogt, %get3A_215, %gt3A_217 : vector<16xf32>
      %div3A_219 = arith.constant 1.000000e+00 : f32
      %div3A_220 = vector.broadcast %div3A_219 : f32 to vector<16xf32>
      %div3A_221 = arith.divf %div3A_220, %get3A_215 : vector<16xf32>
      %jit3A_222 = arith.constant 0.000000e+00 : f32
      %broadcast_in_dim3A_223 = vector.broadcast %jit3A_222 : f32 to vector<16xf32>
      %select_n3A_224 = arith.select %gt3A_218, %div3A_221, %broadcast_in_dim3A_223 : vector<16xi1>, vector<16xf32>
      %swap3A_225 = arith.index_cast %scan3A_181 : i32 to index
      %swap3A_226 = arith.constant 32 : index
      %swap3A_227 = tpu.vector_load %arg13[%swap3A_225, %swap3A_226] {strides = array<i32>} : memref<160x64xf32, #tpu.memory_space<vmem>>, vector<1x16xf32>,
      %swap3A_228 = vector.shape_cast %swap3A_227 : vector<1x16xf32> to vector<16xf32>
      %swap3A_229 = vector.shape_cast %select_n3A_224 : vector<16xf32> to vector<1x16xf32>
      tpu.vector_store %arg13[%swap3A_225, %swap3A_226], %swap3A_229 {strides = array<i32>} : memref<160x64xf32, #tpu.memory_space<vmem>>, vector<1x16xf32>,
      %get3A_230 = arith.index_cast %scan3A_181 : i32 to index
      %get3A_231 = arith.constant 48 : index
      %get3A_232 = tpu.vector_load %arg13[%get3A_230, %get3A_231] {strides = array<i32>} : memref<160x64xf32, #tpu.memory_space<vmem>>, vector<1x16xf32>,
      %get3A_233 = vector.shape_cast %get3A_232 : vector<1x16xf32> to vector<16xf32>
      %gt3A_234 = arith.constant 0.000000e+00 : f32
      %gt3A_235 = vector.broadcast %gt3A_234 : f32 to vector<16xf32>
      %gt3A_236 = arith.cmpf ogt, %get3A_233, %gt3A_235 : vector<16xf32>
      %div3A_237 = arith.constant 1.000000e+00 : f32
      %div3A_238 = vector.broadcast %div3A_237 : f32 to vector<16xf32>
      %div3A_239 = arith.divf %div3A_238, %get3A_233 : vector<16xf32>
      %jit3A_240 = arith.constant 0.000000e+00 : f32
      %broadcast_in_dim3A_241 = vector.broadcast %jit3A_240 : f32 to vector<16xf32>
      %select_n3A_242 = arith.select %gt3A_236, %div3A_239, %broadcast_in_dim3A_241 : vector<16xi1>, vector<16xf32>
      %swap3A_243 = arith.index_cast %scan3A_181 : i32 to index
      %swap3A_244 = arith.constant 48 : index
      %swap3A_245 = tpu.vector_load %arg13[%swap3A_243, %swap3A_244] {strides = array<i32>} : memref<160x64xf32, #tpu.memory_space<vmem>>, vector<1x16xf32>,
      %swap3A_246 = vector.shape_cast %swap3A_245 : vector<1x16xf32> to vector<16xf32>
      %swap3A_247 = vector.shape_cast %select_n3A_242 : vector<16xf32> to vector<1x16xf32>
      tpu.vector_store %arg13[%swap3A_243, %swap3A_244], %swap3A_247 {strides = array<i32>} : memref<160x64xf32, #tpu.memory_space<vmem>>, vector<1x16xf32>,
      %scan3A_248 = arith.constant 0 : i32
      scf.yield %scan3A_248 : i32
    }
    %scan3A_68 = arith.constant 160 : i32
    "tpu.region"() ({
      %run_scoped3A = tpu.sem_alloc : memref<!tpu.dma_semaphore, #tpu.memory_space<semaphore_mem>>
      %dma_start3A = arith.constant 0 : i32
      %dma_start3A_181 = arith.constant 0 : i32
      %dma_start3A_182 = tpu.memref_slice %arg13[%dma_start3A, %dma_start3A_181] : memref<160x64xf32, #tpu.memory_space<vmem>> -> memref<160x64xf32, #tpu.memory_space<vmem>>
      %dma_start3A_183 = arith.constant 0 : i32
      %dma_start3A_184 = tpu.memref_slice %arg9[%multiple_of3A_61, %dma_start3A_183] : memref<10112x64xf32, #tpu.memory_space<hbm>> -> memref<160x64xf32, #tpu.memory_space<hbm>>
      %dma_start3A_185 = arith.constant 0 : i32
      %dma_start3A_186 = tpu.memref_slice %arg9[%multiple_of3A_61, %dma_start3A_185] : memref<10112x64xf32, #tpu.memory_space<hbm>> -> memref<160x64xf32, #tpu.memory_space<hbm>>
      %dma_start3A_187 = arith.constant 0 : i32
      %dma_start3A_188 = arith.constant 0 : i32
      %dma_start3A_189 = tpu.memref_slice %arg13[%dma_start3A_187, %dma_start3A_188] : memref<160x64xf32, #tpu.memory_space<vmem>> -> memref<160x64xf32, #tpu.memory_space<vmem>>
      tpu.enqueue_dma source(%dma_start3A_189 : memref<160x64xf32, #tpu.memory_space<vmem>>) target(%dma_start3A_186 : memref<160x64xf32, #tpu.memory_space<hbm>>) target_semaphore(%run_scoped3A : memref<!tpu.dma_semaphore, #tpu.memory_space<semaphore_mem>>)
      %dma_wait3A = arith.constant 0 : i32
      %dma_wait3A_190 = arith.constant 0 : i32
      %dma_wait3A_191 = tpu.memref_slice %arg13[%dma_wait3A, %dma_wait3A_190] : memref<160x64xf32, #tpu.memory_space<vmem>> -> memref<160x64xf32, #tpu.memory_space<vmem>>
      %dma_wait3A_192 = arith.constant 0 : i32
      %dma_wait3A_193 = tpu.memref_slice %arg9[%multiple_of3A_61, %dma_wait3A_192] : memref<10112x64xf32, #tpu.memory_space<hbm>> -> memref<160x64xf32, #tpu.memory_space<hbm>>
      %dma_wait3A_194 = arith.constant 0 : i32
      %dma_wait3A_195 = tpu.memref_slice %arg9[%multiple_of3A_61, %dma_wait3A_194] : memref<10112x64xf32, #tpu.memory_space<hbm>> -> memref<160x64xf32, #tpu.memory_space<hbm>>
      %dma_wait3A_196 = arith.constant 0 : i32
      %dma_wait3A_197 = arith.constant 0 : i32
      %dma_wait3A_198 = tpu.memref_slice %arg13[%dma_wait3A_196, %dma_wait3A_197] : memref<160x64xf32, #tpu.memory_space<vmem>> -> memref<160x64xf32, #tpu.memory_space<vmem>>
      tpu.wait_dma2 semaphore(%run_scoped3A : memref<!tpu.dma_semaphore, #tpu.memory_space<semaphore_mem>>) src(%dma_wait3A_198 : memref<160x64xf32, #tpu.memory_space<vmem>>) dst(%dma_wait3A_195 : memref<160x64xf32, #tpu.memory_space<hbm>>)
      tpu.yield
    }) : () -> ()
    "tpu.region"() ({
      %run_scoped3A = tpu.sem_alloc : memref<!tpu.dma_semaphore, #tpu.memory_space<semaphore_mem>>
      %dma_start3A = arith.constant 0 : i32
      %dma_start3A_181 = arith.constant 0 : i32
      %dma_start3A_182 = tpu.memref_slice %arg15[%dma_start3A, %dma_start3A_181] : memref<160x64xf32, #tpu.memory_space<vmem>> -> memref<160x64xf32, #tpu.memory_space<vmem>>
      %dma_start3A_183 = arith.constant 0 : i32
      %dma_start3A_184 = tpu.memref_slice %arg20[%multiple_of3A_61, %dma_start3A_183] : memref<10112x64xf32, #tpu.memory_space<vmem_shared>> -> memref<160x64xf32, #tpu.memory_space<vmem_shared>>
      %dma_start3A_185 = arith.constant 0 : i32
      %dma_start3A_186 = tpu.memref_slice %arg20[%multiple_of3A_61, %dma_start3A_185] : memref<10112x64xf32, #tpu.memory_space<vmem_shared>> -> memref<160x64xf32, #tpu.memory_space<vmem_shared>>
      %dma_start3A_187 = arith.constant 0 : i32
      %dma_start3A_188 = arith.constant 0 : i32
      %dma_start3A_189 = tpu.memref_slice %arg15[%dma_start3A_187, %dma_start3A_188] : memref<160x64xf32, #tpu.memory_space<vmem>> -> memref<160x64xf32, #tpu.memory_space<vmem>>
      tpu.enqueue_dma source(%dma_start3A_189 : memref<160x64xf32, #tpu.memory_space<vmem>>) target(%dma_start3A_186 : memref<160x64xf32, #tpu.memory_space<vmem_shared>>) target_semaphore(%run_scoped3A : memref<!tpu.dma_semaphore, #tpu.memory_space<semaphore_mem>>)
      %dma_wait3A = arith.constant 0 : i32
      %dma_wait3A_190 = arith.constant 0 : i32
      %dma_wait3A_191 = tpu.memref_slice %arg15[%dma_wait3A, %dma_wait3A_190] : memref<160x64xf32, #tpu.memory_space<vmem>> -> memref<160x64xf32, #tpu.memory_space<vmem>>
      %dma_wait3A_192 = arith.constant 0 : i32
      %dma_wait3A_193 = tpu.memref_slice %arg20[%multiple_of3A_61, %dma_wait3A_192] : memref<10112x64xf32, #tpu.memory_space<vmem_shared>> -> memref<160x64xf32, #tpu.memory_space<vmem_shared>>
      %dma_wait3A_194 = arith.constant 0 : i32
      %dma_wait3A_195 = tpu.memref_slice %arg20[%multiple_of3A_61, %dma_wait3A_194] : memref<10112x64xf32, #tpu.memory_space<vmem_shared>> -> memref<160x64xf32, #tpu.memory_space<vmem_shared>>
      %dma_wait3A_196 = arith.constant 0 : i32
      %dma_wait3A_197 = arith.constant 0 : i32
      %dma_wait3A_198 = tpu.memref_slice %arg15[%dma_wait3A_196, %dma_wait3A_197] : memref<160x64xf32, #tpu.memory_space<vmem>> -> memref<160x64xf32, #tpu.memory_space<vmem>>
      tpu.wait_dma2 semaphore(%run_scoped3A : memref<!tpu.dma_semaphore, #tpu.memory_space<semaphore_mem>>) src(%dma_wait3A_198 : memref<160x64xf32, #tpu.memory_space<vmem>>) dst(%dma_wait3A_195 : memref<160x64xf32, #tpu.memory_space<vmem_shared>>)
      tpu.yield
    }) : () -> ()
    %add3A_69 = arith.constant 480 : i32
    %add3A_70 = arith.addi %multiple_of3A, %add3A_69 : i32
    %multiple_of3A_71 = tpu.assume_multiple %add3A_70, 8 : i32
    "tpu.region"() ({
      %run_scoped3A = tpu.sem_alloc : memref<!tpu.dma_semaphore, #tpu.memory_space<semaphore_mem>>
      %dma_start3A = arith.constant 0 : i32
      %dma_start3A_181 = arith.constant 0 : i32
      %dma_start3A_182 = tpu.memref_slice %arg13[%dma_start3A, %dma_start3A_181] : memref<160x64xf32, #tpu.memory_space<vmem>> -> memref<152x64xf32, #tpu.memory_space<vmem>>
      %dma_start3A_183 = arith.constant 0 : i32
      %dma_start3A_184 = tpu.memref_slice %arg20[%multiple_of3A_71, %dma_start3A_183] : memref<10112x64xf32, #tpu.memory_space<vmem_shared>> -> memref<152x64xf32, #tpu.memory_space<vmem_shared>>
      %dma_start3A_185 = arith.constant 0 : i32
      %dma_start3A_186 = arith.constant 0 : i32
      %dma_start3A_187 = tpu.memref_slice %arg13[%dma_start3A_185, %dma_start3A_186] : memref<160x64xf32, #tpu.memory_space<vmem>> -> memref<152x64xf32, #tpu.memory_space<vmem>>
      %dma_start3A_188 = arith.constant 0 : i32
      %dma_start3A_189 = tpu.memref_slice %arg20[%multiple_of3A_71, %dma_start3A_188] : memref<10112x64xf32, #tpu.memory_space<vmem_shared>> -> memref<152x64xf32, #tpu.memory_space<vmem_shared>>
      tpu.enqueue_dma source(%dma_start3A_189 : memref<152x64xf32, #tpu.memory_space<vmem_shared>>) target(%dma_start3A_187 : memref<152x64xf32, #tpu.memory_space<vmem>>) target_semaphore(%run_scoped3A : memref<!tpu.dma_semaphore, #tpu.memory_space<semaphore_mem>>)
      %dma_wait3A = arith.constant 0 : i32
      %dma_wait3A_190 = arith.constant 0 : i32
      %dma_wait3A_191 = tpu.memref_slice %arg13[%dma_wait3A, %dma_wait3A_190] : memref<160x64xf32, #tpu.memory_space<vmem>> -> memref<152x64xf32, #tpu.memory_space<vmem>>
      %dma_wait3A_192 = arith.constant 0 : i32
      %dma_wait3A_193 = tpu.memref_slice %arg20[%multiple_of3A_71, %dma_wait3A_192] : memref<10112x64xf32, #tpu.memory_space<vmem_shared>> -> memref<152x64xf32, #tpu.memory_space<vmem_shared>>
      %dma_wait3A_194 = arith.constant 0 : i32
      %dma_wait3A_195 = arith.constant 0 : i32
      %dma_wait3A_196 = tpu.memref_slice %arg13[%dma_wait3A_194, %dma_wait3A_195] : memref<160x64xf32, #tpu.memory_space<vmem>> -> memref<152x64xf32, #tpu.memory_space<vmem>>
      %dma_wait3A_197 = arith.constant 0 : i32
      %dma_wait3A_198 = tpu.memref_slice %arg20[%multiple_of3A_71, %dma_wait3A_197] : memref<10112x64xf32, #tpu.memory_space<vmem_shared>> -> memref<152x64xf32, #tpu.memory_space<vmem_shared>>
      tpu.wait_dma2 semaphore(%run_scoped3A : memref<!tpu.dma_semaphore, #tpu.memory_space<semaphore_mem>>) src(%dma_wait3A_198 : memref<152x64xf32, #tpu.memory_space<vmem_shared>>) dst(%dma_wait3A_196 : memref<152x64xf32, #tpu.memory_space<vmem>>)
      tpu.yield
    }) : () -> ()
    %scan3A_72 = arith.constant 0 : i32
    %scan3A_73 = arith.constant 0 : i32
    %scan3A_74 = arith.constant 152 : i32
    %scan3A_75 = arith.addi %scan3A_73, %scan3A_74 : i32
    %scan3A_76 = arith.constant 1 : i32
    %scan3A_77 = scf.for %scan3A_181 = %scan3A_73 to %scan3A_75 step %scan3A_76 iter_args(%scan3A_182 = %scan3A_72) -> (i32)  : i32 {
      %get3A = arith.index_cast %scan3A_181 : i32 to index
      %get3A_183 = arith.constant 0 : index
      %get3A_184 = tpu.vector_load %arg13[%get3A, %get3A_183] {strides = array<i32>} : memref<160x64xf32, #tpu.memory_space<vmem>>, vector<1x16xf32>,
      %get3A_185 = vector.shape_cast %get3A_184 : vector<1x16xf32> to vector<16xf32>
      %gt3A = arith.constant 0.000000e+00 : f32
      %gt3A_186 = vector.broadcast %gt3A : f32 to vector<16xf32>
      %gt3A_187 = arith.cmpf ogt, %get3A_185, %gt3A_186 : vector<16xf32>
      %div3A = arith.constant 1.000000e+00 : f32
      %div3A_188 = vector.broadcast %div3A : f32 to vector<16xf32>
      %div3A_189 = arith.divf %div3A_188, %get3A_185 : vector<16xf32>
      %jit3A = arith.constant 0.000000e+00 : f32
      %broadcast_in_dim3A = vector.broadcast %jit3A : f32 to vector<16xf32>
      %select_n3A = arith.select %gt3A_187, %div3A_189, %broadcast_in_dim3A : vector<16xi1>, vector<16xf32>
      %swap3A = arith.index_cast %scan3A_181 : i32 to index
      %swap3A_190 = arith.constant 0 : index
      %swap3A_191 = tpu.vector_load %arg13[%swap3A, %swap3A_190] {strides = array<i32>} : memref<160x64xf32, #tpu.memory_space<vmem>>, vector<1x16xf32>,
      %swap3A_192 = vector.shape_cast %swap3A_191 : vector<1x16xf32> to vector<16xf32>
      %swap3A_193 = vector.shape_cast %select_n3A : vector<16xf32> to vector<1x16xf32>
      tpu.vector_store %arg13[%swap3A, %swap3A_190], %swap3A_193 {strides = array<i32>} : memref<160x64xf32, #tpu.memory_space<vmem>>, vector<1x16xf32>,
      %get3A_194 = arith.index_cast %scan3A_181 : i32 to index
      %get3A_195 = arith.constant 16 : index
      %get3A_196 = tpu.vector_load %arg13[%get3A_194, %get3A_195] {strides = array<i32>} : memref<160x64xf32, #tpu.memory_space<vmem>>, vector<1x16xf32>,
      %get3A_197 = vector.shape_cast %get3A_196 : vector<1x16xf32> to vector<16xf32>
      %gt3A_198 = arith.constant 0.000000e+00 : f32
      %gt3A_199 = vector.broadcast %gt3A_198 : f32 to vector<16xf32>
      %gt3A_200 = arith.cmpf ogt, %get3A_197, %gt3A_199 : vector<16xf32>
      %div3A_201 = arith.constant 1.000000e+00 : f32
      %div3A_202 = vector.broadcast %div3A_201 : f32 to vector<16xf32>
      %div3A_203 = arith.divf %div3A_202, %get3A_197 : vector<16xf32>
      %jit3A_204 = arith.constant 0.000000e+00 : f32
      %broadcast_in_dim3A_205 = vector.broadcast %jit3A_204 : f32 to vector<16xf32>
      %select_n3A_206 = arith.select %gt3A_200, %div3A_203, %broadcast_in_dim3A_205 : vector<16xi1>, vector<16xf32>
      %swap3A_207 = arith.index_cast %scan3A_181 : i32 to index
      %swap3A_208 = arith.constant 16 : index
      %swap3A_209 = tpu.vector_load %arg13[%swap3A_207, %swap3A_208] {strides = array<i32>} : memref<160x64xf32, #tpu.memory_space<vmem>>, vector<1x16xf32>,
      %swap3A_210 = vector.shape_cast %swap3A_209 : vector<1x16xf32> to vector<16xf32>
      %swap3A_211 = vector.shape_cast %select_n3A_206 : vector<16xf32> to vector<1x16xf32>
      tpu.vector_store %arg13[%swap3A_207, %swap3A_208], %swap3A_211 {strides = array<i32>} : memref<160x64xf32, #tpu.memory_space<vmem>>, vector<1x16xf32>,
      %get3A_212 = arith.index_cast %scan3A_181 : i32 to index
      %get3A_213 = arith.constant 32 : index
      %get3A_214 = tpu.vector_load %arg13[%get3A_212, %get3A_213] {strides = array<i32>} : memref<160x64xf32, #tpu.memory_space<vmem>>, vector<1x16xf32>,
      %get3A_215 = vector.shape_cast %get3A_214 : vector<1x16xf32> to vector<16xf32>
      %gt3A_216 = arith.constant 0.000000e+00 : f32
      %gt3A_217 = vector.broadcast %gt3A_216 : f32 to vector<16xf32>
      %gt3A_218 = arith.cmpf ogt, %get3A_215, %gt3A_217 : vector<16xf32>
      %div3A_219 = arith.constant 1.000000e+00 : f32
      %div3A_220 = vector.broadcast %div3A_219 : f32 to vector<16xf32>
      %div3A_221 = arith.divf %div3A_220, %get3A_215 : vector<16xf32>
      %jit3A_222 = arith.constant 0.000000e+00 : f32
      %broadcast_in_dim3A_223 = vector.broadcast %jit3A_222 : f32 to vector<16xf32>
      %select_n3A_224 = arith.select %gt3A_218, %div3A_221, %broadcast_in_dim3A_223 : vector<16xi1>, vector<16xf32>
      %swap3A_225 = arith.index_cast %scan3A_181 : i32 to index
      %swap3A_226 = arith.constant 32 : index
      %swap3A_227 = tpu.vector_load %arg13[%swap3A_225, %swap3A_226] {strides = array<i32>} : memref<160x64xf32, #tpu.memory_space<vmem>>, vector<1x16xf32>,
      %swap3A_228 = vector.shape_cast %swap3A_227 : vector<1x16xf32> to vector<16xf32>
      %swap3A_229 = vector.shape_cast %select_n3A_224 : vector<16xf32> to vector<1x16xf32>
      tpu.vector_store %arg13[%swap3A_225, %swap3A_226], %swap3A_229 {strides = array<i32>} : memref<160x64xf32, #tpu.memory_space<vmem>>, vector<1x16xf32>,
      %get3A_230 = arith.index_cast %scan3A_181 : i32 to index
      %get3A_231 = arith.constant 48 : index
      %get3A_232 = tpu.vector_load %arg13[%get3A_230, %get3A_231] {strides = array<i32>} : memref<160x64xf32, #tpu.memory_space<vmem>>, vector<1x16xf32>,
      %get3A_233 = vector.shape_cast %get3A_232 : vector<1x16xf32> to vector<16xf32>
      %gt3A_234 = arith.constant 0.000000e+00 : f32
      %gt3A_235 = vector.broadcast %gt3A_234 : f32 to vector<16xf32>
      %gt3A_236 = arith.cmpf ogt, %get3A_233, %gt3A_235 : vector<16xf32>
      %div3A_237 = arith.constant 1.000000e+00 : f32
      %div3A_238 = vector.broadcast %div3A_237 : f32 to vector<16xf32>
      %div3A_239 = arith.divf %div3A_238, %get3A_233 : vector<16xf32>
      %jit3A_240 = arith.constant 0.000000e+00 : f32
      %broadcast_in_dim3A_241 = vector.broadcast %jit3A_240 : f32 to vector<16xf32>
      %select_n3A_242 = arith.select %gt3A_236, %div3A_239, %broadcast_in_dim3A_241 : vector<16xi1>, vector<16xf32>
      %swap3A_243 = arith.index_cast %scan3A_181 : i32 to index
      %swap3A_244 = arith.constant 48 : index
      %swap3A_245 = tpu.vector_load %arg13[%swap3A_243, %swap3A_244] {strides = array<i32>} : memref<160x64xf32, #tpu.memory_space<vmem>>, vector<1x16xf32>,
      %swap3A_246 = vector.shape_cast %swap3A_245 : vector<1x16xf32> to vector<16xf32>
      %swap3A_247 = vector.shape_cast %select_n3A_242 : vector<16xf32> to vector<1x16xf32>
      tpu.vector_store %arg13[%swap3A_243, %swap3A_244], %swap3A_247 {strides = array<i32>} : memref<160x64xf32, #tpu.memory_space<vmem>>, vector<1x16xf32>,
      %scan3A_248 = arith.constant 0 : i32
      scf.yield %scan3A_248 : i32
    }
    %scan3A_78 = arith.constant 152 : i32
    "tpu.region"() ({
      %run_scoped3A = tpu.sem_alloc : memref<!tpu.dma_semaphore, #tpu.memory_space<semaphore_mem>>
      %dma_start3A = arith.constant 0 : i32
      %dma_start3A_181 = arith.constant 0 : i32
      %dma_start3A_182 = tpu.memref_slice %arg13[%dma_start3A, %dma_start3A_181] : memref<160x64xf32, #tpu.memory_space<vmem>> -> memref<152x64xf32, #tpu.memory_space<vmem>>
      %dma_start3A_183 = arith.constant 0 : i32
      %dma_start3A_184 = tpu.memref_slice %arg9[%multiple_of3A_71, %dma_start3A_183] : memref<10112x64xf32, #tpu.memory_space<hbm>> -> memref<152x64xf32, #tpu.memory_space<hbm>>
      %dma_start3A_185 = arith.constant 0 : i32
      %dma_start3A_186 = tpu.memref_slice %arg9[%multiple_of3A_71, %dma_start3A_185] : memref<10112x64xf32, #tpu.memory_space<hbm>> -> memref<152x64xf32, #tpu.memory_space<hbm>>
      %dma_start3A_187 = arith.constant 0 : i32
      %dma_start3A_188 = arith.constant 0 : i32
      %dma_start3A_189 = tpu.memref_slice %arg13[%dma_start3A_187, %dma_start3A_188] : memref<160x64xf32, #tpu.memory_space<vmem>> -> memref<152x64xf32, #tpu.memory_space<vmem>>
      tpu.enqueue_dma source(%dma_start3A_189 : memref<152x64xf32, #tpu.memory_space<vmem>>) target(%dma_start3A_186 : memref<152x64xf32, #tpu.memory_space<hbm>>) target_semaphore(%run_scoped3A : memref<!tpu.dma_semaphore, #tpu.memory_space<semaphore_mem>>)
      %dma_wait3A = arith.constant 0 : i32
      %dma_wait3A_190 = arith.constant 0 : i32
      %dma_wait3A_191 = tpu.memref_slice %arg13[%dma_wait3A, %dma_wait3A_190] : memref<160x64xf32, #tpu.memory_space<vmem>> -> memref<152x64xf32, #tpu.memory_space<vmem>>
      %dma_wait3A_192 = arith.constant 0 : i32
      %dma_wait3A_193 = tpu.memref_slice %arg9[%multiple_of3A_71, %dma_wait3A_192] : memref<10112x64xf32, #tpu.memory_space<hbm>> -> memref<152x64xf32, #tpu.memory_space<hbm>>
      %dma_wait3A_194 = arith.constant 0 : i32
      %dma_wait3A_195 = tpu.memref_slice %arg9[%multiple_of3A_71, %dma_wait3A_194] : memref<10112x64xf32, #tpu.memory_space<hbm>> -> memref<152x64xf32, #tpu.memory_space<hbm>>
      %dma_wait3A_196 = arith.constant 0 : i32
      %dma_wait3A_197 = arith.constant 0 : i32
      %dma_wait3A_198 = tpu.memref_slice %arg13[%dma_wait3A_196, %dma_wait3A_197] : memref<160x64xf32, #tpu.memory_space<vmem>> -> memref<152x64xf32, #tpu.memory_space<vmem>>
      tpu.wait_dma2 semaphore(%run_scoped3A : memref<!tpu.dma_semaphore, #tpu.memory_space<semaphore_mem>>) src(%dma_wait3A_198 : memref<152x64xf32, #tpu.memory_space<vmem>>) dst(%dma_wait3A_195 : memref<152x64xf32, #tpu.memory_space<hbm>>)
      tpu.yield
    }) : () -> ()
    "tpu.region"() ({
      %run_scoped3A = tpu.sem_alloc : memref<!tpu.dma_semaphore, #tpu.memory_space<semaphore_mem>>
      %dma_start3A = arith.constant 0 : i32
      %dma_start3A_181 = arith.constant 0 : i32
      %dma_start3A_182 = tpu.memref_slice %arg15[%dma_start3A, %dma_start3A_181] : memref<160x64xf32, #tpu.memory_space<vmem>> -> memref<152x64xf32, #tpu.memory_space<vmem>>
      %dma_start3A_183 = arith.constant 0 : i32
      %dma_start3A_184 = tpu.memref_slice %arg20[%multiple_of3A_71, %dma_start3A_183] : memref<10112x64xf32, #tpu.memory_space<vmem_shared>> -> memref<152x64xf32, #tpu.memory_space<vmem_shared>>
      %dma_start3A_185 = arith.constant 0 : i32
      %dma_start3A_186 = tpu.memref_slice %arg20[%multiple_of3A_71, %dma_start3A_185] : memref<10112x64xf32, #tpu.memory_space<vmem_shared>> -> memref<152x64xf32, #tpu.memory_space<vmem_shared>>
      %dma_start3A_187 = arith.constant 0 : i32
      %dma_start3A_188 = arith.constant 0 : i32
      %dma_start3A_189 = tpu.memref_slice %arg15[%dma_start3A_187, %dma_start3A_188] : memref<160x64xf32, #tpu.memory_space<vmem>> -> memref<152x64xf32, #tpu.memory_space<vmem>>
      tpu.enqueue_dma source(%dma_start3A_189 : memref<152x64xf32, #tpu.memory_space<vmem>>) target(%dma_start3A_186 : memref<152x64xf32, #tpu.memory_space<vmem_shared>>) target_semaphore(%run_scoped3A : memref<!tpu.dma_semaphore, #tpu.memory_space<semaphore_mem>>)
      %dma_wait3A = arith.constant 0 : i32
      %dma_wait3A_190 = arith.constant 0 : i32
      %dma_wait3A_191 = tpu.memref_slice %arg15[%dma_wait3A, %dma_wait3A_190] : memref<160x64xf32, #tpu.memory_space<vmem>> -> memref<152x64xf32, #tpu.memory_space<vmem>>
      %dma_wait3A_192 = arith.constant 0 : i32
      %dma_wait3A_193 = tpu.memref_slice %arg20[%multiple_of3A_71, %dma_wait3A_192] : memref<10112x64xf32, #tpu.memory_space<vmem_shared>> -> memref<152x64xf32, #tpu.memory_space<vmem_shared>>
      %dma_wait3A_194 = arith.constant 0 : i32
      %dma_wait3A_195 = tpu.memref_slice %arg20[%multiple_of3A_71, %dma_wait3A_194] : memref<10112x64xf32, #tpu.memory_space<vmem_shared>> -> memref<152x64xf32, #tpu.memory_space<vmem_shared>>
      %dma_wait3A_196 = arith.constant 0 : i32
      %dma_wait3A_197 = arith.constant 0 : i32
      %dma_wait3A_198 = tpu.memref_slice %arg15[%dma_wait3A_196, %dma_wait3A_197] : memref<160x64xf32, #tpu.memory_space<vmem>> -> memref<152x64xf32, #tpu.memory_space<vmem>>
      tpu.wait_dma2 semaphore(%run_scoped3A : memref<!tpu.dma_semaphore, #tpu.memory_space<semaphore_mem>>) src(%dma_wait3A_198 : memref<152x64xf32, #tpu.memory_space<vmem>>) dst(%dma_wait3A_195 : memref<152x64xf32, #tpu.memory_space<vmem_shared>>)
      tpu.yield
    }) : () -> ()
    %barrier3A_79 = arith.constant 0 : index
    tpu.barrier barrier_id(%barrier3A_79)
    %scan3A_80 = arith.constant 0 : i32
    %scan3A_81 = arith.constant 0 : i32
    %scan3A_82 = arith.constant 25 : i32
    %scan3A_83 = arith.addi %scan3A_81, %scan3A_82 : i32
    %scan3A_84 = arith.constant 1 : i32
    %scan3A_85 = scf.for %scan3A_181 = %scan3A_81 to %scan3A_83 step %scan3A_84 iter_args(%scan3A_182 = %scan3A_80) -> (i32)  : i32 {
      %mul3A_183 = arith.constant 2 : i32
      %mul3A_184 = arith.muli %mul3A_183, %scan3A_181 : i32
      %mul3A_185 = arith.constant 400 : i32
      %mul3A_186 = arith.muli %mul3A_184, %mul3A_185 : i32
      %multiple_of3A_187 = tpu.assume_multiple %mul3A_186, 8 : i32
      "tpu.region"() ({
        %run_scoped3A = tpu.sem_alloc : memref<!tpu.dma_semaphore, #tpu.memory_space<semaphore_mem>>
        %dma_start3A = tpu.memref_slice %arg4[%multiple_of3A_6] : memref<320000xi32, #tpu.memory_space<hbm>> -> memref<20000xi32, #tpu.memory_space<hbm>>
        %dma_start3A_196 = tpu.memref_slice %dma_start3A[%multiple_of3A_187] : memref<20000xi32, #tpu.memory_space<hbm>> -> memref<400xi32, #tpu.memory_space<hbm>>
        %dma_start3A_197 = tpu.memref_slice %arg4[%multiple_of3A_6] : memref<320000xi32, #tpu.memory_space<hbm>> -> memref<20000xi32, #tpu.memory_space<hbm>>
        %dma_start3A_198 = tpu.memref_slice %dma_start3A_197[%multiple_of3A_187] : memref<20000xi32, #tpu.memory_space<hbm>> -> memref<400xi32, #tpu.memory_space<hbm>>
        tpu.enqueue_dma source(%dma_start3A_198 : memref<400xi32, #tpu.memory_space<hbm>>) target(%arg16 : memref<400xi32, #tpu.memory_space<vmem>>) target_semaphore(%run_scoped3A : memref<!tpu.dma_semaphore, #tpu.memory_space<semaphore_mem>>)
        %dma_wait3A = tpu.memref_slice %arg4[%multiple_of3A_6] : memref<320000xi32, #tpu.memory_space<hbm>> -> memref<20000xi32, #tpu.memory_space<hbm>>
        %dma_wait3A_199 = tpu.memref_slice %dma_wait3A[%multiple_of3A_187] : memref<20000xi32, #tpu.memory_space<hbm>> -> memref<400xi32, #tpu.memory_space<hbm>>
        %dma_wait3A_200 = tpu.memref_slice %arg4[%multiple_of3A_6] : memref<320000xi32, #tpu.memory_space<hbm>> -> memref<20000xi32, #tpu.memory_space<hbm>>
        %dma_wait3A_201 = tpu.memref_slice %dma_wait3A_200[%multiple_of3A_187] : memref<20000xi32, #tpu.memory_space<hbm>> -> memref<400xi32, #tpu.memory_space<hbm>>
        tpu.wait_dma2 semaphore(%run_scoped3A : memref<!tpu.dma_semaphore, #tpu.memory_space<semaphore_mem>>) src(%dma_wait3A_201 : memref<400xi32, #tpu.memory_space<hbm>>) dst(%arg16 : memref<400xi32, #tpu.memory_space<vmem>>)
        tpu.yield
      }) : () -> ()
      %mul3A_188 = arith.constant 2 : i32
      %mul3A_189 = arith.muli %mul3A_188, %scan3A_181 : i32
      %add3A_190 = arith.constant 1 : i32
      %add3A_191 = arith.addi %mul3A_189, %add3A_190 : i32
      %mul3A_192 = arith.constant 400 : i32
      %mul3A_193 = arith.muli %add3A_191, %mul3A_192 : i32
      %multiple_of3A_194 = tpu.assume_multiple %mul3A_193, 8 : i32
      "tpu.region"() ({
        %run_scoped3A = tpu.sem_alloc : memref<!tpu.dma_semaphore, #tpu.memory_space<semaphore_mem>>
        %dma_start3A = tpu.memref_slice %arg4[%multiple_of3A_6] : memref<320000xi32, #tpu.memory_space<hbm>> -> memref<20000xi32, #tpu.memory_space<hbm>>
        %dma_start3A_196 = tpu.memref_slice %dma_start3A[%multiple_of3A_194] : memref<20000xi32, #tpu.memory_space<hbm>> -> memref<400xi32, #tpu.memory_space<hbm>>
        %dma_start3A_197 = tpu.memref_slice %arg4[%multiple_of3A_6] : memref<320000xi32, #tpu.memory_space<hbm>> -> memref<20000xi32, #tpu.memory_space<hbm>>
        %dma_start3A_198 = tpu.memref_slice %dma_start3A_197[%multiple_of3A_194] : memref<20000xi32, #tpu.memory_space<hbm>> -> memref<400xi32, #tpu.memory_space<hbm>>
        tpu.enqueue_dma source(%dma_start3A_198 : memref<400xi32, #tpu.memory_space<hbm>>) target(%arg17 : memref<400xi32, #tpu.memory_space<vmem>>) target_semaphore(%run_scoped3A : memref<!tpu.dma_semaphore, #tpu.memory_space<semaphore_mem>>)
        %dma_wait3A = tpu.memref_slice %arg4[%multiple_of3A_6] : memref<320000xi32, #tpu.memory_space<hbm>> -> memref<20000xi32, #tpu.memory_space<hbm>>
        %dma_wait3A_199 = tpu.memref_slice %dma_wait3A[%multiple_of3A_194] : memref<20000xi32, #tpu.memory_space<hbm>> -> memref<400xi32, #tpu.memory_space<hbm>>
        %dma_wait3A_200 = tpu.memref_slice %arg4[%multiple_of3A_6] : memref<320000xi32, #tpu.memory_space<hbm>> -> memref<20000xi32, #tpu.memory_space<hbm>>
        %dma_wait3A_201 = tpu.memref_slice %dma_wait3A_200[%multiple_of3A_194] : memref<20000xi32, #tpu.memory_space<hbm>> -> memref<400xi32, #tpu.memory_space<hbm>>
        tpu.wait_dma2 semaphore(%run_scoped3A : memref<!tpu.dma_semaphore, #tpu.memory_space<semaphore_mem>>) src(%dma_wait3A_201 : memref<400xi32, #tpu.memory_space<hbm>>) dst(%arg17 : memref<400xi32, #tpu.memory_space<vmem>>)
        tpu.yield
      }) : () -> ()
      "tpu.region"() ({
        %run_scoped3A = tpu.sem_alloc : memref<!tpu.dma_semaphore, #tpu.memory_space<semaphore_mem>>
        %dma_start3A = arith.constant 0 : i32
        %dma_start3A_196 = arith.constant 0 : i32
        %dma_start3A_197 = tpu.memref_slice %arg20[%dma_start3A, %dma_start3A_196] : memref<10112x64xf32, #tpu.memory_space<vmem_shared>> -> memref<10112x64xf32, #tpu.memory_space<vmem_shared>>
        tpu.enqueue_indirect_dma source(%arg11 : memref<400x64xf32, #tpu.memory_space<vmem>>) target(%dma_start3A_197 : memref<10112x64xf32, #tpu.memory_space<vmem_shared>>) offsets(%arg16 : memref<400xi32, #tpu.memory_space<vmem>>) semaphore(%run_scoped3A : memref<!tpu.dma_semaphore, #tpu.memory_space<semaphore_mem>>) {add = true}
        %dma_wait3A = arith.constant 0 : i32
        %dma_wait3A_198 = arith.constant 0 : i32
        %dma_wait3A_199 = tpu.memref_slice %arg20[%dma_wait3A, %dma_wait3A_198] : memref<10112x64xf32, #tpu.memory_space<vmem_shared>> -> memref<10112x64xf32, #tpu.memory_space<vmem_shared>>
        tpu.wait_indirect_dma semaphore(%run_scoped3A : memref<!tpu.dma_semaphore, #tpu.memory_space<semaphore_mem>>) src(%arg11 : memref<400x64xf32, #tpu.memory_space<vmem>>) dst(%dma_wait3A_199 : memref<10112x64xf32, #tpu.memory_space<vmem_shared>>)
        tpu.yield
      }) : () -> ()
      "tpu.region"() ({
        %run_scoped3A = tpu.sem_alloc : memref<!tpu.dma_semaphore, #tpu.memory_space<semaphore_mem>>
        %dma_start3A = arith.constant 0 : i32
        %dma_start3A_196 = arith.constant 0 : i32
        %dma_start3A_197 = tpu.memref_slice %arg20[%dma_start3A, %dma_start3A_196] : memref<10112x64xf32, #tpu.memory_space<vmem_shared>> -> memref<10112x64xf32, #tpu.memory_space<vmem_shared>>
        tpu.enqueue_indirect_dma source(%arg11 : memref<400x64xf32, #tpu.memory_space<vmem>>) target(%dma_start3A_197 : memref<10112x64xf32, #tpu.memory_space<vmem_shared>>) offsets(%arg17 : memref<400xi32, #tpu.memory_space<vmem>>) semaphore(%run_scoped3A : memref<!tpu.dma_semaphore, #tpu.memory_space<semaphore_mem>>) {add = true}
        %dma_wait3A = arith.constant 0 : i32
        %dma_wait3A_198 = arith.constant 0 : i32
        %dma_wait3A_199 = tpu.memref_slice %arg20[%dma_wait3A, %dma_wait3A_198] : memref<10112x64xf32, #tpu.memory_space<vmem_shared>> -> memref<10112x64xf32, #tpu.memory_space<vmem_shared>>
        tpu.wait_indirect_dma semaphore(%run_scoped3A : memref<!tpu.dma_semaphore, #tpu.memory_space<semaphore_mem>>) src(%arg11 : memref<400x64xf32, #tpu.memory_space<vmem>>) dst(%dma_wait3A_199 : memref<10112x64xf32, #tpu.memory_space<vmem_shared>>)
        tpu.yield
      }) : () -> ()
      %scan3A_195 = arith.constant 0 : i32
      scf.yield %scan3A_195 : i32
    }
    %scan3A_86 = arith.constant 25 : i32
    %barrier3A_87 = arith.constant 0 : index
    tpu.barrier barrier_id(%barrier3A_87)
    %add3A_88 = arith.constant 0 : i32
    %add3A_89 = arith.addi %multiple_of3A_3, %add3A_88 : i32
    %multiple_of3A_90 = tpu.assume_multiple %add3A_89, 8 : i32
    "tpu.region"() ({
      %run_scoped3A = tpu.sem_alloc : memref<!tpu.dma_semaphore, #tpu.memory_space<semaphore_mem>>
      %dma_start3A = arith.constant 0 : i32
      %dma_start3A_181 = arith.constant 0 : i32
      %dma_start3A_182 = tpu.memref_slice %arg13[%dma_start3A, %dma_start3A_181] : memref<160x64xf32, #tpu.memory_space<vmem>> -> memref<160x64xf32, #tpu.memory_space<vmem>>
      %dma_start3A_183 = arith.constant 0 : i32
      %dma_start3A_184 = tpu.memref_slice %arg20[%multiple_of3A_90, %dma_start3A_183] : memref<10112x64xf32, #tpu.memory_space<vmem_shared>> -> memref<160x64xf32, #tpu.memory_space<vmem_shared>>
      %dma_start3A_185 = arith.constant 0 : i32
      %dma_start3A_186 = arith.constant 0 : i32
      %dma_start3A_187 = tpu.memref_slice %arg13[%dma_start3A_185, %dma_start3A_186] : memref<160x64xf32, #tpu.memory_space<vmem>> -> memref<160x64xf32, #tpu.memory_space<vmem>>
      %dma_start3A_188 = arith.constant 0 : i32
      %dma_start3A_189 = tpu.memref_slice %arg20[%multiple_of3A_90, %dma_start3A_188] : memref<10112x64xf32, #tpu.memory_space<vmem_shared>> -> memref<160x64xf32, #tpu.memory_space<vmem_shared>>
      tpu.enqueue_dma source(%dma_start3A_189 : memref<160x64xf32, #tpu.memory_space<vmem_shared>>) target(%dma_start3A_187 : memref<160x64xf32, #tpu.memory_space<vmem>>) target_semaphore(%run_scoped3A : memref<!tpu.dma_semaphore, #tpu.memory_space<semaphore_mem>>)
      %dma_wait3A = arith.constant 0 : i32
      %dma_wait3A_190 = arith.constant 0 : i32
      %dma_wait3A_191 = tpu.memref_slice %arg13[%dma_wait3A, %dma_wait3A_190] : memref<160x64xf32, #tpu.memory_space<vmem>> -> memref<160x64xf32, #tpu.memory_space<vmem>>
      %dma_wait3A_192 = arith.constant 0 : i32
      %dma_wait3A_193 = tpu.memref_slice %arg20[%multiple_of3A_90, %dma_wait3A_192] : memref<10112x64xf32, #tpu.memory_space<vmem_shared>> -> memref<160x64xf32, #tpu.memory_space<vmem_shared>>
      %dma_wait3A_194 = arith.constant 0 : i32
      %dma_wait3A_195 = arith.constant 0 : i32
      %dma_wait3A_196 = tpu.memref_slice %arg13[%dma_wait3A_194, %dma_wait3A_195] : memref<160x64xf32, #tpu.memory_space<vmem>> -> memref<160x64xf32, #tpu.memory_space<vmem>>
      %dma_wait3A_197 = arith.constant 0 : i32
      %dma_wait3A_198 = tpu.memref_slice %arg20[%multiple_of3A_90, %dma_wait3A_197] : memref<10112x64xf32, #tpu.memory_space<vmem_shared>> -> memref<160x64xf32, #tpu.memory_space<vmem_shared>>
      tpu.wait_dma2 semaphore(%run_scoped3A : memref<!tpu.dma_semaphore, #tpu.memory_space<semaphore_mem>>) src(%dma_wait3A_198 : memref<160x64xf32, #tpu.memory_space<vmem_shared>>) dst(%dma_wait3A_196 : memref<160x64xf32, #tpu.memory_space<vmem>>)
      tpu.yield
    }) : () -> ()
    %scan3A_91 = arith.constant 0 : i32
    %scan3A_92 = arith.constant 0 : i32
    %scan3A_93 = arith.constant 160 : i32
    %scan3A_94 = arith.addi %scan3A_92, %scan3A_93 : i32
    %scan3A_95 = arith.constant 1 : i32
    %scan3A_96 = scf.for %scan3A_181 = %scan3A_92 to %scan3A_94 step %scan3A_95 iter_args(%scan3A_182 = %scan3A_91) -> (i32)  : i32 {
      %get3A = arith.index_cast %scan3A_181 : i32 to index
      %get3A_183 = arith.constant 0 : index
      %get3A_184 = tpu.vector_load %arg13[%get3A, %get3A_183] {strides = array<i32>} : memref<160x64xf32, #tpu.memory_space<vmem>>, vector<1x16xf32>,
      %get3A_185 = vector.shape_cast %get3A_184 : vector<1x16xf32> to vector<16xf32>
      %gt3A = arith.constant 0.000000e+00 : f32
      %gt3A_186 = vector.broadcast %gt3A : f32 to vector<16xf32>
      %gt3A_187 = arith.cmpf ogt, %get3A_185, %gt3A_186 : vector<16xf32>
      %div3A = arith.constant 1.000000e+00 : f32
      %div3A_188 = vector.broadcast %div3A : f32 to vector<16xf32>
      %div3A_189 = arith.divf %div3A_188, %get3A_185 : vector<16xf32>
      %jit3A = arith.constant 0.000000e+00 : f32
      %broadcast_in_dim3A = vector.broadcast %jit3A : f32 to vector<16xf32>
      %select_n3A = arith.select %gt3A_187, %div3A_189, %broadcast_in_dim3A : vector<16xi1>, vector<16xf32>
      %swap3A = arith.index_cast %scan3A_181 : i32 to index
      %swap3A_190 = arith.constant 0 : index
      %swap3A_191 = tpu.vector_load %arg13[%swap3A, %swap3A_190] {strides = array<i32>} : memref<160x64xf32, #tpu.memory_space<vmem>>, vector<1x16xf32>,
      %swap3A_192 = vector.shape_cast %swap3A_191 : vector<1x16xf32> to vector<16xf32>
      %swap3A_193 = vector.shape_cast %select_n3A : vector<16xf32> to vector<1x16xf32>
      tpu.vector_store %arg13[%swap3A, %swap3A_190], %swap3A_193 {strides = array<i32>} : memref<160x64xf32, #tpu.memory_space<vmem>>, vector<1x16xf32>,
      %get3A_194 = arith.index_cast %scan3A_181 : i32 to index
      %get3A_195 = arith.constant 16 : index
      %get3A_196 = tpu.vector_load %arg13[%get3A_194, %get3A_195] {strides = array<i32>} : memref<160x64xf32, #tpu.memory_space<vmem>>, vector<1x16xf32>,
      %get3A_197 = vector.shape_cast %get3A_196 : vector<1x16xf32> to vector<16xf32>
      %gt3A_198 = arith.constant 0.000000e+00 : f32
      %gt3A_199 = vector.broadcast %gt3A_198 : f32 to vector<16xf32>
      %gt3A_200 = arith.cmpf ogt, %get3A_197, %gt3A_199 : vector<16xf32>
      %div3A_201 = arith.constant 1.000000e+00 : f32
      %div3A_202 = vector.broadcast %div3A_201 : f32 to vector<16xf32>
      %div3A_203 = arith.divf %div3A_202, %get3A_197 : vector<16xf32>
      %jit3A_204 = arith.constant 0.000000e+00 : f32
      %broadcast_in_dim3A_205 = vector.broadcast %jit3A_204 : f32 to vector<16xf32>
      %select_n3A_206 = arith.select %gt3A_200, %div3A_203, %broadcast_in_dim3A_205 : vector<16xi1>, vector<16xf32>
      %swap3A_207 = arith.index_cast %scan3A_181 : i32 to index
      %swap3A_208 = arith.constant 16 : index
      %swap3A_209 = tpu.vector_load %arg13[%swap3A_207, %swap3A_208] {strides = array<i32>} : memref<160x64xf32, #tpu.memory_space<vmem>>, vector<1x16xf32>,
      %swap3A_210 = vector.shape_cast %swap3A_209 : vector<1x16xf32> to vector<16xf32>
      %swap3A_211 = vector.shape_cast %select_n3A_206 : vector<16xf32> to vector<1x16xf32>
      tpu.vector_store %arg13[%swap3A_207, %swap3A_208], %swap3A_211 {strides = array<i32>} : memref<160x64xf32, #tpu.memory_space<vmem>>, vector<1x16xf32>,
      %get3A_212 = arith.index_cast %scan3A_181 : i32 to index
      %get3A_213 = arith.constant 32 : index
      %get3A_214 = tpu.vector_load %arg13[%get3A_212, %get3A_213] {strides = array<i32>} : memref<160x64xf32, #tpu.memory_space<vmem>>, vector<1x16xf32>,
      %get3A_215 = vector.shape_cast %get3A_214 : vector<1x16xf32> to vector<16xf32>
      %gt3A_216 = arith.constant 0.000000e+00 : f32
      %gt3A_217 = vector.broadcast %gt3A_216 : f32 to vector<16xf32>
      %gt3A_218 = arith.cmpf ogt, %get3A_215, %gt3A_217 : vector<16xf32>
      %div3A_219 = arith.constant 1.000000e+00 : f32
      %div3A_220 = vector.broadcast %div3A_219 : f32 to vector<16xf32>
      %div3A_221 = arith.divf %div3A_220, %get3A_215 : vector<16xf32>
      %jit3A_222 = arith.constant 0.000000e+00 : f32
      %broadcast_in_dim3A_223 = vector.broadcast %jit3A_222 : f32 to vector<16xf32>
      %select_n3A_224 = arith.select %gt3A_218, %div3A_221, %broadcast_in_dim3A_223 : vector<16xi1>, vector<16xf32>
      %swap3A_225 = arith.index_cast %scan3A_181 : i32 to index
      %swap3A_226 = arith.constant 32 : index
      %swap3A_227 = tpu.vector_load %arg13[%swap3A_225, %swap3A_226] {strides = array<i32>} : memref<160x64xf32, #tpu.memory_space<vmem>>, vector<1x16xf32>,
      %swap3A_228 = vector.shape_cast %swap3A_227 : vector<1x16xf32> to vector<16xf32>
      %swap3A_229 = vector.shape_cast %select_n3A_224 : vector<16xf32> to vector<1x16xf32>
      tpu.vector_store %arg13[%swap3A_225, %swap3A_226], %swap3A_229 {strides = array<i32>} : memref<160x64xf32, #tpu.memory_space<vmem>>, vector<1x16xf32>,
      %get3A_230 = arith.index_cast %scan3A_181 : i32 to index
      %get3A_231 = arith.constant 48 : index
      %get3A_232 = tpu.vector_load %arg13[%get3A_230, %get3A_231] {strides = array<i32>} : memref<160x64xf32, #tpu.memory_space<vmem>>, vector<1x16xf32>,
      %get3A_233 = vector.shape_cast %get3A_232 : vector<1x16xf32> to vector<16xf32>
      %gt3A_234 = arith.constant 0.000000e+00 : f32
      %gt3A_235 = vector.broadcast %gt3A_234 : f32 to vector<16xf32>
      %gt3A_236 = arith.cmpf ogt, %get3A_233, %gt3A_235 : vector<16xf32>
      %div3A_237 = arith.constant 1.000000e+00 : f32
      %div3A_238 = vector.broadcast %div3A_237 : f32 to vector<16xf32>
      %div3A_239 = arith.divf %div3A_238, %get3A_233 : vector<16xf32>
      %jit3A_240 = arith.constant 0.000000e+00 : f32
      %broadcast_in_dim3A_241 = vector.broadcast %jit3A_240 : f32 to vector<16xf32>
      %select_n3A_242 = arith.select %gt3A_236, %div3A_239, %broadcast_in_dim3A_241 : vector<16xi1>, vector<16xf32>
      %swap3A_243 = arith.index_cast %scan3A_181 : i32 to index
      %swap3A_244 = arith.constant 48 : index
      %swap3A_245 = tpu.vector_load %arg13[%swap3A_243, %swap3A_244] {strides = array<i32>} : memref<160x64xf32, #tpu.memory_space<vmem>>, vector<1x16xf32>,
      %swap3A_246 = vector.shape_cast %swap3A_245 : vector<1x16xf32> to vector<16xf32>
      %swap3A_247 = vector.shape_cast %select_n3A_242 : vector<16xf32> to vector<1x16xf32>
      tpu.vector_store %arg13[%swap3A_243, %swap3A_244], %swap3A_247 {strides = array<i32>} : memref<160x64xf32, #tpu.memory_space<vmem>>, vector<1x16xf32>,
      %scan3A_248 = arith.constant 0 : i32
      scf.yield %scan3A_248 : i32
    }
    %scan3A_97 = arith.constant 160 : i32
    "tpu.region"() ({
      %run_scoped3A = tpu.sem_alloc : memref<!tpu.dma_semaphore, #tpu.memory_space<semaphore_mem>>
      %dma_start3A = arith.constant 0 : i32
      %dma_start3A_181 = arith.constant 0 : i32
      %dma_start3A_182 = tpu.memref_slice %arg13[%dma_start3A, %dma_start3A_181] : memref<160x64xf32, #tpu.memory_space<vmem>> -> memref<160x64xf32, #tpu.memory_space<vmem>>
      %dma_start3A_183 = arith.constant 0 : i32
      %dma_start3A_184 = tpu.memref_slice %arg10[%multiple_of3A_90, %dma_start3A_183] : memref<5120x64xf32, #tpu.memory_space<hbm>> -> memref<160x64xf32, #tpu.memory_space<hbm>>
      %dma_start3A_185 = arith.constant 0 : i32
      %dma_start3A_186 = tpu.memref_slice %arg10[%multiple_of3A_90, %dma_start3A_185] : memref<5120x64xf32, #tpu.memory_space<hbm>> -> memref<160x64xf32, #tpu.memory_space<hbm>>
      %dma_start3A_187 = arith.constant 0 : i32
      %dma_start3A_188 = arith.constant 0 : i32
      %dma_start3A_189 = tpu.memref_slice %arg13[%dma_start3A_187, %dma_start3A_188] : memref<160x64xf32, #tpu.memory_space<vmem>> -> memref<160x64xf32, #tpu.memory_space<vmem>>
      tpu.enqueue_dma source(%dma_start3A_189 : memref<160x64xf32, #tpu.memory_space<vmem>>) target(%dma_start3A_186 : memref<160x64xf32, #tpu.memory_space<hbm>>) target_semaphore(%run_scoped3A : memref<!tpu.dma_semaphore, #tpu.memory_space<semaphore_mem>>)
      %dma_wait3A = arith.constant 0 : i32
      %dma_wait3A_190 = arith.constant 0 : i32
      %dma_wait3A_191 = tpu.memref_slice %arg13[%dma_wait3A, %dma_wait3A_190] : memref<160x64xf32, #tpu.memory_space<vmem>> -> memref<160x64xf32, #tpu.memory_space<vmem>>
      %dma_wait3A_192 = arith.constant 0 : i32
      %dma_wait3A_193 = tpu.memref_slice %arg10[%multiple_of3A_90, %dma_wait3A_192] : memref<5120x64xf32, #tpu.memory_space<hbm>> -> memref<160x64xf32, #tpu.memory_space<hbm>>
      %dma_wait3A_194 = arith.constant 0 : i32
      %dma_wait3A_195 = tpu.memref_slice %arg10[%multiple_of3A_90, %dma_wait3A_194] : memref<5120x64xf32, #tpu.memory_space<hbm>> -> memref<160x64xf32, #tpu.memory_space<hbm>>
      %dma_wait3A_196 = arith.constant 0 : i32
      %dma_wait3A_197 = arith.constant 0 : i32
      %dma_wait3A_198 = tpu.memref_slice %arg13[%dma_wait3A_196, %dma_wait3A_197] : memref<160x64xf32, #tpu.memory_space<vmem>> -> memref<160x64xf32, #tpu.memory_space<vmem>>
      tpu.wait_dma2 semaphore(%run_scoped3A : memref<!tpu.dma_semaphore, #tpu.memory_space<semaphore_mem>>) src(%dma_wait3A_198 : memref<160x64xf32, #tpu.memory_space<vmem>>) dst(%dma_wait3A_195 : memref<160x64xf32, #tpu.memory_space<hbm>>)
      tpu.yield
    }) : () -> ()
    "tpu.region"() ({
      %run_scoped3A = tpu.sem_alloc : memref<!tpu.dma_semaphore, #tpu.memory_space<semaphore_mem>>
      %dma_start3A = arith.constant 0 : i32
      %dma_start3A_181 = arith.constant 0 : i32
      %dma_start3A_182 = tpu.memref_slice %arg15[%dma_start3A, %dma_start3A_181] : memref<160x64xf32, #tpu.memory_space<vmem>> -> memref<160x64xf32, #tpu.memory_space<vmem>>
      %dma_start3A_183 = arith.constant 0 : i32
      %dma_start3A_184 = tpu.memref_slice %arg20[%multiple_of3A_90, %dma_start3A_183] : memref<10112x64xf32, #tpu.memory_space<vmem_shared>> -> memref<160x64xf32, #tpu.memory_space<vmem_shared>>
      %dma_start3A_185 = arith.constant 0 : i32
      %dma_start3A_186 = tpu.memref_slice %arg20[%multiple_of3A_90, %dma_start3A_185] : memref<10112x64xf32, #tpu.memory_space<vmem_shared>> -> memref<160x64xf32, #tpu.memory_space<vmem_shared>>
      %dma_start3A_187 = arith.constant 0 : i32
      %dma_start3A_188 = arith.constant 0 : i32
      %dma_start3A_189 = tpu.memref_slice %arg15[%dma_start3A_187, %dma_start3A_188] : memref<160x64xf32, #tpu.memory_space<vmem>> -> memref<160x64xf32, #tpu.memory_space<vmem>>
      tpu.enqueue_dma source(%dma_start3A_189 : memref<160x64xf32, #tpu.memory_space<vmem>>) target(%dma_start3A_186 : memref<160x64xf32, #tpu.memory_space<vmem_shared>>) target_semaphore(%run_scoped3A : memref<!tpu.dma_semaphore, #tpu.memory_space<semaphore_mem>>)
      %dma_wait3A = arith.constant 0 : i32
      %dma_wait3A_190 = arith.constant 0 : i32
      %dma_wait3A_191 = tpu.memref_slice %arg15[%dma_wait3A, %dma_wait3A_190] : memref<160x64xf32, #tpu.memory_space<vmem>> -> memref<160x64xf32, #tpu.memory_space<vmem>>
      %dma_wait3A_192 = arith.constant 0 : i32
      %dma_wait3A_193 = tpu.memref_slice %arg20[%multiple_of3A_90, %dma_wait3A_192] : memref<10112x64xf32, #tpu.memory_space<vmem_shared>> -> memref<160x64xf32, #tpu.memory_space<vmem_shared>>
      %dma_wait3A_194 = arith.constant 0 : i32
      %dma_wait3A_195 = tpu.memref_slice %arg20[%multiple_of3A_90, %dma_wait3A_194] : memref<10112x64xf32, #tpu.memory_space<vmem_shared>> -> memref<160x64xf32, #tpu.memory_space<vmem_shared>>
      %dma_wait3A_196 = arith.constant 0 : i32
      %dma_wait3A_197 = arith.constant 0 : i32
      %dma_wait3A_198 = tpu.memref_slice %arg15[%dma_wait3A_196, %dma_wait3A_197] : memref<160x64xf32, #tpu.memory_space<vmem>> -> memref<160x64xf32, #tpu.memory_space<vmem>>
      tpu.wait_dma2 semaphore(%run_scoped3A : memref<!tpu.dma_semaphore, #tpu.memory_space<semaphore_mem>>) src(%dma_wait3A_198 : memref<160x64xf32, #tpu.memory_space<vmem>>) dst(%dma_wait3A_195 : memref<160x64xf32, #tpu.memory_space<vmem_shared>>)
      tpu.yield
    }) : () -> ()
    %add3A_98 = arith.constant 160 : i32
    %add3A_99 = arith.addi %multiple_of3A_3, %add3A_98 : i32
    %multiple_of3A_100 = tpu.assume_multiple %add3A_99, 8 : i32
    "tpu.region"() ({
      %run_scoped3A = tpu.sem_alloc : memref<!tpu.dma_semaphore, #tpu.memory_space<semaphore_mem>>
      %dma_start3A = arith.constant 0 : i32
      %dma_start3A_181 = arith.constant 0 : i32
      %dma_start3A_182 = tpu.memref_slice %arg13[%dma_start3A, %dma_start3A_181] : memref<160x64xf32, #tpu.memory_space<vmem>> -> memref<160x64xf32, #tpu.memory_space<vmem>>
      %dma_start3A_183 = arith.constant 0 : i32
      %dma_start3A_184 = tpu.memref_slice %arg20[%multiple_of3A_100, %dma_start3A_183] : memref<10112x64xf32, #tpu.memory_space<vmem_shared>> -> memref<160x64xf32, #tpu.memory_space<vmem_shared>>
      %dma_start3A_185 = arith.constant 0 : i32
      %dma_start3A_186 = arith.constant 0 : i32
      %dma_start3A_187 = tpu.memref_slice %arg13[%dma_start3A_185, %dma_start3A_186] : memref<160x64xf32, #tpu.memory_space<vmem>> -> memref<160x64xf32, #tpu.memory_space<vmem>>
      %dma_start3A_188 = arith.constant 0 : i32
      %dma_start3A_189 = tpu.memref_slice %arg20[%multiple_of3A_100, %dma_start3A_188] : memref<10112x64xf32, #tpu.memory_space<vmem_shared>> -> memref<160x64xf32, #tpu.memory_space<vmem_shared>>
      tpu.enqueue_dma source(%dma_start3A_189 : memref<160x64xf32, #tpu.memory_space<vmem_shared>>) target(%dma_start3A_187 : memref<160x64xf32, #tpu.memory_space<vmem>>) target_semaphore(%run_scoped3A : memref<!tpu.dma_semaphore, #tpu.memory_space<semaphore_mem>>)
      %dma_wait3A = arith.constant 0 : i32
      %dma_wait3A_190 = arith.constant 0 : i32
      %dma_wait3A_191 = tpu.memref_slice %arg13[%dma_wait3A, %dma_wait3A_190] : memref<160x64xf32, #tpu.memory_space<vmem>> -> memref<160x64xf32, #tpu.memory_space<vmem>>
      %dma_wait3A_192 = arith.constant 0 : i32
      %dma_wait3A_193 = tpu.memref_slice %arg20[%multiple_of3A_100, %dma_wait3A_192] : memref<10112x64xf32, #tpu.memory_space<vmem_shared>> -> memref<160x64xf32, #tpu.memory_space<vmem_shared>>
      %dma_wait3A_194 = arith.constant 0 : i32
      %dma_wait3A_195 = arith.constant 0 : i32
      %dma_wait3A_196 = tpu.memref_slice %arg13[%dma_wait3A_194, %dma_wait3A_195] : memref<160x64xf32, #tpu.memory_space<vmem>> -> memref<160x64xf32, #tpu.memory_space<vmem>>
      %dma_wait3A_197 = arith.constant 0 : i32
      %dma_wait3A_198 = tpu.memref_slice %arg20[%multiple_of3A_100, %dma_wait3A_197] : memref<10112x64xf32, #tpu.memory_space<vmem_shared>> -> memref<160x64xf32, #tpu.memory_space<vmem_shared>>
      tpu.wait_dma2 semaphore(%run_scoped3A : memref<!tpu.dma_semaphore, #tpu.memory_space<semaphore_mem>>) src(%dma_wait3A_198 : memref<160x64xf32, #tpu.memory_space<vmem_shared>>) dst(%dma_wait3A_196 : memref<160x64xf32, #tpu.memory_space<vmem>>)
      tpu.yield
    }) : () -> ()
    %scan3A_101 = arith.constant 0 : i32
    %scan3A_102 = arith.constant 0 : i32
    %scan3A_103 = arith.constant 160 : i32
    %scan3A_104 = arith.addi %scan3A_102, %scan3A_103 : i32
    %scan3A_105 = arith.constant 1 : i32
    %scan3A_106 = scf.for %scan3A_181 = %scan3A_102 to %scan3A_104 step %scan3A_105 iter_args(%scan3A_182 = %scan3A_101) -> (i32)  : i32 {
      %get3A = arith.index_cast %scan3A_181 : i32 to index
      %get3A_183 = arith.constant 0 : index
      %get3A_184 = tpu.vector_load %arg13[%get3A, %get3A_183] {strides = array<i32>} : memref<160x64xf32, #tpu.memory_space<vmem>>, vector<1x16xf32>,
      %get3A_185 = vector.shape_cast %get3A_184 : vector<1x16xf32> to vector<16xf32>
      %gt3A = arith.constant 0.000000e+00 : f32
      %gt3A_186 = vector.broadcast %gt3A : f32 to vector<16xf32>
      %gt3A_187 = arith.cmpf ogt, %get3A_185, %gt3A_186 : vector<16xf32>
      %div3A = arith.constant 1.000000e+00 : f32
      %div3A_188 = vector.broadcast %div3A : f32 to vector<16xf32>
      %div3A_189 = arith.divf %div3A_188, %get3A_185 : vector<16xf32>
      %jit3A = arith.constant 0.000000e+00 : f32
      %broadcast_in_dim3A = vector.broadcast %jit3A : f32 to vector<16xf32>
      %select_n3A = arith.select %gt3A_187, %div3A_189, %broadcast_in_dim3A : vector<16xi1>, vector<16xf32>
      %swap3A = arith.index_cast %scan3A_181 : i32 to index
      %swap3A_190 = arith.constant 0 : index
      %swap3A_191 = tpu.vector_load %arg13[%swap3A, %swap3A_190] {strides = array<i32>} : memref<160x64xf32, #tpu.memory_space<vmem>>, vector<1x16xf32>,
      %swap3A_192 = vector.shape_cast %swap3A_191 : vector<1x16xf32> to vector<16xf32>
      %swap3A_193 = vector.shape_cast %select_n3A : vector<16xf32> to vector<1x16xf32>
      tpu.vector_store %arg13[%swap3A, %swap3A_190], %swap3A_193 {strides = array<i32>} : memref<160x64xf32, #tpu.memory_space<vmem>>, vector<1x16xf32>,
      %get3A_194 = arith.index_cast %scan3A_181 : i32 to index
      %get3A_195 = arith.constant 16 : index
      %get3A_196 = tpu.vector_load %arg13[%get3A_194, %get3A_195] {strides = array<i32>} : memref<160x64xf32, #tpu.memory_space<vmem>>, vector<1x16xf32>,
      %get3A_197 = vector.shape_cast %get3A_196 : vector<1x16xf32> to vector<16xf32>
      %gt3A_198 = arith.constant 0.000000e+00 : f32
      %gt3A_199 = vector.broadcast %gt3A_198 : f32 to vector<16xf32>
      %gt3A_200 = arith.cmpf ogt, %get3A_197, %gt3A_199 : vector<16xf32>
      %div3A_201 = arith.constant 1.000000e+00 : f32
      %div3A_202 = vector.broadcast %div3A_201 : f32 to vector<16xf32>
      %div3A_203 = arith.divf %div3A_202, %get3A_197 : vector<16xf32>
      %jit3A_204 = arith.constant 0.000000e+00 : f32
      %broadcast_in_dim3A_205 = vector.broadcast %jit3A_204 : f32 to vector<16xf32>
      %select_n3A_206 = arith.select %gt3A_200, %div3A_203, %broadcast_in_dim3A_205 : vector<16xi1>, vector<16xf32>
      %swap3A_207 = arith.index_cast %scan3A_181 : i32 to index
      %swap3A_208 = arith.constant 16 : index
      %swap3A_209 = tpu.vector_load %arg13[%swap3A_207, %swap3A_208] {strides = array<i32>} : memref<160x64xf32, #tpu.memory_space<vmem>>, vector<1x16xf32>,
      %swap3A_210 = vector.shape_cast %swap3A_209 : vector<1x16xf32> to vector<16xf32>
      %swap3A_211 = vector.shape_cast %select_n3A_206 : vector<16xf32> to vector<1x16xf32>
      tpu.vector_store %arg13[%swap3A_207, %swap3A_208], %swap3A_211 {strides = array<i32>} : memref<160x64xf32, #tpu.memory_space<vmem>>, vector<1x16xf32>,
      %get3A_212 = arith.index_cast %scan3A_181 : i32 to index
      %get3A_213 = arith.constant 32 : index
      %get3A_214 = tpu.vector_load %arg13[%get3A_212, %get3A_213] {strides = array<i32>} : memref<160x64xf32, #tpu.memory_space<vmem>>, vector<1x16xf32>,
      %get3A_215 = vector.shape_cast %get3A_214 : vector<1x16xf32> to vector<16xf32>
      %gt3A_216 = arith.constant 0.000000e+00 : f32
      %gt3A_217 = vector.broadcast %gt3A_216 : f32 to vector<16xf32>
      %gt3A_218 = arith.cmpf ogt, %get3A_215, %gt3A_217 : vector<16xf32>
      %div3A_219 = arith.constant 1.000000e+00 : f32
      %div3A_220 = vector.broadcast %div3A_219 : f32 to vector<16xf32>
      %div3A_221 = arith.divf %div3A_220, %get3A_215 : vector<16xf32>
      %jit3A_222 = arith.constant 0.000000e+00 : f32
      %broadcast_in_dim3A_223 = vector.broadcast %jit3A_222 : f32 to vector<16xf32>
      %select_n3A_224 = arith.select %gt3A_218, %div3A_221, %broadcast_in_dim3A_223 : vector<16xi1>, vector<16xf32>
      %swap3A_225 = arith.index_cast %scan3A_181 : i32 to index
      %swap3A_226 = arith.constant 32 : index
      %swap3A_227 = tpu.vector_load %arg13[%swap3A_225, %swap3A_226] {strides = array<i32>} : memref<160x64xf32, #tpu.memory_space<vmem>>, vector<1x16xf32>,
      %swap3A_228 = vector.shape_cast %swap3A_227 : vector<1x16xf32> to vector<16xf32>
      %swap3A_229 = vector.shape_cast %select_n3A_224 : vector<16xf32> to vector<1x16xf32>
      tpu.vector_store %arg13[%swap3A_225, %swap3A_226], %swap3A_229 {strides = array<i32>} : memref<160x64xf32, #tpu.memory_space<vmem>>, vector<1x16xf32>,
      %get3A_230 = arith.index_cast %scan3A_181 : i32 to index
      %get3A_231 = arith.constant 48 : index
      %get3A_232 = tpu.vector_load %arg13[%get3A_230, %get3A_231] {strides = array<i32>} : memref<160x64xf32, #tpu.memory_space<vmem>>, vector<1x16xf32>,
      %get3A_233 = vector.shape_cast %get3A_232 : vector<1x16xf32> to vector<16xf32>
      %gt3A_234 = arith.constant 0.000000e+00 : f32
      %gt3A_235 = vector.broadcast %gt3A_234 : f32 to vector<16xf32>
      %gt3A_236 = arith.cmpf ogt, %get3A_233, %gt3A_235 : vector<16xf32>
      %div3A_237 = arith.constant 1.000000e+00 : f32
      %div3A_238 = vector.broadcast %div3A_237 : f32 to vector<16xf32>
      %div3A_239 = arith.divf %div3A_238, %get3A_233 : vector<16xf32>
      %jit3A_240 = arith.constant 0.000000e+00 : f32
      %broadcast_in_dim3A_241 = vector.broadcast %jit3A_240 : f32 to vector<16xf32>
      %select_n3A_242 = arith.select %gt3A_236, %div3A_239, %broadcast_in_dim3A_241 : vector<16xi1>, vector<16xf32>
      %swap3A_243 = arith.index_cast %scan3A_181 : i32 to index
      %swap3A_244 = arith.constant 48 : index
      %swap3A_245 = tpu.vector_load %arg13[%swap3A_243, %swap3A_244] {strides = array<i32>} : memref<160x64xf32, #tpu.memory_space<vmem>>, vector<1x16xf32>,
      %swap3A_246 = vector.shape_cast %swap3A_245 : vector<1x16xf32> to vector<16xf32>
      %swap3A_247 = vector.shape_cast %select_n3A_242 : vector<16xf32> to vector<1x16xf32>
      tpu.vector_store %arg13[%swap3A_243, %swap3A_244], %swap3A_247 {strides = array<i32>} : memref<160x64xf32, #tpu.memory_space<vmem>>, vector<1x16xf32>,
      %scan3A_248 = arith.constant 0 : i32
      scf.yield %scan3A_248 : i32
    }
    %scan3A_107 = arith.constant 160 : i32
    "tpu.region"() ({
      %run_scoped3A = tpu.sem_alloc : memref<!tpu.dma_semaphore, #tpu.memory_space<semaphore_mem>>
      %dma_start3A = arith.constant 0 : i32
      %dma_start3A_181 = arith.constant 0 : i32
      %dma_start3A_182 = tpu.memref_slice %arg13[%dma_start3A, %dma_start3A_181] : memref<160x64xf32, #tpu.memory_space<vmem>> -> memref<160x64xf32, #tpu.memory_space<vmem>>
      %dma_start3A_183 = arith.constant 0 : i32
      %dma_start3A_184 = tpu.memref_slice %arg10[%multiple_of3A_100, %dma_start3A_183] : memref<5120x64xf32, #tpu.memory_space<hbm>> -> memref<160x64xf32, #tpu.memory_space<hbm>>
      %dma_start3A_185 = arith.constant 0 : i32
      %dma_start3A_186 = tpu.memref_slice %arg10[%multiple_of3A_100, %dma_start3A_185] : memref<5120x64xf32, #tpu.memory_space<hbm>> -> memref<160x64xf32, #tpu.memory_space<hbm>>
      %dma_start3A_187 = arith.constant 0 : i32
      %dma_start3A_188 = arith.constant 0 : i32
      %dma_start3A_189 = tpu.memref_slice %arg13[%dma_start3A_187, %dma_start3A_188] : memref<160x64xf32, #tpu.memory_space<vmem>> -> memref<160x64xf32, #tpu.memory_space<vmem>>
      tpu.enqueue_dma source(%dma_start3A_189 : memref<160x64xf32, #tpu.memory_space<vmem>>) target(%dma_start3A_186 : memref<160x64xf32, #tpu.memory_space<hbm>>) target_semaphore(%run_scoped3A : memref<!tpu.dma_semaphore, #tpu.memory_space<semaphore_mem>>)
      %dma_wait3A = arith.constant 0 : i32
      %dma_wait3A_190 = arith.constant 0 : i32
      %dma_wait3A_191 = tpu.memref_slice %arg13[%dma_wait3A, %dma_wait3A_190] : memref<160x64xf32, #tpu.memory_space<vmem>> -> memref<160x64xf32, #tpu.memory_space<vmem>>
      %dma_wait3A_192 = arith.constant 0 : i32
      %dma_wait3A_193 = tpu.memref_slice %arg10[%multiple_of3A_100, %dma_wait3A_192] : memref<5120x64xf32, #tpu.memory_space<hbm>> -> memref<160x64xf32, #tpu.memory_space<hbm>>
      %dma_wait3A_194 = arith.constant 0 : i32
      %dma_wait3A_195 = tpu.memref_slice %arg10[%multiple_of3A_100, %dma_wait3A_194] : memref<5120x64xf32, #tpu.memory_space<hbm>> -> memref<160x64xf32, #tpu.memory_space<hbm>>
      %dma_wait3A_196 = arith.constant 0 : i32
      %dma_wait3A_197 = arith.constant 0 : i32
      %dma_wait3A_198 = tpu.memref_slice %arg13[%dma_wait3A_196, %dma_wait3A_197] : memref<160x64xf32, #tpu.memory_space<vmem>> -> memref<160x64xf32, #tpu.memory_space<vmem>>
      tpu.wait_dma2 semaphore(%run_scoped3A : memref<!tpu.dma_semaphore, #tpu.memory_space<semaphore_mem>>) src(%dma_wait3A_198 : memref<160x64xf32, #tpu.memory_space<vmem>>) dst(%dma_wait3A_195 : memref<160x64xf32, #tpu.memory_space<hbm>>)
      tpu.yield
    }) : () -> ()
    "tpu.region"() ({
      %run_scoped3A = tpu.sem_alloc : memref<!tpu.dma_semaphore, #tpu.memory_space<semaphore_mem>>
      %dma_start3A = arith.constant 0 : i32
      %dma_start3A_181 = arith.constant 0 : i32
      %dma_start3A_182 = tpu.memref_slice %arg15[%dma_start3A, %dma_start3A_181] : memref<160x64xf32, #tpu.memory_space<vmem>> -> memref<160x64xf32, #tpu.memory_space<vmem>>
      %dma_start3A_183 = arith.constant 0 : i32
      %dma_start3A_184 = tpu.memref_slice %arg20[%multiple_of3A_100, %dma_start3A_183] : memref<10112x64xf32, #tpu.memory_space<vmem_shared>> -> memref<160x64xf32, #tpu.memory_space<vmem_shared>>
      %dma_start3A_185 = arith.constant 0 : i32
      %dma_start3A_186 = tpu.memref_slice %arg20[%multiple_of3A_100, %dma_start3A_185] : memref<10112x64xf32, #tpu.memory_space<vmem_shared>> -> memref<160x64xf32, #tpu.memory_space<vmem_shared>>
      %dma_start3A_187 = arith.constant 0 : i32
      %dma_start3A_188 = arith.constant 0 : i32
      %dma_start3A_189 = tpu.memref_slice %arg15[%dma_start3A_187, %dma_start3A_188] : memref<160x64xf32, #tpu.memory_space<vmem>> -> memref<160x64xf32, #tpu.memory_space<vmem>>
      tpu.enqueue_dma source(%dma_start3A_189 : memref<160x64xf32, #tpu.memory_space<vmem>>) target(%dma_start3A_186 : memref<160x64xf32, #tpu.memory_space<vmem_shared>>) target_semaphore(%run_scoped3A : memref<!tpu.dma_semaphore, #tpu.memory_space<semaphore_mem>>)
      %dma_wait3A = arith.constant 0 : i32
      %dma_wait3A_190 = arith.constant 0 : i32
      %dma_wait3A_191 = tpu.memref_slice %arg15[%dma_wait3A, %dma_wait3A_190] : memref<160x64xf32, #tpu.memory_space<vmem>> -> memref<160x64xf32, #tpu.memory_space<vmem>>
      %dma_wait3A_192 = arith.constant 0 : i32
      %dma_wait3A_193 = tpu.memref_slice %arg20[%multiple_of3A_100, %dma_wait3A_192] : memref<10112x64xf32, #tpu.memory_space<vmem_shared>> -> memref<160x64xf32, #tpu.memory_space<vmem_shared>>
      %dma_wait3A_194 = arith.constant 0 : i32
      %dma_wait3A_195 = tpu.memref_slice %arg20[%multiple_of3A_100, %dma_wait3A_194] : memref<10112x64xf32, #tpu.memory_space<vmem_shared>> -> memref<160x64xf32, #tpu.memory_space<vmem_shared>>
      %dma_wait3A_196 = arith.constant 0 : i32
      %dma_wait3A_197 = arith.constant 0 : i32
      %dma_wait3A_198 = tpu.memref_slice %arg15[%dma_wait3A_196, %dma_wait3A_197] : memref<160x64xf32, #tpu.memory_space<vmem>> -> memref<160x64xf32, #tpu.memory_space<vmem>>
      tpu.wait_dma2 semaphore(%run_scoped3A : memref<!tpu.dma_semaphore, #tpu.memory_space<semaphore_mem>>) src(%dma_wait3A_198 : memref<160x64xf32, #tpu.memory_space<vmem>>) dst(%dma_wait3A_195 : memref<160x64xf32, #tpu.memory_space<vmem_shared>>)
      tpu.yield
    }) : () -> ()
    %barrier3A_108 = arith.constant 0 : index
    tpu.barrier barrier_id(%barrier3A_108)
    %add3A_109 = arith.constant 0 : i32
    %add3A_110 = arith.addi %multiple_of3A, %add3A_109 : i32
    %multiple_of3A_111 = tpu.assume_multiple %add3A_110, 8 : i32
    "tpu.region"() ({
      %run_scoped3A = tpu.sem_alloc : memref<!tpu.dma_semaphore, #tpu.memory_space<semaphore_mem>>
      %dma_start3A = arith.constant 0 : i32
      %dma_start3A_181 = arith.constant 0 : i32
      %dma_start3A_182 = tpu.memref_slice %arg13[%dma_start3A, %dma_start3A_181] : memref<160x64xf32, #tpu.memory_space<vmem>> -> memref<160x64xf32, #tpu.memory_space<vmem>>
      %dma_start3A_183 = arith.constant 0 : i32
      %dma_start3A_184 = tpu.memref_slice %arg2[%arg0, %multiple_of3A_111, %dma_start3A_183] : memref<2x10112x64xf32, #tpu.memory_space<hbm>> -> memref<1x160x64xf32, #tpu.memory_space<hbm>>
      %dma_start3A_185 = tpu.memref_squeeze %dma_start3A_184 : memref<1x160x64xf32, #tpu.memory_space<hbm>> -> memref<160x64xf32, #tpu.memory_space<hbm>>
      %dma_start3A_186 = arith.constant 0 : i32
      %dma_start3A_187 = arith.constant 0 : i32
      %dma_start3A_188 = tpu.memref_slice %arg13[%dma_start3A_186, %dma_start3A_187] : memref<160x64xf32, #tpu.memory_space<vmem>> -> memref<160x64xf32, #tpu.memory_space<vmem>>
      %dma_start3A_189 = arith.constant 0 : i32
      %dma_start3A_190 = tpu.memref_slice %arg2[%arg0, %multiple_of3A_111, %dma_start3A_189] : memref<2x10112x64xf32, #tpu.memory_space<hbm>> -> memref<1x160x64xf32, #tpu.memory_space<hbm>>
      %dma_start3A_191 = tpu.memref_squeeze %dma_start3A_190 : memref<1x160x64xf32, #tpu.memory_space<hbm>> -> memref<160x64xf32, #tpu.memory_space<hbm>>
      tpu.enqueue_dma source(%dma_start3A_191 : memref<160x64xf32, #tpu.memory_space<hbm>>) target(%dma_start3A_188 : memref<160x64xf32, #tpu.memory_space<vmem>>) target_semaphore(%run_scoped3A : memref<!tpu.dma_semaphore, #tpu.memory_space<semaphore_mem>>)
      %dma_wait3A = arith.constant 0 : i32
      %dma_wait3A_192 = arith.constant 0 : i32
      %dma_wait3A_193 = tpu.memref_slice %arg13[%dma_wait3A, %dma_wait3A_192] : memref<160x64xf32, #tpu.memory_space<vmem>> -> memref<160x64xf32, #tpu.memory_space<vmem>>
      %dma_wait3A_194 = arith.constant 0 : i32
      %dma_wait3A_195 = tpu.memref_slice %arg2[%arg0, %multiple_of3A_111, %dma_wait3A_194] : memref<2x10112x64xf32, #tpu.memory_space<hbm>> -> memref<1x160x64xf32, #tpu.memory_space<hbm>>
      %dma_wait3A_196 = tpu.memref_squeeze %dma_wait3A_195 : memref<1x160x64xf32, #tpu.memory_space<hbm>> -> memref<160x64xf32, #tpu.memory_space<hbm>>
      %dma_wait3A_197 = arith.constant 0 : i32
      %dma_wait3A_198 = arith.constant 0 : i32
      %dma_wait3A_199 = tpu.memref_slice %arg13[%dma_wait3A_197, %dma_wait3A_198] : memref<160x64xf32, #tpu.memory_space<vmem>> -> memref<160x64xf32, #tpu.memory_space<vmem>>
      %dma_wait3A_200 = arith.constant 0 : i32
      %dma_wait3A_201 = tpu.memref_slice %arg2[%arg0, %multiple_of3A_111, %dma_wait3A_200] : memref<2x10112x64xf32, #tpu.memory_space<hbm>> -> memref<1x160x64xf32, #tpu.memory_space<hbm>>
      %dma_wait3A_202 = tpu.memref_squeeze %dma_wait3A_201 : memref<1x160x64xf32, #tpu.memory_space<hbm>> -> memref<160x64xf32, #tpu.memory_space<hbm>>
      tpu.wait_dma2 semaphore(%run_scoped3A : memref<!tpu.dma_semaphore, #tpu.memory_space<semaphore_mem>>) src(%dma_wait3A_202 : memref<160x64xf32, #tpu.memory_space<hbm>>) dst(%dma_wait3A_199 : memref<160x64xf32, #tpu.memory_space<vmem>>)
      tpu.yield
    }) : () -> ()
    "tpu.region"() ({
      %run_scoped3A = tpu.sem_alloc : memref<!tpu.dma_semaphore, #tpu.memory_space<semaphore_mem>>
      %dma_start3A = arith.constant 0 : i32
      %dma_start3A_181 = arith.constant 0 : i32
      %dma_start3A_182 = tpu.memref_slice %arg14[%dma_start3A, %dma_start3A_181] : memref<160x64xf32, #tpu.memory_space<vmem>> -> memref<160x64xf32, #tpu.memory_space<vmem>>
      %dma_start3A_183 = arith.constant 0 : i32
      %dma_start3A_184 = tpu.memref_slice %arg9[%multiple_of3A_111, %dma_start3A_183] : memref<10112x64xf32, #tpu.memory_space<hbm>> -> memref<160x64xf32, #tpu.memory_space<hbm>>
      %dma_start3A_185 = arith.constant 0 : i32
      %dma_start3A_186 = arith.constant 0 : i32
      %dma_start3A_187 = tpu.memref_slice %arg14[%dma_start3A_185, %dma_start3A_186] : memref<160x64xf32, #tpu.memory_space<vmem>> -> memref<160x64xf32, #tpu.memory_space<vmem>>
      %dma_start3A_188 = arith.constant 0 : i32
      %dma_start3A_189 = tpu.memref_slice %arg9[%multiple_of3A_111, %dma_start3A_188] : memref<10112x64xf32, #tpu.memory_space<hbm>> -> memref<160x64xf32, #tpu.memory_space<hbm>>
      tpu.enqueue_dma source(%dma_start3A_189 : memref<160x64xf32, #tpu.memory_space<hbm>>) target(%dma_start3A_187 : memref<160x64xf32, #tpu.memory_space<vmem>>) target_semaphore(%run_scoped3A : memref<!tpu.dma_semaphore, #tpu.memory_space<semaphore_mem>>)
      %dma_wait3A = arith.constant 0 : i32
      %dma_wait3A_190 = arith.constant 0 : i32
      %dma_wait3A_191 = tpu.memref_slice %arg14[%dma_wait3A, %dma_wait3A_190] : memref<160x64xf32, #tpu.memory_space<vmem>> -> memref<160x64xf32, #tpu.memory_space<vmem>>
      %dma_wait3A_192 = arith.constant 0 : i32
      %dma_wait3A_193 = tpu.memref_slice %arg9[%multiple_of3A_111, %dma_wait3A_192] : memref<10112x64xf32, #tpu.memory_space<hbm>> -> memref<160x64xf32, #tpu.memory_space<hbm>>
      %dma_wait3A_194 = arith.constant 0 : i32
      %dma_wait3A_195 = arith.constant 0 : i32
      %dma_wait3A_196 = tpu.memref_slice %arg14[%dma_wait3A_194, %dma_wait3A_195] : memref<160x64xf32, #tpu.memory_space<vmem>> -> memref<160x64xf32, #tpu.memory_space<vmem>>
      %dma_wait3A_197 = arith.constant 0 : i32
      %dma_wait3A_198 = tpu.memref_slice %arg9[%multiple_of3A_111, %dma_wait3A_197] : memref<10112x64xf32, #tpu.memory_space<hbm>> -> memref<160x64xf32, #tpu.memory_space<hbm>>
      tpu.wait_dma2 semaphore(%run_scoped3A : memref<!tpu.dma_semaphore, #tpu.memory_space<semaphore_mem>>) src(%dma_wait3A_198 : memref<160x64xf32, #tpu.memory_space<hbm>>) dst(%dma_wait3A_196 : memref<160x64xf32, #tpu.memory_space<vmem>>)
      tpu.yield
    }) : () -> ()
    %scan3A_112 = arith.constant 0 : i32
    %scan3A_113 = arith.constant 0 : i32
    %scan3A_114 = arith.constant 160 : i32
    %scan3A_115 = arith.addi %scan3A_113, %scan3A_114 : i32
    %scan3A_116 = arith.constant 1 : i32
    %scan3A_117 = scf.for %scan3A_181 = %scan3A_113 to %scan3A_115 step %scan3A_116 iter_args(%scan3A_182 = %scan3A_112) -> (i32)  : i32 {
      %get3A = arith.index_cast %scan3A_181 : i32 to index
      %get3A_183 = arith.constant 0 : index
      %get3A_184 = tpu.vector_load %arg13[%get3A, %get3A_183] {strides = array<i32>} : memref<160x64xf32, #tpu.memory_space<vmem>>, vector<1x16xf32>,
      %get3A_185 = vector.shape_cast %get3A_184 : vector<1x16xf32> to vector<16xf32>
      %get3A_186 = arith.index_cast %scan3A_181 : i32 to index
      %get3A_187 = arith.constant 0 : index
      %get3A_188 = tpu.vector_load %arg14[%get3A_186, %get3A_187] {strides = array<i32>} : memref<160x64xf32, #tpu.memory_space<vmem>>, vector<1x16xf32>,
      %get3A_189 = vector.shape_cast %get3A_188 : vector<1x16xf32> to vector<16xf32>
      %mul3A_190 = arith.mulf %get3A_185, %get3A_189 : vector<16xf32>
      %swap3A = arith.index_cast %scan3A_181 : i32 to index
      %swap3A_191 = arith.constant 0 : index
      %swap3A_192 = tpu.vector_load %arg13[%swap3A, %swap3A_191] {strides = array<i32>} : memref<160x64xf32, #tpu.memory_space<vmem>>, vector<1x16xf32>,
      %swap3A_193 = vector.shape_cast %swap3A_192 : vector<1x16xf32> to vector<16xf32>
      %swap3A_194 = vector.shape_cast %mul3A_190 : vector<16xf32> to vector<1x16xf32>
      tpu.vector_store %arg13[%swap3A, %swap3A_191], %swap3A_194 {strides = array<i32>} : memref<160x64xf32, #tpu.memory_space<vmem>>, vector<1x16xf32>,
      %get3A_195 = arith.index_cast %scan3A_181 : i32 to index
      %get3A_196 = arith.constant 16 : index
      %get3A_197 = tpu.vector_load %arg13[%get3A_195, %get3A_196] {strides = array<i32>} : memref<160x64xf32, #tpu.memory_space<vmem>>, vector<1x16xf32>,
      %get3A_198 = vector.shape_cast %get3A_197 : vector<1x16xf32> to vector<16xf32>
      %get3A_199 = arith.index_cast %scan3A_181 : i32 to index
      %get3A_200 = arith.constant 16 : index
      %get3A_201 = tpu.vector_load %arg14[%get3A_199, %get3A_200] {strides = array<i32>} : memref<160x64xf32, #tpu.memory_space<vmem>>, vector<1x16xf32>,
      %get3A_202 = vector.shape_cast %get3A_201 : vector<1x16xf32> to vector<16xf32>
      %mul3A_203 = arith.mulf %get3A_198, %get3A_202 : vector<16xf32>
      %swap3A_204 = arith.index_cast %scan3A_181 : i32 to index
      %swap3A_205 = arith.constant 16 : index
      %swap3A_206 = tpu.vector_load %arg13[%swap3A_204, %swap3A_205] {strides = array<i32>} : memref<160x64xf32, #tpu.memory_space<vmem>>, vector<1x16xf32>,
      %swap3A_207 = vector.shape_cast %swap3A_206 : vector<1x16xf32> to vector<16xf32>
      %swap3A_208 = vector.shape_cast %mul3A_203 : vector<16xf32> to vector<1x16xf32>
      tpu.vector_store %arg13[%swap3A_204, %swap3A_205], %swap3A_208 {strides = array<i32>} : memref<160x64xf32, #tpu.memory_space<vmem>>, vector<1x16xf32>,
      %get3A_209 = arith.index_cast %scan3A_181 : i32 to index
      %get3A_210 = arith.constant 32 : index
      %get3A_211 = tpu.vector_load %arg13[%get3A_209, %get3A_210] {strides = array<i32>} : memref<160x64xf32, #tpu.memory_space<vmem>>, vector<1x16xf32>,
      %get3A_212 = vector.shape_cast %get3A_211 : vector<1x16xf32> to vector<16xf32>
      %get3A_213 = arith.index_cast %scan3A_181 : i32 to index
      %get3A_214 = arith.constant 32 : index
      %get3A_215 = tpu.vector_load %arg14[%get3A_213, %get3A_214] {strides = array<i32>} : memref<160x64xf32, #tpu.memory_space<vmem>>, vector<1x16xf32>,
      %get3A_216 = vector.shape_cast %get3A_215 : vector<1x16xf32> to vector<16xf32>
      %mul3A_217 = arith.mulf %get3A_212, %get3A_216 : vector<16xf32>
      %swap3A_218 = arith.index_cast %scan3A_181 : i32 to index
      %swap3A_219 = arith.constant 32 : index
      %swap3A_220 = tpu.vector_load %arg13[%swap3A_218, %swap3A_219] {strides = array<i32>} : memref<160x64xf32, #tpu.memory_space<vmem>>, vector<1x16xf32>,
      %swap3A_221 = vector.shape_cast %swap3A_220 : vector<1x16xf32> to vector<16xf32>
      %swap3A_222 = vector.shape_cast %mul3A_217 : vector<16xf32> to vector<1x16xf32>
      tpu.vector_store %arg13[%swap3A_218, %swap3A_219], %swap3A_222 {strides = array<i32>} : memref<160x64xf32, #tpu.memory_space<vmem>>, vector<1x16xf32>,
      %get3A_223 = arith.index_cast %scan3A_181 : i32 to index
      %get3A_224 = arith.constant 48 : index
      %get3A_225 = tpu.vector_load %arg13[%get3A_223, %get3A_224] {strides = array<i32>} : memref<160x64xf32, #tpu.memory_space<vmem>>, vector<1x16xf32>,
      %get3A_226 = vector.shape_cast %get3A_225 : vector<1x16xf32> to vector<16xf32>
      %get3A_227 = arith.index_cast %scan3A_181 : i32 to index
      %get3A_228 = arith.constant 48 : index
      %get3A_229 = tpu.vector_load %arg14[%get3A_227, %get3A_228] {strides = array<i32>} : memref<160x64xf32, #tpu.memory_space<vmem>>, vector<1x16xf32>,
      %get3A_230 = vector.shape_cast %get3A_229 : vector<1x16xf32> to vector<16xf32>
      %mul3A_231 = arith.mulf %get3A_226, %get3A_230 : vector<16xf32>
      %swap3A_232 = arith.index_cast %scan3A_181 : i32 to index
      %swap3A_233 = arith.constant 48 : index
      %swap3A_234 = tpu.vector_load %arg13[%swap3A_232, %swap3A_233] {strides = array<i32>} : memref<160x64xf32, #tpu.memory_space<vmem>>, vector<1x16xf32>,
      %swap3A_235 = vector.shape_cast %swap3A_234 : vector<1x16xf32> to vector<16xf32>
      %swap3A_236 = vector.shape_cast %mul3A_231 : vector<16xf32> to vector<1x16xf32>
      tpu.vector_store %arg13[%swap3A_232, %swap3A_233], %swap3A_236 {strides = array<i32>} : memref<160x64xf32, #tpu.memory_space<vmem>>, vector<1x16xf32>,
      %scan3A_237 = arith.constant 0 : i32
      scf.yield %scan3A_237 : i32
    }
    %scan3A_118 = arith.constant 160 : i32
    %mul3A_119 = arith.constant 10112 : i32
    %mul3A_120 = arith.muli %arg0, %mul3A_119 : i32
    %add3A_121 = arith.addi %mul3A_120, %multiple_of3A : i32
    %add3A_122 = arith.constant 0 : i32
    %add3A_123 = arith.addi %add3A_121, %add3A_122 : i32
    %multiple_of3A_124 = tpu.assume_multiple %add3A_123, 8 : i32
    "tpu.region"() ({
      %run_scoped3A = tpu.sem_alloc : memref<!tpu.dma_semaphore, #tpu.memory_space<semaphore_mem>>
      %dma_start3A = arith.constant 0 : i32
      %dma_start3A_181 = arith.constant 0 : i32
      %dma_start3A_182 = tpu.memref_slice %arg13[%dma_start3A, %dma_start3A_181] : memref<160x64xf32, #tpu.memory_space<vmem>> -> memref<160x64xf32, #tpu.memory_space<vmem>>
      %dma_start3A_183 = arith.constant 0 : i32
      %dma_start3A_184 = tpu.memref_slice %arg7[%multiple_of3A_124, %dma_start3A_183] : memref<20224x64xf32, #tpu.memory_space<hbm>> -> memref<160x64xf32, #tpu.memory_space<hbm>>
      %dma_start3A_185 = arith.constant 0 : i32
      %dma_start3A_186 = tpu.memref_slice %arg7[%multiple_of3A_124, %dma_start3A_185] : memref<20224x64xf32, #tpu.memory_space<hbm>> -> memref<160x64xf32, #tpu.memory_space<hbm>>
      %dma_start3A_187 = arith.constant 0 : i32
      %dma_start3A_188 = arith.constant 0 : i32
      %dma_start3A_189 = tpu.memref_slice %arg13[%dma_start3A_187, %dma_start3A_188] : memref<160x64xf32, #tpu.memory_space<vmem>> -> memref<160x64xf32, #tpu.memory_space<vmem>>
      tpu.enqueue_dma source(%dma_start3A_189 : memref<160x64xf32, #tpu.memory_space<vmem>>) target(%dma_start3A_186 : memref<160x64xf32, #tpu.memory_space<hbm>>) target_semaphore(%run_scoped3A : memref<!tpu.dma_semaphore, #tpu.memory_space<semaphore_mem>>)
      %dma_wait3A = arith.constant 0 : i32
      %dma_wait3A_190 = arith.constant 0 : i32
      %dma_wait3A_191 = tpu.memref_slice %arg13[%dma_wait3A, %dma_wait3A_190] : memref<160x64xf32, #tpu.memory_space<vmem>> -> memref<160x64xf32, #tpu.memory_space<vmem>>
      %dma_wait3A_192 = arith.constant 0 : i32
      %dma_wait3A_193 = tpu.memref_slice %arg7[%multiple_of3A_124, %dma_wait3A_192] : memref<20224x64xf32, #tpu.memory_space<hbm>> -> memref<160x64xf32, #tpu.memory_space<hbm>>
      %dma_wait3A_194 = arith.constant 0 : i32
      %dma_wait3A_195 = tpu.memref_slice %arg7[%multiple_of3A_124, %dma_wait3A_194] : memref<20224x64xf32, #tpu.memory_space<hbm>> -> memref<160x64xf32, #tpu.memory_space<hbm>>
      %dma_wait3A_196 = arith.constant 0 : i32
      %dma_wait3A_197 = arith.constant 0 : i32
      %dma_wait3A_198 = tpu.memref_slice %arg13[%dma_wait3A_196, %dma_wait3A_197] : memref<160x64xf32, #tpu.memory_space<vmem>> -> memref<160x64xf32, #tpu.memory_space<vmem>>
      tpu.wait_dma2 semaphore(%run_scoped3A : memref<!tpu.dma_semaphore, #tpu.memory_space<semaphore_mem>>) src(%dma_wait3A_198 : memref<160x64xf32, #tpu.memory_space<vmem>>) dst(%dma_wait3A_195 : memref<160x64xf32, #tpu.memory_space<hbm>>)
      tpu.yield
    }) : () -> ()
    %add3A_125 = arith.constant 160 : i32
    %add3A_126 = arith.addi %multiple_of3A, %add3A_125 : i32
    %multiple_of3A_127 = tpu.assume_multiple %add3A_126, 8 : i32
    "tpu.region"() ({
      %run_scoped3A = tpu.sem_alloc : memref<!tpu.dma_semaphore, #tpu.memory_space<semaphore_mem>>
      %dma_start3A = arith.constant 0 : i32
      %dma_start3A_181 = arith.constant 0 : i32
      %dma_start3A_182 = tpu.memref_slice %arg13[%dma_start3A, %dma_start3A_181] : memref<160x64xf32, #tpu.memory_space<vmem>> -> memref<160x64xf32, #tpu.memory_space<vmem>>
      %dma_start3A_183 = arith.constant 0 : i32
      %dma_start3A_184 = tpu.memref_slice %arg2[%arg0, %multiple_of3A_127, %dma_start3A_183] : memref<2x10112x64xf32, #tpu.memory_space<hbm>> -> memref<1x160x64xf32, #tpu.memory_space<hbm>>
      %dma_start3A_185 = tpu.memref_squeeze %dma_start3A_184 : memref<1x160x64xf32, #tpu.memory_space<hbm>> -> memref<160x64xf32, #tpu.memory_space<hbm>>
      %dma_start3A_186 = arith.constant 0 : i32
      %dma_start3A_187 = arith.constant 0 : i32
      %dma_start3A_188 = tpu.memref_slice %arg13[%dma_start3A_186, %dma_start3A_187] : memref<160x64xf32, #tpu.memory_space<vmem>> -> memref<160x64xf32, #tpu.memory_space<vmem>>
      %dma_start3A_189 = arith.constant 0 : i32
      %dma_start3A_190 = tpu.memref_slice %arg2[%arg0, %multiple_of3A_127, %dma_start3A_189] : memref<2x10112x64xf32, #tpu.memory_space<hbm>> -> memref<1x160x64xf32, #tpu.memory_space<hbm>>
      %dma_start3A_191 = tpu.memref_squeeze %dma_start3A_190 : memref<1x160x64xf32, #tpu.memory_space<hbm>> -> memref<160x64xf32, #tpu.memory_space<hbm>>
      tpu.enqueue_dma source(%dma_start3A_191 : memref<160x64xf32, #tpu.memory_space<hbm>>) target(%dma_start3A_188 : memref<160x64xf32, #tpu.memory_space<vmem>>) target_semaphore(%run_scoped3A : memref<!tpu.dma_semaphore, #tpu.memory_space<semaphore_mem>>)
      %dma_wait3A = arith.constant 0 : i32
      %dma_wait3A_192 = arith.constant 0 : i32
      %dma_wait3A_193 = tpu.memref_slice %arg13[%dma_wait3A, %dma_wait3A_192] : memref<160x64xf32, #tpu.memory_space<vmem>> -> memref<160x64xf32, #tpu.memory_space<vmem>>
      %dma_wait3A_194 = arith.constant 0 : i32
      %dma_wait3A_195 = tpu.memref_slice %arg2[%arg0, %multiple_of3A_127, %dma_wait3A_194] : memref<2x10112x64xf32, #tpu.memory_space<hbm>> -> memref<1x160x64xf32, #tpu.memory_space<hbm>>
      %dma_wait3A_196 = tpu.memref_squeeze %dma_wait3A_195 : memref<1x160x64xf32, #tpu.memory_space<hbm>> -> memref<160x64xf32, #tpu.memory_space<hbm>>
      %dma_wait3A_197 = arith.constant 0 : i32
      %dma_wait3A_198 = arith.constant 0 : i32
      %dma_wait3A_199 = tpu.memref_slice %arg13[%dma_wait3A_197, %dma_wait3A_198] : memref<160x64xf32, #tpu.memory_space<vmem>> -> memref<160x64xf32, #tpu.memory_space<vmem>>
      %dma_wait3A_200 = arith.constant 0 : i32
      %dma_wait3A_201 = tpu.memref_slice %arg2[%arg0, %multiple_of3A_127, %dma_wait3A_200] : memref<2x10112x64xf32, #tpu.memory_space<hbm>> -> memref<1x160x64xf32, #tpu.memory_space<hbm>>
      %dma_wait3A_202 = tpu.memref_squeeze %dma_wait3A_201 : memref<1x160x64xf32, #tpu.memory_space<hbm>> -> memref<160x64xf32, #tpu.memory_space<hbm>>
      tpu.wait_dma2 semaphore(%run_scoped3A : memref<!tpu.dma_semaphore, #tpu.memory_space<semaphore_mem>>) src(%dma_wait3A_202 : memref<160x64xf32, #tpu.memory_space<hbm>>) dst(%dma_wait3A_199 : memref<160x64xf32, #tpu.memory_space<vmem>>)
      tpu.yield
    }) : () -> ()
    "tpu.region"() ({
      %run_scoped3A = tpu.sem_alloc : memref<!tpu.dma_semaphore, #tpu.memory_space<semaphore_mem>>
      %dma_start3A = arith.constant 0 : i32
      %dma_start3A_181 = arith.constant 0 : i32
      %dma_start3A_182 = tpu.memref_slice %arg14[%dma_start3A, %dma_start3A_181] : memref<160x64xf32, #tpu.memory_space<vmem>> -> memref<160x64xf32, #tpu.memory_space<vmem>>
      %dma_start3A_183 = arith.constant 0 : i32
      %dma_start3A_184 = tpu.memref_slice %arg9[%multiple_of3A_127, %dma_start3A_183] : memref<10112x64xf32, #tpu.memory_space<hbm>> -> memref<160x64xf32, #tpu.memory_space<hbm>>
      %dma_start3A_185 = arith.constant 0 : i32
      %dma_start3A_186 = arith.constant 0 : i32
      %dma_start3A_187 = tpu.memref_slice %arg14[%dma_start3A_185, %dma_start3A_186] : memref<160x64xf32, #tpu.memory_space<vmem>> -> memref<160x64xf32, #tpu.memory_space<vmem>>
      %dma_start3A_188 = arith.constant 0 : i32
      %dma_start3A_189 = tpu.memref_slice %arg9[%multiple_of3A_127, %dma_start3A_188] : memref<10112x64xf32, #tpu.memory_space<hbm>> -> memref<160x64xf32, #tpu.memory_space<hbm>>
      tpu.enqueue_dma source(%dma_start3A_189 : memref<160x64xf32, #tpu.memory_space<hbm>>) target(%dma_start3A_187 : memref<160x64xf32, #tpu.memory_space<vmem>>) target_semaphore(%run_scoped3A : memref<!tpu.dma_semaphore, #tpu.memory_space<semaphore_mem>>)
      %dma_wait3A = arith.constant 0 : i32
      %dma_wait3A_190 = arith.constant 0 : i32
      %dma_wait3A_191 = tpu.memref_slice %arg14[%dma_wait3A, %dma_wait3A_190] : memref<160x64xf32, #tpu.memory_space<vmem>> -> memref<160x64xf32, #tpu.memory_space<vmem>>
      %dma_wait3A_192 = arith.constant 0 : i32
      %dma_wait3A_193 = tpu.memref_slice %arg9[%multiple_of3A_127, %dma_wait3A_192] : memref<10112x64xf32, #tpu.memory_space<hbm>> -> memref<160x64xf32, #tpu.memory_space<hbm>>
      %dma_wait3A_194 = arith.constant 0 : i32
      %dma_wait3A_195 = arith.constant 0 : i32
      %dma_wait3A_196 = tpu.memref_slice %arg14[%dma_wait3A_194, %dma_wait3A_195] : memref<160x64xf32, #tpu.memory_space<vmem>> -> memref<160x64xf32, #tpu.memory_space<vmem>>
      %dma_wait3A_197 = arith.constant 0 : i32
      %dma_wait3A_198 = tpu.memref_slice %arg9[%multiple_of3A_127, %dma_wait3A_197] : memref<10112x64xf32, #tpu.memory_space<hbm>> -> memref<160x64xf32, #tpu.memory_space<hbm>>
      tpu.wait_dma2 semaphore(%run_scoped3A : memref<!tpu.dma_semaphore, #tpu.memory_space<semaphore_mem>>) src(%dma_wait3A_198 : memref<160x64xf32, #tpu.memory_space<hbm>>) dst(%dma_wait3A_196 : memref<160x64xf32, #tpu.memory_space<vmem>>)
      tpu.yield
    }) : () -> ()
    %scan3A_128 = arith.constant 0 : i32
    %scan3A_129 = arith.constant 0 : i32
    %scan3A_130 = arith.constant 160 : i32
    %scan3A_131 = arith.addi %scan3A_129, %scan3A_130 : i32
    %scan3A_132 = arith.constant 1 : i32
    %scan3A_133 = scf.for %scan3A_181 = %scan3A_129 to %scan3A_131 step %scan3A_132 iter_args(%scan3A_182 = %scan3A_128) -> (i32)  : i32 {
      %get3A = arith.index_cast %scan3A_181 : i32 to index
      %get3A_183 = arith.constant 0 : index
      %get3A_184 = tpu.vector_load %arg13[%get3A, %get3A_183] {strides = array<i32>} : memref<160x64xf32, #tpu.memory_space<vmem>>, vector<1x16xf32>,
      %get3A_185 = vector.shape_cast %get3A_184 : vector<1x16xf32> to vector<16xf32>
      %get3A_186 = arith.index_cast %scan3A_181 : i32 to index
      %get3A_187 = arith.constant 0 : index
      %get3A_188 = tpu.vector_load %arg14[%get3A_186, %get3A_187] {strides = array<i32>} : memref<160x64xf32, #tpu.memory_space<vmem>>, vector<1x16xf32>,
      %get3A_189 = vector.shape_cast %get3A_188 : vector<1x16xf32> to vector<16xf32>
      %mul3A_190 = arith.mulf %get3A_185, %get3A_189 : vector<16xf32>
      %swap3A = arith.index_cast %scan3A_181 : i32 to index
      %swap3A_191 = arith.constant 0 : index
      %swap3A_192 = tpu.vector_load %arg13[%swap3A, %swap3A_191] {strides = array<i32>} : memref<160x64xf32, #tpu.memory_space<vmem>>, vector<1x16xf32>,
      %swap3A_193 = vector.shape_cast %swap3A_192 : vector<1x16xf32> to vector<16xf32>
      %swap3A_194 = vector.shape_cast %mul3A_190 : vector<16xf32> to vector<1x16xf32>
      tpu.vector_store %arg13[%swap3A, %swap3A_191], %swap3A_194 {strides = array<i32>} : memref<160x64xf32, #tpu.memory_space<vmem>>, vector<1x16xf32>,
      %get3A_195 = arith.index_cast %scan3A_181 : i32 to index
      %get3A_196 = arith.constant 16 : index
      %get3A_197 = tpu.vector_load %arg13[%get3A_195, %get3A_196] {strides = array<i32>} : memref<160x64xf32, #tpu.memory_space<vmem>>, vector<1x16xf32>,
      %get3A_198 = vector.shape_cast %get3A_197 : vector<1x16xf32> to vector<16xf32>
      %get3A_199 = arith.index_cast %scan3A_181 : i32 to index
      %get3A_200 = arith.constant 16 : index
      %get3A_201 = tpu.vector_load %arg14[%get3A_199, %get3A_200] {strides = array<i32>} : memref<160x64xf32, #tpu.memory_space<vmem>>, vector<1x16xf32>,
      %get3A_202 = vector.shape_cast %get3A_201 : vector<1x16xf32> to vector<16xf32>
      %mul3A_203 = arith.mulf %get3A_198, %get3A_202 : vector<16xf32>
      %swap3A_204 = arith.index_cast %scan3A_181 : i32 to index
      %swap3A_205 = arith.constant 16 : index
      %swap3A_206 = tpu.vector_load %arg13[%swap3A_204, %swap3A_205] {strides = array<i32>} : memref<160x64xf32, #tpu.memory_space<vmem>>, vector<1x16xf32>,
      %swap3A_207 = vector.shape_cast %swap3A_206 : vector<1x16xf32> to vector<16xf32>
      %swap3A_208 = vector.shape_cast %mul3A_203 : vector<16xf32> to vector<1x16xf32>
      tpu.vector_store %arg13[%swap3A_204, %swap3A_205], %swap3A_208 {strides = array<i32>} : memref<160x64xf32, #tpu.memory_space<vmem>>, vector<1x16xf32>,
      %get3A_209 = arith.index_cast %scan3A_181 : i32 to index
      %get3A_210 = arith.constant 32 : index
      %get3A_211 = tpu.vector_load %arg13[%get3A_209, %get3A_210] {strides = array<i32>} : memref<160x64xf32, #tpu.memory_space<vmem>>, vector<1x16xf32>,
      %get3A_212 = vector.shape_cast %get3A_211 : vector<1x16xf32> to vector<16xf32>
      %get3A_213 = arith.index_cast %scan3A_181 : i32 to index
      %get3A_214 = arith.constant 32 : index
      %get3A_215 = tpu.vector_load %arg14[%get3A_213, %get3A_214] {strides = array<i32>} : memref<160x64xf32, #tpu.memory_space<vmem>>, vector<1x16xf32>,
      %get3A_216 = vector.shape_cast %get3A_215 : vector<1x16xf32> to vector<16xf32>
      %mul3A_217 = arith.mulf %get3A_212, %get3A_216 : vector<16xf32>
      %swap3A_218 = arith.index_cast %scan3A_181 : i32 to index
      %swap3A_219 = arith.constant 32 : index
      %swap3A_220 = tpu.vector_load %arg13[%swap3A_218, %swap3A_219] {strides = array<i32>} : memref<160x64xf32, #tpu.memory_space<vmem>>, vector<1x16xf32>,
      %swap3A_221 = vector.shape_cast %swap3A_220 : vector<1x16xf32> to vector<16xf32>
      %swap3A_222 = vector.shape_cast %mul3A_217 : vector<16xf32> to vector<1x16xf32>
      tpu.vector_store %arg13[%swap3A_218, %swap3A_219], %swap3A_222 {strides = array<i32>} : memref<160x64xf32, #tpu.memory_space<vmem>>, vector<1x16xf32>,
      %get3A_223 = arith.index_cast %scan3A_181 : i32 to index
      %get3A_224 = arith.constant 48 : index
      %get3A_225 = tpu.vector_load %arg13[%get3A_223, %get3A_224] {strides = array<i32>} : memref<160x64xf32, #tpu.memory_space<vmem>>, vector<1x16xf32>,
      %get3A_226 = vector.shape_cast %get3A_225 : vector<1x16xf32> to vector<16xf32>
      %get3A_227 = arith.index_cast %scan3A_181 : i32 to index
      %get3A_228 = arith.constant 48 : index
      %get3A_229 = tpu.vector_load %arg14[%get3A_227, %get3A_228] {strides = array<i32>} : memref<160x64xf32, #tpu.memory_space<vmem>>, vector<1x16xf32>,
      %get3A_230 = vector.shape_cast %get3A_229 : vector<1x16xf32> to vector<16xf32>
      %mul3A_231 = arith.mulf %get3A_226, %get3A_230 : vector<16xf32>
      %swap3A_232 = arith.index_cast %scan3A_181 : i32 to index
      %swap3A_233 = arith.constant 48 : index
      %swap3A_234 = tpu.vector_load %arg13[%swap3A_232, %swap3A_233] {strides = array<i32>} : memref<160x64xf32, #tpu.memory_space<vmem>>, vector<1x16xf32>,
      %swap3A_235 = vector.shape_cast %swap3A_234 : vector<1x16xf32> to vector<16xf32>
      %swap3A_236 = vector.shape_cast %mul3A_231 : vector<16xf32> to vector<1x16xf32>
      tpu.vector_store %arg13[%swap3A_232, %swap3A_233], %swap3A_236 {strides = array<i32>} : memref<160x64xf32, #tpu.memory_space<vmem>>, vector<1x16xf32>,
      %scan3A_237 = arith.constant 0 : i32
      scf.yield %scan3A_237 : i32
    }
    %scan3A_134 = arith.constant 160 : i32
    %mul3A_135 = arith.constant 10112 : i32
    %mul3A_136 = arith.muli %arg0, %mul3A_135 : i32
    %add3A_137 = arith.addi %mul3A_136, %multiple_of3A : i32
    %add3A_138 = arith.constant 160 : i32
    %add3A_139 = arith.addi %add3A_137, %add3A_138 : i32
    %multiple_of3A_140 = tpu.assume_multiple %add3A_139, 8 : i32
    "tpu.region"() ({
      %run_scoped3A = tpu.sem_alloc : memref<!tpu.dma_semaphore, #tpu.memory_space<semaphore_mem>>
      %dma_start3A = arith.constant 0 : i32
      %dma_start3A_181 = arith.constant 0 : i32
      %dma_start3A_182 = tpu.memref_slice %arg13[%dma_start3A, %dma_start3A_181] : memref<160x64xf32, #tpu.memory_space<vmem>> -> memref<160x64xf32, #tpu.memory_space<vmem>>
      %dma_start3A_183 = arith.constant 0 : i32
      %dma_start3A_184 = tpu.memref_slice %arg7[%multiple_of3A_140, %dma_start3A_183] : memref<20224x64xf32, #tpu.memory_space<hbm>> -> memref<160x64xf32, #tpu.memory_space<hbm>>
      %dma_start3A_185 = arith.constant 0 : i32
      %dma_start3A_186 = tpu.memref_slice %arg7[%multiple_of3A_140, %dma_start3A_185] : memref<20224x64xf32, #tpu.memory_space<hbm>> -> memref<160x64xf32, #tpu.memory_space<hbm>>
      %dma_start3A_187 = arith.constant 0 : i32
      %dma_start3A_188 = arith.constant 0 : i32
      %dma_start3A_189 = tpu.memref_slice %arg13[%dma_start3A_187, %dma_start3A_188] : memref<160x64xf32, #tpu.memory_space<vmem>> -> memref<160x64xf32, #tpu.memory_space<vmem>>
      tpu.enqueue_dma source(%dma_start3A_189 : memref<160x64xf32, #tpu.memory_space<vmem>>) target(%dma_start3A_186 : memref<160x64xf32, #tpu.memory_space<hbm>>) target_semaphore(%run_scoped3A : memref<!tpu.dma_semaphore, #tpu.memory_space<semaphore_mem>>)
      %dma_wait3A = arith.constant 0 : i32
      %dma_wait3A_190 = arith.constant 0 : i32
      %dma_wait3A_191 = tpu.memref_slice %arg13[%dma_wait3A, %dma_wait3A_190] : memref<160x64xf32, #tpu.memory_space<vmem>> -> memref<160x64xf32, #tpu.memory_space<vmem>>
      %dma_wait3A_192 = arith.constant 0 : i32
      %dma_wait3A_193 = tpu.memref_slice %arg7[%multiple_of3A_140, %dma_wait3A_192] : memref<20224x64xf32, #tpu.memory_space<hbm>> -> memref<160x64xf32, #tpu.memory_space<hbm>>
      %dma_wait3A_194 = arith.constant 0 : i32
      %dma_wait3A_195 = tpu.memref_slice %arg7[%multiple_of3A_140, %dma_wait3A_194] : memref<20224x64xf32, #tpu.memory_space<hbm>> -> memref<160x64xf32, #tpu.memory_space<hbm>>
      %dma_wait3A_196 = arith.constant 0 : i32
      %dma_wait3A_197 = arith.constant 0 : i32
      %dma_wait3A_198 = tpu.memref_slice %arg13[%dma_wait3A_196, %dma_wait3A_197] : memref<160x64xf32, #tpu.memory_space<vmem>> -> memref<160x64xf32, #tpu.memory_space<vmem>>
      tpu.wait_dma2 semaphore(%run_scoped3A : memref<!tpu.dma_semaphore, #tpu.memory_space<semaphore_mem>>) src(%dma_wait3A_198 : memref<160x64xf32, #tpu.memory_space<vmem>>) dst(%dma_wait3A_195 : memref<160x64xf32, #tpu.memory_space<hbm>>)
      tpu.yield
    }) : () -> ()
    %add3A_141 = arith.constant 320 : i32
    %add3A_142 = arith.addi %multiple_of3A, %add3A_141 : i32
    %multiple_of3A_143 = tpu.assume_multiple %add3A_142, 8 : i32
    "tpu.region"() ({
      %run_scoped3A = tpu.sem_alloc : memref<!tpu.dma_semaphore, #tpu.memory_space<semaphore_mem>>
      %dma_start3A = arith.constant 0 : i32
      %dma_start3A_181 = arith.constant 0 : i32
      %dma_start3A_182 = tpu.memref_slice %arg13[%dma_start3A, %dma_start3A_181] : memref<160x64xf32, #tpu.memory_space<vmem>> -> memref<160x64xf32, #tpu.memory_space<vmem>>
      %dma_start3A_183 = arith.constant 0 : i32
      %dma_start3A_184 = tpu.memref_slice %arg2[%arg0, %multiple_of3A_143, %dma_start3A_183] : memref<2x10112x64xf32, #tpu.memory_space<hbm>> -> memref<1x160x64xf32, #tpu.memory_space<hbm>>
      %dma_start3A_185 = tpu.memref_squeeze %dma_start3A_184 : memref<1x160x64xf32, #tpu.memory_space<hbm>> -> memref<160x64xf32, #tpu.memory_space<hbm>>
      %dma_start3A_186 = arith.constant 0 : i32
      %dma_start3A_187 = arith.constant 0 : i32
      %dma_start3A_188 = tpu.memref_slice %arg13[%dma_start3A_186, %dma_start3A_187] : memref<160x64xf32, #tpu.memory_space<vmem>> -> memref<160x64xf32, #tpu.memory_space<vmem>>
      %dma_start3A_189 = arith.constant 0 : i32
      %dma_start3A_190 = tpu.memref_slice %arg2[%arg0, %multiple_of3A_143, %dma_start3A_189] : memref<2x10112x64xf32, #tpu.memory_space<hbm>> -> memref<1x160x64xf32, #tpu.memory_space<hbm>>
      %dma_start3A_191 = tpu.memref_squeeze %dma_start3A_190 : memref<1x160x64xf32, #tpu.memory_space<hbm>> -> memref<160x64xf32, #tpu.memory_space<hbm>>
      tpu.enqueue_dma source(%dma_start3A_191 : memref<160x64xf32, #tpu.memory_space<hbm>>) target(%dma_start3A_188 : memref<160x64xf32, #tpu.memory_space<vmem>>) target_semaphore(%run_scoped3A : memref<!tpu.dma_semaphore, #tpu.memory_space<semaphore_mem>>)
      %dma_wait3A = arith.constant 0 : i32
      %dma_wait3A_192 = arith.constant 0 : i32
      %dma_wait3A_193 = tpu.memref_slice %arg13[%dma_wait3A, %dma_wait3A_192] : memref<160x64xf32, #tpu.memory_space<vmem>> -> memref<160x64xf32, #tpu.memory_space<vmem>>
      %dma_wait3A_194 = arith.constant 0 : i32
      %dma_wait3A_195 = tpu.memref_slice %arg2[%arg0, %multiple_of3A_143, %dma_wait3A_194] : memref<2x10112x64xf32, #tpu.memory_space<hbm>> -> memref<1x160x64xf32, #tpu.memory_space<hbm>>
      %dma_wait3A_196 = tpu.memref_squeeze %dma_wait3A_195 : memref<1x160x64xf32, #tpu.memory_space<hbm>> -> memref<160x64xf32, #tpu.memory_space<hbm>>
      %dma_wait3A_197 = arith.constant 0 : i32
      %dma_wait3A_198 = arith.constant 0 : i32
      %dma_wait3A_199 = tpu.memref_slice %arg13[%dma_wait3A_197, %dma_wait3A_198] : memref<160x64xf32, #tpu.memory_space<vmem>> -> memref<160x64xf32, #tpu.memory_space<vmem>>
      %dma_wait3A_200 = arith.constant 0 : i32
      %dma_wait3A_201 = tpu.memref_slice %arg2[%arg0, %multiple_of3A_143, %dma_wait3A_200] : memref<2x10112x64xf32, #tpu.memory_space<hbm>> -> memref<1x160x64xf32, #tpu.memory_space<hbm>>
      %dma_wait3A_202 = tpu.memref_squeeze %dma_wait3A_201 : memref<1x160x64xf32, #tpu.memory_space<hbm>> -> memref<160x64xf32, #tpu.memory_space<hbm>>
      tpu.wait_dma2 semaphore(%run_scoped3A : memref<!tpu.dma_semaphore, #tpu.memory_space<semaphore_mem>>) src(%dma_wait3A_202 : memref<160x64xf32, #tpu.memory_space<hbm>>) dst(%dma_wait3A_199 : memref<160x64xf32, #tpu.memory_space<vmem>>)
      tpu.yield
    }) : () -> ()
    "tpu.region"() ({
      %run_scoped3A = tpu.sem_alloc : memref<!tpu.dma_semaphore, #tpu.memory_space<semaphore_mem>>
      %dma_start3A = arith.constant 0 : i32
      %dma_start3A_181 = arith.constant 0 : i32
      %dma_start3A_182 = tpu.memref_slice %arg14[%dma_start3A, %dma_start3A_181] : memref<160x64xf32, #tpu.memory_space<vmem>> -> memref<160x64xf32, #tpu.memory_space<vmem>>
      %dma_start3A_183 = arith.constant 0 : i32
      %dma_start3A_184 = tpu.memref_slice %arg9[%multiple_of3A_143, %dma_start3A_183] : memref<10112x64xf32, #tpu.memory_space<hbm>> -> memref<160x64xf32, #tpu.memory_space<hbm>>
      %dma_start3A_185 = arith.constant 0 : i32
      %dma_start3A_186 = arith.constant 0 : i32
      %dma_start3A_187 = tpu.memref_slice %arg14[%dma_start3A_185, %dma_start3A_186] : memref<160x64xf32, #tpu.memory_space<vmem>> -> memref<160x64xf32, #tpu.memory_space<vmem>>
      %dma_start3A_188 = arith.constant 0 : i32
      %dma_start3A_189 = tpu.memref_slice %arg9[%multiple_of3A_143, %dma_start3A_188] : memref<10112x64xf32, #tpu.memory_space<hbm>> -> memref<160x64xf32, #tpu.memory_space<hbm>>
      tpu.enqueue_dma source(%dma_start3A_189 : memref<160x64xf32, #tpu.memory_space<hbm>>) target(%dma_start3A_187 : memref<160x64xf32, #tpu.memory_space<vmem>>) target_semaphore(%run_scoped3A : memref<!tpu.dma_semaphore, #tpu.memory_space<semaphore_mem>>)
      %dma_wait3A = arith.constant 0 : i32
      %dma_wait3A_190 = arith.constant 0 : i32
      %dma_wait3A_191 = tpu.memref_slice %arg14[%dma_wait3A, %dma_wait3A_190] : memref<160x64xf32, #tpu.memory_space<vmem>> -> memref<160x64xf32, #tpu.memory_space<vmem>>
      %dma_wait3A_192 = arith.constant 0 : i32
      %dma_wait3A_193 = tpu.memref_slice %arg9[%multiple_of3A_143, %dma_wait3A_192] : memref<10112x64xf32, #tpu.memory_space<hbm>> -> memref<160x64xf32, #tpu.memory_space<hbm>>
      %dma_wait3A_194 = arith.constant 0 : i32
      %dma_wait3A_195 = arith.constant 0 : i32
      %dma_wait3A_196 = tpu.memref_slice %arg14[%dma_wait3A_194, %dma_wait3A_195] : memref<160x64xf32, #tpu.memory_space<vmem>> -> memref<160x64xf32, #tpu.memory_space<vmem>>
      %dma_wait3A_197 = arith.constant 0 : i32
      %dma_wait3A_198 = tpu.memref_slice %arg9[%multiple_of3A_143, %dma_wait3A_197] : memref<10112x64xf32, #tpu.memory_space<hbm>> -> memref<160x64xf32, #tpu.memory_space<hbm>>
      tpu.wait_dma2 semaphore(%run_scoped3A : memref<!tpu.dma_semaphore, #tpu.memory_space<semaphore_mem>>) src(%dma_wait3A_198 : memref<160x64xf32, #tpu.memory_space<hbm>>) dst(%dma_wait3A_196 : memref<160x64xf32, #tpu.memory_space<vmem>>)
      tpu.yield
    }) : () -> ()
    %scan3A_144 = arith.constant 0 : i32
    %scan3A_145 = arith.constant 0 : i32
    %scan3A_146 = arith.constant 160 : i32
    %scan3A_147 = arith.addi %scan3A_145, %scan3A_146 : i32
    %scan3A_148 = arith.constant 1 : i32
    %scan3A_149 = scf.for %scan3A_181 = %scan3A_145 to %scan3A_147 step %scan3A_148 iter_args(%scan3A_182 = %scan3A_144) -> (i32)  : i32 {
      %get3A = arith.index_cast %scan3A_181 : i32 to index
      %get3A_183 = arith.constant 0 : index
      %get3A_184 = tpu.vector_load %arg13[%get3A, %get3A_183] {strides = array<i32>} : memref<160x64xf32, #tpu.memory_space<vmem>>, vector<1x16xf32>,
      %get3A_185 = vector.shape_cast %get3A_184 : vector<1x16xf32> to vector<16xf32>
      %get3A_186 = arith.index_cast %scan3A_181 : i32 to index
      %get3A_187 = arith.constant 0 : index
      %get3A_188 = tpu.vector_load %arg14[%get3A_186, %get3A_187] {strides = array<i32>} : memref<160x64xf32, #tpu.memory_space<vmem>>, vector<1x16xf32>,
      %get3A_189 = vector.shape_cast %get3A_188 : vector<1x16xf32> to vector<16xf32>
      %mul3A_190 = arith.mulf %get3A_185, %get3A_189 : vector<16xf32>
      %swap3A = arith.index_cast %scan3A_181 : i32 to index
      %swap3A_191 = arith.constant 0 : index
      %swap3A_192 = tpu.vector_load %arg13[%swap3A, %swap3A_191] {strides = array<i32>} : memref<160x64xf32, #tpu.memory_space<vmem>>, vector<1x16xf32>,
      %swap3A_193 = vector.shape_cast %swap3A_192 : vector<1x16xf32> to vector<16xf32>
      %swap3A_194 = vector.shape_cast %mul3A_190 : vector<16xf32> to vector<1x16xf32>
      tpu.vector_store %arg13[%swap3A, %swap3A_191], %swap3A_194 {strides = array<i32>} : memref<160x64xf32, #tpu.memory_space<vmem>>, vector<1x16xf32>,
      %get3A_195 = arith.index_cast %scan3A_181 : i32 to index
      %get3A_196 = arith.constant 16 : index
      %get3A_197 = tpu.vector_load %arg13[%get3A_195, %get3A_196] {strides = array<i32>} : memref<160x64xf32, #tpu.memory_space<vmem>>, vector<1x16xf32>,
      %get3A_198 = vector.shape_cast %get3A_197 : vector<1x16xf32> to vector<16xf32>
      %get3A_199 = arith.index_cast %scan3A_181 : i32 to index
      %get3A_200 = arith.constant 16 : index
      %get3A_201 = tpu.vector_load %arg14[%get3A_199, %get3A_200] {strides = array<i32>} : memref<160x64xf32, #tpu.memory_space<vmem>>, vector<1x16xf32>,
      %get3A_202 = vector.shape_cast %get3A_201 : vector<1x16xf32> to vector<16xf32>
      %mul3A_203 = arith.mulf %get3A_198, %get3A_202 : vector<16xf32>
      %swap3A_204 = arith.index_cast %scan3A_181 : i32 to index
      %swap3A_205 = arith.constant 16 : index
      %swap3A_206 = tpu.vector_load %arg13[%swap3A_204, %swap3A_205] {strides = array<i32>} : memref<160x64xf32, #tpu.memory_space<vmem>>, vector<1x16xf32>,
      %swap3A_207 = vector.shape_cast %swap3A_206 : vector<1x16xf32> to vector<16xf32>
      %swap3A_208 = vector.shape_cast %mul3A_203 : vector<16xf32> to vector<1x16xf32>
      tpu.vector_store %arg13[%swap3A_204, %swap3A_205], %swap3A_208 {strides = array<i32>} : memref<160x64xf32, #tpu.memory_space<vmem>>, vector<1x16xf32>,
      %get3A_209 = arith.index_cast %scan3A_181 : i32 to index
      %get3A_210 = arith.constant 32 : index
      %get3A_211 = tpu.vector_load %arg13[%get3A_209, %get3A_210] {strides = array<i32>} : memref<160x64xf32, #tpu.memory_space<vmem>>, vector<1x16xf32>,
      %get3A_212 = vector.shape_cast %get3A_211 : vector<1x16xf32> to vector<16xf32>
      %get3A_213 = arith.index_cast %scan3A_181 : i32 to index
      %get3A_214 = arith.constant 32 : index
      %get3A_215 = tpu.vector_load %arg14[%get3A_213, %get3A_214] {strides = array<i32>} : memref<160x64xf32, #tpu.memory_space<vmem>>, vector<1x16xf32>,
      %get3A_216 = vector.shape_cast %get3A_215 : vector<1x16xf32> to vector<16xf32>
      %mul3A_217 = arith.mulf %get3A_212, %get3A_216 : vector<16xf32>
      %swap3A_218 = arith.index_cast %scan3A_181 : i32 to index
      %swap3A_219 = arith.constant 32 : index
      %swap3A_220 = tpu.vector_load %arg13[%swap3A_218, %swap3A_219] {strides = array<i32>} : memref<160x64xf32, #tpu.memory_space<vmem>>, vector<1x16xf32>,
      %swap3A_221 = vector.shape_cast %swap3A_220 : vector<1x16xf32> to vector<16xf32>
      %swap3A_222 = vector.shape_cast %mul3A_217 : vector<16xf32> to vector<1x16xf32>
      tpu.vector_store %arg13[%swap3A_218, %swap3A_219], %swap3A_222 {strides = array<i32>} : memref<160x64xf32, #tpu.memory_space<vmem>>, vector<1x16xf32>,
      %get3A_223 = arith.index_cast %scan3A_181 : i32 to index
      %get3A_224 = arith.constant 48 : index
      %get3A_225 = tpu.vector_load %arg13[%get3A_223, %get3A_224] {strides = array<i32>} : memref<160x64xf32, #tpu.memory_space<vmem>>, vector<1x16xf32>,
      %get3A_226 = vector.shape_cast %get3A_225 : vector<1x16xf32> to vector<16xf32>
      %get3A_227 = arith.index_cast %scan3A_181 : i32 to index
      %get3A_228 = arith.constant 48 : index
      %get3A_229 = tpu.vector_load %arg14[%get3A_227, %get3A_228] {strides = array<i32>} : memref<160x64xf32, #tpu.memory_space<vmem>>, vector<1x16xf32>,
      %get3A_230 = vector.shape_cast %get3A_229 : vector<1x16xf32> to vector<16xf32>
      %mul3A_231 = arith.mulf %get3A_226, %get3A_230 : vector<16xf32>
      %swap3A_232 = arith.index_cast %scan3A_181 : i32 to index
      %swap3A_233 = arith.constant 48 : index
      %swap3A_234 = tpu.vector_load %arg13[%swap3A_232, %swap3A_233] {strides = array<i32>} : memref<160x64xf32, #tpu.memory_space<vmem>>, vector<1x16xf32>,
      %swap3A_235 = vector.shape_cast %swap3A_234 : vector<1x16xf32> to vector<16xf32>
      %swap3A_236 = vector.shape_cast %mul3A_231 : vector<16xf32> to vector<1x16xf32>
      tpu.vector_store %arg13[%swap3A_232, %swap3A_233], %swap3A_236 {strides = array<i32>} : memref<160x64xf32, #tpu.memory_space<vmem>>, vector<1x16xf32>,
      %scan3A_237 = arith.constant 0 : i32
      scf.yield %scan3A_237 : i32
    }
    %scan3A_150 = arith.constant 160 : i32
    %mul3A_151 = arith.constant 10112 : i32
    %mul3A_152 = arith.muli %arg0, %mul3A_151 : i32
    %add3A_153 = arith.addi %mul3A_152, %multiple_of3A : i32
    %add3A_154 = arith.constant 320 : i32
    %add3A_155 = arith.addi %add3A_153, %add3A_154 : i32
    %multiple_of3A_156 = tpu.assume_multiple %add3A_155, 8 : i32
    "tpu.region"() ({
      %run_scoped3A = tpu.sem_alloc : memref<!tpu.dma_semaphore, #tpu.memory_space<semaphore_mem>>
      %dma_start3A = arith.constant 0 : i32
      %dma_start3A_181 = arith.constant 0 : i32
      %dma_start3A_182 = tpu.memref_slice %arg13[%dma_start3A, %dma_start3A_181] : memref<160x64xf32, #tpu.memory_space<vmem>> -> memref<160x64xf32, #tpu.memory_space<vmem>>
      %dma_start3A_183 = arith.constant 0 : i32
      %dma_start3A_184 = tpu.memref_slice %arg7[%multiple_of3A_156, %dma_start3A_183] : memref<20224x64xf32, #tpu.memory_space<hbm>> -> memref<160x64xf32, #tpu.memory_space<hbm>>
      %dma_start3A_185 = arith.constant 0 : i32
      %dma_start3A_186 = tpu.memref_slice %arg7[%multiple_of3A_156, %dma_start3A_185] : memref<20224x64xf32, #tpu.memory_space<hbm>> -> memref<160x64xf32, #tpu.memory_space<hbm>>
      %dma_start3A_187 = arith.constant 0 : i32
      %dma_start3A_188 = arith.constant 0 : i32
      %dma_start3A_189 = tpu.memref_slice %arg13[%dma_start3A_187, %dma_start3A_188] : memref<160x64xf32, #tpu.memory_space<vmem>> -> memref<160x64xf32, #tpu.memory_space<vmem>>
      tpu.enqueue_dma source(%dma_start3A_189 : memref<160x64xf32, #tpu.memory_space<vmem>>) target(%dma_start3A_186 : memref<160x64xf32, #tpu.memory_space<hbm>>) target_semaphore(%run_scoped3A : memref<!tpu.dma_semaphore, #tpu.memory_space<semaphore_mem>>)
      %dma_wait3A = arith.constant 0 : i32
      %dma_wait3A_190 = arith.constant 0 : i32
      %dma_wait3A_191 = tpu.memref_slice %arg13[%dma_wait3A, %dma_wait3A_190] : memref<160x64xf32, #tpu.memory_space<vmem>> -> memref<160x64xf32, #tpu.memory_space<vmem>>
      %dma_wait3A_192 = arith.constant 0 : i32
      %dma_wait3A_193 = tpu.memref_slice %arg7[%multiple_of3A_156, %dma_wait3A_192] : memref<20224x64xf32, #tpu.memory_space<hbm>> -> memref<160x64xf32, #tpu.memory_space<hbm>>
      %dma_wait3A_194 = arith.constant 0 : i32
      %dma_wait3A_195 = tpu.memref_slice %arg7[%multiple_of3A_156, %dma_wait3A_194] : memref<20224x64xf32, #tpu.memory_space<hbm>> -> memref<160x64xf32, #tpu.memory_space<hbm>>
      %dma_wait3A_196 = arith.constant 0 : i32
      %dma_wait3A_197 = arith.constant 0 : i32
      %dma_wait3A_198 = tpu.memref_slice %arg13[%dma_wait3A_196, %dma_wait3A_197] : memref<160x64xf32, #tpu.memory_space<vmem>> -> memref<160x64xf32, #tpu.memory_space<vmem>>
      tpu.wait_dma2 semaphore(%run_scoped3A : memref<!tpu.dma_semaphore, #tpu.memory_space<semaphore_mem>>) src(%dma_wait3A_198 : memref<160x64xf32, #tpu.memory_space<vmem>>) dst(%dma_wait3A_195 : memref<160x64xf32, #tpu.memory_space<hbm>>)
      tpu.yield
    }) : () -> ()
    %add3A_157 = arith.constant 480 : i32
    %add3A_158 = arith.addi %multiple_of3A, %add3A_157 : i32
    %multiple_of3A_159 = tpu.assume_multiple %add3A_158, 8 : i32
    "tpu.region"() ({
      %run_scoped3A = tpu.sem_alloc : memref<!tpu.dma_semaphore, #tpu.memory_space<semaphore_mem>>
      %dma_start3A = arith.constant 0 : i32
      %dma_start3A_181 = arith.constant 0 : i32
      %dma_start3A_182 = tpu.memref_slice %arg13[%dma_start3A, %dma_start3A_181] : memref<160x64xf32, #tpu.memory_space<vmem>> -> memref<152x64xf32, #tpu.memory_space<vmem>>
      %dma_start3A_183 = arith.constant 0 : i32
      %dma_start3A_184 = tpu.memref_slice %arg2[%arg0, %multiple_of3A_159, %dma_start3A_183] : memref<2x10112x64xf32, #tpu.memory_space<hbm>> -> memref<1x152x64xf32, #tpu.memory_space<hbm>>
      %dma_start3A_185 = tpu.memref_squeeze %dma_start3A_184 : memref<1x152x64xf32, #tpu.memory_space<hbm>> -> memref<152x64xf32, #tpu.memory_space<hbm>>
      %dma_start3A_186 = arith.constant 0 : i32
      %dma_start3A_187 = arith.constant 0 : i32
      %dma_start3A_188 = tpu.memref_slice %arg13[%dma_start3A_186, %dma_start3A_187] : memref<160x64xf32, #tpu.memory_space<vmem>> -> memref<152x64xf32, #tpu.memory_space<vmem>>
      %dma_start3A_189 = arith.constant 0 : i32
      %dma_start3A_190 = tpu.memref_slice %arg2[%arg0, %multiple_of3A_159, %dma_start3A_189] : memref<2x10112x64xf32, #tpu.memory_space<hbm>> -> memref<1x152x64xf32, #tpu.memory_space<hbm>>
      %dma_start3A_191 = tpu.memref_squeeze %dma_start3A_190 : memref<1x152x64xf32, #tpu.memory_space<hbm>> -> memref<152x64xf32, #tpu.memory_space<hbm>>
      tpu.enqueue_dma source(%dma_start3A_191 : memref<152x64xf32, #tpu.memory_space<hbm>>) target(%dma_start3A_188 : memref<152x64xf32, #tpu.memory_space<vmem>>) target_semaphore(%run_scoped3A : memref<!tpu.dma_semaphore, #tpu.memory_space<semaphore_mem>>)
      %dma_wait3A = arith.constant 0 : i32
      %dma_wait3A_192 = arith.constant 0 : i32
      %dma_wait3A_193 = tpu.memref_slice %arg13[%dma_wait3A, %dma_wait3A_192] : memref<160x64xf32, #tpu.memory_space<vmem>> -> memref<152x64xf32, #tpu.memory_space<vmem>>
      %dma_wait3A_194 = arith.constant 0 : i32
      %dma_wait3A_195 = tpu.memref_slice %arg2[%arg0, %multiple_of3A_159, %dma_wait3A_194] : memref<2x10112x64xf32, #tpu.memory_space<hbm>> -> memref<1x152x64xf32, #tpu.memory_space<hbm>>
      %dma_wait3A_196 = tpu.memref_squeeze %dma_wait3A_195 : memref<1x152x64xf32, #tpu.memory_space<hbm>> -> memref<152x64xf32, #tpu.memory_space<hbm>>
      %dma_wait3A_197 = arith.constant 0 : i32
      %dma_wait3A_198 = arith.constant 0 : i32
      %dma_wait3A_199 = tpu.memref_slice %arg13[%dma_wait3A_197, %dma_wait3A_198] : memref<160x64xf32, #tpu.memory_space<vmem>> -> memref<152x64xf32, #tpu.memory_space<vmem>>
      %dma_wait3A_200 = arith.constant 0 : i32
      %dma_wait3A_201 = tpu.memref_slice %arg2[%arg0, %multiple_of3A_159, %dma_wait3A_200] : memref<2x10112x64xf32, #tpu.memory_space<hbm>> -> memref<1x152x64xf32, #tpu.memory_space<hbm>>
      %dma_wait3A_202 = tpu.memref_squeeze %dma_wait3A_201 : memref<1x152x64xf32, #tpu.memory_space<hbm>> -> memref<152x64xf32, #tpu.memory_space<hbm>>
      tpu.wait_dma2 semaphore(%run_scoped3A : memref<!tpu.dma_semaphore, #tpu.memory_space<semaphore_mem>>) src(%dma_wait3A_202 : memref<152x64xf32, #tpu.memory_space<hbm>>) dst(%dma_wait3A_199 : memref<152x64xf32, #tpu.memory_space<vmem>>)
      tpu.yield
    }) : () -> ()
    "tpu.region"() ({
      %run_scoped3A = tpu.sem_alloc : memref<!tpu.dma_semaphore, #tpu.memory_space<semaphore_mem>>
      %dma_start3A = arith.constant 0 : i32
      %dma_start3A_181 = arith.constant 0 : i32
      %dma_start3A_182 = tpu.memref_slice %arg14[%dma_start3A, %dma_start3A_181] : memref<160x64xf32, #tpu.memory_space<vmem>> -> memref<152x64xf32, #tpu.memory_space<vmem>>
      %dma_start3A_183 = arith.constant 0 : i32
      %dma_start3A_184 = tpu.memref_slice %arg9[%multiple_of3A_159, %dma_start3A_183] : memref<10112x64xf32, #tpu.memory_space<hbm>> -> memref<152x64xf32, #tpu.memory_space<hbm>>
      %dma_start3A_185 = arith.constant 0 : i32
      %dma_start3A_186 = arith.constant 0 : i32
      %dma_start3A_187 = tpu.memref_slice %arg14[%dma_start3A_185, %dma_start3A_186] : memref<160x64xf32, #tpu.memory_space<vmem>> -> memref<152x64xf32, #tpu.memory_space<vmem>>
      %dma_start3A_188 = arith.constant 0 : i32
      %dma_start3A_189 = tpu.memref_slice %arg9[%multiple_of3A_159, %dma_start3A_188] : memref<10112x64xf32, #tpu.memory_space<hbm>> -> memref<152x64xf32, #tpu.memory_space<hbm>>
      tpu.enqueue_dma source(%dma_start3A_189 : memref<152x64xf32, #tpu.memory_space<hbm>>) target(%dma_start3A_187 : memref<152x64xf32, #tpu.memory_space<vmem>>) target_semaphore(%run_scoped3A : memref<!tpu.dma_semaphore, #tpu.memory_space<semaphore_mem>>)
      %dma_wait3A = arith.constant 0 : i32
      %dma_wait3A_190 = arith.constant 0 : i32
      %dma_wait3A_191 = tpu.memref_slice %arg14[%dma_wait3A, %dma_wait3A_190] : memref<160x64xf32, #tpu.memory_space<vmem>> -> memref<152x64xf32, #tpu.memory_space<vmem>>
      %dma_wait3A_192 = arith.constant 0 : i32
      %dma_wait3A_193 = tpu.memref_slice %arg9[%multiple_of3A_159, %dma_wait3A_192] : memref<10112x64xf32, #tpu.memory_space<hbm>> -> memref<152x64xf32, #tpu.memory_space<hbm>>
      %dma_wait3A_194 = arith.constant 0 : i32
      %dma_wait3A_195 = arith.constant 0 : i32
      %dma_wait3A_196 = tpu.memref_slice %arg14[%dma_wait3A_194, %dma_wait3A_195] : memref<160x64xf32, #tpu.memory_space<vmem>> -> memref<152x64xf32, #tpu.memory_space<vmem>>
      %dma_wait3A_197 = arith.constant 0 : i32
      %dma_wait3A_198 = tpu.memref_slice %arg9[%multiple_of3A_159, %dma_wait3A_197] : memref<10112x64xf32, #tpu.memory_space<hbm>> -> memref<152x64xf32, #tpu.memory_space<hbm>>
      tpu.wait_dma2 semaphore(%run_scoped3A : memref<!tpu.dma_semaphore, #tpu.memory_space<semaphore_mem>>) src(%dma_wait3A_198 : memref<152x64xf32, #tpu.memory_space<hbm>>) dst(%dma_wait3A_196 : memref<152x64xf32, #tpu.memory_space<vmem>>)
      tpu.yield
    }) : () -> ()
    %scan3A_160 = arith.constant 0 : i32
    %scan3A_161 = arith.constant 0 : i32
    %scan3A_162 = arith.constant 152 : i32
    %scan3A_163 = arith.addi %scan3A_161, %scan3A_162 : i32
    %scan3A_164 = arith.constant 1 : i32
    %scan3A_165 = scf.for %scan3A_181 = %scan3A_161 to %scan3A_163 step %scan3A_164 iter_args(%scan3A_182 = %scan3A_160) -> (i32)  : i32 {
      %get3A = arith.index_cast %scan3A_181 : i32 to index
      %get3A_183 = arith.constant 0 : index
      %get3A_184 = tpu.vector_load %arg13[%get3A, %get3A_183] {strides = array<i32>} : memref<160x64xf32, #tpu.memory_space<vmem>>, vector<1x16xf32>,
      %get3A_185 = vector.shape_cast %get3A_184 : vector<1x16xf32> to vector<16xf32>
      %get3A_186 = arith.index_cast %scan3A_181 : i32 to index
      %get3A_187 = arith.constant 0 : index
      %get3A_188 = tpu.vector_load %arg14[%get3A_186, %get3A_187] {strides = array<i32>} : memref<160x64xf32, #tpu.memory_space<vmem>>, vector<1x16xf32>,
      %get3A_189 = vector.shape_cast %get3A_188 : vector<1x16xf32> to vector<16xf32>
      %mul3A_190 = arith.mulf %get3A_185, %get3A_189 : vector<16xf32>
      %swap3A = arith.index_cast %scan3A_181 : i32 to index
      %swap3A_191 = arith.constant 0 : index
      %swap3A_192 = tpu.vector_load %arg13[%swap3A, %swap3A_191] {strides = array<i32>} : memref<160x64xf32, #tpu.memory_space<vmem>>, vector<1x16xf32>,
      %swap3A_193 = vector.shape_cast %swap3A_192 : vector<1x16xf32> to vector<16xf32>
      %swap3A_194 = vector.shape_cast %mul3A_190 : vector<16xf32> to vector<1x16xf32>
      tpu.vector_store %arg13[%swap3A, %swap3A_191], %swap3A_194 {strides = array<i32>} : memref<160x64xf32, #tpu.memory_space<vmem>>, vector<1x16xf32>,
      %get3A_195 = arith.index_cast %scan3A_181 : i32 to index
      %get3A_196 = arith.constant 16 : index
      %get3A_197 = tpu.vector_load %arg13[%get3A_195, %get3A_196] {strides = array<i32>} : memref<160x64xf32, #tpu.memory_space<vmem>>, vector<1x16xf32>,
      %get3A_198 = vector.shape_cast %get3A_197 : vector<1x16xf32> to vector<16xf32>
      %get3A_199 = arith.index_cast %scan3A_181 : i32 to index
      %get3A_200 = arith.constant 16 : index
      %get3A_201 = tpu.vector_load %arg14[%get3A_199, %get3A_200] {strides = array<i32>} : memref<160x64xf32, #tpu.memory_space<vmem>>, vector<1x16xf32>,
      %get3A_202 = vector.shape_cast %get3A_201 : vector<1x16xf32> to vector<16xf32>
      %mul3A_203 = arith.mulf %get3A_198, %get3A_202 : vector<16xf32>
      %swap3A_204 = arith.index_cast %scan3A_181 : i32 to index
      %swap3A_205 = arith.constant 16 : index
      %swap3A_206 = tpu.vector_load %arg13[%swap3A_204, %swap3A_205] {strides = array<i32>} : memref<160x64xf32, #tpu.memory_space<vmem>>, vector<1x16xf32>,
      %swap3A_207 = vector.shape_cast %swap3A_206 : vector<1x16xf32> to vector<16xf32>
      %swap3A_208 = vector.shape_cast %mul3A_203 : vector<16xf32> to vector<1x16xf32>
      tpu.vector_store %arg13[%swap3A_204, %swap3A_205], %swap3A_208 {strides = array<i32>} : memref<160x64xf32, #tpu.memory_space<vmem>>, vector<1x16xf32>,
      %get3A_209 = arith.index_cast %scan3A_181 : i32 to index
      %get3A_210 = arith.constant 32 : index
      %get3A_211 = tpu.vector_load %arg13[%get3A_209, %get3A_210] {strides = array<i32>} : memref<160x64xf32, #tpu.memory_space<vmem>>, vector<1x16xf32>,
      %get3A_212 = vector.shape_cast %get3A_211 : vector<1x16xf32> to vector<16xf32>
      %get3A_213 = arith.index_cast %scan3A_181 : i32 to index
      %get3A_214 = arith.constant 32 : index
      %get3A_215 = tpu.vector_load %arg14[%get3A_213, %get3A_214] {strides = array<i32>} : memref<160x64xf32, #tpu.memory_space<vmem>>, vector<1x16xf32>,
      %get3A_216 = vector.shape_cast %get3A_215 : vector<1x16xf32> to vector<16xf32>
      %mul3A_217 = arith.mulf %get3A_212, %get3A_216 : vector<16xf32>
      %swap3A_218 = arith.index_cast %scan3A_181 : i32 to index
      %swap3A_219 = arith.constant 32 : index
      %swap3A_220 = tpu.vector_load %arg13[%swap3A_218, %swap3A_219] {strides = array<i32>} : memref<160x64xf32, #tpu.memory_space<vmem>>, vector<1x16xf32>,
      %swap3A_221 = vector.shape_cast %swap3A_220 : vector<1x16xf32> to vector<16xf32>
      %swap3A_222 = vector.shape_cast %mul3A_217 : vector<16xf32> to vector<1x16xf32>
      tpu.vector_store %arg13[%swap3A_218, %swap3A_219], %swap3A_222 {strides = array<i32>} : memref<160x64xf32, #tpu.memory_space<vmem>>, vector<1x16xf32>,
      %get3A_223 = arith.index_cast %scan3A_181 : i32 to index
      %get3A_224 = arith.constant 48 : index
      %get3A_225 = tpu.vector_load %arg13[%get3A_223, %get3A_224] {strides = array<i32>} : memref<160x64xf32, #tpu.memory_space<vmem>>, vector<1x16xf32>,
      %get3A_226 = vector.shape_cast %get3A_225 : vector<1x16xf32> to vector<16xf32>
      %get3A_227 = arith.index_cast %scan3A_181 : i32 to index
      %get3A_228 = arith.constant 48 : index
      %get3A_229 = tpu.vector_load %arg14[%get3A_227, %get3A_228] {strides = array<i32>} : memref<160x64xf32, #tpu.memory_space<vmem>>, vector<1x16xf32>,
      %get3A_230 = vector.shape_cast %get3A_229 : vector<1x16xf32> to vector<16xf32>
      %mul3A_231 = arith.mulf %get3A_226, %get3A_230 : vector<16xf32>
      %swap3A_232 = arith.index_cast %scan3A_181 : i32 to index
      %swap3A_233 = arith.constant 48 : index
      %swap3A_234 = tpu.vector_load %arg13[%swap3A_232, %swap3A_233] {strides = array<i32>} : memref<160x64xf32, #tpu.memory_space<vmem>>, vector<1x16xf32>,
      %swap3A_235 = vector.shape_cast %swap3A_234 : vector<1x16xf32> to vector<16xf32>
      %swap3A_236 = vector.shape_cast %mul3A_231 : vector<16xf32> to vector<1x16xf32>
      tpu.vector_store %arg13[%swap3A_232, %swap3A_233], %swap3A_236 {strides = array<i32>} : memref<160x64xf32, #tpu.memory_space<vmem>>, vector<1x16xf32>,
      %scan3A_237 = arith.constant 0 : i32
      scf.yield %scan3A_237 : i32
    }
    %scan3A_166 = arith.constant 152 : i32
    %mul3A_167 = arith.constant 10112 : i32
    %mul3A_168 = arith.muli %arg0, %mul3A_167 : i32
    %add3A_169 = arith.addi %mul3A_168, %multiple_of3A : i32
    %add3A_170 = arith.constant 480 : i32
    %add3A_171 = arith.addi %add3A_169, %add3A_170 : i32
    %multiple_of3A_172 = tpu.assume_multiple %add3A_171, 8 : i32
    "tpu.region"() ({
      %run_scoped3A = tpu.sem_alloc : memref<!tpu.dma_semaphore, #tpu.memory_space<semaphore_mem>>
      %dma_start3A = arith.constant 0 : i32
      %dma_start3A_181 = arith.constant 0 : i32
      %dma_start3A_182 = tpu.memref_slice %arg13[%dma_start3A, %dma_start3A_181] : memref<160x64xf32, #tpu.memory_space<vmem>> -> memref<152x64xf32, #tpu.memory_space<vmem>>
      %dma_start3A_183 = arith.constant 0 : i32
      %dma_start3A_184 = tpu.memref_slice %arg7[%multiple_of3A_172, %dma_start3A_183] : memref<20224x64xf32, #tpu.memory_space<hbm>> -> memref<152x64xf32, #tpu.memory_space<hbm>>
      %dma_start3A_185 = arith.constant 0 : i32
      %dma_start3A_186 = tpu.memref_slice %arg7[%multiple_of3A_172, %dma_start3A_185] : memref<20224x64xf32, #tpu.memory_space<hbm>> -> memref<152x64xf32, #tpu.memory_space<hbm>>
      %dma_start3A_187 = arith.constant 0 : i32
      %dma_start3A_188 = arith.constant 0 : i32
      %dma_start3A_189 = tpu.memref_slice %arg13[%dma_start3A_187, %dma_start3A_188] : memref<160x64xf32, #tpu.memory_space<vmem>> -> memref<152x64xf32, #tpu.memory_space<vmem>>
      tpu.enqueue_dma source(%dma_start3A_189 : memref<152x64xf32, #tpu.memory_space<vmem>>) target(%dma_start3A_186 : memref<152x64xf32, #tpu.memory_space<hbm>>) target_semaphore(%run_scoped3A : memref<!tpu.dma_semaphore, #tpu.memory_space<semaphore_mem>>)
      %dma_wait3A = arith.constant 0 : i32
      %dma_wait3A_190 = arith.constant 0 : i32
      %dma_wait3A_191 = tpu.memref_slice %arg13[%dma_wait3A, %dma_wait3A_190] : memref<160x64xf32, #tpu.memory_space<vmem>> -> memref<152x64xf32, #tpu.memory_space<vmem>>
      %dma_wait3A_192 = arith.constant 0 : i32
      %dma_wait3A_193 = tpu.memref_slice %arg7[%multiple_of3A_172, %dma_wait3A_192] : memref<20224x64xf32, #tpu.memory_space<hbm>> -> memref<152x64xf32, #tpu.memory_space<hbm>>
      %dma_wait3A_194 = arith.constant 0 : i32
      %dma_wait3A_195 = tpu.memref_slice %arg7[%multiple_of3A_172, %dma_wait3A_194] : memref<20224x64xf32, #tpu.memory_space<hbm>> -> memref<152x64xf32, #tpu.memory_space<hbm>>
      %dma_wait3A_196 = arith.constant 0 : i32
      %dma_wait3A_197 = arith.constant 0 : i32
      %dma_wait3A_198 = tpu.memref_slice %arg13[%dma_wait3A_196, %dma_wait3A_197] : memref<160x64xf32, #tpu.memory_space<vmem>> -> memref<152x64xf32, #tpu.memory_space<vmem>>
      tpu.wait_dma2 semaphore(%run_scoped3A : memref<!tpu.dma_semaphore, #tpu.memory_space<semaphore_mem>>) src(%dma_wait3A_198 : memref<152x64xf32, #tpu.memory_space<vmem>>) dst(%dma_wait3A_195 : memref<152x64xf32, #tpu.memory_space<hbm>>)
      tpu.yield
    }) : () -> ()
    %barrier3A_173 = arith.constant 0 : index
    tpu.barrier barrier_id(%barrier3A_173)
    %scan3A_174 = arith.constant 0 : i32
    %scan3A_175 = arith.constant 0 : i32
    %scan3A_176 = arith.constant 16 : i32
    %scan3A_177 = arith.addi %scan3A_175, %scan3A_176 : i32
    %scan3A_178 = arith.constant 1 : i32
    %scan3A_179 = scf.for %scan3A_181 = %scan3A_175 to %scan3A_177 step %scan3A_178 iter_args(%scan3A_182 = %scan3A_174) -> (i32)  : i32 {
      %mul3A_183 = arith.constant 10112 : i32
      %mul3A_184 = arith.muli %arg0, %mul3A_183 : i32
      %multiple_of3A_185 = arith.constant 0 : i32
      %multiple_of3A_186 = tpu.assume_multiple %multiple_of3A_185, 8 : i32
      "tpu.region"() ({
        %run_scoped3A = tpu.sem_alloc : memref<!tpu.dma_semaphore, #tpu.memory_space<semaphore_mem>>
        %dma_start3A_820 = tpu.memref_slice %arg3[%multiple_of3A_6] : memref<320000xi32, #tpu.memory_space<hbm>> -> memref<20000xi32, #tpu.memory_space<hbm>>
        %dma_start3A_821 = tpu.memref_slice %dma_start3A_820[%multiple_of3A_186] : memref<20000xi32, #tpu.memory_space<hbm>> -> memref<400xi32, #tpu.memory_space<hbm>>
        %dma_start3A_822 = tpu.memref_slice %arg3[%multiple_of3A_6] : memref<320000xi32, #tpu.memory_space<hbm>> -> memref<20000xi32, #tpu.memory_space<hbm>>
        %dma_start3A_823 = tpu.memref_slice %dma_start3A_822[%multiple_of3A_186] : memref<20000xi32, #tpu.memory_space<hbm>> -> memref<400xi32, #tpu.memory_space<hbm>>
        tpu.enqueue_dma source(%dma_start3A_823 : memref<400xi32, #tpu.memory_space<hbm>>) target(%arg16 : memref<400xi32, #tpu.memory_space<vmem>>) target_semaphore(%run_scoped3A : memref<!tpu.dma_semaphore, #tpu.memory_space<semaphore_mem>>)
        %dma_wait3A_824 = tpu.memref_slice %arg3[%multiple_of3A_6] : memref<320000xi32, #tpu.memory_space<hbm>> -> memref<20000xi32, #tpu.memory_space<hbm>>
        %dma_wait3A_825 = tpu.memref_slice %dma_wait3A_824[%multiple_of3A_186] : memref<20000xi32, #tpu.memory_space<hbm>> -> memref<400xi32, #tpu.memory_space<hbm>>
        %dma_wait3A_826 = tpu.memref_slice %arg3[%multiple_of3A_6] : memref<320000xi32, #tpu.memory_space<hbm>> -> memref<20000xi32, #tpu.memory_space<hbm>>
        %dma_wait3A_827 = tpu.memref_slice %dma_wait3A_826[%multiple_of3A_186] : memref<20000xi32, #tpu.memory_space<hbm>> -> memref<400xi32, #tpu.memory_space<hbm>>
        tpu.wait_dma2 semaphore(%run_scoped3A : memref<!tpu.dma_semaphore, #tpu.memory_space<semaphore_mem>>) src(%dma_wait3A_827 : memref<400xi32, #tpu.memory_space<hbm>>) dst(%arg16 : memref<400xi32, #tpu.memory_space<vmem>>)
        tpu.yield
      }) : () -> ()
      "tpu.region"() ({
        %run_scoped3A = tpu.sem_alloc : memref<!tpu.dma_semaphore, #tpu.memory_space<semaphore_mem>>
        %dma_start3A_820 = tpu.memref_slice %arg4[%multiple_of3A_6] : memref<320000xi32, #tpu.memory_space<hbm>> -> memref<20000xi32, #tpu.memory_space<hbm>>
        %dma_start3A_821 = tpu.memref_slice %dma_start3A_820[%multiple_of3A_186] : memref<20000xi32, #tpu.memory_space<hbm>> -> memref<400xi32, #tpu.memory_space<hbm>>
        %dma_start3A_822 = tpu.memref_slice %arg4[%multiple_of3A_6] : memref<320000xi32, #tpu.memory_space<hbm>> -> memref<20000xi32, #tpu.memory_space<hbm>>
        %dma_start3A_823 = tpu.memref_slice %dma_start3A_822[%multiple_of3A_186] : memref<20000xi32, #tpu.memory_space<hbm>> -> memref<400xi32, #tpu.memory_space<hbm>>
        tpu.enqueue_dma source(%dma_start3A_823 : memref<400xi32, #tpu.memory_space<hbm>>) target(%arg18 : memref<400xi32, #tpu.memory_space<vmem>>) target_semaphore(%run_scoped3A : memref<!tpu.dma_semaphore, #tpu.memory_space<semaphore_mem>>)
        %dma_wait3A_824 = tpu.memref_slice %arg4[%multiple_of3A_6] : memref<320000xi32, #tpu.memory_space<hbm>> -> memref<20000xi32, #tpu.memory_space<hbm>>
        %dma_wait3A_825 = tpu.memref_slice %dma_wait3A_824[%multiple_of3A_186] : memref<20000xi32, #tpu.memory_space<hbm>> -> memref<400xi32, #tpu.memory_space<hbm>>
        %dma_wait3A_826 = tpu.memref_slice %arg4[%multiple_of3A_6] : memref<320000xi32, #tpu.memory_space<hbm>> -> memref<20000xi32, #tpu.memory_space<hbm>>
        %dma_wait3A_827 = tpu.memref_slice %dma_wait3A_826[%multiple_of3A_186] : memref<20000xi32, #tpu.memory_space<hbm>> -> memref<400xi32, #tpu.memory_space<hbm>>
        tpu.wait_dma2 semaphore(%run_scoped3A : memref<!tpu.dma_semaphore, #tpu.memory_space<semaphore_mem>>) src(%dma_wait3A_827 : memref<400xi32, #tpu.memory_space<hbm>>) dst(%arg18 : memref<400xi32, #tpu.memory_space<vmem>>)
        tpu.yield
      }) : () -> ()
      %scan3A_187 = arith.constant 0 : i32
      %scan3A_188 = arith.constant 0 : i32
      %scan3A_189 = arith.constant 25 : i32
      %scan3A_190 = arith.addi %scan3A_188, %scan3A_189 : i32
      %scan3A_191 = arith.constant 1 : i32
      %scan3A_192 = scf.for %scan3A_820 = %scan3A_188 to %scan3A_190 step %scan3A_191 iter_args(%scan3A_821 = %scan3A_187) -> (i32)  : i32 {
        %mul3A_822 = arith.constant 16 : i32
        %mul3A_823 = arith.muli %scan3A_820, %mul3A_822 : i32
        %get3A = arith.index_cast %mul3A_823 : i32 to index
        %get3A_824 = tpu.vector_load %arg16[%get3A] {strides = array<i32>} : memref<400xi32, #tpu.memory_space<vmem>>, vector<16xi32>,
        %get3A_825 = vector.shape_cast %get3A_824 : vector<16xi32> to vector<16xi32>
        %add3A_826 = vector.broadcast %mul3A_184 : i32 to vector<16xi32>
        %add3A_827 = arith.addi %get3A_825, %add3A_826 : vector<16xi32>
        %mul3A_828 = arith.constant 16 : i32
        %mul3A_829 = arith.muli %scan3A_820, %mul3A_828 : i32
        %swap3A = arith.index_cast %mul3A_829 : i32 to index
        %swap3A_830 = tpu.vector_load %arg16[%swap3A] {strides = array<i32>} : memref<400xi32, #tpu.memory_space<vmem>>, vector<16xi32>,
        %swap3A_831 = vector.shape_cast %swap3A_830 : vector<16xi32> to vector<16xi32>
        %swap3A_832 = vector.shape_cast %add3A_827 : vector<16xi32> to vector<16xi32>
        tpu.vector_store %arg16[%swap3A], %swap3A_832 {strides = array<i32>} : memref<400xi32, #tpu.memory_space<vmem>>, vector<16xi32>,
        %scan3A_833 = arith.constant 0 : i32
        scf.yield %scan3A_833 : i32
      }
      %scan3A_193 = arith.constant 25 : i32
      %dma_start3A = arith.constant 0 : i32
      %dma_start3A_194 = arith.constant 0 : i32
      %dma_start3A_195 = tpu.memref_slice %arg7[%dma_start3A, %dma_start3A_194] : memref<20224x64xf32, #tpu.memory_space<hbm>> -> memref<20224x64xf32, #tpu.memory_space<hbm>>
      tpu.enqueue_indirect_dma source(%dma_start3A_195 : memref<20224x64xf32, #tpu.memory_space<hbm>>) target(%arg11 : memref<400x64xf32, #tpu.memory_space<vmem>>) offsets(%arg16 : memref<400xi32, #tpu.memory_space<vmem>>) semaphore(%arg21 : memref<!tpu.dma_semaphore, #tpu.memory_space<semaphore_mem>>)
      %scan3A_196 = arith.constant 0 : i32
      %scan3A_197 = arith.constant 0 : i32
      %scan3A_198 = arith.constant 25 : i32
      %scan3A_199 = arith.addi %scan3A_197, %scan3A_198 : i32
      %scan3A_200 = arith.constant 1 : i32
      %scan3A_201 = scf.for %scan3A_820 = %scan3A_197 to %scan3A_199 step %scan3A_200 iter_args(%scan3A_821 = %scan3A_196) -> (i32)  : i32 {
        %mul3A_822 = arith.constant 2 : i32
        %mul3A_823 = arith.muli %mul3A_822, %scan3A_820 : i32
        %add3A_824 = arith.constant 1 : i32
        %add3A_825 = arith.addi %mul3A_823, %add3A_824 : i32
        %mul3A_826 = arith.constant 400 : i32
        %mul3A_827 = arith.muli %add3A_825, %mul3A_826 : i32
        %multiple_of3A_828 = tpu.assume_multiple %mul3A_827, 8 : i32
        "tpu.region"() ({
          %run_scoped3A = tpu.sem_alloc : memref<!tpu.dma_semaphore, #tpu.memory_space<semaphore_mem>>
          %dma_start3A_854 = tpu.memref_slice %arg3[%multiple_of3A_6] : memref<320000xi32, #tpu.memory_space<hbm>> -> memref<20000xi32, #tpu.memory_space<hbm>>
          %dma_start3A_855 = tpu.memref_slice %dma_start3A_854[%multiple_of3A_828] : memref<20000xi32, #tpu.memory_space<hbm>> -> memref<400xi32, #tpu.memory_space<hbm>>
          %dma_start3A_856 = tpu.memref_slice %arg3[%multiple_of3A_6] : memref<320000xi32, #tpu.memory_space<hbm>> -> memref<20000xi32, #tpu.memory_space<hbm>>
          %dma_start3A_857 = tpu.memref_slice %dma_start3A_856[%multiple_of3A_828] : memref<20000xi32, #tpu.memory_space<hbm>> -> memref<400xi32, #tpu.memory_space<hbm>>
          tpu.enqueue_dma source(%dma_start3A_857 : memref<400xi32, #tpu.memory_space<hbm>>) target(%arg17 : memref<400xi32, #tpu.memory_space<vmem>>) target_semaphore(%run_scoped3A : memref<!tpu.dma_semaphore, #tpu.memory_space<semaphore_mem>>)
          %dma_wait3A_858 = tpu.memref_slice %arg3[%multiple_of3A_6] : memref<320000xi32, #tpu.memory_space<hbm>> -> memref<20000xi32, #tpu.memory_space<hbm>>
          %dma_wait3A_859 = tpu.memref_slice %dma_wait3A_858[%multiple_of3A_828] : memref<20000xi32, #tpu.memory_space<hbm>> -> memref<400xi32, #tpu.memory_space<hbm>>
          %dma_wait3A_860 = tpu.memref_slice %arg3[%multiple_of3A_6] : memref<320000xi32, #tpu.memory_space<hbm>> -> memref<20000xi32, #tpu.memory_space<hbm>>
          %dma_wait3A_861 = tpu.memref_slice %dma_wait3A_860[%multiple_of3A_828] : memref<20000xi32, #tpu.memory_space<hbm>> -> memref<400xi32, #tpu.memory_space<hbm>>
          tpu.wait_dma2 semaphore(%run_scoped3A : memref<!tpu.dma_semaphore, #tpu.memory_space<semaphore_mem>>) src(%dma_wait3A_861 : memref<400xi32, #tpu.memory_space<hbm>>) dst(%arg17 : memref<400xi32, #tpu.memory_space<vmem>>)
          tpu.yield
        }) : () -> ()
        "tpu.region"() ({
          %run_scoped3A = tpu.sem_alloc : memref<!tpu.dma_semaphore, #tpu.memory_space<semaphore_mem>>
          %dma_start3A_854 = tpu.memref_slice %arg4[%multiple_of3A_6] : memref<320000xi32, #tpu.memory_space<hbm>> -> memref<20000xi32, #tpu.memory_space<hbm>>
          %dma_start3A_855 = tpu.memref_slice %dma_start3A_854[%multiple_of3A_828] : memref<20000xi32, #tpu.memory_space<hbm>> -> memref<400xi32, #tpu.memory_space<hbm>>
          %dma_start3A_856 = tpu.memref_slice %arg4[%multiple_of3A_6] : memref<320000xi32, #tpu.memory_space<hbm>> -> memref<20000xi32, #tpu.memory_space<hbm>>
          %dma_start3A_857 = tpu.memref_slice %dma_start3A_856[%multiple_of3A_828] : memref<20000xi32, #tpu.memory_space<hbm>> -> memref<400xi32, #tpu.memory_space<hbm>>
          tpu.enqueue_dma source(%dma_start3A_857 : memref<400xi32, #tpu.memory_space<hbm>>) target(%arg19 : memref<400xi32, #tpu.memory_space<vmem>>) target_semaphore(%run_scoped3A : memref<!tpu.dma_semaphore, #tpu.memory_space<semaphore_mem>>)
          %dma_wait3A_858 = tpu.memref_slice %arg4[%multiple_of3A_6] : memref<320000xi32, #tpu.memory_space<hbm>> -> memref<20000xi32, #tpu.memory_space<hbm>>
          %dma_wait3A_859 = tpu.memref_slice %dma_wait3A_858[%multiple_of3A_828] : memref<20000xi32, #tpu.memory_space<hbm>> -> memref<400xi32, #tpu.memory_space<hbm>>
          %dma_wait3A_860 = tpu.memref_slice %arg4[%multiple_of3A_6] : memref<320000xi32, #tpu.memory_space<hbm>> -> memref<20000xi32, #tpu.memory_space<hbm>>
          %dma_wait3A_861 = tpu.memref_slice %dma_wait3A_860[%multiple_of3A_828] : memref<20000xi32, #tpu.memory_space<hbm>> -> memref<400xi32, #tpu.memory_space<hbm>>
          tpu.wait_dma2 semaphore(%run_scoped3A : memref<!tpu.dma_semaphore, #tpu.memory_space<semaphore_mem>>) src(%dma_wait3A_861 : memref<400xi32, #tpu.memory_space<hbm>>) dst(%arg19 : memref<400xi32, #tpu.memory_space<vmem>>)
          tpu.yield
        }) : () -> ()
        %scan3A_829 = arith.constant 0 : i32
        %scan3A_830 = arith.constant 0 : i32
        %scan3A_831 = arith.constant 25 : i32
        %scan3A_832 = arith.addi %scan3A_830, %scan3A_831 : i32
        %scan3A_833 = arith.constant 1 : i32
        %scan3A_834 = scf.for %scan3A_854 = %scan3A_830 to %scan3A_832 step %scan3A_833 iter_args(%scan3A_855 = %scan3A_829) -> (i32)  : i32 {
          %mul3A_856 = arith.constant 16 : i32
          %mul3A_857 = arith.muli %scan3A_854, %mul3A_856 : i32
          %get3A = arith.index_cast %mul3A_857 : i32 to index
          %get3A_858 = tpu.vector_load %arg17[%get3A] {strides = array<i32>} : memref<400xi32, #tpu.memory_space<vmem>>, vector<16xi32>,
          %get3A_859 = vector.shape_cast %get3A_858 : vector<16xi32> to vector<16xi32>
          %add3A_860 = vector.broadcast %mul3A_184 : i32 to vector<16xi32>
          %add3A_861 = arith.addi %get3A_859, %add3A_860 : vector<16xi32>
          %mul3A_862 = arith.constant 16 : i32
          %mul3A_863 = arith.muli %scan3A_854, %mul3A_862 : i32
          %swap3A = arith.index_cast %mul3A_863 : i32 to index
          %swap3A_864 = tpu.vector_load %arg17[%swap3A] {strides = array<i32>} : memref<400xi32, #tpu.memory_space<vmem>>, vector<16xi32>,
          %swap3A_865 = vector.shape_cast %swap3A_864 : vector<16xi32> to vector<16xi32>
          %swap3A_866 = vector.shape_cast %add3A_861 : vector<16xi32> to vector<16xi32>
          tpu.vector_store %arg17[%swap3A], %swap3A_866 {strides = array<i32>} : memref<400xi32, #tpu.memory_space<vmem>>, vector<16xi32>,
          %scan3A_867 = arith.constant 0 : i32
          scf.yield %scan3A_867 : i32
        }
        %scan3A_835 = arith.constant 25 : i32
        %dma_start3A_836 = arith.constant 0 : i32
        %dma_start3A_837 = arith.constant 0 : i32
        %dma_start3A_838 = tpu.memref_slice %arg7[%dma_start3A_836, %dma_start3A_837] : memref<20224x64xf32, #tpu.memory_space<hbm>> -> memref<20224x64xf32, #tpu.memory_space<hbm>>
        tpu.enqueue_indirect_dma source(%dma_start3A_838 : memref<20224x64xf32, #tpu.memory_space<hbm>>) target(%arg12 : memref<400x64xf32, #tpu.memory_space<vmem>>) offsets(%arg17 : memref<400xi32, #tpu.memory_space<vmem>>) semaphore(%arg22 : memref<!tpu.dma_semaphore, #tpu.memory_space<semaphore_mem>>)
        %dma_wait3A_839 = arith.constant 0 : i32
        %dma_wait3A_840 = arith.constant 0 : i32
        %dma_wait3A_841 = tpu.memref_slice %arg7[%dma_wait3A_839, %dma_wait3A_840] : memref<20224x64xf32, #tpu.memory_space<hbm>> -> memref<400x64xf32, #tpu.memory_space<hbm>>
        %dma_wait3A_842 = arith.constant 0 : i32
        %dma_wait3A_843 = arith.constant 0 : i32
        %dma_wait3A_844 = tpu.memref_slice %arg7[%dma_wait3A_842, %dma_wait3A_843] : memref<20224x64xf32, #tpu.memory_space<hbm>> -> memref<400x64xf32, #tpu.memory_space<hbm>>
        tpu.wait_dma2 semaphore(%arg21 : memref<!tpu.dma_semaphore, #tpu.memory_space<semaphore_mem>>) src(%dma_wait3A_844 : memref<400x64xf32, #tpu.memory_space<hbm>>) dst(%arg11 : memref<400x64xf32, #tpu.memory_space<vmem>>)
        "tpu.region"() ({
          %run_scoped3A = tpu.sem_alloc : memref<!tpu.dma_semaphore, #tpu.memory_space<semaphore_mem>>
          %dma_start3A_854 = arith.constant 0 : i32
          %dma_start3A_855 = arith.constant 0 : i32
          %dma_start3A_856 = tpu.memref_slice %arg20[%dma_start3A_854, %dma_start3A_855] : memref<10112x64xf32, #tpu.memory_space<vmem_shared>> -> memref<10112x64xf32, #tpu.memory_space<vmem_shared>>
          tpu.enqueue_indirect_dma source(%arg11 : memref<400x64xf32, #tpu.memory_space<vmem>>) target(%dma_start3A_856 : memref<10112x64xf32, #tpu.memory_space<vmem_shared>>) offsets(%arg18 : memref<400xi32, #tpu.memory_space<vmem>>) semaphore(%run_scoped3A : memref<!tpu.dma_semaphore, #tpu.memory_space<semaphore_mem>>) {add = true}
          %dma_wait3A_857 = arith.constant 0 : i32
          %dma_wait3A_858 = arith.constant 0 : i32
          %dma_wait3A_859 = tpu.memref_slice %arg20[%dma_wait3A_857, %dma_wait3A_858] : memref<10112x64xf32, #tpu.memory_space<vmem_shared>> -> memref<10112x64xf32, #tpu.memory_space<vmem_shared>>
          tpu.wait_indirect_dma semaphore(%run_scoped3A : memref<!tpu.dma_semaphore, #tpu.memory_space<semaphore_mem>>) src(%arg11 : memref<400x64xf32, #tpu.memory_space<vmem>>) dst(%dma_wait3A_859 : memref<10112x64xf32, #tpu.memory_space<vmem_shared>>)
          tpu.yield
        }) : () -> ()
        %lt3A = arith.constant 24 : i32
        %lt3A_845 = arith.cmpi slt, %scan3A_820, %lt3A : i32
        %convert_element_type3A = arith.extui %lt3A_845 : i1 to i32
        %cond3A = arith.constant 0 : i32
        %cond3A_846 = arith.cmpi ne, %convert_element_type3A, %cond3A : i32
        scf.if %cond3A_846 {
          %mul3A_854 = arith.constant 2 : i32
          %mul3A_855 = arith.muli %mul3A_854, %scan3A_820 : i32
          %add3A_856 = arith.constant 2 : i32
          %add3A_857 = arith.addi %mul3A_855, %add3A_856 : i32
          %mul3A_858 = arith.constant 400 : i32
          %mul3A_859 = arith.muli %add3A_857, %mul3A_858 : i32
          %multiple_of3A_860 = tpu.assume_multiple %mul3A_859, 8 : i32
          "tpu.region"() ({
            %run_scoped3A = tpu.sem_alloc : memref<!tpu.dma_semaphore, #tpu.memory_space<semaphore_mem>>
            %dma_start3A_871 = tpu.memref_slice %arg3[%multiple_of3A_6] : memref<320000xi32, #tpu.memory_space<hbm>> -> memref<20000xi32, #tpu.memory_space<hbm>>
            %dma_start3A_872 = tpu.memref_slice %dma_start3A_871[%multiple_of3A_860] : memref<20000xi32, #tpu.memory_space<hbm>> -> memref<400xi32, #tpu.memory_space<hbm>>
            %dma_start3A_873 = tpu.memref_slice %arg3[%multiple_of3A_6] : memref<320000xi32, #tpu.memory_space<hbm>> -> memref<20000xi32, #tpu.memory_space<hbm>>
            %dma_start3A_874 = tpu.memref_slice %dma_start3A_873[%multiple_of3A_860] : memref<20000xi32, #tpu.memory_space<hbm>> -> memref<400xi32, #tpu.memory_space<hbm>>
            tpu.enqueue_dma source(%dma_start3A_874 : memref<400xi32, #tpu.memory_space<hbm>>) target(%arg16 : memref<400xi32, #tpu.memory_space<vmem>>) target_semaphore(%run_scoped3A : memref<!tpu.dma_semaphore, #tpu.memory_space<semaphore_mem>>)
            %dma_wait3A_875 = tpu.memref_slice %arg3[%multiple_of3A_6] : memref<320000xi32, #tpu.memory_space<hbm>> -> memref<20000xi32, #tpu.memory_space<hbm>>
            %dma_wait3A_876 = tpu.memref_slice %dma_wait3A_875[%multiple_of3A_860] : memref<20000xi32, #tpu.memory_space<hbm>> -> memref<400xi32, #tpu.memory_space<hbm>>
            %dma_wait3A_877 = tpu.memref_slice %arg3[%multiple_of3A_6] : memref<320000xi32, #tpu.memory_space<hbm>> -> memref<20000xi32, #tpu.memory_space<hbm>>
            %dma_wait3A_878 = tpu.memref_slice %dma_wait3A_877[%multiple_of3A_860] : memref<20000xi32, #tpu.memory_space<hbm>> -> memref<400xi32, #tpu.memory_space<hbm>>
            tpu.wait_dma2 semaphore(%run_scoped3A : memref<!tpu.dma_semaphore, #tpu.memory_space<semaphore_mem>>) src(%dma_wait3A_878 : memref<400xi32, #tpu.memory_space<hbm>>) dst(%arg16 : memref<400xi32, #tpu.memory_space<vmem>>)
            tpu.yield
          }) : () -> ()
          "tpu.region"() ({
            %run_scoped3A = tpu.sem_alloc : memref<!tpu.dma_semaphore, #tpu.memory_space<semaphore_mem>>
            %dma_start3A_871 = tpu.memref_slice %arg4[%multiple_of3A_6] : memref<320000xi32, #tpu.memory_space<hbm>> -> memref<20000xi32, #tpu.memory_space<hbm>>
            %dma_start3A_872 = tpu.memref_slice %dma_start3A_871[%multiple_of3A_860] : memref<20000xi32, #tpu.memory_space<hbm>> -> memref<400xi32, #tpu.memory_space<hbm>>
            %dma_start3A_873 = tpu.memref_slice %arg4[%multiple_of3A_6] : memref<320000xi32, #tpu.memory_space<hbm>> -> memref<20000xi32, #tpu.memory_space<hbm>>
            %dma_start3A_874 = tpu.memref_slice %dma_start3A_873[%multiple_of3A_860] : memref<20000xi32, #tpu.memory_space<hbm>> -> memref<400xi32, #tpu.memory_space<hbm>>
            tpu.enqueue_dma source(%dma_start3A_874 : memref<400xi32, #tpu.memory_space<hbm>>) target(%arg18 : memref<400xi32, #tpu.memory_space<vmem>>) target_semaphore(%run_scoped3A : memref<!tpu.dma_semaphore, #tpu.memory_space<semaphore_mem>>)
            %dma_wait3A_875 = tpu.memref_slice %arg4[%multiple_of3A_6] : memref<320000xi32, #tpu.memory_space<hbm>> -> memref<20000xi32, #tpu.memory_space<hbm>>
            %dma_wait3A_876 = tpu.memref_slice %dma_wait3A_875[%multiple_of3A_860] : memref<20000xi32, #tpu.memory_space<hbm>> -> memref<400xi32, #tpu.memory_space<hbm>>
            %dma_wait3A_877 = tpu.memref_slice %arg4[%multiple_of3A_6] : memref<320000xi32, #tpu.memory_space<hbm>> -> memref<20000xi32, #tpu.memory_space<hbm>>
            %dma_wait3A_878 = tpu.memref_slice %dma_wait3A_877[%multiple_of3A_860] : memref<20000xi32, #tpu.memory_space<hbm>> -> memref<400xi32, #tpu.memory_space<hbm>>
            tpu.wait_dma2 semaphore(%run_scoped3A : memref<!tpu.dma_semaphore, #tpu.memory_space<semaphore_mem>>) src(%dma_wait3A_878 : memref<400xi32, #tpu.memory_space<hbm>>) dst(%arg18 : memref<400xi32, #tpu.memory_space<vmem>>)
            tpu.yield
          }) : () -> ()
          %scan3A_861 = arith.constant 0 : i32
          %scan3A_862 = arith.constant 0 : i32
          %scan3A_863 = arith.constant 25 : i32
          %scan3A_864 = arith.addi %scan3A_862, %scan3A_863 : i32
          %scan3A_865 = arith.constant 1 : i32
          %scan3A_866 = scf.for %scan3A_871 = %scan3A_862 to %scan3A_864 step %scan3A_865 iter_args(%scan3A_872 = %scan3A_861) -> (i32)  : i32 {
            %mul3A_873 = arith.constant 16 : i32
            %mul3A_874 = arith.muli %scan3A_871, %mul3A_873 : i32
            %get3A = arith.index_cast %mul3A_874 : i32 to index
            %get3A_875 = tpu.vector_load %arg16[%get3A] {strides = array<i32>} : memref<400xi32, #tpu.memory_space<vmem>>, vector<16xi32>,
            %get3A_876 = vector.shape_cast %get3A_875 : vector<16xi32> to vector<16xi32>
            %add3A_877 = vector.broadcast %mul3A_184 : i32 to vector<16xi32>
            %add3A_878 = arith.addi %get3A_876, %add3A_877 : vector<16xi32>
            %mul3A_879 = arith.constant 16 : i32
            %mul3A_880 = arith.muli %scan3A_871, %mul3A_879 : i32
            %swap3A = arith.index_cast %mul3A_880 : i32 to index
            %swap3A_881 = tpu.vector_load %arg16[%swap3A] {strides = array<i32>} : memref<400xi32, #tpu.memory_space<vmem>>, vector<16xi32>,
            %swap3A_882 = vector.shape_cast %swap3A_881 : vector<16xi32> to vector<16xi32>
            %swap3A_883 = vector.shape_cast %add3A_878 : vector<16xi32> to vector<16xi32>
            tpu.vector_store %arg16[%swap3A], %swap3A_883 {strides = array<i32>} : memref<400xi32, #tpu.memory_space<vmem>>, vector<16xi32>,
            %scan3A_884 = arith.constant 0 : i32
            scf.yield %scan3A_884 : i32
          }
          %scan3A_867 = arith.constant 25 : i32
          %dma_start3A_868 = arith.constant 0 : i32
          %dma_start3A_869 = arith.constant 0 : i32
          %dma_start3A_870 = tpu.memref_slice %arg7[%dma_start3A_868, %dma_start3A_869] : memref<20224x64xf32, #tpu.memory_space<hbm>> -> memref<20224x64xf32, #tpu.memory_space<hbm>>
          tpu.enqueue_indirect_dma source(%dma_start3A_870 : memref<20224x64xf32, #tpu.memory_space<hbm>>) target(%arg11 : memref<400x64xf32, #tpu.memory_space<vmem>>) offsets(%arg16 : memref<400xi32, #tpu.memory_space<vmem>>) semaphore(%arg21 : memref<!tpu.dma_semaphore, #tpu.memory_space<semaphore_mem>>)
        } else {
        }
        %dma_wait3A_847 = arith.constant 0 : i32
        %dma_wait3A_848 = arith.constant 0 : i32
        %dma_wait3A_849 = tpu.memref_slice %arg7[%dma_wait3A_847, %dma_wait3A_848] : memref<20224x64xf32, #tpu.memory_space<hbm>> -> memref<400x64xf32, #tpu.memory_space<hbm>>
        %dma_wait3A_850 = arith.constant 0 : i32
        %dma_wait3A_851 = arith.constant 0 : i32
        %dma_wait3A_852 = tpu.memref_slice %arg7[%dma_wait3A_850, %dma_wait3A_851] : memref<20224x64xf32, #tpu.memory_space<hbm>> -> memref<400x64xf32, #tpu.memory_space<hbm>>
        tpu.wait_dma2 semaphore(%arg22 : memref<!tpu.dma_semaphore, #tpu.memory_space<semaphore_mem>>) src(%dma_wait3A_852 : memref<400x64xf32, #tpu.memory_space<hbm>>) dst(%arg12 : memref<400x64xf32, #tpu.memory_space<vmem>>)
        "tpu.region"() ({
          %run_scoped3A = tpu.sem_alloc : memref<!tpu.dma_semaphore, #tpu.memory_space<semaphore_mem>>
          %dma_start3A_854 = arith.constant 0 : i32
          %dma_start3A_855 = arith.constant 0 : i32
          %dma_start3A_856 = tpu.memref_slice %arg20[%dma_start3A_854, %dma_start3A_855] : memref<10112x64xf32, #tpu.memory_space<vmem_shared>> -> memref<10112x64xf32, #tpu.memory_space<vmem_shared>>
          tpu.enqueue_indirect_dma source(%arg12 : memref<400x64xf32, #tpu.memory_space<vmem>>) target(%dma_start3A_856 : memref<10112x64xf32, #tpu.memory_space<vmem_shared>>) offsets(%arg19 : memref<400xi32, #tpu.memory_space<vmem>>) semaphore(%run_scoped3A : memref<!tpu.dma_semaphore, #tpu.memory_space<semaphore_mem>>) {add = true}
          %dma_wait3A_857 = arith.constant 0 : i32
          %dma_wait3A_858 = arith.constant 0 : i32
          %dma_wait3A_859 = tpu.memref_slice %arg20[%dma_wait3A_857, %dma_wait3A_858] : memref<10112x64xf32, #tpu.memory_space<vmem_shared>> -> memref<10112x64xf32, #tpu.memory_space<vmem_shared>>
          tpu.wait_indirect_dma semaphore(%run_scoped3A : memref<!tpu.dma_semaphore, #tpu.memory_space<semaphore_mem>>) src(%arg12 : memref<400x64xf32, #tpu.memory_space<vmem>>) dst(%dma_wait3A_859 : memref<10112x64xf32, #tpu.memory_space<vmem_shared>>)
          tpu.yield
        }) : () -> ()
        %scan3A_853 = arith.constant 0 : i32
        scf.yield %scan3A_853 : i32
      }
      %scan3A_202 = arith.constant 25 : i32
      %barrier3A_203 = arith.constant 0 : index
      tpu.barrier barrier_id(%barrier3A_203)
      %mul3A_204 = arith.constant 5120 : i32
      %mul3A_205 = arith.muli %arg0, %mul3A_204 : i32
      %add3A_206 = arith.constant 0 : i32
      %add3A_207 = arith.addi %multiple_of3A_3, %add3A_206 : i32
      %multiple_of3A_208 = tpu.assume_multiple %add3A_207, 8 : i32
      %dma_start3A_209 = arith.constant 0 : i32
      %dma_start3A_210 = arith.constant 0 : i32
      %dma_start3A_211 = tpu.memref_slice %arg13[%dma_start3A_209, %dma_start3A_210] : memref<160x64xf32, #tpu.memory_space<vmem>> -> memref<160x64xf32, #tpu.memory_space<vmem>>
      %dma_start3A_212 = arith.constant 0 : i32
      %dma_start3A_213 = tpu.memref_slice %arg20[%multiple_of3A_208, %dma_start3A_212] : memref<10112x64xf32, #tpu.memory_space<vmem_shared>> -> memref<160x64xf32, #tpu.memory_space<vmem_shared>>
      %dma_start3A_214 = arith.constant 0 : i32
      %dma_start3A_215 = arith.constant 0 : i32
      %dma_start3A_216 = tpu.memref_slice %arg13[%dma_start3A_214, %dma_start3A_215] : memref<160x64xf32, #tpu.memory_space<vmem>> -> memref<160x64xf32, #tpu.memory_space<vmem>>
      %dma_start3A_217 = arith.constant 0 : i32
      %dma_start3A_218 = tpu.memref_slice %arg20[%multiple_of3A_208, %dma_start3A_217] : memref<10112x64xf32, #tpu.memory_space<vmem_shared>> -> memref<160x64xf32, #tpu.memory_space<vmem_shared>>
      tpu.enqueue_dma source(%dma_start3A_218 : memref<160x64xf32, #tpu.memory_space<vmem_shared>>) target(%dma_start3A_216 : memref<160x64xf32, #tpu.memory_space<vmem>>) target_semaphore(%arg21 : memref<!tpu.dma_semaphore, #tpu.memory_space<semaphore_mem>>)
      %dma_start3A_219 = arith.constant 0 : i32
      %dma_start3A_220 = arith.constant 0 : i32
      %dma_start3A_221 = tpu.memref_slice %arg14[%dma_start3A_219, %dma_start3A_220] : memref<160x64xf32, #tpu.memory_space<vmem>> -> memref<160x64xf32, #tpu.memory_space<vmem>>
      %dma_start3A_222 = arith.constant 0 : i32
      %dma_start3A_223 = tpu.memref_slice %arg10[%multiple_of3A_208, %dma_start3A_222] : memref<5120x64xf32, #tpu.memory_space<hbm>> -> memref<160x64xf32, #tpu.memory_space<hbm>>
      %dma_start3A_224 = arith.constant 0 : i32
      %dma_start3A_225 = arith.constant 0 : i32
      %dma_start3A_226 = tpu.memref_slice %arg14[%dma_start3A_224, %dma_start3A_225] : memref<160x64xf32, #tpu.memory_space<vmem>> -> memref<160x64xf32, #tpu.memory_space<vmem>>
      %dma_start3A_227 = arith.constant 0 : i32
      %dma_start3A_228 = tpu.memref_slice %arg10[%multiple_of3A_208, %dma_start3A_227] : memref<5120x64xf32, #tpu.memory_space<hbm>> -> memref<160x64xf32, #tpu.memory_space<hbm>>
      tpu.enqueue_dma source(%dma_start3A_228 : memref<160x64xf32, #tpu.memory_space<hbm>>) target(%dma_start3A_226 : memref<160x64xf32, #tpu.memory_space<vmem>>) target_semaphore(%arg22 : memref<!tpu.dma_semaphore, #tpu.memory_space<semaphore_mem>>)
      %dma_wait3A = arith.constant 0 : i32
      %dma_wait3A_229 = arith.constant 0 : i32
      %dma_wait3A_230 = tpu.memref_slice %arg13[%dma_wait3A, %dma_wait3A_229] : memref<160x64xf32, #tpu.memory_space<vmem>> -> memref<160x64xf32, #tpu.memory_space<vmem>>
      %dma_wait3A_231 = arith.constant 0 : i32
      %dma_wait3A_232 = tpu.memref_slice %arg20[%multiple_of3A_208, %dma_wait3A_231] : memref<10112x64xf32, #tpu.memory_space<vmem_shared>> -> memref<160x64xf32, #tpu.memory_space<vmem_shared>>
      %dma_wait3A_233 = arith.constant 0 : i32
      %dma_wait3A_234 = arith.constant 0 : i32
      %dma_wait3A_235 = tpu.memref_slice %arg13[%dma_wait3A_233, %dma_wait3A_234] : memref<160x64xf32, #tpu.memory_space<vmem>> -> memref<160x64xf32, #tpu.memory_space<vmem>>
      %dma_wait3A_236 = arith.constant 0 : i32
      %dma_wait3A_237 = tpu.memref_slice %arg20[%multiple_of3A_208, %dma_wait3A_236] : memref<10112x64xf32, #tpu.memory_space<vmem_shared>> -> memref<160x64xf32, #tpu.memory_space<vmem_shared>>
      tpu.wait_dma2 semaphore(%arg21 : memref<!tpu.dma_semaphore, #tpu.memory_space<semaphore_mem>>) src(%dma_wait3A_237 : memref<160x64xf32, #tpu.memory_space<vmem_shared>>) dst(%dma_wait3A_235 : memref<160x64xf32, #tpu.memory_space<vmem>>)
      %dma_wait3A_238 = arith.constant 0 : i32
      %dma_wait3A_239 = arith.constant 0 : i32
      %dma_wait3A_240 = tpu.memref_slice %arg14[%dma_wait3A_238, %dma_wait3A_239] : memref<160x64xf32, #tpu.memory_space<vmem>> -> memref<160x64xf32, #tpu.memory_space<vmem>>
      %dma_wait3A_241 = arith.constant 0 : i32
      %dma_wait3A_242 = tpu.memref_slice %arg10[%multiple_of3A_208, %dma_wait3A_241] : memref<5120x64xf32, #tpu.memory_space<hbm>> -> memref<160x64xf32, #tpu.memory_space<hbm>>
      %dma_wait3A_243 = arith.constant 0 : i32
      %dma_wait3A_244 = arith.constant 0 : i32
      %dma_wait3A_245 = tpu.memref_slice %arg14[%dma_wait3A_243, %dma_wait3A_244] : memref<160x64xf32, #tpu.memory_space<vmem>> -> memref<160x64xf32, #tpu.memory_space<vmem>>
      %dma_wait3A_246 = arith.constant 0 : i32
      %dma_wait3A_247 = tpu.memref_slice %arg10[%multiple_of3A_208, %dma_wait3A_246] : memref<5120x64xf32, #tpu.memory_space<hbm>> -> memref<160x64xf32, #tpu.memory_space<hbm>>
      tpu.wait_dma2 semaphore(%arg22 : memref<!tpu.dma_semaphore, #tpu.memory_space<semaphore_mem>>) src(%dma_wait3A_247 : memref<160x64xf32, #tpu.memory_space<hbm>>) dst(%dma_wait3A_245 : memref<160x64xf32, #tpu.memory_space<vmem>>)
      %scan3A_248 = arith.constant 0 : i32
      %scan3A_249 = arith.constant 0 : i32
      %scan3A_250 = arith.constant 160 : i32
      %scan3A_251 = arith.addi %scan3A_249, %scan3A_250 : i32
      %scan3A_252 = arith.constant 1 : i32
      %scan3A_253 = scf.for %scan3A_820 = %scan3A_249 to %scan3A_251 step %scan3A_252 iter_args(%scan3A_821 = %scan3A_248) -> (i32)  : i32 {
        %get3A = arith.index_cast %scan3A_820 : i32 to index
        %get3A_822 = arith.constant 0 : index
        %get3A_823 = tpu.vector_load %arg13[%get3A, %get3A_822] {strides = array<i32>} : memref<160x64xf32, #tpu.memory_space<vmem>>, vector<1x16xf32>,
        %get3A_824 = vector.shape_cast %get3A_823 : vector<1x16xf32> to vector<16xf32>
        %get3A_825 = arith.index_cast %scan3A_820 : i32 to index
        %get3A_826 = arith.constant 0 : index
        %get3A_827 = tpu.vector_load %arg14[%get3A_825, %get3A_826] {strides = array<i32>} : memref<160x64xf32, #tpu.memory_space<vmem>>, vector<1x16xf32>,
        %get3A_828 = vector.shape_cast %get3A_827 : vector<1x16xf32> to vector<16xf32>
        %mul3A_829 = arith.mulf %get3A_824, %get3A_828 : vector<16xf32>
        %swap3A = arith.index_cast %scan3A_820 : i32 to index
        %swap3A_830 = arith.constant 0 : index
        %swap3A_831 = tpu.vector_load %arg14[%swap3A, %swap3A_830] {strides = array<i32>} : memref<160x64xf32, #tpu.memory_space<vmem>>, vector<1x16xf32>,
        %swap3A_832 = vector.shape_cast %swap3A_831 : vector<1x16xf32> to vector<16xf32>
        %swap3A_833 = vector.shape_cast %mul3A_829 : vector<16xf32> to vector<1x16xf32>
        tpu.vector_store %arg14[%swap3A, %swap3A_830], %swap3A_833 {strides = array<i32>} : memref<160x64xf32, #tpu.memory_space<vmem>>, vector<1x16xf32>,
        %get3A_834 = arith.index_cast %scan3A_820 : i32 to index
        %get3A_835 = arith.constant 16 : index
        %get3A_836 = tpu.vector_load %arg13[%get3A_834, %get3A_835] {strides = array<i32>} : memref<160x64xf32, #tpu.memory_space<vmem>>, vector<1x16xf32>,
        %get3A_837 = vector.shape_cast %get3A_836 : vector<1x16xf32> to vector<16xf32>
        %get3A_838 = arith.index_cast %scan3A_820 : i32 to index
        %get3A_839 = arith.constant 16 : index
        %get3A_840 = tpu.vector_load %arg14[%get3A_838, %get3A_839] {strides = array<i32>} : memref<160x64xf32, #tpu.memory_space<vmem>>, vector<1x16xf32>,
        %get3A_841 = vector.shape_cast %get3A_840 : vector<1x16xf32> to vector<16xf32>
        %mul3A_842 = arith.mulf %get3A_837, %get3A_841 : vector<16xf32>
        %swap3A_843 = arith.index_cast %scan3A_820 : i32 to index
        %swap3A_844 = arith.constant 16 : index
        %swap3A_845 = tpu.vector_load %arg14[%swap3A_843, %swap3A_844] {strides = array<i32>} : memref<160x64xf32, #tpu.memory_space<vmem>>, vector<1x16xf32>,
        %swap3A_846 = vector.shape_cast %swap3A_845 : vector<1x16xf32> to vector<16xf32>
        %swap3A_847 = vector.shape_cast %mul3A_842 : vector<16xf32> to vector<1x16xf32>
        tpu.vector_store %arg14[%swap3A_843, %swap3A_844], %swap3A_847 {strides = array<i32>} : memref<160x64xf32, #tpu.memory_space<vmem>>, vector<1x16xf32>,
        %get3A_848 = arith.index_cast %scan3A_820 : i32 to index
        %get3A_849 = arith.constant 32 : index
        %get3A_850 = tpu.vector_load %arg13[%get3A_848, %get3A_849] {strides = array<i32>} : memref<160x64xf32, #tpu.memory_space<vmem>>, vector<1x16xf32>,
        %get3A_851 = vector.shape_cast %get3A_850 : vector<1x16xf32> to vector<16xf32>
        %get3A_852 = arith.index_cast %scan3A_820 : i32 to index
        %get3A_853 = arith.constant 32 : index
        %get3A_854 = tpu.vector_load %arg14[%get3A_852, %get3A_853] {strides = array<i32>} : memref<160x64xf32, #tpu.memory_space<vmem>>, vector<1x16xf32>,
        %get3A_855 = vector.shape_cast %get3A_854 : vector<1x16xf32> to vector<16xf32>
        %mul3A_856 = arith.mulf %get3A_851, %get3A_855 : vector<16xf32>
        %swap3A_857 = arith.index_cast %scan3A_820 : i32 to index
        %swap3A_858 = arith.constant 32 : index
        %swap3A_859 = tpu.vector_load %arg14[%swap3A_857, %swap3A_858] {strides = array<i32>} : memref<160x64xf32, #tpu.memory_space<vmem>>, vector<1x16xf32>,
        %swap3A_860 = vector.shape_cast %swap3A_859 : vector<1x16xf32> to vector<16xf32>
        %swap3A_861 = vector.shape_cast %mul3A_856 : vector<16xf32> to vector<1x16xf32>
        tpu.vector_store %arg14[%swap3A_857, %swap3A_858], %swap3A_861 {strides = array<i32>} : memref<160x64xf32, #tpu.memory_space<vmem>>, vector<1x16xf32>,
        %get3A_862 = arith.index_cast %scan3A_820 : i32 to index
        %get3A_863 = arith.constant 48 : index
        %get3A_864 = tpu.vector_load %arg13[%get3A_862, %get3A_863] {strides = array<i32>} : memref<160x64xf32, #tpu.memory_space<vmem>>, vector<1x16xf32>,
        %get3A_865 = vector.shape_cast %get3A_864 : vector<1x16xf32> to vector<16xf32>
        %get3A_866 = arith.index_cast %scan3A_820 : i32 to index
        %get3A_867 = arith.constant 48 : index
        %get3A_868 = tpu.vector_load %arg14[%get3A_866, %get3A_867] {strides = array<i32>} : memref<160x64xf32, #tpu.memory_space<vmem>>, vector<1x16xf32>,
        %get3A_869 = vector.shape_cast %get3A_868 : vector<1x16xf32> to vector<16xf32>
        %mul3A_870 = arith.mulf %get3A_865, %get3A_869 : vector<16xf32>
        %swap3A_871 = arith.index_cast %scan3A_820 : i32 to index
        %swap3A_872 = arith.constant 48 : index
        %swap3A_873 = tpu.vector_load %arg14[%swap3A_871, %swap3A_872] {strides = array<i32>} : memref<160x64xf32, #tpu.memory_space<vmem>>, vector<1x16xf32>,
        %swap3A_874 = vector.shape_cast %swap3A_873 : vector<1x16xf32> to vector<16xf32>
        %swap3A_875 = vector.shape_cast %mul3A_870 : vector<16xf32> to vector<1x16xf32>
        tpu.vector_store %arg14[%swap3A_871, %swap3A_872], %swap3A_875 {strides = array<i32>} : memref<160x64xf32, #tpu.memory_space<vmem>>, vector<1x16xf32>,
        %scan3A_876 = arith.constant 0 : i32
        scf.yield %scan3A_876 : i32
      }
      %scan3A_254 = arith.constant 160 : i32
      %add3A_255 = arith.addi %mul3A_205, %multiple_of3A_3 : i32
      %add3A_256 = arith.constant 0 : i32
      %add3A_257 = arith.addi %add3A_255, %add3A_256 : i32
      %multiple_of3A_258 = tpu.assume_multiple %add3A_257, 8 : i32
      %dma_start3A_259 = arith.constant 0 : i32
      %dma_start3A_260 = arith.constant 0 : i32
      %dma_start3A_261 = tpu.memref_slice %arg13[%dma_start3A_259, %dma_start3A_260] : memref<160x64xf32, #tpu.memory_space<vmem>> -> memref<160x64xf32, #tpu.memory_space<vmem>>
      %dma_start3A_262 = arith.constant 0 : i32
      %dma_start3A_263 = tpu.memref_slice %arg6[%arg0, %scan3A_181, %multiple_of3A_208, %dma_start3A_262] : memref<2x16x5120x64xf32, #tpu.memory_space<hbm>> -> memref<1x1x160x64xf32, #tpu.memory_space<hbm>>
      %dma_start3A_264 = tpu.memref_squeeze %dma_start3A_263 : memref<1x1x160x64xf32, #tpu.memory_space<hbm>> -> memref<160x64xf32, #tpu.memory_space<hbm>>
      %dma_start3A_265 = arith.constant 0 : i32
      %dma_start3A_266 = tpu.memref_slice %arg6[%arg0, %scan3A_181, %multiple_of3A_208, %dma_start3A_265] : memref<2x16x5120x64xf32, #tpu.memory_space<hbm>> -> memref<1x1x160x64xf32, #tpu.memory_space<hbm>>
      %dma_start3A_267 = tpu.memref_squeeze %dma_start3A_266 : memref<1x1x160x64xf32, #tpu.memory_space<hbm>> -> memref<160x64xf32, #tpu.memory_space<hbm>>
      %dma_start3A_268 = arith.constant 0 : i32
      %dma_start3A_269 = arith.constant 0 : i32
      %dma_start3A_270 = tpu.memref_slice %arg13[%dma_start3A_268, %dma_start3A_269] : memref<160x64xf32, #tpu.memory_space<vmem>> -> memref<160x64xf32, #tpu.memory_space<vmem>>
      tpu.enqueue_dma source(%dma_start3A_270 : memref<160x64xf32, #tpu.memory_space<vmem>>) target(%dma_start3A_267 : memref<160x64xf32, #tpu.memory_space<hbm>>) target_semaphore(%arg21 : memref<!tpu.dma_semaphore, #tpu.memory_space<semaphore_mem>>)
      %dma_start3A_271 = arith.constant 0 : i32
      %dma_start3A_272 = arith.constant 0 : i32
      %dma_start3A_273 = tpu.memref_slice %arg14[%dma_start3A_271, %dma_start3A_272] : memref<160x64xf32, #tpu.memory_space<vmem>> -> memref<160x64xf32, #tpu.memory_space<vmem>>
      %dma_start3A_274 = arith.constant 0 : i32
      %dma_start3A_275 = tpu.memref_slice %arg8[%multiple_of3A_258, %dma_start3A_274] : memref<10240x64xf32, #tpu.memory_space<hbm>> -> memref<160x64xf32, #tpu.memory_space<hbm>>
      %dma_start3A_276 = arith.constant 0 : i32
      %dma_start3A_277 = tpu.memref_slice %arg8[%multiple_of3A_258, %dma_start3A_276] : memref<10240x64xf32, #tpu.memory_space<hbm>> -> memref<160x64xf32, #tpu.memory_space<hbm>>
      %dma_start3A_278 = arith.constant 0 : i32
      %dma_start3A_279 = arith.constant 0 : i32
      %dma_start3A_280 = tpu.memref_slice %arg14[%dma_start3A_278, %dma_start3A_279] : memref<160x64xf32, #tpu.memory_space<vmem>> -> memref<160x64xf32, #tpu.memory_space<vmem>>
      tpu.enqueue_dma source(%dma_start3A_280 : memref<160x64xf32, #tpu.memory_space<vmem>>) target(%dma_start3A_277 : memref<160x64xf32, #tpu.memory_space<hbm>>) target_semaphore(%arg22 : memref<!tpu.dma_semaphore, #tpu.memory_space<semaphore_mem>>)
      "tpu.region"() ({
        %run_scoped3A = tpu.sem_alloc : memref<!tpu.dma_semaphore, #tpu.memory_space<semaphore_mem>>
        %dma_start3A_820 = arith.constant 0 : i32
        %dma_start3A_821 = arith.constant 0 : i32
        %dma_start3A_822 = tpu.memref_slice %arg15[%dma_start3A_820, %dma_start3A_821] : memref<160x64xf32, #tpu.memory_space<vmem>> -> memref<160x64xf32, #tpu.memory_space<vmem>>
        %dma_start3A_823 = arith.constant 0 : i32
        %dma_start3A_824 = tpu.memref_slice %arg20[%multiple_of3A_208, %dma_start3A_823] : memref<10112x64xf32, #tpu.memory_space<vmem_shared>> -> memref<160x64xf32, #tpu.memory_space<vmem_shared>>
        %dma_start3A_825 = arith.constant 0 : i32
        %dma_start3A_826 = tpu.memref_slice %arg20[%multiple_of3A_208, %dma_start3A_825] : memref<10112x64xf32, #tpu.memory_space<vmem_shared>> -> memref<160x64xf32, #tpu.memory_space<vmem_shared>>
        %dma_start3A_827 = arith.constant 0 : i32
        %dma_start3A_828 = arith.constant 0 : i32
        %dma_start3A_829 = tpu.memref_slice %arg15[%dma_start3A_827, %dma_start3A_828] : memref<160x64xf32, #tpu.memory_space<vmem>> -> memref<160x64xf32, #tpu.memory_space<vmem>>
        tpu.enqueue_dma source(%dma_start3A_829 : memref<160x64xf32, #tpu.memory_space<vmem>>) target(%dma_start3A_826 : memref<160x64xf32, #tpu.memory_space<vmem_shared>>) target_semaphore(%run_scoped3A : memref<!tpu.dma_semaphore, #tpu.memory_space<semaphore_mem>>)
        %dma_wait3A_830 = arith.constant 0 : i32
        %dma_wait3A_831 = arith.constant 0 : i32
        %dma_wait3A_832 = tpu.memref_slice %arg15[%dma_wait3A_830, %dma_wait3A_831] : memref<160x64xf32, #tpu.memory_space<vmem>> -> memref<160x64xf32, #tpu.memory_space<vmem>>
        %dma_wait3A_833 = arith.constant 0 : i32
        %dma_wait3A_834 = tpu.memref_slice %arg20[%multiple_of3A_208, %dma_wait3A_833] : memref<10112x64xf32, #tpu.memory_space<vmem_shared>> -> memref<160x64xf32, #tpu.memory_space<vmem_shared>>
        %dma_wait3A_835 = arith.constant 0 : i32
        %dma_wait3A_836 = tpu.memref_slice %arg20[%multiple_of3A_208, %dma_wait3A_835] : memref<10112x64xf32, #tpu.memory_space<vmem_shared>> -> memref<160x64xf32, #tpu.memory_space<vmem_shared>>
        %dma_wait3A_837 = arith.constant 0 : i32
        %dma_wait3A_838 = arith.constant 0 : i32
        %dma_wait3A_839 = tpu.memref_slice %arg15[%dma_wait3A_837, %dma_wait3A_838] : memref<160x64xf32, #tpu.memory_space<vmem>> -> memref<160x64xf32, #tpu.memory_space<vmem>>
        tpu.wait_dma2 semaphore(%run_scoped3A : memref<!tpu.dma_semaphore, #tpu.memory_space<semaphore_mem>>) src(%dma_wait3A_839 : memref<160x64xf32, #tpu.memory_space<vmem>>) dst(%dma_wait3A_836 : memref<160x64xf32, #tpu.memory_space<vmem_shared>>)
        tpu.yield
      }) : () -> ()
      %dma_wait3A_281 = arith.constant 0 : i32
      %dma_wait3A_282 = arith.constant 0 : i32
      %dma_wait3A_283 = tpu.memref_slice %arg13[%dma_wait3A_281, %dma_wait3A_282] : memref<160x64xf32, #tpu.memory_space<vmem>> -> memref<160x64xf32, #tpu.memory_space<vmem>>
      %dma_wait3A_284 = arith.constant 0 : i32
      %dma_wait3A_285 = tpu.memref_slice %arg6[%arg0, %scan3A_181, %multiple_of3A_208, %dma_wait3A_284] : memref<2x16x5120x64xf32, #tpu.memory_space<hbm>> -> memref<1x1x160x64xf32, #tpu.memory_space<hbm>>
      %dma_wait3A_286 = tpu.memref_squeeze %dma_wait3A_285 : memref<1x1x160x64xf32, #tpu.memory_space<hbm>> -> memref<160x64xf32, #tpu.memory_space<hbm>>
      %dma_wait3A_287 = arith.constant 0 : i32
      %dma_wait3A_288 = tpu.memref_slice %arg6[%arg0, %scan3A_181, %multiple_of3A_208, %dma_wait3A_287] : memref<2x16x5120x64xf32, #tpu.memory_space<hbm>> -> memref<1x1x160x64xf32, #tpu.memory_space<hbm>>
      %dma_wait3A_289 = tpu.memref_squeeze %dma_wait3A_288 : memref<1x1x160x64xf32, #tpu.memory_space<hbm>> -> memref<160x64xf32, #tpu.memory_space<hbm>>
      %dma_wait3A_290 = arith.constant 0 : i32
      %dma_wait3A_291 = arith.constant 0 : i32
      %dma_wait3A_292 = tpu.memref_slice %arg13[%dma_wait3A_290, %dma_wait3A_291] : memref<160x64xf32, #tpu.memory_space<vmem>> -> memref<160x64xf32, #tpu.memory_space<vmem>>
      tpu.wait_dma2 semaphore(%arg21 : memref<!tpu.dma_semaphore, #tpu.memory_space<semaphore_mem>>) src(%dma_wait3A_292 : memref<160x64xf32, #tpu.memory_space<vmem>>) dst(%dma_wait3A_289 : memref<160x64xf32, #tpu.memory_space<hbm>>)
      %dma_wait3A_293 = arith.constant 0 : i32
      %dma_wait3A_294 = arith.constant 0 : i32
      %dma_wait3A_295 = tpu.memref_slice %arg14[%dma_wait3A_293, %dma_wait3A_294] : memref<160x64xf32, #tpu.memory_space<vmem>> -> memref<160x64xf32, #tpu.memory_space<vmem>>
      %dma_wait3A_296 = arith.constant 0 : i32
      %dma_wait3A_297 = tpu.memref_slice %arg8[%multiple_of3A_258, %dma_wait3A_296] : memref<10240x64xf32, #tpu.memory_space<hbm>> -> memref<160x64xf32, #tpu.memory_space<hbm>>
      %dma_wait3A_298 = arith.constant 0 : i32
      %dma_wait3A_299 = tpu.memref_slice %arg8[%multiple_of3A_258, %dma_wait3A_298] : memref<10240x64xf32, #tpu.memory_space<hbm>> -> memref<160x64xf32, #tpu.memory_space<hbm>>
      %dma_wait3A_300 = arith.constant 0 : i32
      %dma_wait3A_301 = arith.constant 0 : i32
      %dma_wait3A_302 = tpu.memref_slice %arg14[%dma_wait3A_300, %dma_wait3A_301] : memref<160x64xf32, #tpu.memory_space<vmem>> -> memref<160x64xf32, #tpu.memory_space<vmem>>
      tpu.wait_dma2 semaphore(%arg22 : memref<!tpu.dma_semaphore, #tpu.memory_space<semaphore_mem>>) src(%dma_wait3A_302 : memref<160x64xf32, #tpu.memory_space<vmem>>) dst(%dma_wait3A_299 : memref<160x64xf32, #tpu.memory_space<hbm>>)
      %add3A_303 = arith.constant 160 : i32
      %add3A_304 = arith.addi %multiple_of3A_3, %add3A_303 : i32
      %multiple_of3A_305 = tpu.assume_multiple %add3A_304, 8 : i32
      %dma_start3A_306 = arith.constant 0 : i32
      %dma_start3A_307 = arith.constant 0 : i32
      %dma_start3A_308 = tpu.memref_slice %arg13[%dma_start3A_306, %dma_start3A_307] : memref<160x64xf32, #tpu.memory_space<vmem>> -> memref<160x64xf32, #tpu.memory_space<vmem>>
      %dma_start3A_309 = arith.constant 0 : i32
      %dma_start3A_310 = tpu.memref_slice %arg20[%multiple_of3A_305, %dma_start3A_309] : memref<10112x64xf32, #tpu.memory_space<vmem_shared>> -> memref<160x64xf32, #tpu.memory_space<vmem_shared>>
      %dma_start3A_311 = arith.constant 0 : i32
      %dma_start3A_312 = arith.constant 0 : i32
      %dma_start3A_313 = tpu.memref_slice %arg13[%dma_start3A_311, %dma_start3A_312] : memref<160x64xf32, #tpu.memory_space<vmem>> -> memref<160x64xf32, #tpu.memory_space<vmem>>
      %dma_start3A_314 = arith.constant 0 : i32
      %dma_start3A_315 = tpu.memref_slice %arg20[%multiple_of3A_305, %dma_start3A_314] : memref<10112x64xf32, #tpu.memory_space<vmem_shared>> -> memref<160x64xf32, #tpu.memory_space<vmem_shared>>
      tpu.enqueue_dma source(%dma_start3A_315 : memref<160x64xf32, #tpu.memory_space<vmem_shared>>) target(%dma_start3A_313 : memref<160x64xf32, #tpu.memory_space<vmem>>) target_semaphore(%arg21 : memref<!tpu.dma_semaphore, #tpu.memory_space<semaphore_mem>>)
      %dma_start3A_316 = arith.constant 0 : i32
      %dma_start3A_317 = arith.constant 0 : i32
      %dma_start3A_318 = tpu.memref_slice %arg14[%dma_start3A_316, %dma_start3A_317] : memref<160x64xf32, #tpu.memory_space<vmem>> -> memref<160x64xf32, #tpu.memory_space<vmem>>
      %dma_start3A_319 = arith.constant 0 : i32
      %dma_start3A_320 = tpu.memref_slice %arg10[%multiple_of3A_305, %dma_start3A_319] : memref<5120x64xf32, #tpu.memory_space<hbm>> -> memref<160x64xf32, #tpu.memory_space<hbm>>
      %dma_start3A_321 = arith.constant 0 : i32
      %dma_start3A_322 = arith.constant 0 : i32
      %dma_start3A_323 = tpu.memref_slice %arg14[%dma_start3A_321, %dma_start3A_322] : memref<160x64xf32, #tpu.memory_space<vmem>> -> memref<160x64xf32, #tpu.memory_space<vmem>>
      %dma_start3A_324 = arith.constant 0 : i32
      %dma_start3A_325 = tpu.memref_slice %arg10[%multiple_of3A_305, %dma_start3A_324] : memref<5120x64xf32, #tpu.memory_space<hbm>> -> memref<160x64xf32, #tpu.memory_space<hbm>>
      tpu.enqueue_dma source(%dma_start3A_325 : memref<160x64xf32, #tpu.memory_space<hbm>>) target(%dma_start3A_323 : memref<160x64xf32, #tpu.memory_space<vmem>>) target_semaphore(%arg22 : memref<!tpu.dma_semaphore, #tpu.memory_space<semaphore_mem>>)
      %dma_wait3A_326 = arith.constant 0 : i32
      %dma_wait3A_327 = arith.constant 0 : i32
      %dma_wait3A_328 = tpu.memref_slice %arg13[%dma_wait3A_326, %dma_wait3A_327] : memref<160x64xf32, #tpu.memory_space<vmem>> -> memref<160x64xf32, #tpu.memory_space<vmem>>
      %dma_wait3A_329 = arith.constant 0 : i32
      %dma_wait3A_330 = tpu.memref_slice %arg20[%multiple_of3A_305, %dma_wait3A_329] : memref<10112x64xf32, #tpu.memory_space<vmem_shared>> -> memref<160x64xf32, #tpu.memory_space<vmem_shared>>
      %dma_wait3A_331 = arith.constant 0 : i32
      %dma_wait3A_332 = arith.constant 0 : i32
      %dma_wait3A_333 = tpu.memref_slice %arg13[%dma_wait3A_331, %dma_wait3A_332] : memref<160x64xf32, #tpu.memory_space<vmem>> -> memref<160x64xf32, #tpu.memory_space<vmem>>
      %dma_wait3A_334 = arith.constant 0 : i32
      %dma_wait3A_335 = tpu.memref_slice %arg20[%multiple_of3A_305, %dma_wait3A_334] : memref<10112x64xf32, #tpu.memory_space<vmem_shared>> -> memref<160x64xf32, #tpu.memory_space<vmem_shared>>
      tpu.wait_dma2 semaphore(%arg21 : memref<!tpu.dma_semaphore, #tpu.memory_space<semaphore_mem>>) src(%dma_wait3A_335 : memref<160x64xf32, #tpu.memory_space<vmem_shared>>) dst(%dma_wait3A_333 : memref<160x64xf32, #tpu.memory_space<vmem>>)
      %dma_wait3A_336 = arith.constant 0 : i32
      %dma_wait3A_337 = arith.constant 0 : i32
      %dma_wait3A_338 = tpu.memref_slice %arg14[%dma_wait3A_336, %dma_wait3A_337] : memref<160x64xf32, #tpu.memory_space<vmem>> -> memref<160x64xf32, #tpu.memory_space<vmem>>
      %dma_wait3A_339 = arith.constant 0 : i32
      %dma_wait3A_340 = tpu.memref_slice %arg10[%multiple_of3A_305, %dma_wait3A_339] : memref<5120x64xf32, #tpu.memory_space<hbm>> -> memref<160x64xf32, #tpu.memory_space<hbm>>
      %dma_wait3A_341 = arith.constant 0 : i32
      %dma_wait3A_342 = arith.constant 0 : i32
      %dma_wait3A_343 = tpu.memref_slice %arg14[%dma_wait3A_341, %dma_wait3A_342] : memref<160x64xf32, #tpu.memory_space<vmem>> -> memref<160x64xf32, #tpu.memory_space<vmem>>
      %dma_wait3A_344 = arith.constant 0 : i32
      %dma_wait3A_345 = tpu.memref_slice %arg10[%multiple_of3A_305, %dma_wait3A_344] : memref<5120x64xf32, #tpu.memory_space<hbm>> -> memref<160x64xf32, #tpu.memory_space<hbm>>
      tpu.wait_dma2 semaphore(%arg22 : memref<!tpu.dma_semaphore, #tpu.memory_space<semaphore_mem>>) src(%dma_wait3A_345 : memref<160x64xf32, #tpu.memory_space<hbm>>) dst(%dma_wait3A_343 : memref<160x64xf32, #tpu.memory_space<vmem>>)
      %scan3A_346 = arith.constant 0 : i32
      %scan3A_347 = arith.constant 0 : i32
      %scan3A_348 = arith.constant 160 : i32
      %scan3A_349 = arith.addi %scan3A_347, %scan3A_348 : i32
      %scan3A_350 = arith.constant 1 : i32
      %scan3A_351 = scf.for %scan3A_820 = %scan3A_347 to %scan3A_349 step %scan3A_350 iter_args(%scan3A_821 = %scan3A_346) -> (i32)  : i32 {
        %get3A = arith.index_cast %scan3A_820 : i32 to index
        %get3A_822 = arith.constant 0 : index
        %get3A_823 = tpu.vector_load %arg13[%get3A, %get3A_822] {strides = array<i32>} : memref<160x64xf32, #tpu.memory_space<vmem>>, vector<1x16xf32>,
        %get3A_824 = vector.shape_cast %get3A_823 : vector<1x16xf32> to vector<16xf32>
        %get3A_825 = arith.index_cast %scan3A_820 : i32 to index
        %get3A_826 = arith.constant 0 : index
        %get3A_827 = tpu.vector_load %arg14[%get3A_825, %get3A_826] {strides = array<i32>} : memref<160x64xf32, #tpu.memory_space<vmem>>, vector<1x16xf32>,
        %get3A_828 = vector.shape_cast %get3A_827 : vector<1x16xf32> to vector<16xf32>
        %mul3A_829 = arith.mulf %get3A_824, %get3A_828 : vector<16xf32>
        %swap3A = arith.index_cast %scan3A_820 : i32 to index
        %swap3A_830 = arith.constant 0 : index
        %swap3A_831 = tpu.vector_load %arg14[%swap3A, %swap3A_830] {strides = array<i32>} : memref<160x64xf32, #tpu.memory_space<vmem>>, vector<1x16xf32>,
        %swap3A_832 = vector.shape_cast %swap3A_831 : vector<1x16xf32> to vector<16xf32>
        %swap3A_833 = vector.shape_cast %mul3A_829 : vector<16xf32> to vector<1x16xf32>
        tpu.vector_store %arg14[%swap3A, %swap3A_830], %swap3A_833 {strides = array<i32>} : memref<160x64xf32, #tpu.memory_space<vmem>>, vector<1x16xf32>,
        %get3A_834 = arith.index_cast %scan3A_820 : i32 to index
        %get3A_835 = arith.constant 16 : index
        %get3A_836 = tpu.vector_load %arg13[%get3A_834, %get3A_835] {strides = array<i32>} : memref<160x64xf32, #tpu.memory_space<vmem>>, vector<1x16xf32>,
        %get3A_837 = vector.shape_cast %get3A_836 : vector<1x16xf32> to vector<16xf32>
        %get3A_838 = arith.index_cast %scan3A_820 : i32 to index
        %get3A_839 = arith.constant 16 : index
        %get3A_840 = tpu.vector_load %arg14[%get3A_838, %get3A_839] {strides = array<i32>} : memref<160x64xf32, #tpu.memory_space<vmem>>, vector<1x16xf32>,
        %get3A_841 = vector.shape_cast %get3A_840 : vector<1x16xf32> to vector<16xf32>
        %mul3A_842 = arith.mulf %get3A_837, %get3A_841 : vector<16xf32>
        %swap3A_843 = arith.index_cast %scan3A_820 : i32 to index
        %swap3A_844 = arith.constant 16 : index
        %swap3A_845 = tpu.vector_load %arg14[%swap3A_843, %swap3A_844] {strides = array<i32>} : memref<160x64xf32, #tpu.memory_space<vmem>>, vector<1x16xf32>,
        %swap3A_846 = vector.shape_cast %swap3A_845 : vector<1x16xf32> to vector<16xf32>
        %swap3A_847 = vector.shape_cast %mul3A_842 : vector<16xf32> to vector<1x16xf32>
        tpu.vector_store %arg14[%swap3A_843, %swap3A_844], %swap3A_847 {strides = array<i32>} : memref<160x64xf32, #tpu.memory_space<vmem>>, vector<1x16xf32>,
        %get3A_848 = arith.index_cast %scan3A_820 : i32 to index
        %get3A_849 = arith.constant 32 : index
        %get3A_850 = tpu.vector_load %arg13[%get3A_848, %get3A_849] {strides = array<i32>} : memref<160x64xf32, #tpu.memory_space<vmem>>, vector<1x16xf32>,
        %get3A_851 = vector.shape_cast %get3A_850 : vector<1x16xf32> to vector<16xf32>
        %get3A_852 = arith.index_cast %scan3A_820 : i32 to index
        %get3A_853 = arith.constant 32 : index
        %get3A_854 = tpu.vector_load %arg14[%get3A_852, %get3A_853] {strides = array<i32>} : memref<160x64xf32, #tpu.memory_space<vmem>>, vector<1x16xf32>,
        %get3A_855 = vector.shape_cast %get3A_854 : vector<1x16xf32> to vector<16xf32>
        %mul3A_856 = arith.mulf %get3A_851, %get3A_855 : vector<16xf32>
        %swap3A_857 = arith.index_cast %scan3A_820 : i32 to index
        %swap3A_858 = arith.constant 32 : index
        %swap3A_859 = tpu.vector_load %arg14[%swap3A_857, %swap3A_858] {strides = array<i32>} : memref<160x64xf32, #tpu.memory_space<vmem>>, vector<1x16xf32>,
        %swap3A_860 = vector.shape_cast %swap3A_859 : vector<1x16xf32> to vector<16xf32>
        %swap3A_861 = vector.shape_cast %mul3A_856 : vector<16xf32> to vector<1x16xf32>
        tpu.vector_store %arg14[%swap3A_857, %swap3A_858], %swap3A_861 {strides = array<i32>} : memref<160x64xf32, #tpu.memory_space<vmem>>, vector<1x16xf32>,
        %get3A_862 = arith.index_cast %scan3A_820 : i32 to index
        %get3A_863 = arith.constant 48 : index
        %get3A_864 = tpu.vector_load %arg13[%get3A_862, %get3A_863] {strides = array<i32>} : memref<160x64xf32, #tpu.memory_space<vmem>>, vector<1x16xf32>,
        %get3A_865 = vector.shape_cast %get3A_864 : vector<1x16xf32> to vector<16xf32>
        %get3A_866 = arith.index_cast %scan3A_820 : i32 to index
        %get3A_867 = arith.constant 48 : index
        %get3A_868 = tpu.vector_load %arg14[%get3A_866, %get3A_867] {strides = array<i32>} : memref<160x64xf32, #tpu.memory_space<vmem>>, vector<1x16xf32>,
        %get3A_869 = vector.shape_cast %get3A_868 : vector<1x16xf32> to vector<16xf32>
        %mul3A_870 = arith.mulf %get3A_865, %get3A_869 : vector<16xf32>
        %swap3A_871 = arith.index_cast %scan3A_820 : i32 to index
        %swap3A_872 = arith.constant 48 : index
        %swap3A_873 = tpu.vector_load %arg14[%swap3A_871, %swap3A_872] {strides = array<i32>} : memref<160x64xf32, #tpu.memory_space<vmem>>, vector<1x16xf32>,
        %swap3A_874 = vector.shape_cast %swap3A_873 : vector<1x16xf32> to vector<16xf32>
        %swap3A_875 = vector.shape_cast %mul3A_870 : vector<16xf32> to vector<1x16xf32>
        tpu.vector_store %arg14[%swap3A_871, %swap3A_872], %swap3A_875 {strides = array<i32>} : memref<160x64xf32, #tpu.memory_space<vmem>>, vector<1x16xf32>,
        %scan3A_876 = arith.constant 0 : i32
        scf.yield %scan3A_876 : i32
      }
      %scan3A_352 = arith.constant 160 : i32
      %add3A_353 = arith.addi %mul3A_205, %multiple_of3A_3 : i32
      %add3A_354 = arith.constant 160 : i32
      %add3A_355 = arith.addi %add3A_353, %add3A_354 : i32
      %multiple_of3A_356 = tpu.assume_multiple %add3A_355, 8 : i32
      %dma_start3A_357 = arith.constant 0 : i32
      %dma_start3A_358 = arith.constant 0 : i32
      %dma_start3A_359 = tpu.memref_slice %arg13[%dma_start3A_357, %dma_start3A_358] : memref<160x64xf32, #tpu.memory_space<vmem>> -> memref<160x64xf32, #tpu.memory_space<vmem>>
      %dma_start3A_360 = arith.constant 0 : i32
      %dma_start3A_361 = tpu.memref_slice %arg6[%arg0, %scan3A_181, %multiple_of3A_305, %dma_start3A_360] : memref<2x16x5120x64xf32, #tpu.memory_space<hbm>> -> memref<1x1x160x64xf32, #tpu.memory_space<hbm>>
      %dma_start3A_362 = tpu.memref_squeeze %dma_start3A_361 : memref<1x1x160x64xf32, #tpu.memory_space<hbm>> -> memref<160x64xf32, #tpu.memory_space<hbm>>
      %dma_start3A_363 = arith.constant 0 : i32
      %dma_start3A_364 = tpu.memref_slice %arg6[%arg0, %scan3A_181, %multiple_of3A_305, %dma_start3A_363] : memref<2x16x5120x64xf32, #tpu.memory_space<hbm>> -> memref<1x1x160x64xf32, #tpu.memory_space<hbm>>
      %dma_start3A_365 = tpu.memref_squeeze %dma_start3A_364 : memref<1x1x160x64xf32, #tpu.memory_space<hbm>> -> memref<160x64xf32, #tpu.memory_space<hbm>>
      %dma_start3A_366 = arith.constant 0 : i32
      %dma_start3A_367 = arith.constant 0 : i32
      %dma_start3A_368 = tpu.memref_slice %arg13[%dma_start3A_366, %dma_start3A_367] : memref<160x64xf32, #tpu.memory_space<vmem>> -> memref<160x64xf32, #tpu.memory_space<vmem>>
      tpu.enqueue_dma source(%dma_start3A_368 : memref<160x64xf32, #tpu.memory_space<vmem>>) target(%dma_start3A_365 : memref<160x64xf32, #tpu.memory_space<hbm>>) target_semaphore(%arg21 : memref<!tpu.dma_semaphore, #tpu.memory_space<semaphore_mem>>)
      %dma_start3A_369 = arith.constant 0 : i32
      %dma_start3A_370 = arith.constant 0 : i32
      %dma_start3A_371 = tpu.memref_slice %arg14[%dma_start3A_369, %dma_start3A_370] : memref<160x64xf32, #tpu.memory_space<vmem>> -> memref<160x64xf32, #tpu.memory_space<vmem>>
      %dma_start3A_372 = arith.constant 0 : i32
      %dma_start3A_373 = tpu.memref_slice %arg8[%multiple_of3A_356, %dma_start3A_372] : memref<10240x64xf32, #tpu.memory_space<hbm>> -> memref<160x64xf32, #tpu.memory_space<hbm>>
      %dma_start3A_374 = arith.constant 0 : i32
      %dma_start3A_375 = tpu.memref_slice %arg8[%multiple_of3A_356, %dma_start3A_374] : memref<10240x64xf32, #tpu.memory_space<hbm>> -> memref<160x64xf32, #tpu.memory_space<hbm>>
      %dma_start3A_376 = arith.constant 0 : i32
      %dma_start3A_377 = arith.constant 0 : i32
      %dma_start3A_378 = tpu.memref_slice %arg14[%dma_start3A_376, %dma_start3A_377] : memref<160x64xf32, #tpu.memory_space<vmem>> -> memref<160x64xf32, #tpu.memory_space<vmem>>
      tpu.enqueue_dma source(%dma_start3A_378 : memref<160x64xf32, #tpu.memory_space<vmem>>) target(%dma_start3A_375 : memref<160x64xf32, #tpu.memory_space<hbm>>) target_semaphore(%arg22 : memref<!tpu.dma_semaphore, #tpu.memory_space<semaphore_mem>>)
      "tpu.region"() ({
        %run_scoped3A = tpu.sem_alloc : memref<!tpu.dma_semaphore, #tpu.memory_space<semaphore_mem>>
        %dma_start3A_820 = arith.constant 0 : i32
        %dma_start3A_821 = arith.constant 0 : i32
        %dma_start3A_822 = tpu.memref_slice %arg15[%dma_start3A_820, %dma_start3A_821] : memref<160x64xf32, #tpu.memory_space<vmem>> -> memref<160x64xf32, #tpu.memory_space<vmem>>
        %dma_start3A_823 = arith.constant 0 : i32
        %dma_start3A_824 = tpu.memref_slice %arg20[%multiple_of3A_305, %dma_start3A_823] : memref<10112x64xf32, #tpu.memory_space<vmem_shared>> -> memref<160x64xf32, #tpu.memory_space<vmem_shared>>
        %dma_start3A_825 = arith.constant 0 : i32
        %dma_start3A_826 = tpu.memref_slice %arg20[%multiple_of3A_305, %dma_start3A_825] : memref<10112x64xf32, #tpu.memory_space<vmem_shared>> -> memref<160x64xf32, #tpu.memory_space<vmem_shared>>
        %dma_start3A_827 = arith.constant 0 : i32
        %dma_start3A_828 = arith.constant 0 : i32
        %dma_start3A_829 = tpu.memref_slice %arg15[%dma_start3A_827, %dma_start3A_828] : memref<160x64xf32, #tpu.memory_space<vmem>> -> memref<160x64xf32, #tpu.memory_space<vmem>>
        tpu.enqueue_dma source(%dma_start3A_829 : memref<160x64xf32, #tpu.memory_space<vmem>>) target(%dma_start3A_826 : memref<160x64xf32, #tpu.memory_space<vmem_shared>>) target_semaphore(%run_scoped3A : memref<!tpu.dma_semaphore, #tpu.memory_space<semaphore_mem>>)
        %dma_wait3A_830 = arith.constant 0 : i32
        %dma_wait3A_831 = arith.constant 0 : i32
        %dma_wait3A_832 = tpu.memref_slice %arg15[%dma_wait3A_830, %dma_wait3A_831] : memref<160x64xf32, #tpu.memory_space<vmem>> -> memref<160x64xf32, #tpu.memory_space<vmem>>
        %dma_wait3A_833 = arith.constant 0 : i32
        %dma_wait3A_834 = tpu.memref_slice %arg20[%multiple_of3A_305, %dma_wait3A_833] : memref<10112x64xf32, #tpu.memory_space<vmem_shared>> -> memref<160x64xf32, #tpu.memory_space<vmem_shared>>
        %dma_wait3A_835 = arith.constant 0 : i32
        %dma_wait3A_836 = tpu.memref_slice %arg20[%multiple_of3A_305, %dma_wait3A_835] : memref<10112x64xf32, #tpu.memory_space<vmem_shared>> -> memref<160x64xf32, #tpu.memory_space<vmem_shared>>
        %dma_wait3A_837 = arith.constant 0 : i32
        %dma_wait3A_838 = arith.constant 0 : i32
        %dma_wait3A_839 = tpu.memref_slice %arg15[%dma_wait3A_837, %dma_wait3A_838] : memref<160x64xf32, #tpu.memory_space<vmem>> -> memref<160x64xf32, #tpu.memory_space<vmem>>
        tpu.wait_dma2 semaphore(%run_scoped3A : memref<!tpu.dma_semaphore, #tpu.memory_space<semaphore_mem>>) src(%dma_wait3A_839 : memref<160x64xf32, #tpu.memory_space<vmem>>) dst(%dma_wait3A_836 : memref<160x64xf32, #tpu.memory_space<vmem_shared>>)
        tpu.yield
      }) : () -> ()
      %dma_wait3A_379 = arith.constant 0 : i32
      %dma_wait3A_380 = arith.constant 0 : i32
      %dma_wait3A_381 = tpu.memref_slice %arg13[%dma_wait3A_379, %dma_wait3A_380] : memref<160x64xf32, #tpu.memory_space<vmem>> -> memref<160x64xf32, #tpu.memory_space<vmem>>
      %dma_wait3A_382 = arith.constant 0 : i32
      %dma_wait3A_383 = tpu.memref_slice %arg6[%arg0, %scan3A_181, %multiple_of3A_305, %dma_wait3A_382] : memref<2x16x5120x64xf32, #tpu.memory_space<hbm>> -> memref<1x1x160x64xf32, #tpu.memory_space<hbm>>
      %dma_wait3A_384 = tpu.memref_squeeze %dma_wait3A_383 : memref<1x1x160x64xf32, #tpu.memory_space<hbm>> -> memref<160x64xf32, #tpu.memory_space<hbm>>
      %dma_wait3A_385 = arith.constant 0 : i32
      %dma_wait3A_386 = tpu.memref_slice %arg6[%arg0, %scan3A_181, %multiple_of3A_305, %dma_wait3A_385] : memref<2x16x5120x64xf32, #tpu.memory_space<hbm>> -> memref<1x1x160x64xf32, #tpu.memory_space<hbm>>
      %dma_wait3A_387 = tpu.memref_squeeze %dma_wait3A_386 : memref<1x1x160x64xf32, #tpu.memory_space<hbm>> -> memref<160x64xf32, #tpu.memory_space<hbm>>
      %dma_wait3A_388 = arith.constant 0 : i32
      %dma_wait3A_389 = arith.constant 0 : i32
      %dma_wait3A_390 = tpu.memref_slice %arg13[%dma_wait3A_388, %dma_wait3A_389] : memref<160x64xf32, #tpu.memory_space<vmem>> -> memref<160x64xf32, #tpu.memory_space<vmem>>
      tpu.wait_dma2 semaphore(%arg21 : memref<!tpu.dma_semaphore, #tpu.memory_space<semaphore_mem>>) src(%dma_wait3A_390 : memref<160x64xf32, #tpu.memory_space<vmem>>) dst(%dma_wait3A_387 : memref<160x64xf32, #tpu.memory_space<hbm>>)
      %dma_wait3A_391 = arith.constant 0 : i32
      %dma_wait3A_392 = arith.constant 0 : i32
      %dma_wait3A_393 = tpu.memref_slice %arg14[%dma_wait3A_391, %dma_wait3A_392] : memref<160x64xf32, #tpu.memory_space<vmem>> -> memref<160x64xf32, #tpu.memory_space<vmem>>
      %dma_wait3A_394 = arith.constant 0 : i32
      %dma_wait3A_395 = tpu.memref_slice %arg8[%multiple_of3A_356, %dma_wait3A_394] : memref<10240x64xf32, #tpu.memory_space<hbm>> -> memref<160x64xf32, #tpu.memory_space<hbm>>
      %dma_wait3A_396 = arith.constant 0 : i32
      %dma_wait3A_397 = tpu.memref_slice %arg8[%multiple_of3A_356, %dma_wait3A_396] : memref<10240x64xf32, #tpu.memory_space<hbm>> -> memref<160x64xf32, #tpu.memory_space<hbm>>
      %dma_wait3A_398 = arith.constant 0 : i32
      %dma_wait3A_399 = arith.constant 0 : i32
      %dma_wait3A_400 = tpu.memref_slice %arg14[%dma_wait3A_398, %dma_wait3A_399] : memref<160x64xf32, #tpu.memory_space<vmem>> -> memref<160x64xf32, #tpu.memory_space<vmem>>
      tpu.wait_dma2 semaphore(%arg22 : memref<!tpu.dma_semaphore, #tpu.memory_space<semaphore_mem>>) src(%dma_wait3A_400 : memref<160x64xf32, #tpu.memory_space<vmem>>) dst(%dma_wait3A_397 : memref<160x64xf32, #tpu.memory_space<hbm>>)
      %barrier3A_401 = arith.constant 0 : index
      tpu.barrier barrier_id(%barrier3A_401)
      %mul3A_402 = arith.constant 5120 : i32
      %mul3A_403 = arith.muli %arg0, %mul3A_402 : i32
      %multiple_of3A_404 = arith.constant 0 : i32
      %multiple_of3A_405 = tpu.assume_multiple %multiple_of3A_404, 8 : i32
      "tpu.region"() ({
        %run_scoped3A = tpu.sem_alloc : memref<!tpu.dma_semaphore, #tpu.memory_space<semaphore_mem>>
        %dma_start3A_820 = tpu.memref_slice %arg4[%multiple_of3A_6] : memref<320000xi32, #tpu.memory_space<hbm>> -> memref<20000xi32, #tpu.memory_space<hbm>>
        %dma_start3A_821 = tpu.memref_slice %dma_start3A_820[%multiple_of3A_405] : memref<20000xi32, #tpu.memory_space<hbm>> -> memref<400xi32, #tpu.memory_space<hbm>>
        %dma_start3A_822 = tpu.memref_slice %arg4[%multiple_of3A_6] : memref<320000xi32, #tpu.memory_space<hbm>> -> memref<20000xi32, #tpu.memory_space<hbm>>
        %dma_start3A_823 = tpu.memref_slice %dma_start3A_822[%multiple_of3A_405] : memref<20000xi32, #tpu.memory_space<hbm>> -> memref<400xi32, #tpu.memory_space<hbm>>
        tpu.enqueue_dma source(%dma_start3A_823 : memref<400xi32, #tpu.memory_space<hbm>>) target(%arg16 : memref<400xi32, #tpu.memory_space<vmem>>) target_semaphore(%run_scoped3A : memref<!tpu.dma_semaphore, #tpu.memory_space<semaphore_mem>>)
        %dma_wait3A_824 = tpu.memref_slice %arg4[%multiple_of3A_6] : memref<320000xi32, #tpu.memory_space<hbm>> -> memref<20000xi32, #tpu.memory_space<hbm>>
        %dma_wait3A_825 = tpu.memref_slice %dma_wait3A_824[%multiple_of3A_405] : memref<20000xi32, #tpu.memory_space<hbm>> -> memref<400xi32, #tpu.memory_space<hbm>>
        %dma_wait3A_826 = tpu.memref_slice %arg4[%multiple_of3A_6] : memref<320000xi32, #tpu.memory_space<hbm>> -> memref<20000xi32, #tpu.memory_space<hbm>>
        %dma_wait3A_827 = tpu.memref_slice %dma_wait3A_826[%multiple_of3A_405] : memref<20000xi32, #tpu.memory_space<hbm>> -> memref<400xi32, #tpu.memory_space<hbm>>
        tpu.wait_dma2 semaphore(%run_scoped3A : memref<!tpu.dma_semaphore, #tpu.memory_space<semaphore_mem>>) src(%dma_wait3A_827 : memref<400xi32, #tpu.memory_space<hbm>>) dst(%arg16 : memref<400xi32, #tpu.memory_space<vmem>>)
        tpu.yield
      }) : () -> ()
      "tpu.region"() ({
        %run_scoped3A = tpu.sem_alloc : memref<!tpu.dma_semaphore, #tpu.memory_space<semaphore_mem>>
        %dma_start3A_820 = tpu.memref_slice %arg3[%multiple_of3A_6] : memref<320000xi32, #tpu.memory_space<hbm>> -> memref<20000xi32, #tpu.memory_space<hbm>>
        %dma_start3A_821 = tpu.memref_slice %dma_start3A_820[%multiple_of3A_405] : memref<20000xi32, #tpu.memory_space<hbm>> -> memref<400xi32, #tpu.memory_space<hbm>>
        %dma_start3A_822 = tpu.memref_slice %arg3[%multiple_of3A_6] : memref<320000xi32, #tpu.memory_space<hbm>> -> memref<20000xi32, #tpu.memory_space<hbm>>
        %dma_start3A_823 = tpu.memref_slice %dma_start3A_822[%multiple_of3A_405] : memref<20000xi32, #tpu.memory_space<hbm>> -> memref<400xi32, #tpu.memory_space<hbm>>
        tpu.enqueue_dma source(%dma_start3A_823 : memref<400xi32, #tpu.memory_space<hbm>>) target(%arg18 : memref<400xi32, #tpu.memory_space<vmem>>) target_semaphore(%run_scoped3A : memref<!tpu.dma_semaphore, #tpu.memory_space<semaphore_mem>>)
        %dma_wait3A_824 = tpu.memref_slice %arg3[%multiple_of3A_6] : memref<320000xi32, #tpu.memory_space<hbm>> -> memref<20000xi32, #tpu.memory_space<hbm>>
        %dma_wait3A_825 = tpu.memref_slice %dma_wait3A_824[%multiple_of3A_405] : memref<20000xi32, #tpu.memory_space<hbm>> -> memref<400xi32, #tpu.memory_space<hbm>>
        %dma_wait3A_826 = tpu.memref_slice %arg3[%multiple_of3A_6] : memref<320000xi32, #tpu.memory_space<hbm>> -> memref<20000xi32, #tpu.memory_space<hbm>>
        %dma_wait3A_827 = tpu.memref_slice %dma_wait3A_826[%multiple_of3A_405] : memref<20000xi32, #tpu.memory_space<hbm>> -> memref<400xi32, #tpu.memory_space<hbm>>
        tpu.wait_dma2 semaphore(%run_scoped3A : memref<!tpu.dma_semaphore, #tpu.memory_space<semaphore_mem>>) src(%dma_wait3A_827 : memref<400xi32, #tpu.memory_space<hbm>>) dst(%arg18 : memref<400xi32, #tpu.memory_space<vmem>>)
        tpu.yield
      }) : () -> ()
      %scan3A_406 = arith.constant 0 : i32
      %scan3A_407 = arith.constant 0 : i32
      %scan3A_408 = arith.constant 25 : i32
      %scan3A_409 = arith.addi %scan3A_407, %scan3A_408 : i32
      %scan3A_410 = arith.constant 1 : i32
      %scan3A_411 = scf.for %scan3A_820 = %scan3A_407 to %scan3A_409 step %scan3A_410 iter_args(%scan3A_821 = %scan3A_406) -> (i32)  : i32 {
        %mul3A_822 = arith.constant 16 : i32
        %mul3A_823 = arith.muli %scan3A_820, %mul3A_822 : i32
        %get3A = arith.index_cast %mul3A_823 : i32 to index
        %get3A_824 = tpu.vector_load %arg16[%get3A] {strides = array<i32>} : memref<400xi32, #tpu.memory_space<vmem>>, vector<16xi32>,
        %get3A_825 = vector.shape_cast %get3A_824 : vector<16xi32> to vector<16xi32>
        %add3A_826 = vector.broadcast %mul3A_403 : i32 to vector<16xi32>
        %add3A_827 = arith.addi %get3A_825, %add3A_826 : vector<16xi32>
        %mul3A_828 = arith.constant 16 : i32
        %mul3A_829 = arith.muli %scan3A_820, %mul3A_828 : i32
        %swap3A = arith.index_cast %mul3A_829 : i32 to index
        %swap3A_830 = tpu.vector_load %arg16[%swap3A] {strides = array<i32>} : memref<400xi32, #tpu.memory_space<vmem>>, vector<16xi32>,
        %swap3A_831 = vector.shape_cast %swap3A_830 : vector<16xi32> to vector<16xi32>
        %swap3A_832 = vector.shape_cast %add3A_827 : vector<16xi32> to vector<16xi32>
        tpu.vector_store %arg16[%swap3A], %swap3A_832 {strides = array<i32>} : memref<400xi32, #tpu.memory_space<vmem>>, vector<16xi32>,
        %scan3A_833 = arith.constant 0 : i32
        scf.yield %scan3A_833 : i32
      }
      %scan3A_412 = arith.constant 25 : i32
      %dma_start3A_413 = arith.constant 0 : i32
      %dma_start3A_414 = arith.constant 0 : i32
      %dma_start3A_415 = tpu.memref_slice %arg8[%dma_start3A_413, %dma_start3A_414] : memref<10240x64xf32, #tpu.memory_space<hbm>> -> memref<10240x64xf32, #tpu.memory_space<hbm>>
      tpu.enqueue_indirect_dma source(%dma_start3A_415 : memref<10240x64xf32, #tpu.memory_space<hbm>>) target(%arg11 : memref<400x64xf32, #tpu.memory_space<vmem>>) offsets(%arg16 : memref<400xi32, #tpu.memory_space<vmem>>) semaphore(%arg21 : memref<!tpu.dma_semaphore, #tpu.memory_space<semaphore_mem>>)
      %scan3A_416 = arith.constant 0 : i32
      %scan3A_417 = arith.constant 0 : i32
      %scan3A_418 = arith.constant 25 : i32
      %scan3A_419 = arith.addi %scan3A_417, %scan3A_418 : i32
      %scan3A_420 = arith.constant 1 : i32
      %scan3A_421 = scf.for %scan3A_820 = %scan3A_417 to %scan3A_419 step %scan3A_420 iter_args(%scan3A_821 = %scan3A_416) -> (i32)  : i32 {
        %mul3A_822 = arith.constant 2 : i32
        %mul3A_823 = arith.muli %mul3A_822, %scan3A_820 : i32
        %add3A_824 = arith.constant 1 : i32
        %add3A_825 = arith.addi %mul3A_823, %add3A_824 : i32
        %mul3A_826 = arith.constant 400 : i32
        %mul3A_827 = arith.muli %add3A_825, %mul3A_826 : i32
        %multiple_of3A_828 = tpu.assume_multiple %mul3A_827, 8 : i32
        "tpu.region"() ({
          %run_scoped3A = tpu.sem_alloc : memref<!tpu.dma_semaphore, #tpu.memory_space<semaphore_mem>>
          %dma_start3A_854 = tpu.memref_slice %arg4[%multiple_of3A_6] : memref<320000xi32, #tpu.memory_space<hbm>> -> memref<20000xi32, #tpu.memory_space<hbm>>
          %dma_start3A_855 = tpu.memref_slice %dma_start3A_854[%multiple_of3A_828] : memref<20000xi32, #tpu.memory_space<hbm>> -> memref<400xi32, #tpu.memory_space<hbm>>
          %dma_start3A_856 = tpu.memref_slice %arg4[%multiple_of3A_6] : memref<320000xi32, #tpu.memory_space<hbm>> -> memref<20000xi32, #tpu.memory_space<hbm>>
          %dma_start3A_857 = tpu.memref_slice %dma_start3A_856[%multiple_of3A_828] : memref<20000xi32, #tpu.memory_space<hbm>> -> memref<400xi32, #tpu.memory_space<hbm>>
          tpu.enqueue_dma source(%dma_start3A_857 : memref<400xi32, #tpu.memory_space<hbm>>) target(%arg17 : memref<400xi32, #tpu.memory_space<vmem>>) target_semaphore(%run_scoped3A : memref<!tpu.dma_semaphore, #tpu.memory_space<semaphore_mem>>)
          %dma_wait3A_858 = tpu.memref_slice %arg4[%multiple_of3A_6] : memref<320000xi32, #tpu.memory_space<hbm>> -> memref<20000xi32, #tpu.memory_space<hbm>>
          %dma_wait3A_859 = tpu.memref_slice %dma_wait3A_858[%multiple_of3A_828] : memref<20000xi32, #tpu.memory_space<hbm>> -> memref<400xi32, #tpu.memory_space<hbm>>
          %dma_wait3A_860 = tpu.memref_slice %arg4[%multiple_of3A_6] : memref<320000xi32, #tpu.memory_space<hbm>> -> memref<20000xi32, #tpu.memory_space<hbm>>
          %dma_wait3A_861 = tpu.memref_slice %dma_wait3A_860[%multiple_of3A_828] : memref<20000xi32, #tpu.memory_space<hbm>> -> memref<400xi32, #tpu.memory_space<hbm>>
          tpu.wait_dma2 semaphore(%run_scoped3A : memref<!tpu.dma_semaphore, #tpu.memory_space<semaphore_mem>>) src(%dma_wait3A_861 : memref<400xi32, #tpu.memory_space<hbm>>) dst(%arg17 : memref<400xi32, #tpu.memory_space<vmem>>)
          tpu.yield
        }) : () -> ()
        "tpu.region"() ({
          %run_scoped3A = tpu.sem_alloc : memref<!tpu.dma_semaphore, #tpu.memory_space<semaphore_mem>>
          %dma_start3A_854 = tpu.memref_slice %arg3[%multiple_of3A_6] : memref<320000xi32, #tpu.memory_space<hbm>> -> memref<20000xi32, #tpu.memory_space<hbm>>
          %dma_start3A_855 = tpu.memref_slice %dma_start3A_854[%multiple_of3A_828] : memref<20000xi32, #tpu.memory_space<hbm>> -> memref<400xi32, #tpu.memory_space<hbm>>
          %dma_start3A_856 = tpu.memref_slice %arg3[%multiple_of3A_6] : memref<320000xi32, #tpu.memory_space<hbm>> -> memref<20000xi32, #tpu.memory_space<hbm>>
          %dma_start3A_857 = tpu.memref_slice %dma_start3A_856[%multiple_of3A_828] : memref<20000xi32, #tpu.memory_space<hbm>> -> memref<400xi32, #tpu.memory_space<hbm>>
          tpu.enqueue_dma source(%dma_start3A_857 : memref<400xi32, #tpu.memory_space<hbm>>) target(%arg19 : memref<400xi32, #tpu.memory_space<vmem>>) target_semaphore(%run_scoped3A : memref<!tpu.dma_semaphore, #tpu.memory_space<semaphore_mem>>)
          %dma_wait3A_858 = tpu.memref_slice %arg3[%multiple_of3A_6] : memref<320000xi32, #tpu.memory_space<hbm>> -> memref<20000xi32, #tpu.memory_space<hbm>>
          %dma_wait3A_859 = tpu.memref_slice %dma_wait3A_858[%multiple_of3A_828] : memref<20000xi32, #tpu.memory_space<hbm>> -> memref<400xi32, #tpu.memory_space<hbm>>
          %dma_wait3A_860 = tpu.memref_slice %arg3[%multiple_of3A_6] : memref<320000xi32, #tpu.memory_space<hbm>> -> memref<20000xi32, #tpu.memory_space<hbm>>
          %dma_wait3A_861 = tpu.memref_slice %dma_wait3A_860[%multiple_of3A_828] : memref<20000xi32, #tpu.memory_space<hbm>> -> memref<400xi32, #tpu.memory_space<hbm>>
          tpu.wait_dma2 semaphore(%run_scoped3A : memref<!tpu.dma_semaphore, #tpu.memory_space<semaphore_mem>>) src(%dma_wait3A_861 : memref<400xi32, #tpu.memory_space<hbm>>) dst(%arg19 : memref<400xi32, #tpu.memory_space<vmem>>)
          tpu.yield
        }) : () -> ()
        %scan3A_829 = arith.constant 0 : i32
        %scan3A_830 = arith.constant 0 : i32
        %scan3A_831 = arith.constant 25 : i32
        %scan3A_832 = arith.addi %scan3A_830, %scan3A_831 : i32
        %scan3A_833 = arith.constant 1 : i32
        %scan3A_834 = scf.for %scan3A_854 = %scan3A_830 to %scan3A_832 step %scan3A_833 iter_args(%scan3A_855 = %scan3A_829) -> (i32)  : i32 {
          %mul3A_856 = arith.constant 16 : i32
          %mul3A_857 = arith.muli %scan3A_854, %mul3A_856 : i32
          %get3A = arith.index_cast %mul3A_857 : i32 to index
          %get3A_858 = tpu.vector_load %arg17[%get3A] {strides = array<i32>} : memref<400xi32, #tpu.memory_space<vmem>>, vector<16xi32>,
          %get3A_859 = vector.shape_cast %get3A_858 : vector<16xi32> to vector<16xi32>
          %add3A_860 = vector.broadcast %mul3A_403 : i32 to vector<16xi32>
          %add3A_861 = arith.addi %get3A_859, %add3A_860 : vector<16xi32>
          %mul3A_862 = arith.constant 16 : i32
          %mul3A_863 = arith.muli %scan3A_854, %mul3A_862 : i32
          %swap3A = arith.index_cast %mul3A_863 : i32 to index
          %swap3A_864 = tpu.vector_load %arg17[%swap3A] {strides = array<i32>} : memref<400xi32, #tpu.memory_space<vmem>>, vector<16xi32>,
          %swap3A_865 = vector.shape_cast %swap3A_864 : vector<16xi32> to vector<16xi32>
          %swap3A_866 = vector.shape_cast %add3A_861 : vector<16xi32> to vector<16xi32>
          tpu.vector_store %arg17[%swap3A], %swap3A_866 {strides = array<i32>} : memref<400xi32, #tpu.memory_space<vmem>>, vector<16xi32>,
          %scan3A_867 = arith.constant 0 : i32
          scf.yield %scan3A_867 : i32
        }
        %scan3A_835 = arith.constant 25 : i32
        %dma_start3A_836 = arith.constant 0 : i32
        %dma_start3A_837 = arith.constant 0 : i32
        %dma_start3A_838 = tpu.memref_slice %arg8[%dma_start3A_836, %dma_start3A_837] : memref<10240x64xf32, #tpu.memory_space<hbm>> -> memref<10240x64xf32, #tpu.memory_space<hbm>>
        tpu.enqueue_indirect_dma source(%dma_start3A_838 : memref<10240x64xf32, #tpu.memory_space<hbm>>) target(%arg12 : memref<400x64xf32, #tpu.memory_space<vmem>>) offsets(%arg17 : memref<400xi32, #tpu.memory_space<vmem>>) semaphore(%arg22 : memref<!tpu.dma_semaphore, #tpu.memory_space<semaphore_mem>>)
        %dma_wait3A_839 = arith.constant 0 : i32
        %dma_wait3A_840 = arith.constant 0 : i32
        %dma_wait3A_841 = tpu.memref_slice %arg8[%dma_wait3A_839, %dma_wait3A_840] : memref<10240x64xf32, #tpu.memory_space<hbm>> -> memref<400x64xf32, #tpu.memory_space<hbm>>
        %dma_wait3A_842 = arith.constant 0 : i32
        %dma_wait3A_843 = arith.constant 0 : i32
        %dma_wait3A_844 = tpu.memref_slice %arg8[%dma_wait3A_842, %dma_wait3A_843] : memref<10240x64xf32, #tpu.memory_space<hbm>> -> memref<400x64xf32, #tpu.memory_space<hbm>>
        tpu.wait_dma2 semaphore(%arg21 : memref<!tpu.dma_semaphore, #tpu.memory_space<semaphore_mem>>) src(%dma_wait3A_844 : memref<400x64xf32, #tpu.memory_space<hbm>>) dst(%arg11 : memref<400x64xf32, #tpu.memory_space<vmem>>)
        "tpu.region"() ({
          %run_scoped3A = tpu.sem_alloc : memref<!tpu.dma_semaphore, #tpu.memory_space<semaphore_mem>>
          %dma_start3A_854 = arith.constant 0 : i32
          %dma_start3A_855 = arith.constant 0 : i32
          %dma_start3A_856 = tpu.memref_slice %arg20[%dma_start3A_854, %dma_start3A_855] : memref<10112x64xf32, #tpu.memory_space<vmem_shared>> -> memref<10112x64xf32, #tpu.memory_space<vmem_shared>>
          tpu.enqueue_indirect_dma source(%arg11 : memref<400x64xf32, #tpu.memory_space<vmem>>) target(%dma_start3A_856 : memref<10112x64xf32, #tpu.memory_space<vmem_shared>>) offsets(%arg18 : memref<400xi32, #tpu.memory_space<vmem>>) semaphore(%run_scoped3A : memref<!tpu.dma_semaphore, #tpu.memory_space<semaphore_mem>>) {add = true}
          %dma_wait3A_857 = arith.constant 0 : i32
          %dma_wait3A_858 = arith.constant 0 : i32
          %dma_wait3A_859 = tpu.memref_slice %arg20[%dma_wait3A_857, %dma_wait3A_858] : memref<10112x64xf32, #tpu.memory_space<vmem_shared>> -> memref<10112x64xf32, #tpu.memory_space<vmem_shared>>
          tpu.wait_indirect_dma semaphore(%run_scoped3A : memref<!tpu.dma_semaphore, #tpu.memory_space<semaphore_mem>>) src(%arg11 : memref<400x64xf32, #tpu.memory_space<vmem>>) dst(%dma_wait3A_859 : memref<10112x64xf32, #tpu.memory_space<vmem_shared>>)
          tpu.yield
        }) : () -> ()
        %lt3A = arith.constant 24 : i32
        %lt3A_845 = arith.cmpi slt, %scan3A_820, %lt3A : i32
        %convert_element_type3A = arith.extui %lt3A_845 : i1 to i32
        %cond3A = arith.constant 0 : i32
        %cond3A_846 = arith.cmpi ne, %convert_element_type3A, %cond3A : i32
        scf.if %cond3A_846 {
          %mul3A_854 = arith.constant 2 : i32
          %mul3A_855 = arith.muli %mul3A_854, %scan3A_820 : i32
          %add3A_856 = arith.constant 2 : i32
          %add3A_857 = arith.addi %mul3A_855, %add3A_856 : i32
          %mul3A_858 = arith.constant 400 : i32
          %mul3A_859 = arith.muli %add3A_857, %mul3A_858 : i32
          %multiple_of3A_860 = tpu.assume_multiple %mul3A_859, 8 : i32
          "tpu.region"() ({
            %run_scoped3A = tpu.sem_alloc : memref<!tpu.dma_semaphore, #tpu.memory_space<semaphore_mem>>
            %dma_start3A_871 = tpu.memref_slice %arg4[%multiple_of3A_6] : memref<320000xi32, #tpu.memory_space<hbm>> -> memref<20000xi32, #tpu.memory_space<hbm>>
            %dma_start3A_872 = tpu.memref_slice %dma_start3A_871[%multiple_of3A_860] : memref<20000xi32, #tpu.memory_space<hbm>> -> memref<400xi32, #tpu.memory_space<hbm>>
            %dma_start3A_873 = tpu.memref_slice %arg4[%multiple_of3A_6] : memref<320000xi32, #tpu.memory_space<hbm>> -> memref<20000xi32, #tpu.memory_space<hbm>>
            %dma_start3A_874 = tpu.memref_slice %dma_start3A_873[%multiple_of3A_860] : memref<20000xi32, #tpu.memory_space<hbm>> -> memref<400xi32, #tpu.memory_space<hbm>>
            tpu.enqueue_dma source(%dma_start3A_874 : memref<400xi32, #tpu.memory_space<hbm>>) target(%arg16 : memref<400xi32, #tpu.memory_space<vmem>>) target_semaphore(%run_scoped3A : memref<!tpu.dma_semaphore, #tpu.memory_space<semaphore_mem>>)
            %dma_wait3A_875 = tpu.memref_slice %arg4[%multiple_of3A_6] : memref<320000xi32, #tpu.memory_space<hbm>> -> memref<20000xi32, #tpu.memory_space<hbm>>
            %dma_wait3A_876 = tpu.memref_slice %dma_wait3A_875[%multiple_of3A_860] : memref<20000xi32, #tpu.memory_space<hbm>> -> memref<400xi32, #tpu.memory_space<hbm>>
            %dma_wait3A_877 = tpu.memref_slice %arg4[%multiple_of3A_6] : memref<320000xi32, #tpu.memory_space<hbm>> -> memref<20000xi32, #tpu.memory_space<hbm>>
            %dma_wait3A_878 = tpu.memref_slice %dma_wait3A_877[%multiple_of3A_860] : memref<20000xi32, #tpu.memory_space<hbm>> -> memref<400xi32, #tpu.memory_space<hbm>>
            tpu.wait_dma2 semaphore(%run_scoped3A : memref<!tpu.dma_semaphore, #tpu.memory_space<semaphore_mem>>) src(%dma_wait3A_878 : memref<400xi32, #tpu.memory_space<hbm>>) dst(%arg16 : memref<400xi32, #tpu.memory_space<vmem>>)
            tpu.yield
          }) : () -> ()
          "tpu.region"() ({
            %run_scoped3A = tpu.sem_alloc : memref<!tpu.dma_semaphore, #tpu.memory_space<semaphore_mem>>
            %dma_start3A_871 = tpu.memref_slice %arg3[%multiple_of3A_6] : memref<320000xi32, #tpu.memory_space<hbm>> -> memref<20000xi32, #tpu.memory_space<hbm>>
            %dma_start3A_872 = tpu.memref_slice %dma_start3A_871[%multiple_of3A_860] : memref<20000xi32, #tpu.memory_space<hbm>> -> memref<400xi32, #tpu.memory_space<hbm>>
            %dma_start3A_873 = tpu.memref_slice %arg3[%multiple_of3A_6] : memref<320000xi32, #tpu.memory_space<hbm>> -> memref<20000xi32, #tpu.memory_space<hbm>>
            %dma_start3A_874 = tpu.memref_slice %dma_start3A_873[%multiple_of3A_860] : memref<20000xi32, #tpu.memory_space<hbm>> -> memref<400xi32, #tpu.memory_space<hbm>>
            tpu.enqueue_dma source(%dma_start3A_874 : memref<400xi32, #tpu.memory_space<hbm>>) target(%arg18 : memref<400xi32, #tpu.memory_space<vmem>>) target_semaphore(%run_scoped3A : memref<!tpu.dma_semaphore, #tpu.memory_space<semaphore_mem>>)
            %dma_wait3A_875 = tpu.memref_slice %arg3[%multiple_of3A_6] : memref<320000xi32, #tpu.memory_space<hbm>> -> memref<20000xi32, #tpu.memory_space<hbm>>
            %dma_wait3A_876 = tpu.memref_slice %dma_wait3A_875[%multiple_of3A_860] : memref<20000xi32, #tpu.memory_space<hbm>> -> memref<400xi32, #tpu.memory_space<hbm>>
            %dma_wait3A_877 = tpu.memref_slice %arg3[%multiple_of3A_6] : memref<320000xi32, #tpu.memory_space<hbm>> -> memref<20000xi32, #tpu.memory_space<hbm>>
            %dma_wait3A_878 = tpu.memref_slice %dma_wait3A_877[%multiple_of3A_860] : memref<20000xi32, #tpu.memory_space<hbm>> -> memref<400xi32, #tpu.memory_space<hbm>>
            tpu.wait_dma2 semaphore(%run_scoped3A : memref<!tpu.dma_semaphore, #tpu.memory_space<semaphore_mem>>) src(%dma_wait3A_878 : memref<400xi32, #tpu.memory_space<hbm>>) dst(%arg18 : memref<400xi32, #tpu.memory_space<vmem>>)
            tpu.yield
          }) : () -> ()
          %scan3A_861 = arith.constant 0 : i32
          %scan3A_862 = arith.constant 0 : i32
          %scan3A_863 = arith.constant 25 : i32
          %scan3A_864 = arith.addi %scan3A_862, %scan3A_863 : i32
          %scan3A_865 = arith.constant 1 : i32
          %scan3A_866 = scf.for %scan3A_871 = %scan3A_862 to %scan3A_864 step %scan3A_865 iter_args(%scan3A_872 = %scan3A_861) -> (i32)  : i32 {
            %mul3A_873 = arith.constant 16 : i32
            %mul3A_874 = arith.muli %scan3A_871, %mul3A_873 : i32
            %get3A = arith.index_cast %mul3A_874 : i32 to index
            %get3A_875 = tpu.vector_load %arg16[%get3A] {strides = array<i32>} : memref<400xi32, #tpu.memory_space<vmem>>, vector<16xi32>,
            %get3A_876 = vector.shape_cast %get3A_875 : vector<16xi32> to vector<16xi32>
            %add3A_877 = vector.broadcast %mul3A_403 : i32 to vector<16xi32>
            %add3A_878 = arith.addi %get3A_876, %add3A_877 : vector<16xi32>
            %mul3A_879 = arith.constant 16 : i32
            %mul3A_880 = arith.muli %scan3A_871, %mul3A_879 : i32
            %swap3A = arith.index_cast %mul3A_880 : i32 to index
            %swap3A_881 = tpu.vector_load %arg16[%swap3A] {strides = array<i32>} : memref<400xi32, #tpu.memory_space<vmem>>, vector<16xi32>,
            %swap3A_882 = vector.shape_cast %swap3A_881 : vector<16xi32> to vector<16xi32>
            %swap3A_883 = vector.shape_cast %add3A_878 : vector<16xi32> to vector<16xi32>
            tpu.vector_store %arg16[%swap3A], %swap3A_883 {strides = array<i32>} : memref<400xi32, #tpu.memory_space<vmem>>, vector<16xi32>,
            %scan3A_884 = arith.constant 0 : i32
            scf.yield %scan3A_884 : i32
          }
          %scan3A_867 = arith.constant 25 : i32
          %dma_start3A_868 = arith.constant 0 : i32
          %dma_start3A_869 = arith.constant 0 : i32
          %dma_start3A_870 = tpu.memref_slice %arg8[%dma_start3A_868, %dma_start3A_869] : memref<10240x64xf32, #tpu.memory_space<hbm>> -> memref<10240x64xf32, #tpu.memory_space<hbm>>
          tpu.enqueue_indirect_dma source(%dma_start3A_870 : memref<10240x64xf32, #tpu.memory_space<hbm>>) target(%arg11 : memref<400x64xf32, #tpu.memory_space<vmem>>) offsets(%arg16 : memref<400xi32, #tpu.memory_space<vmem>>) semaphore(%arg21 : memref<!tpu.dma_semaphore, #tpu.memory_space<semaphore_mem>>)
        } else {
        }
        %dma_wait3A_847 = arith.constant 0 : i32
        %dma_wait3A_848 = arith.constant 0 : i32
        %dma_wait3A_849 = tpu.memref_slice %arg8[%dma_wait3A_847, %dma_wait3A_848] : memref<10240x64xf32, #tpu.memory_space<hbm>> -> memref<400x64xf32, #tpu.memory_space<hbm>>
        %dma_wait3A_850 = arith.constant 0 : i32
        %dma_wait3A_851 = arith.constant 0 : i32
        %dma_wait3A_852 = tpu.memref_slice %arg8[%dma_wait3A_850, %dma_wait3A_851] : memref<10240x64xf32, #tpu.memory_space<hbm>> -> memref<400x64xf32, #tpu.memory_space<hbm>>
        tpu.wait_dma2 semaphore(%arg22 : memref<!tpu.dma_semaphore, #tpu.memory_space<semaphore_mem>>) src(%dma_wait3A_852 : memref<400x64xf32, #tpu.memory_space<hbm>>) dst(%arg12 : memref<400x64xf32, #tpu.memory_space<vmem>>)
        "tpu.region"() ({
          %run_scoped3A = tpu.sem_alloc : memref<!tpu.dma_semaphore, #tpu.memory_space<semaphore_mem>>
          %dma_start3A_854 = arith.constant 0 : i32
          %dma_start3A_855 = arith.constant 0 : i32
          %dma_start3A_856 = tpu.memref_slice %arg20[%dma_start3A_854, %dma_start3A_855] : memref<10112x64xf32, #tpu.memory_space<vmem_shared>> -> memref<10112x64xf32, #tpu.memory_space<vmem_shared>>
          tpu.enqueue_indirect_dma source(%arg12 : memref<400x64xf32, #tpu.memory_space<vmem>>) target(%dma_start3A_856 : memref<10112x64xf32, #tpu.memory_space<vmem_shared>>) offsets(%arg19 : memref<400xi32, #tpu.memory_space<vmem>>) semaphore(%run_scoped3A : memref<!tpu.dma_semaphore, #tpu.memory_space<semaphore_mem>>) {add = true}
          %dma_wait3A_857 = arith.constant 0 : i32
          %dma_wait3A_858 = arith.constant 0 : i32
          %dma_wait3A_859 = tpu.memref_slice %arg20[%dma_wait3A_857, %dma_wait3A_858] : memref<10112x64xf32, #tpu.memory_space<vmem_shared>> -> memref<10112x64xf32, #tpu.memory_space<vmem_shared>>
          tpu.wait_indirect_dma semaphore(%run_scoped3A : memref<!tpu.dma_semaphore, #tpu.memory_space<semaphore_mem>>) src(%arg12 : memref<400x64xf32, #tpu.memory_space<vmem>>) dst(%dma_wait3A_859 : memref<10112x64xf32, #tpu.memory_space<vmem_shared>>)
          tpu.yield
        }) : () -> ()
        %scan3A_853 = arith.constant 0 : i32
        scf.yield %scan3A_853 : i32
      }
      %scan3A_422 = arith.constant 25 : i32
      %barrier3A_423 = arith.constant 0 : index
      tpu.barrier barrier_id(%barrier3A_423)
      %mul3A_424 = arith.constant 10112 : i32
      %mul3A_425 = arith.muli %arg0, %mul3A_424 : i32
      %add3A_426 = arith.constant 0 : i32
      %add3A_427 = arith.addi %multiple_of3A, %add3A_426 : i32
      %multiple_of3A_428 = tpu.assume_multiple %add3A_427, 8 : i32
      %dma_start3A_429 = arith.constant 0 : i32
      %dma_start3A_430 = arith.constant 0 : i32
      %dma_start3A_431 = tpu.memref_slice %arg13[%dma_start3A_429, %dma_start3A_430] : memref<160x64xf32, #tpu.memory_space<vmem>> -> memref<160x64xf32, #tpu.memory_space<vmem>>
      %dma_start3A_432 = arith.constant 0 : i32
      %dma_start3A_433 = tpu.memref_slice %arg20[%multiple_of3A_428, %dma_start3A_432] : memref<10112x64xf32, #tpu.memory_space<vmem_shared>> -> memref<160x64xf32, #tpu.memory_space<vmem_shared>>
      %dma_start3A_434 = arith.constant 0 : i32
      %dma_start3A_435 = arith.constant 0 : i32
      %dma_start3A_436 = tpu.memref_slice %arg13[%dma_start3A_434, %dma_start3A_435] : memref<160x64xf32, #tpu.memory_space<vmem>> -> memref<160x64xf32, #tpu.memory_space<vmem>>
      %dma_start3A_437 = arith.constant 0 : i32
      %dma_start3A_438 = tpu.memref_slice %arg20[%multiple_of3A_428, %dma_start3A_437] : memref<10112x64xf32, #tpu.memory_space<vmem_shared>> -> memref<160x64xf32, #tpu.memory_space<vmem_shared>>
      tpu.enqueue_dma source(%dma_start3A_438 : memref<160x64xf32, #tpu.memory_space<vmem_shared>>) target(%dma_start3A_436 : memref<160x64xf32, #tpu.memory_space<vmem>>) target_semaphore(%arg21 : memref<!tpu.dma_semaphore, #tpu.memory_space<semaphore_mem>>)
      %dma_start3A_439 = arith.constant 0 : i32
      %dma_start3A_440 = arith.constant 0 : i32
      %dma_start3A_441 = tpu.memref_slice %arg14[%dma_start3A_439, %dma_start3A_440] : memref<160x64xf32, #tpu.memory_space<vmem>> -> memref<160x64xf32, #tpu.memory_space<vmem>>
      %dma_start3A_442 = arith.constant 0 : i32
      %dma_start3A_443 = tpu.memref_slice %arg9[%multiple_of3A_428, %dma_start3A_442] : memref<10112x64xf32, #tpu.memory_space<hbm>> -> memref<160x64xf32, #tpu.memory_space<hbm>>
      %dma_start3A_444 = arith.constant 0 : i32
      %dma_start3A_445 = arith.constant 0 : i32
      %dma_start3A_446 = tpu.memref_slice %arg14[%dma_start3A_444, %dma_start3A_445] : memref<160x64xf32, #tpu.memory_space<vmem>> -> memref<160x64xf32, #tpu.memory_space<vmem>>
      %dma_start3A_447 = arith.constant 0 : i32
      %dma_start3A_448 = tpu.memref_slice %arg9[%multiple_of3A_428, %dma_start3A_447] : memref<10112x64xf32, #tpu.memory_space<hbm>> -> memref<160x64xf32, #tpu.memory_space<hbm>>
      tpu.enqueue_dma source(%dma_start3A_448 : memref<160x64xf32, #tpu.memory_space<hbm>>) target(%dma_start3A_446 : memref<160x64xf32, #tpu.memory_space<vmem>>) target_semaphore(%arg22 : memref<!tpu.dma_semaphore, #tpu.memory_space<semaphore_mem>>)
      %dma_wait3A_449 = arith.constant 0 : i32
      %dma_wait3A_450 = arith.constant 0 : i32
      %dma_wait3A_451 = tpu.memref_slice %arg13[%dma_wait3A_449, %dma_wait3A_450] : memref<160x64xf32, #tpu.memory_space<vmem>> -> memref<160x64xf32, #tpu.memory_space<vmem>>
      %dma_wait3A_452 = arith.constant 0 : i32
      %dma_wait3A_453 = tpu.memref_slice %arg20[%multiple_of3A_428, %dma_wait3A_452] : memref<10112x64xf32, #tpu.memory_space<vmem_shared>> -> memref<160x64xf32, #tpu.memory_space<vmem_shared>>
      %dma_wait3A_454 = arith.constant 0 : i32
      %dma_wait3A_455 = arith.constant 0 : i32
      %dma_wait3A_456 = tpu.memref_slice %arg13[%dma_wait3A_454, %dma_wait3A_455] : memref<160x64xf32, #tpu.memory_space<vmem>> -> memref<160x64xf32, #tpu.memory_space<vmem>>
      %dma_wait3A_457 = arith.constant 0 : i32
      %dma_wait3A_458 = tpu.memref_slice %arg20[%multiple_of3A_428, %dma_wait3A_457] : memref<10112x64xf32, #tpu.memory_space<vmem_shared>> -> memref<160x64xf32, #tpu.memory_space<vmem_shared>>
      tpu.wait_dma2 semaphore(%arg21 : memref<!tpu.dma_semaphore, #tpu.memory_space<semaphore_mem>>) src(%dma_wait3A_458 : memref<160x64xf32, #tpu.memory_space<vmem_shared>>) dst(%dma_wait3A_456 : memref<160x64xf32, #tpu.memory_space<vmem>>)
      %dma_wait3A_459 = arith.constant 0 : i32
      %dma_wait3A_460 = arith.constant 0 : i32
      %dma_wait3A_461 = tpu.memref_slice %arg14[%dma_wait3A_459, %dma_wait3A_460] : memref<160x64xf32, #tpu.memory_space<vmem>> -> memref<160x64xf32, #tpu.memory_space<vmem>>
      %dma_wait3A_462 = arith.constant 0 : i32
      %dma_wait3A_463 = tpu.memref_slice %arg9[%multiple_of3A_428, %dma_wait3A_462] : memref<10112x64xf32, #tpu.memory_space<hbm>> -> memref<160x64xf32, #tpu.memory_space<hbm>>
      %dma_wait3A_464 = arith.constant 0 : i32
      %dma_wait3A_465 = arith.constant 0 : i32
      %dma_wait3A_466 = tpu.memref_slice %arg14[%dma_wait3A_464, %dma_wait3A_465] : memref<160x64xf32, #tpu.memory_space<vmem>> -> memref<160x64xf32, #tpu.memory_space<vmem>>
      %dma_wait3A_467 = arith.constant 0 : i32
      %dma_wait3A_468 = tpu.memref_slice %arg9[%multiple_of3A_428, %dma_wait3A_467] : memref<10112x64xf32, #tpu.memory_space<hbm>> -> memref<160x64xf32, #tpu.memory_space<hbm>>
      tpu.wait_dma2 semaphore(%arg22 : memref<!tpu.dma_semaphore, #tpu.memory_space<semaphore_mem>>) src(%dma_wait3A_468 : memref<160x64xf32, #tpu.memory_space<hbm>>) dst(%dma_wait3A_466 : memref<160x64xf32, #tpu.memory_space<vmem>>)
      %scan3A_469 = arith.constant 0 : i32
      %scan3A_470 = arith.constant 0 : i32
      %scan3A_471 = arith.constant 160 : i32
      %scan3A_472 = arith.addi %scan3A_470, %scan3A_471 : i32
      %scan3A_473 = arith.constant 1 : i32
      %scan3A_474 = scf.for %scan3A_820 = %scan3A_470 to %scan3A_472 step %scan3A_473 iter_args(%scan3A_821 = %scan3A_469) -> (i32)  : i32 {
        %get3A = arith.index_cast %scan3A_820 : i32 to index
        %get3A_822 = arith.constant 0 : index
        %get3A_823 = tpu.vector_load %arg13[%get3A, %get3A_822] {strides = array<i32>} : memref<160x64xf32, #tpu.memory_space<vmem>>, vector<1x16xf32>,
        %get3A_824 = vector.shape_cast %get3A_823 : vector<1x16xf32> to vector<16xf32>
        %get3A_825 = arith.index_cast %scan3A_820 : i32 to index
        %get3A_826 = arith.constant 0 : index
        %get3A_827 = tpu.vector_load %arg14[%get3A_825, %get3A_826] {strides = array<i32>} : memref<160x64xf32, #tpu.memory_space<vmem>>, vector<1x16xf32>,
        %get3A_828 = vector.shape_cast %get3A_827 : vector<1x16xf32> to vector<16xf32>
        %mul3A_829 = arith.mulf %get3A_824, %get3A_828 : vector<16xf32>
        %swap3A = arith.index_cast %scan3A_820 : i32 to index
        %swap3A_830 = arith.constant 0 : index
        %swap3A_831 = tpu.vector_load %arg14[%swap3A, %swap3A_830] {strides = array<i32>} : memref<160x64xf32, #tpu.memory_space<vmem>>, vector<1x16xf32>,
        %swap3A_832 = vector.shape_cast %swap3A_831 : vector<1x16xf32> to vector<16xf32>
        %swap3A_833 = vector.shape_cast %mul3A_829 : vector<16xf32> to vector<1x16xf32>
        tpu.vector_store %arg14[%swap3A, %swap3A_830], %swap3A_833 {strides = array<i32>} : memref<160x64xf32, #tpu.memory_space<vmem>>, vector<1x16xf32>,
        %get3A_834 = arith.index_cast %scan3A_820 : i32 to index
        %get3A_835 = arith.constant 16 : index
        %get3A_836 = tpu.vector_load %arg13[%get3A_834, %get3A_835] {strides = array<i32>} : memref<160x64xf32, #tpu.memory_space<vmem>>, vector<1x16xf32>,
        %get3A_837 = vector.shape_cast %get3A_836 : vector<1x16xf32> to vector<16xf32>
        %get3A_838 = arith.index_cast %scan3A_820 : i32 to index
        %get3A_839 = arith.constant 16 : index
        %get3A_840 = tpu.vector_load %arg14[%get3A_838, %get3A_839] {strides = array<i32>} : memref<160x64xf32, #tpu.memory_space<vmem>>, vector<1x16xf32>,
        %get3A_841 = vector.shape_cast %get3A_840 : vector<1x16xf32> to vector<16xf32>
        %mul3A_842 = arith.mulf %get3A_837, %get3A_841 : vector<16xf32>
        %swap3A_843 = arith.index_cast %scan3A_820 : i32 to index
        %swap3A_844 = arith.constant 16 : index
        %swap3A_845 = tpu.vector_load %arg14[%swap3A_843, %swap3A_844] {strides = array<i32>} : memref<160x64xf32, #tpu.memory_space<vmem>>, vector<1x16xf32>,
        %swap3A_846 = vector.shape_cast %swap3A_845 : vector<1x16xf32> to vector<16xf32>
        %swap3A_847 = vector.shape_cast %mul3A_842 : vector<16xf32> to vector<1x16xf32>
        tpu.vector_store %arg14[%swap3A_843, %swap3A_844], %swap3A_847 {strides = array<i32>} : memref<160x64xf32, #tpu.memory_space<vmem>>, vector<1x16xf32>,
        %get3A_848 = arith.index_cast %scan3A_820 : i32 to index
        %get3A_849 = arith.constant 32 : index
        %get3A_850 = tpu.vector_load %arg13[%get3A_848, %get3A_849] {strides = array<i32>} : memref<160x64xf32, #tpu.memory_space<vmem>>, vector<1x16xf32>,
        %get3A_851 = vector.shape_cast %get3A_850 : vector<1x16xf32> to vector<16xf32>
        %get3A_852 = arith.index_cast %scan3A_820 : i32 to index
        %get3A_853 = arith.constant 32 : index
        %get3A_854 = tpu.vector_load %arg14[%get3A_852, %get3A_853] {strides = array<i32>} : memref<160x64xf32, #tpu.memory_space<vmem>>, vector<1x16xf32>,
        %get3A_855 = vector.shape_cast %get3A_854 : vector<1x16xf32> to vector<16xf32>
        %mul3A_856 = arith.mulf %get3A_851, %get3A_855 : vector<16xf32>
        %swap3A_857 = arith.index_cast %scan3A_820 : i32 to index
        %swap3A_858 = arith.constant 32 : index
        %swap3A_859 = tpu.vector_load %arg14[%swap3A_857, %swap3A_858] {strides = array<i32>} : memref<160x64xf32, #tpu.memory_space<vmem>>, vector<1x16xf32>,
        %swap3A_860 = vector.shape_cast %swap3A_859 : vector<1x16xf32> to vector<16xf32>
        %swap3A_861 = vector.shape_cast %mul3A_856 : vector<16xf32> to vector<1x16xf32>
        tpu.vector_store %arg14[%swap3A_857, %swap3A_858], %swap3A_861 {strides = array<i32>} : memref<160x64xf32, #tpu.memory_space<vmem>>, vector<1x16xf32>,
        %get3A_862 = arith.index_cast %scan3A_820 : i32 to index
        %get3A_863 = arith.constant 48 : index
        %get3A_864 = tpu.vector_load %arg13[%get3A_862, %get3A_863] {strides = array<i32>} : memref<160x64xf32, #tpu.memory_space<vmem>>, vector<1x16xf32>,
        %get3A_865 = vector.shape_cast %get3A_864 : vector<1x16xf32> to vector<16xf32>
        %get3A_866 = arith.index_cast %scan3A_820 : i32 to index
        %get3A_867 = arith.constant 48 : index
        %get3A_868 = tpu.vector_load %arg14[%get3A_866, %get3A_867] {strides = array<i32>} : memref<160x64xf32, #tpu.memory_space<vmem>>, vector<1x16xf32>,
        %get3A_869 = vector.shape_cast %get3A_868 : vector<1x16xf32> to vector<16xf32>
        %mul3A_870 = arith.mulf %get3A_865, %get3A_869 : vector<16xf32>
        %swap3A_871 = arith.index_cast %scan3A_820 : i32 to index
        %swap3A_872 = arith.constant 48 : index
        %swap3A_873 = tpu.vector_load %arg14[%swap3A_871, %swap3A_872] {strides = array<i32>} : memref<160x64xf32, #tpu.memory_space<vmem>>, vector<1x16xf32>,
        %swap3A_874 = vector.shape_cast %swap3A_873 : vector<1x16xf32> to vector<16xf32>
        %swap3A_875 = vector.shape_cast %mul3A_870 : vector<16xf32> to vector<1x16xf32>
        tpu.vector_store %arg14[%swap3A_871, %swap3A_872], %swap3A_875 {strides = array<i32>} : memref<160x64xf32, #tpu.memory_space<vmem>>, vector<1x16xf32>,
        %scan3A_876 = arith.constant 0 : i32
        scf.yield %scan3A_876 : i32
      }
      %scan3A_475 = arith.constant 160 : i32
      %add3A_476 = arith.addi %mul3A_425, %multiple_of3A : i32
      %add3A_477 = arith.constant 0 : i32
      %add3A_478 = arith.addi %add3A_476, %add3A_477 : i32
      %multiple_of3A_479 = tpu.assume_multiple %add3A_478, 8 : i32
      %dma_start3A_480 = arith.constant 0 : i32
      %dma_start3A_481 = arith.constant 0 : i32
      %dma_start3A_482 = tpu.memref_slice %arg13[%dma_start3A_480, %dma_start3A_481] : memref<160x64xf32, #tpu.memory_space<vmem>> -> memref<160x64xf32, #tpu.memory_space<vmem>>
      %dma_start3A_483 = arith.constant 0 : i32
      %dma_start3A_484 = tpu.memref_slice %arg5[%arg0, %scan3A_181, %multiple_of3A_428, %dma_start3A_483] : memref<2x16x10112x64xf32, #tpu.memory_space<hbm>> -> memref<1x1x160x64xf32, #tpu.memory_space<hbm>>
      %dma_start3A_485 = tpu.memref_squeeze %dma_start3A_484 : memref<1x1x160x64xf32, #tpu.memory_space<hbm>> -> memref<160x64xf32, #tpu.memory_space<hbm>>
      %dma_start3A_486 = arith.constant 0 : i32
      %dma_start3A_487 = tpu.memref_slice %arg5[%arg0, %scan3A_181, %multiple_of3A_428, %dma_start3A_486] : memref<2x16x10112x64xf32, #tpu.memory_space<hbm>> -> memref<1x1x160x64xf32, #tpu.memory_space<hbm>>
      %dma_start3A_488 = tpu.memref_squeeze %dma_start3A_487 : memref<1x1x160x64xf32, #tpu.memory_space<hbm>> -> memref<160x64xf32, #tpu.memory_space<hbm>>
      %dma_start3A_489 = arith.constant 0 : i32
      %dma_start3A_490 = arith.constant 0 : i32
      %dma_start3A_491 = tpu.memref_slice %arg13[%dma_start3A_489, %dma_start3A_490] : memref<160x64xf32, #tpu.memory_space<vmem>> -> memref<160x64xf32, #tpu.memory_space<vmem>>
      tpu.enqueue_dma source(%dma_start3A_491 : memref<160x64xf32, #tpu.memory_space<vmem>>) target(%dma_start3A_488 : memref<160x64xf32, #tpu.memory_space<hbm>>) target_semaphore(%arg21 : memref<!tpu.dma_semaphore, #tpu.memory_space<semaphore_mem>>)
      %dma_start3A_492 = arith.constant 0 : i32
      %dma_start3A_493 = arith.constant 0 : i32
      %dma_start3A_494 = tpu.memref_slice %arg14[%dma_start3A_492, %dma_start3A_493] : memref<160x64xf32, #tpu.memory_space<vmem>> -> memref<160x64xf32, #tpu.memory_space<vmem>>
      %dma_start3A_495 = arith.constant 0 : i32
      %dma_start3A_496 = tpu.memref_slice %arg7[%multiple_of3A_479, %dma_start3A_495] : memref<20224x64xf32, #tpu.memory_space<hbm>> -> memref<160x64xf32, #tpu.memory_space<hbm>>
      %dma_start3A_497 = arith.constant 0 : i32
      %dma_start3A_498 = tpu.memref_slice %arg7[%multiple_of3A_479, %dma_start3A_497] : memref<20224x64xf32, #tpu.memory_space<hbm>> -> memref<160x64xf32, #tpu.memory_space<hbm>>
      %dma_start3A_499 = arith.constant 0 : i32
      %dma_start3A_500 = arith.constant 0 : i32
      %dma_start3A_501 = tpu.memref_slice %arg14[%dma_start3A_499, %dma_start3A_500] : memref<160x64xf32, #tpu.memory_space<vmem>> -> memref<160x64xf32, #tpu.memory_space<vmem>>
      tpu.enqueue_dma source(%dma_start3A_501 : memref<160x64xf32, #tpu.memory_space<vmem>>) target(%dma_start3A_498 : memref<160x64xf32, #tpu.memory_space<hbm>>) target_semaphore(%arg22 : memref<!tpu.dma_semaphore, #tpu.memory_space<semaphore_mem>>)
      "tpu.region"() ({
        %run_scoped3A = tpu.sem_alloc : memref<!tpu.dma_semaphore, #tpu.memory_space<semaphore_mem>>
        %dma_start3A_820 = arith.constant 0 : i32
        %dma_start3A_821 = arith.constant 0 : i32
        %dma_start3A_822 = tpu.memref_slice %arg15[%dma_start3A_820, %dma_start3A_821] : memref<160x64xf32, #tpu.memory_space<vmem>> -> memref<160x64xf32, #tpu.memory_space<vmem>>
        %dma_start3A_823 = arith.constant 0 : i32
        %dma_start3A_824 = tpu.memref_slice %arg20[%multiple_of3A_428, %dma_start3A_823] : memref<10112x64xf32, #tpu.memory_space<vmem_shared>> -> memref<160x64xf32, #tpu.memory_space<vmem_shared>>
        %dma_start3A_825 = arith.constant 0 : i32
        %dma_start3A_826 = tpu.memref_slice %arg20[%multiple_of3A_428, %dma_start3A_825] : memref<10112x64xf32, #tpu.memory_space<vmem_shared>> -> memref<160x64xf32, #tpu.memory_space<vmem_shared>>
        %dma_start3A_827 = arith.constant 0 : i32
        %dma_start3A_828 = arith.constant 0 : i32
        %dma_start3A_829 = tpu.memref_slice %arg15[%dma_start3A_827, %dma_start3A_828] : memref<160x64xf32, #tpu.memory_space<vmem>> -> memref<160x64xf32, #tpu.memory_space<vmem>>
        tpu.enqueue_dma source(%dma_start3A_829 : memref<160x64xf32, #tpu.memory_space<vmem>>) target(%dma_start3A_826 : memref<160x64xf32, #tpu.memory_space<vmem_shared>>) target_semaphore(%run_scoped3A : memref<!tpu.dma_semaphore, #tpu.memory_space<semaphore_mem>>)
        %dma_wait3A_830 = arith.constant 0 : i32
        %dma_wait3A_831 = arith.constant 0 : i32
        %dma_wait3A_832 = tpu.memref_slice %arg15[%dma_wait3A_830, %dma_wait3A_831] : memref<160x64xf32, #tpu.memory_space<vmem>> -> memref<160x64xf32, #tpu.memory_space<vmem>>
        %dma_wait3A_833 = arith.constant 0 : i32
        %dma_wait3A_834 = tpu.memref_slice %arg20[%multiple_of3A_428, %dma_wait3A_833] : memref<10112x64xf32, #tpu.memory_space<vmem_shared>> -> memref<160x64xf32, #tpu.memory_space<vmem_shared>>
        %dma_wait3A_835 = arith.constant 0 : i32
        %dma_wait3A_836 = tpu.memref_slice %arg20[%multiple_of3A_428, %dma_wait3A_835] : memref<10112x64xf32, #tpu.memory_space<vmem_shared>> -> memref<160x64xf32, #tpu.memory_space<vmem_shared>>
        %dma_wait3A_837 = arith.constant 0 : i32
        %dma_wait3A_838 = arith.constant 0 : i32
        %dma_wait3A_839 = tpu.memref_slice %arg15[%dma_wait3A_837, %dma_wait3A_838] : memref<160x64xf32, #tpu.memory_space<vmem>> -> memref<160x64xf32, #tpu.memory_space<vmem>>
        tpu.wait_dma2 semaphore(%run_scoped3A : memref<!tpu.dma_semaphore, #tpu.memory_space<semaphore_mem>>) src(%dma_wait3A_839 : memref<160x64xf32, #tpu.memory_space<vmem>>) dst(%dma_wait3A_836 : memref<160x64xf32, #tpu.memory_space<vmem_shared>>)
        tpu.yield
      }) : () -> ()
      %dma_wait3A_502 = arith.constant 0 : i32
      %dma_wait3A_503 = arith.constant 0 : i32
      %dma_wait3A_504 = tpu.memref_slice %arg13[%dma_wait3A_502, %dma_wait3A_503] : memref<160x64xf32, #tpu.memory_space<vmem>> -> memref<160x64xf32, #tpu.memory_space<vmem>>
      %dma_wait3A_505 = arith.constant 0 : i32
      %dma_wait3A_506 = tpu.memref_slice %arg5[%arg0, %scan3A_181, %multiple_of3A_428, %dma_wait3A_505] : memref<2x16x10112x64xf32, #tpu.memory_space<hbm>> -> memref<1x1x160x64xf32, #tpu.memory_space<hbm>>
      %dma_wait3A_507 = tpu.memref_squeeze %dma_wait3A_506 : memref<1x1x160x64xf32, #tpu.memory_space<hbm>> -> memref<160x64xf32, #tpu.memory_space<hbm>>
      %dma_wait3A_508 = arith.constant 0 : i32
      %dma_wait3A_509 = tpu.memref_slice %arg5[%arg0, %scan3A_181, %multiple_of3A_428, %dma_wait3A_508] : memref<2x16x10112x64xf32, #tpu.memory_space<hbm>> -> memref<1x1x160x64xf32, #tpu.memory_space<hbm>>
      %dma_wait3A_510 = tpu.memref_squeeze %dma_wait3A_509 : memref<1x1x160x64xf32, #tpu.memory_space<hbm>> -> memref<160x64xf32, #tpu.memory_space<hbm>>
      %dma_wait3A_511 = arith.constant 0 : i32
      %dma_wait3A_512 = arith.constant 0 : i32
      %dma_wait3A_513 = tpu.memref_slice %arg13[%dma_wait3A_511, %dma_wait3A_512] : memref<160x64xf32, #tpu.memory_space<vmem>> -> memref<160x64xf32, #tpu.memory_space<vmem>>
      tpu.wait_dma2 semaphore(%arg21 : memref<!tpu.dma_semaphore, #tpu.memory_space<semaphore_mem>>) src(%dma_wait3A_513 : memref<160x64xf32, #tpu.memory_space<vmem>>) dst(%dma_wait3A_510 : memref<160x64xf32, #tpu.memory_space<hbm>>)
      %dma_wait3A_514 = arith.constant 0 : i32
      %dma_wait3A_515 = arith.constant 0 : i32
      %dma_wait3A_516 = tpu.memref_slice %arg14[%dma_wait3A_514, %dma_wait3A_515] : memref<160x64xf32, #tpu.memory_space<vmem>> -> memref<160x64xf32, #tpu.memory_space<vmem>>
      %dma_wait3A_517 = arith.constant 0 : i32
      %dma_wait3A_518 = tpu.memref_slice %arg7[%multiple_of3A_479, %dma_wait3A_517] : memref<20224x64xf32, #tpu.memory_space<hbm>> -> memref<160x64xf32, #tpu.memory_space<hbm>>
      %dma_wait3A_519 = arith.constant 0 : i32
      %dma_wait3A_520 = tpu.memref_slice %arg7[%multiple_of3A_479, %dma_wait3A_519] : memref<20224x64xf32, #tpu.memory_space<hbm>> -> memref<160x64xf32, #tpu.memory_space<hbm>>
      %dma_wait3A_521 = arith.constant 0 : i32
      %dma_wait3A_522 = arith.constant 0 : i32
      %dma_wait3A_523 = tpu.memref_slice %arg14[%dma_wait3A_521, %dma_wait3A_522] : memref<160x64xf32, #tpu.memory_space<vmem>> -> memref<160x64xf32, #tpu.memory_space<vmem>>
      tpu.wait_dma2 semaphore(%arg22 : memref<!tpu.dma_semaphore, #tpu.memory_space<semaphore_mem>>) src(%dma_wait3A_523 : memref<160x64xf32, #tpu.memory_space<vmem>>) dst(%dma_wait3A_520 : memref<160x64xf32, #tpu.memory_space<hbm>>)
      %add3A_524 = arith.constant 160 : i32
      %add3A_525 = arith.addi %multiple_of3A, %add3A_524 : i32
      %multiple_of3A_526 = tpu.assume_multiple %add3A_525, 8 : i32
      %dma_start3A_527 = arith.constant 0 : i32
      %dma_start3A_528 = arith.constant 0 : i32
      %dma_start3A_529 = tpu.memref_slice %arg13[%dma_start3A_527, %dma_start3A_528] : memref<160x64xf32, #tpu.memory_space<vmem>> -> memref<160x64xf32, #tpu.memory_space<vmem>>
      %dma_start3A_530 = arith.constant 0 : i32
      %dma_start3A_531 = tpu.memref_slice %arg20[%multiple_of3A_526, %dma_start3A_530] : memref<10112x64xf32, #tpu.memory_space<vmem_shared>> -> memref<160x64xf32, #tpu.memory_space<vmem_shared>>
      %dma_start3A_532 = arith.constant 0 : i32
      %dma_start3A_533 = arith.constant 0 : i32
      %dma_start3A_534 = tpu.memref_slice %arg13[%dma_start3A_532, %dma_start3A_533] : memref<160x64xf32, #tpu.memory_space<vmem>> -> memref<160x64xf32, #tpu.memory_space<vmem>>
      %dma_start3A_535 = arith.constant 0 : i32
      %dma_start3A_536 = tpu.memref_slice %arg20[%multiple_of3A_526, %dma_start3A_535] : memref<10112x64xf32, #tpu.memory_space<vmem_shared>> -> memref<160x64xf32, #tpu.memory_space<vmem_shared>>
      tpu.enqueue_dma source(%dma_start3A_536 : memref<160x64xf32, #tpu.memory_space<vmem_shared>>) target(%dma_start3A_534 : memref<160x64xf32, #tpu.memory_space<vmem>>) target_semaphore(%arg21 : memref<!tpu.dma_semaphore, #tpu.memory_space<semaphore_mem>>)
      %dma_start3A_537 = arith.constant 0 : i32
      %dma_start3A_538 = arith.constant 0 : i32
      %dma_start3A_539 = tpu.memref_slice %arg14[%dma_start3A_537, %dma_start3A_538] : memref<160x64xf32, #tpu.memory_space<vmem>> -> memref<160x64xf32, #tpu.memory_space<vmem>>
      %dma_start3A_540 = arith.constant 0 : i32
      %dma_start3A_541 = tpu.memref_slice %arg9[%multiple_of3A_526, %dma_start3A_540] : memref<10112x64xf32, #tpu.memory_space<hbm>> -> memref<160x64xf32, #tpu.memory_space<hbm>>
      %dma_start3A_542 = arith.constant 0 : i32
      %dma_start3A_543 = arith.constant 0 : i32
      %dma_start3A_544 = tpu.memref_slice %arg14[%dma_start3A_542, %dma_start3A_543] : memref<160x64xf32, #tpu.memory_space<vmem>> -> memref<160x64xf32, #tpu.memory_space<vmem>>
      %dma_start3A_545 = arith.constant 0 : i32
      %dma_start3A_546 = tpu.memref_slice %arg9[%multiple_of3A_526, %dma_start3A_545] : memref<10112x64xf32, #tpu.memory_space<hbm>> -> memref<160x64xf32, #tpu.memory_space<hbm>>
      tpu.enqueue_dma source(%dma_start3A_546 : memref<160x64xf32, #tpu.memory_space<hbm>>) target(%dma_start3A_544 : memref<160x64xf32, #tpu.memory_space<vmem>>) target_semaphore(%arg22 : memref<!tpu.dma_semaphore, #tpu.memory_space<semaphore_mem>>)
      %dma_wait3A_547 = arith.constant 0 : i32
      %dma_wait3A_548 = arith.constant 0 : i32
      %dma_wait3A_549 = tpu.memref_slice %arg13[%dma_wait3A_547, %dma_wait3A_548] : memref<160x64xf32, #tpu.memory_space<vmem>> -> memref<160x64xf32, #tpu.memory_space<vmem>>
      %dma_wait3A_550 = arith.constant 0 : i32
      %dma_wait3A_551 = tpu.memref_slice %arg20[%multiple_of3A_526, %dma_wait3A_550] : memref<10112x64xf32, #tpu.memory_space<vmem_shared>> -> memref<160x64xf32, #tpu.memory_space<vmem_shared>>
      %dma_wait3A_552 = arith.constant 0 : i32
      %dma_wait3A_553 = arith.constant 0 : i32
      %dma_wait3A_554 = tpu.memref_slice %arg13[%dma_wait3A_552, %dma_wait3A_553] : memref<160x64xf32, #tpu.memory_space<vmem>> -> memref<160x64xf32, #tpu.memory_space<vmem>>
      %dma_wait3A_555 = arith.constant 0 : i32
      %dma_wait3A_556 = tpu.memref_slice %arg20[%multiple_of3A_526, %dma_wait3A_555] : memref<10112x64xf32, #tpu.memory_space<vmem_shared>> -> memref<160x64xf32, #tpu.memory_space<vmem_shared>>
      tpu.wait_dma2 semaphore(%arg21 : memref<!tpu.dma_semaphore, #tpu.memory_space<semaphore_mem>>) src(%dma_wait3A_556 : memref<160x64xf32, #tpu.memory_space<vmem_shared>>) dst(%dma_wait3A_554 : memref<160x64xf32, #tpu.memory_space<vmem>>)
      %dma_wait3A_557 = arith.constant 0 : i32
      %dma_wait3A_558 = arith.constant 0 : i32
      %dma_wait3A_559 = tpu.memref_slice %arg14[%dma_wait3A_557, %dma_wait3A_558] : memref<160x64xf32, #tpu.memory_space<vmem>> -> memref<160x64xf32, #tpu.memory_space<vmem>>
      %dma_wait3A_560 = arith.constant 0 : i32
      %dma_wait3A_561 = tpu.memref_slice %arg9[%multiple_of3A_526, %dma_wait3A_560] : memref<10112x64xf32, #tpu.memory_space<hbm>> -> memref<160x64xf32, #tpu.memory_space<hbm>>
      %dma_wait3A_562 = arith.constant 0 : i32
      %dma_wait3A_563 = arith.constant 0 : i32
      %dma_wait3A_564 = tpu.memref_slice %arg14[%dma_wait3A_562, %dma_wait3A_563] : memref<160x64xf32, #tpu.memory_space<vmem>> -> memref<160x64xf32, #tpu.memory_space<vmem>>
      %dma_wait3A_565 = arith.constant 0 : i32
      %dma_wait3A_566 = tpu.memref_slice %arg9[%multiple_of3A_526, %dma_wait3A_565] : memref<10112x64xf32, #tpu.memory_space<hbm>> -> memref<160x64xf32, #tpu.memory_space<hbm>>
      tpu.wait_dma2 semaphore(%arg22 : memref<!tpu.dma_semaphore, #tpu.memory_space<semaphore_mem>>) src(%dma_wait3A_566 : memref<160x64xf32, #tpu.memory_space<hbm>>) dst(%dma_wait3A_564 : memref<160x64xf32, #tpu.memory_space<vmem>>)
      %scan3A_567 = arith.constant 0 : i32
      %scan3A_568 = arith.constant 0 : i32
      %scan3A_569 = arith.constant 160 : i32
      %scan3A_570 = arith.addi %scan3A_568, %scan3A_569 : i32
      %scan3A_571 = arith.constant 1 : i32
      %scan3A_572 = scf.for %scan3A_820 = %scan3A_568 to %scan3A_570 step %scan3A_571 iter_args(%scan3A_821 = %scan3A_567) -> (i32)  : i32 {
        %get3A = arith.index_cast %scan3A_820 : i32 to index
        %get3A_822 = arith.constant 0 : index
        %get3A_823 = tpu.vector_load %arg13[%get3A, %get3A_822] {strides = array<i32>} : memref<160x64xf32, #tpu.memory_space<vmem>>, vector<1x16xf32>,
        %get3A_824 = vector.shape_cast %get3A_823 : vector<1x16xf32> to vector<16xf32>
        %get3A_825 = arith.index_cast %scan3A_820 : i32 to index
        %get3A_826 = arith.constant 0 : index
        %get3A_827 = tpu.vector_load %arg14[%get3A_825, %get3A_826] {strides = array<i32>} : memref<160x64xf32, #tpu.memory_space<vmem>>, vector<1x16xf32>,
        %get3A_828 = vector.shape_cast %get3A_827 : vector<1x16xf32> to vector<16xf32>
        %mul3A_829 = arith.mulf %get3A_824, %get3A_828 : vector<16xf32>
        %swap3A = arith.index_cast %scan3A_820 : i32 to index
        %swap3A_830 = arith.constant 0 : index
        %swap3A_831 = tpu.vector_load %arg14[%swap3A, %swap3A_830] {strides = array<i32>} : memref<160x64xf32, #tpu.memory_space<vmem>>, vector<1x16xf32>,
        %swap3A_832 = vector.shape_cast %swap3A_831 : vector<1x16xf32> to vector<16xf32>
        %swap3A_833 = vector.shape_cast %mul3A_829 : vector<16xf32> to vector<1x16xf32>
        tpu.vector_store %arg14[%swap3A, %swap3A_830], %swap3A_833 {strides = array<i32>} : memref<160x64xf32, #tpu.memory_space<vmem>>, vector<1x16xf32>,
        %get3A_834 = arith.index_cast %scan3A_820 : i32 to index
        %get3A_835 = arith.constant 16 : index
        %get3A_836 = tpu.vector_load %arg13[%get3A_834, %get3A_835] {strides = array<i32>} : memref<160x64xf32, #tpu.memory_space<vmem>>, vector<1x16xf32>,
        %get3A_837 = vector.shape_cast %get3A_836 : vector<1x16xf32> to vector<16xf32>
        %get3A_838 = arith.index_cast %scan3A_820 : i32 to index
        %get3A_839 = arith.constant 16 : index
        %get3A_840 = tpu.vector_load %arg14[%get3A_838, %get3A_839] {strides = array<i32>} : memref<160x64xf32, #tpu.memory_space<vmem>>, vector<1x16xf32>,
        %get3A_841 = vector.shape_cast %get3A_840 : vector<1x16xf32> to vector<16xf32>
        %mul3A_842 = arith.mulf %get3A_837, %get3A_841 : vector<16xf32>
        %swap3A_843 = arith.index_cast %scan3A_820 : i32 to index
        %swap3A_844 = arith.constant 16 : index
        %swap3A_845 = tpu.vector_load %arg14[%swap3A_843, %swap3A_844] {strides = array<i32>} : memref<160x64xf32, #tpu.memory_space<vmem>>, vector<1x16xf32>,
        %swap3A_846 = vector.shape_cast %swap3A_845 : vector<1x16xf32> to vector<16xf32>
        %swap3A_847 = vector.shape_cast %mul3A_842 : vector<16xf32> to vector<1x16xf32>
        tpu.vector_store %arg14[%swap3A_843, %swap3A_844], %swap3A_847 {strides = array<i32>} : memref<160x64xf32, #tpu.memory_space<vmem>>, vector<1x16xf32>,
        %get3A_848 = arith.index_cast %scan3A_820 : i32 to index
        %get3A_849 = arith.constant 32 : index
        %get3A_850 = tpu.vector_load %arg13[%get3A_848, %get3A_849] {strides = array<i32>} : memref<160x64xf32, #tpu.memory_space<vmem>>, vector<1x16xf32>,
        %get3A_851 = vector.shape_cast %get3A_850 : vector<1x16xf32> to vector<16xf32>
        %get3A_852 = arith.index_cast %scan3A_820 : i32 to index
        %get3A_853 = arith.constant 32 : index
        %get3A_854 = tpu.vector_load %arg14[%get3A_852, %get3A_853] {strides = array<i32>} : memref<160x64xf32, #tpu.memory_space<vmem>>, vector<1x16xf32>,
        %get3A_855 = vector.shape_cast %get3A_854 : vector<1x16xf32> to vector<16xf32>
        %mul3A_856 = arith.mulf %get3A_851, %get3A_855 : vector<16xf32>
        %swap3A_857 = arith.index_cast %scan3A_820 : i32 to index
        %swap3A_858 = arith.constant 32 : index
        %swap3A_859 = tpu.vector_load %arg14[%swap3A_857, %swap3A_858] {strides = array<i32>} : memref<160x64xf32, #tpu.memory_space<vmem>>, vector<1x16xf32>,
        %swap3A_860 = vector.shape_cast %swap3A_859 : vector<1x16xf32> to vector<16xf32>
        %swap3A_861 = vector.shape_cast %mul3A_856 : vector<16xf32> to vector<1x16xf32>
        tpu.vector_store %arg14[%swap3A_857, %swap3A_858], %swap3A_861 {strides = array<i32>} : memref<160x64xf32, #tpu.memory_space<vmem>>, vector<1x16xf32>,
        %get3A_862 = arith.index_cast %scan3A_820 : i32 to index
        %get3A_863 = arith.constant 48 : index
        %get3A_864 = tpu.vector_load %arg13[%get3A_862, %get3A_863] {strides = array<i32>} : memref<160x64xf32, #tpu.memory_space<vmem>>, vector<1x16xf32>,
        %get3A_865 = vector.shape_cast %get3A_864 : vector<1x16xf32> to vector<16xf32>
        %get3A_866 = arith.index_cast %scan3A_820 : i32 to index
        %get3A_867 = arith.constant 48 : index
        %get3A_868 = tpu.vector_load %arg14[%get3A_866, %get3A_867] {strides = array<i32>} : memref<160x64xf32, #tpu.memory_space<vmem>>, vector<1x16xf32>,
        %get3A_869 = vector.shape_cast %get3A_868 : vector<1x16xf32> to vector<16xf32>
        %mul3A_870 = arith.mulf %get3A_865, %get3A_869 : vector<16xf32>
        %swap3A_871 = arith.index_cast %scan3A_820 : i32 to index
        %swap3A_872 = arith.constant 48 : index
        %swap3A_873 = tpu.vector_load %arg14[%swap3A_871, %swap3A_872] {strides = array<i32>} : memref<160x64xf32, #tpu.memory_space<vmem>>, vector<1x16xf32>,
        %swap3A_874 = vector.shape_cast %swap3A_873 : vector<1x16xf32> to vector<16xf32>
        %swap3A_875 = vector.shape_cast %mul3A_870 : vector<16xf32> to vector<1x16xf32>
        tpu.vector_store %arg14[%swap3A_871, %swap3A_872], %swap3A_875 {strides = array<i32>} : memref<160x64xf32, #tpu.memory_space<vmem>>, vector<1x16xf32>,
        %scan3A_876 = arith.constant 0 : i32
        scf.yield %scan3A_876 : i32
      }
      %scan3A_573 = arith.constant 160 : i32
      %add3A_574 = arith.addi %mul3A_425, %multiple_of3A : i32
      %add3A_575 = arith.constant 160 : i32
      %add3A_576 = arith.addi %add3A_574, %add3A_575 : i32
      %multiple_of3A_577 = tpu.assume_multiple %add3A_576, 8 : i32
      %dma_start3A_578 = arith.constant 0 : i32
      %dma_start3A_579 = arith.constant 0 : i32
      %dma_start3A_580 = tpu.memref_slice %arg13[%dma_start3A_578, %dma_start3A_579] : memref<160x64xf32, #tpu.memory_space<vmem>> -> memref<160x64xf32, #tpu.memory_space<vmem>>
      %dma_start3A_581 = arith.constant 0 : i32
      %dma_start3A_582 = tpu.memref_slice %arg5[%arg0, %scan3A_181, %multiple_of3A_526, %dma_start3A_581] : memref<2x16x10112x64xf32, #tpu.memory_space<hbm>> -> memref<1x1x160x64xf32, #tpu.memory_space<hbm>>
      %dma_start3A_583 = tpu.memref_squeeze %dma_start3A_582 : memref<1x1x160x64xf32, #tpu.memory_space<hbm>> -> memref<160x64xf32, #tpu.memory_space<hbm>>
      %dma_start3A_584 = arith.constant 0 : i32
      %dma_start3A_585 = tpu.memref_slice %arg5[%arg0, %scan3A_181, %multiple_of3A_526, %dma_start3A_584] : memref<2x16x10112x64xf32, #tpu.memory_space<hbm>> -> memref<1x1x160x64xf32, #tpu.memory_space<hbm>>
      %dma_start3A_586 = tpu.memref_squeeze %dma_start3A_585 : memref<1x1x160x64xf32, #tpu.memory_space<hbm>> -> memref<160x64xf32, #tpu.memory_space<hbm>>
      %dma_start3A_587 = arith.constant 0 : i32
      %dma_start3A_588 = arith.constant 0 : i32
      %dma_start3A_589 = tpu.memref_slice %arg13[%dma_start3A_587, %dma_start3A_588] : memref<160x64xf32, #tpu.memory_space<vmem>> -> memref<160x64xf32, #tpu.memory_space<vmem>>
      tpu.enqueue_dma source(%dma_start3A_589 : memref<160x64xf32, #tpu.memory_space<vmem>>) target(%dma_start3A_586 : memref<160x64xf32, #tpu.memory_space<hbm>>) target_semaphore(%arg21 : memref<!tpu.dma_semaphore, #tpu.memory_space<semaphore_mem>>)
      %dma_start3A_590 = arith.constant 0 : i32
      %dma_start3A_591 = arith.constant 0 : i32
      %dma_start3A_592 = tpu.memref_slice %arg14[%dma_start3A_590, %dma_start3A_591] : memref<160x64xf32, #tpu.memory_space<vmem>> -> memref<160x64xf32, #tpu.memory_space<vmem>>
      %dma_start3A_593 = arith.constant 0 : i32
      %dma_start3A_594 = tpu.memref_slice %arg7[%multiple_of3A_577, %dma_start3A_593] : memref<20224x64xf32, #tpu.memory_space<hbm>> -> memref<160x64xf32, #tpu.memory_space<hbm>>
      %dma_start3A_595 = arith.constant 0 : i32
      %dma_start3A_596 = tpu.memref_slice %arg7[%multiple_of3A_577, %dma_start3A_595] : memref<20224x64xf32, #tpu.memory_space<hbm>> -> memref<160x64xf32, #tpu.memory_space<hbm>>
      %dma_start3A_597 = arith.constant 0 : i32
      %dma_start3A_598 = arith.constant 0 : i32
      %dma_start3A_599 = tpu.memref_slice %arg14[%dma_start3A_597, %dma_start3A_598] : memref<160x64xf32, #tpu.memory_space<vmem>> -> memref<160x64xf32, #tpu.memory_space<vmem>>
      tpu.enqueue_dma source(%dma_start3A_599 : memref<160x64xf32, #tpu.memory_space<vmem>>) target(%dma_start3A_596 : memref<160x64xf32, #tpu.memory_space<hbm>>) target_semaphore(%arg22 : memref<!tpu.dma_semaphore, #tpu.memory_space<semaphore_mem>>)
      "tpu.region"() ({
        %run_scoped3A = tpu.sem_alloc : memref<!tpu.dma_semaphore, #tpu.memory_space<semaphore_mem>>
        %dma_start3A_820 = arith.constant 0 : i32
        %dma_start3A_821 = arith.constant 0 : i32
        %dma_start3A_822 = tpu.memref_slice %arg15[%dma_start3A_820, %dma_start3A_821] : memref<160x64xf32, #tpu.memory_space<vmem>> -> memref<160x64xf32, #tpu.memory_space<vmem>>
        %dma_start3A_823 = arith.constant 0 : i32
        %dma_start3A_824 = tpu.memref_slice %arg20[%multiple_of3A_526, %dma_start3A_823] : memref<10112x64xf32, #tpu.memory_space<vmem_shared>> -> memref<160x64xf32, #tpu.memory_space<vmem_shared>>
        %dma_start3A_825 = arith.constant 0 : i32
        %dma_start3A_826 = tpu.memref_slice %arg20[%multiple_of3A_526, %dma_start3A_825] : memref<10112x64xf32, #tpu.memory_space<vmem_shared>> -> memref<160x64xf32, #tpu.memory_space<vmem_shared>>
        %dma_start3A_827 = arith.constant 0 : i32
        %dma_start3A_828 = arith.constant 0 : i32
        %dma_start3A_829 = tpu.memref_slice %arg15[%dma_start3A_827, %dma_start3A_828] : memref<160x64xf32, #tpu.memory_space<vmem>> -> memref<160x64xf32, #tpu.memory_space<vmem>>
        tpu.enqueue_dma source(%dma_start3A_829 : memref<160x64xf32, #tpu.memory_space<vmem>>) target(%dma_start3A_826 : memref<160x64xf32, #tpu.memory_space<vmem_shared>>) target_semaphore(%run_scoped3A : memref<!tpu.dma_semaphore, #tpu.memory_space<semaphore_mem>>)
        %dma_wait3A_830 = arith.constant 0 : i32
        %dma_wait3A_831 = arith.constant 0 : i32
        %dma_wait3A_832 = tpu.memref_slice %arg15[%dma_wait3A_830, %dma_wait3A_831] : memref<160x64xf32, #tpu.memory_space<vmem>> -> memref<160x64xf32, #tpu.memory_space<vmem>>
        %dma_wait3A_833 = arith.constant 0 : i32
        %dma_wait3A_834 = tpu.memref_slice %arg20[%multiple_of3A_526, %dma_wait3A_833] : memref<10112x64xf32, #tpu.memory_space<vmem_shared>> -> memref<160x64xf32, #tpu.memory_space<vmem_shared>>
        %dma_wait3A_835 = arith.constant 0 : i32
        %dma_wait3A_836 = tpu.memref_slice %arg20[%multiple_of3A_526, %dma_wait3A_835] : memref<10112x64xf32, #tpu.memory_space<vmem_shared>> -> memref<160x64xf32, #tpu.memory_space<vmem_shared>>
        %dma_wait3A_837 = arith.constant 0 : i32
        %dma_wait3A_838 = arith.constant 0 : i32
        %dma_wait3A_839 = tpu.memref_slice %arg15[%dma_wait3A_837, %dma_wait3A_838] : memref<160x64xf32, #tpu.memory_space<vmem>> -> memref<160x64xf32, #tpu.memory_space<vmem>>
        tpu.wait_dma2 semaphore(%run_scoped3A : memref<!tpu.dma_semaphore, #tpu.memory_space<semaphore_mem>>) src(%dma_wait3A_839 : memref<160x64xf32, #tpu.memory_space<vmem>>) dst(%dma_wait3A_836 : memref<160x64xf32, #tpu.memory_space<vmem_shared>>)
        tpu.yield
      }) : () -> ()
      %dma_wait3A_600 = arith.constant 0 : i32
      %dma_wait3A_601 = arith.constant 0 : i32
      %dma_wait3A_602 = tpu.memref_slice %arg13[%dma_wait3A_600, %dma_wait3A_601] : memref<160x64xf32, #tpu.memory_space<vmem>> -> memref<160x64xf32, #tpu.memory_space<vmem>>
      %dma_wait3A_603 = arith.constant 0 : i32
      %dma_wait3A_604 = tpu.memref_slice %arg5[%arg0, %scan3A_181, %multiple_of3A_526, %dma_wait3A_603] : memref<2x16x10112x64xf32, #tpu.memory_space<hbm>> -> memref<1x1x160x64xf32, #tpu.memory_space<hbm>>
      %dma_wait3A_605 = tpu.memref_squeeze %dma_wait3A_604 : memref<1x1x160x64xf32, #tpu.memory_space<hbm>> -> memref<160x64xf32, #tpu.memory_space<hbm>>
      %dma_wait3A_606 = arith.constant 0 : i32
      %dma_wait3A_607 = tpu.memref_slice %arg5[%arg0, %scan3A_181, %multiple_of3A_526, %dma_wait3A_606] : memref<2x16x10112x64xf32, #tpu.memory_space<hbm>> -> memref<1x1x160x64xf32, #tpu.memory_space<hbm>>
      %dma_wait3A_608 = tpu.memref_squeeze %dma_wait3A_607 : memref<1x1x160x64xf32, #tpu.memory_space<hbm>> -> memref<160x64xf32, #tpu.memory_space<hbm>>
      %dma_wait3A_609 = arith.constant 0 : i32
      %dma_wait3A_610 = arith.constant 0 : i32
      %dma_wait3A_611 = tpu.memref_slice %arg13[%dma_wait3A_609, %dma_wait3A_610] : memref<160x64xf32, #tpu.memory_space<vmem>> -> memref<160x64xf32, #tpu.memory_space<vmem>>
      tpu.wait_dma2 semaphore(%arg21 : memref<!tpu.dma_semaphore, #tpu.memory_space<semaphore_mem>>) src(%dma_wait3A_611 : memref<160x64xf32, #tpu.memory_space<vmem>>) dst(%dma_wait3A_608 : memref<160x64xf32, #tpu.memory_space<hbm>>)
      %dma_wait3A_612 = arith.constant 0 : i32
      %dma_wait3A_613 = arith.constant 0 : i32
      %dma_wait3A_614 = tpu.memref_slice %arg14[%dma_wait3A_612, %dma_wait3A_613] : memref<160x64xf32, #tpu.memory_space<vmem>> -> memref<160x64xf32, #tpu.memory_space<vmem>>
      %dma_wait3A_615 = arith.constant 0 : i32
      %dma_wait3A_616 = tpu.memref_slice %arg7[%multiple_of3A_577, %dma_wait3A_615] : memref<20224x64xf32, #tpu.memory_space<hbm>> -> memref<160x64xf32, #tpu.memory_space<hbm>>
      %dma_wait3A_617 = arith.constant 0 : i32
      %dma_wait3A_618 = tpu.memref_slice %arg7[%multiple_of3A_577, %dma_wait3A_617] : memref<20224x64xf32, #tpu.memory_space<hbm>> -> memref<160x64xf32, #tpu.memory_space<hbm>>
      %dma_wait3A_619 = arith.constant 0 : i32
      %dma_wait3A_620 = arith.constant 0 : i32
      %dma_wait3A_621 = tpu.memref_slice %arg14[%dma_wait3A_619, %dma_wait3A_620] : memref<160x64xf32, #tpu.memory_space<vmem>> -> memref<160x64xf32, #tpu.memory_space<vmem>>
      tpu.wait_dma2 semaphore(%arg22 : memref<!tpu.dma_semaphore, #tpu.memory_space<semaphore_mem>>) src(%dma_wait3A_621 : memref<160x64xf32, #tpu.memory_space<vmem>>) dst(%dma_wait3A_618 : memref<160x64xf32, #tpu.memory_space<hbm>>)
      %add3A_622 = arith.constant 320 : i32
      %add3A_623 = arith.addi %multiple_of3A, %add3A_622 : i32
      %multiple_of3A_624 = tpu.assume_multiple %add3A_623, 8 : i32
      %dma_start3A_625 = arith.constant 0 : i32
      %dma_start3A_626 = arith.constant 0 : i32
      %dma_start3A_627 = tpu.memref_slice %arg13[%dma_start3A_625, %dma_start3A_626] : memref<160x64xf32, #tpu.memory_space<vmem>> -> memref<160x64xf32, #tpu.memory_space<vmem>>
      %dma_start3A_628 = arith.constant 0 : i32
      %dma_start3A_629 = tpu.memref_slice %arg20[%multiple_of3A_624, %dma_start3A_628] : memref<10112x64xf32, #tpu.memory_space<vmem_shared>> -> memref<160x64xf32, #tpu.memory_space<vmem_shared>>
      %dma_start3A_630 = arith.constant 0 : i32
      %dma_start3A_631 = arith.constant 0 : i32
      %dma_start3A_632 = tpu.memref_slice %arg13[%dma_start3A_630, %dma_start3A_631] : memref<160x64xf32, #tpu.memory_space<vmem>> -> memref<160x64xf32, #tpu.memory_space<vmem>>
      %dma_start3A_633 = arith.constant 0 : i32
      %dma_start3A_634 = tpu.memref_slice %arg20[%multiple_of3A_624, %dma_start3A_633] : memref<10112x64xf32, #tpu.memory_space<vmem_shared>> -> memref<160x64xf32, #tpu.memory_space<vmem_shared>>
      tpu.enqueue_dma source(%dma_start3A_634 : memref<160x64xf32, #tpu.memory_space<vmem_shared>>) target(%dma_start3A_632 : memref<160x64xf32, #tpu.memory_space<vmem>>) target_semaphore(%arg21 : memref<!tpu.dma_semaphore, #tpu.memory_space<semaphore_mem>>)
      %dma_start3A_635 = arith.constant 0 : i32
      %dma_start3A_636 = arith.constant 0 : i32
      %dma_start3A_637 = tpu.memref_slice %arg14[%dma_start3A_635, %dma_start3A_636] : memref<160x64xf32, #tpu.memory_space<vmem>> -> memref<160x64xf32, #tpu.memory_space<vmem>>
      %dma_start3A_638 = arith.constant 0 : i32
      %dma_start3A_639 = tpu.memref_slice %arg9[%multiple_of3A_624, %dma_start3A_638] : memref<10112x64xf32, #tpu.memory_space<hbm>> -> memref<160x64xf32, #tpu.memory_space<hbm>>
      %dma_start3A_640 = arith.constant 0 : i32
      %dma_start3A_641 = arith.constant 0 : i32
      %dma_start3A_642 = tpu.memref_slice %arg14[%dma_start3A_640, %dma_start3A_641] : memref<160x64xf32, #tpu.memory_space<vmem>> -> memref<160x64xf32, #tpu.memory_space<vmem>>
      %dma_start3A_643 = arith.constant 0 : i32
      %dma_start3A_644 = tpu.memref_slice %arg9[%multiple_of3A_624, %dma_start3A_643] : memref<10112x64xf32, #tpu.memory_space<hbm>> -> memref<160x64xf32, #tpu.memory_space<hbm>>
      tpu.enqueue_dma source(%dma_start3A_644 : memref<160x64xf32, #tpu.memory_space<hbm>>) target(%dma_start3A_642 : memref<160x64xf32, #tpu.memory_space<vmem>>) target_semaphore(%arg22 : memref<!tpu.dma_semaphore, #tpu.memory_space<semaphore_mem>>)
      %dma_wait3A_645 = arith.constant 0 : i32
      %dma_wait3A_646 = arith.constant 0 : i32
      %dma_wait3A_647 = tpu.memref_slice %arg13[%dma_wait3A_645, %dma_wait3A_646] : memref<160x64xf32, #tpu.memory_space<vmem>> -> memref<160x64xf32, #tpu.memory_space<vmem>>
      %dma_wait3A_648 = arith.constant 0 : i32
      %dma_wait3A_649 = tpu.memref_slice %arg20[%multiple_of3A_624, %dma_wait3A_648] : memref<10112x64xf32, #tpu.memory_space<vmem_shared>> -> memref<160x64xf32, #tpu.memory_space<vmem_shared>>
      %dma_wait3A_650 = arith.constant 0 : i32
      %dma_wait3A_651 = arith.constant 0 : i32
      %dma_wait3A_652 = tpu.memref_slice %arg13[%dma_wait3A_650, %dma_wait3A_651] : memref<160x64xf32, #tpu.memory_space<vmem>> -> memref<160x64xf32, #tpu.memory_space<vmem>>
      %dma_wait3A_653 = arith.constant 0 : i32
      %dma_wait3A_654 = tpu.memref_slice %arg20[%multiple_of3A_624, %dma_wait3A_653] : memref<10112x64xf32, #tpu.memory_space<vmem_shared>> -> memref<160x64xf32, #tpu.memory_space<vmem_shared>>
      tpu.wait_dma2 semaphore(%arg21 : memref<!tpu.dma_semaphore, #tpu.memory_space<semaphore_mem>>) src(%dma_wait3A_654 : memref<160x64xf32, #tpu.memory_space<vmem_shared>>) dst(%dma_wait3A_652 : memref<160x64xf32, #tpu.memory_space<vmem>>)
      %dma_wait3A_655 = arith.constant 0 : i32
      %dma_wait3A_656 = arith.constant 0 : i32
      %dma_wait3A_657 = tpu.memref_slice %arg14[%dma_wait3A_655, %dma_wait3A_656] : memref<160x64xf32, #tpu.memory_space<vmem>> -> memref<160x64xf32, #tpu.memory_space<vmem>>
      %dma_wait3A_658 = arith.constant 0 : i32
      %dma_wait3A_659 = tpu.memref_slice %arg9[%multiple_of3A_624, %dma_wait3A_658] : memref<10112x64xf32, #tpu.memory_space<hbm>> -> memref<160x64xf32, #tpu.memory_space<hbm>>
      %dma_wait3A_660 = arith.constant 0 : i32
      %dma_wait3A_661 = arith.constant 0 : i32
      %dma_wait3A_662 = tpu.memref_slice %arg14[%dma_wait3A_660, %dma_wait3A_661] : memref<160x64xf32, #tpu.memory_space<vmem>> -> memref<160x64xf32, #tpu.memory_space<vmem>>
      %dma_wait3A_663 = arith.constant 0 : i32
      %dma_wait3A_664 = tpu.memref_slice %arg9[%multiple_of3A_624, %dma_wait3A_663] : memref<10112x64xf32, #tpu.memory_space<hbm>> -> memref<160x64xf32, #tpu.memory_space<hbm>>
      tpu.wait_dma2 semaphore(%arg22 : memref<!tpu.dma_semaphore, #tpu.memory_space<semaphore_mem>>) src(%dma_wait3A_664 : memref<160x64xf32, #tpu.memory_space<hbm>>) dst(%dma_wait3A_662 : memref<160x64xf32, #tpu.memory_space<vmem>>)
      %scan3A_665 = arith.constant 0 : i32
      %scan3A_666 = arith.constant 0 : i32
      %scan3A_667 = arith.constant 160 : i32
      %scan3A_668 = arith.addi %scan3A_666, %scan3A_667 : i32
      %scan3A_669 = arith.constant 1 : i32
      %scan3A_670 = scf.for %scan3A_820 = %scan3A_666 to %scan3A_668 step %scan3A_669 iter_args(%scan3A_821 = %scan3A_665) -> (i32)  : i32 {
        %get3A = arith.index_cast %scan3A_820 : i32 to index
        %get3A_822 = arith.constant 0 : index
        %get3A_823 = tpu.vector_load %arg13[%get3A, %get3A_822] {strides = array<i32>} : memref<160x64xf32, #tpu.memory_space<vmem>>, vector<1x16xf32>,
        %get3A_824 = vector.shape_cast %get3A_823 : vector<1x16xf32> to vector<16xf32>
        %get3A_825 = arith.index_cast %scan3A_820 : i32 to index
        %get3A_826 = arith.constant 0 : index
        %get3A_827 = tpu.vector_load %arg14[%get3A_825, %get3A_826] {strides = array<i32>} : memref<160x64xf32, #tpu.memory_space<vmem>>, vector<1x16xf32>,
        %get3A_828 = vector.shape_cast %get3A_827 : vector<1x16xf32> to vector<16xf32>
        %mul3A_829 = arith.mulf %get3A_824, %get3A_828 : vector<16xf32>
        %swap3A = arith.index_cast %scan3A_820 : i32 to index
        %swap3A_830 = arith.constant 0 : index
        %swap3A_831 = tpu.vector_load %arg14[%swap3A, %swap3A_830] {strides = array<i32>} : memref<160x64xf32, #tpu.memory_space<vmem>>, vector<1x16xf32>,
        %swap3A_832 = vector.shape_cast %swap3A_831 : vector<1x16xf32> to vector<16xf32>
        %swap3A_833 = vector.shape_cast %mul3A_829 : vector<16xf32> to vector<1x16xf32>
        tpu.vector_store %arg14[%swap3A, %swap3A_830], %swap3A_833 {strides = array<i32>} : memref<160x64xf32, #tpu.memory_space<vmem>>, vector<1x16xf32>,
        %get3A_834 = arith.index_cast %scan3A_820 : i32 to index
        %get3A_835 = arith.constant 16 : index
        %get3A_836 = tpu.vector_load %arg13[%get3A_834, %get3A_835] {strides = array<i32>} : memref<160x64xf32, #tpu.memory_space<vmem>>, vector<1x16xf32>,
        %get3A_837 = vector.shape_cast %get3A_836 : vector<1x16xf32> to vector<16xf32>
        %get3A_838 = arith.index_cast %scan3A_820 : i32 to index
        %get3A_839 = arith.constant 16 : index
        %get3A_840 = tpu.vector_load %arg14[%get3A_838, %get3A_839] {strides = array<i32>} : memref<160x64xf32, #tpu.memory_space<vmem>>, vector<1x16xf32>,
        %get3A_841 = vector.shape_cast %get3A_840 : vector<1x16xf32> to vector<16xf32>
        %mul3A_842 = arith.mulf %get3A_837, %get3A_841 : vector<16xf32>
        %swap3A_843 = arith.index_cast %scan3A_820 : i32 to index
        %swap3A_844 = arith.constant 16 : index
        %swap3A_845 = tpu.vector_load %arg14[%swap3A_843, %swap3A_844] {strides = array<i32>} : memref<160x64xf32, #tpu.memory_space<vmem>>, vector<1x16xf32>,
        %swap3A_846 = vector.shape_cast %swap3A_845 : vector<1x16xf32> to vector<16xf32>
        %swap3A_847 = vector.shape_cast %mul3A_842 : vector<16xf32> to vector<1x16xf32>
        tpu.vector_store %arg14[%swap3A_843, %swap3A_844], %swap3A_847 {strides = array<i32>} : memref<160x64xf32, #tpu.memory_space<vmem>>, vector<1x16xf32>,
        %get3A_848 = arith.index_cast %scan3A_820 : i32 to index
        %get3A_849 = arith.constant 32 : index
        %get3A_850 = tpu.vector_load %arg13[%get3A_848, %get3A_849] {strides = array<i32>} : memref<160x64xf32, #tpu.memory_space<vmem>>, vector<1x16xf32>,
        %get3A_851 = vector.shape_cast %get3A_850 : vector<1x16xf32> to vector<16xf32>
        %get3A_852 = arith.index_cast %scan3A_820 : i32 to index
        %get3A_853 = arith.constant 32 : index
        %get3A_854 = tpu.vector_load %arg14[%get3A_852, %get3A_853] {strides = array<i32>} : memref<160x64xf32, #tpu.memory_space<vmem>>, vector<1x16xf32>,
        %get3A_855 = vector.shape_cast %get3A_854 : vector<1x16xf32> to vector<16xf32>
        %mul3A_856 = arith.mulf %get3A_851, %get3A_855 : vector<16xf32>
        %swap3A_857 = arith.index_cast %scan3A_820 : i32 to index
        %swap3A_858 = arith.constant 32 : index
        %swap3A_859 = tpu.vector_load %arg14[%swap3A_857, %swap3A_858] {strides = array<i32>} : memref<160x64xf32, #tpu.memory_space<vmem>>, vector<1x16xf32>,
        %swap3A_860 = vector.shape_cast %swap3A_859 : vector<1x16xf32> to vector<16xf32>
        %swap3A_861 = vector.shape_cast %mul3A_856 : vector<16xf32> to vector<1x16xf32>
        tpu.vector_store %arg14[%swap3A_857, %swap3A_858], %swap3A_861 {strides = array<i32>} : memref<160x64xf32, #tpu.memory_space<vmem>>, vector<1x16xf32>,
        %get3A_862 = arith.index_cast %scan3A_820 : i32 to index
        %get3A_863 = arith.constant 48 : index
        %get3A_864 = tpu.vector_load %arg13[%get3A_862, %get3A_863] {strides = array<i32>} : memref<160x64xf32, #tpu.memory_space<vmem>>, vector<1x16xf32>,
        %get3A_865 = vector.shape_cast %get3A_864 : vector<1x16xf32> to vector<16xf32>
        %get3A_866 = arith.index_cast %scan3A_820 : i32 to index
        %get3A_867 = arith.constant 48 : index
        %get3A_868 = tpu.vector_load %arg14[%get3A_866, %get3A_867] {strides = array<i32>} : memref<160x64xf32, #tpu.memory_space<vmem>>, vector<1x16xf32>,
        %get3A_869 = vector.shape_cast %get3A_868 : vector<1x16xf32> to vector<16xf32>
        %mul3A_870 = arith.mulf %get3A_865, %get3A_869 : vector<16xf32>
        %swap3A_871 = arith.index_cast %scan3A_820 : i32 to index
        %swap3A_872 = arith.constant 48 : index
        %swap3A_873 = tpu.vector_load %arg14[%swap3A_871, %swap3A_872] {strides = array<i32>} : memref<160x64xf32, #tpu.memory_space<vmem>>, vector<1x16xf32>,
        %swap3A_874 = vector.shape_cast %swap3A_873 : vector<1x16xf32> to vector<16xf32>
        %swap3A_875 = vector.shape_cast %mul3A_870 : vector<16xf32> to vector<1x16xf32>
        tpu.vector_store %arg14[%swap3A_871, %swap3A_872], %swap3A_875 {strides = array<i32>} : memref<160x64xf32, #tpu.memory_space<vmem>>, vector<1x16xf32>,
        %scan3A_876 = arith.constant 0 : i32
        scf.yield %scan3A_876 : i32
      }
      %scan3A_671 = arith.constant 160 : i32
      %add3A_672 = arith.addi %mul3A_425, %multiple_of3A : i32
      %add3A_673 = arith.constant 320 : i32
      %add3A_674 = arith.addi %add3A_672, %add3A_673 : i32
      %multiple_of3A_675 = tpu.assume_multiple %add3A_674, 8 : i32
      %dma_start3A_676 = arith.constant 0 : i32
      %dma_start3A_677 = arith.constant 0 : i32
      %dma_start3A_678 = tpu.memref_slice %arg13[%dma_start3A_676, %dma_start3A_677] : memref<160x64xf32, #tpu.memory_space<vmem>> -> memref<160x64xf32, #tpu.memory_space<vmem>>
      %dma_start3A_679 = arith.constant 0 : i32
      %dma_start3A_680 = tpu.memref_slice %arg5[%arg0, %scan3A_181, %multiple_of3A_624, %dma_start3A_679] : memref<2x16x10112x64xf32, #tpu.memory_space<hbm>> -> memref<1x1x160x64xf32, #tpu.memory_space<hbm>>
      %dma_start3A_681 = tpu.memref_squeeze %dma_start3A_680 : memref<1x1x160x64xf32, #tpu.memory_space<hbm>> -> memref<160x64xf32, #tpu.memory_space<hbm>>
      %dma_start3A_682 = arith.constant 0 : i32
      %dma_start3A_683 = tpu.memref_slice %arg5[%arg0, %scan3A_181, %multiple_of3A_624, %dma_start3A_682] : memref<2x16x10112x64xf32, #tpu.memory_space<hbm>> -> memref<1x1x160x64xf32, #tpu.memory_space<hbm>>
      %dma_start3A_684 = tpu.memref_squeeze %dma_start3A_683 : memref<1x1x160x64xf32, #tpu.memory_space<hbm>> -> memref<160x64xf32, #tpu.memory_space<hbm>>
      %dma_start3A_685 = arith.constant 0 : i32
      %dma_start3A_686 = arith.constant 0 : i32
      %dma_start3A_687 = tpu.memref_slice %arg13[%dma_start3A_685, %dma_start3A_686] : memref<160x64xf32, #tpu.memory_space<vmem>> -> memref<160x64xf32, #tpu.memory_space<vmem>>
      tpu.enqueue_dma source(%dma_start3A_687 : memref<160x64xf32, #tpu.memory_space<vmem>>) target(%dma_start3A_684 : memref<160x64xf32, #tpu.memory_space<hbm>>) target_semaphore(%arg21 : memref<!tpu.dma_semaphore, #tpu.memory_space<semaphore_mem>>)
      %dma_start3A_688 = arith.constant 0 : i32
      %dma_start3A_689 = arith.constant 0 : i32
      %dma_start3A_690 = tpu.memref_slice %arg14[%dma_start3A_688, %dma_start3A_689] : memref<160x64xf32, #tpu.memory_space<vmem>> -> memref<160x64xf32, #tpu.memory_space<vmem>>
      %dma_start3A_691 = arith.constant 0 : i32
      %dma_start3A_692 = tpu.memref_slice %arg7[%multiple_of3A_675, %dma_start3A_691] : memref<20224x64xf32, #tpu.memory_space<hbm>> -> memref<160x64xf32, #tpu.memory_space<hbm>>
      %dma_start3A_693 = arith.constant 0 : i32
      %dma_start3A_694 = tpu.memref_slice %arg7[%multiple_of3A_675, %dma_start3A_693] : memref<20224x64xf32, #tpu.memory_space<hbm>> -> memref<160x64xf32, #tpu.memory_space<hbm>>
      %dma_start3A_695 = arith.constant 0 : i32
      %dma_start3A_696 = arith.constant 0 : i32
      %dma_start3A_697 = tpu.memref_slice %arg14[%dma_start3A_695, %dma_start3A_696] : memref<160x64xf32, #tpu.memory_space<vmem>> -> memref<160x64xf32, #tpu.memory_space<vmem>>
      tpu.enqueue_dma source(%dma_start3A_697 : memref<160x64xf32, #tpu.memory_space<vmem>>) target(%dma_start3A_694 : memref<160x64xf32, #tpu.memory_space<hbm>>) target_semaphore(%arg22 : memref<!tpu.dma_semaphore, #tpu.memory_space<semaphore_mem>>)
      "tpu.region"() ({
        %run_scoped3A = tpu.sem_alloc : memref<!tpu.dma_semaphore, #tpu.memory_space<semaphore_mem>>
        %dma_start3A_820 = arith.constant 0 : i32
        %dma_start3A_821 = arith.constant 0 : i32
        %dma_start3A_822 = tpu.memref_slice %arg15[%dma_start3A_820, %dma_start3A_821] : memref<160x64xf32, #tpu.memory_space<vmem>> -> memref<160x64xf32, #tpu.memory_space<vmem>>
        %dma_start3A_823 = arith.constant 0 : i32
        %dma_start3A_824 = tpu.memref_slice %arg20[%multiple_of3A_624, %dma_start3A_823] : memref<10112x64xf32, #tpu.memory_space<vmem_shared>> -> memref<160x64xf32, #tpu.memory_space<vmem_shared>>
        %dma_start3A_825 = arith.constant 0 : i32
        %dma_start3A_826 = tpu.memref_slice %arg20[%multiple_of3A_624, %dma_start3A_825] : memref<10112x64xf32, #tpu.memory_space<vmem_shared>> -> memref<160x64xf32, #tpu.memory_space<vmem_shared>>
        %dma_start3A_827 = arith.constant 0 : i32
        %dma_start3A_828 = arith.constant 0 : i32
        %dma_start3A_829 = tpu.memref_slice %arg15[%dma_start3A_827, %dma_start3A_828] : memref<160x64xf32, #tpu.memory_space<vmem>> -> memref<160x64xf32, #tpu.memory_space<vmem>>
        tpu.enqueue_dma source(%dma_start3A_829 : memref<160x64xf32, #tpu.memory_space<vmem>>) target(%dma_start3A_826 : memref<160x64xf32, #tpu.memory_space<vmem_shared>>) target_semaphore(%run_scoped3A : memref<!tpu.dma_semaphore, #tpu.memory_space<semaphore_mem>>)
        %dma_wait3A_830 = arith.constant 0 : i32
        %dma_wait3A_831 = arith.constant 0 : i32
        %dma_wait3A_832 = tpu.memref_slice %arg15[%dma_wait3A_830, %dma_wait3A_831] : memref<160x64xf32, #tpu.memory_space<vmem>> -> memref<160x64xf32, #tpu.memory_space<vmem>>
        %dma_wait3A_833 = arith.constant 0 : i32
        %dma_wait3A_834 = tpu.memref_slice %arg20[%multiple_of3A_624, %dma_wait3A_833] : memref<10112x64xf32, #tpu.memory_space<vmem_shared>> -> memref<160x64xf32, #tpu.memory_space<vmem_shared>>
        %dma_wait3A_835 = arith.constant 0 : i32
        %dma_wait3A_836 = tpu.memref_slice %arg20[%multiple_of3A_624, %dma_wait3A_835] : memref<10112x64xf32, #tpu.memory_space<vmem_shared>> -> memref<160x64xf32, #tpu.memory_space<vmem_shared>>
        %dma_wait3A_837 = arith.constant 0 : i32
        %dma_wait3A_838 = arith.constant 0 : i32
        %dma_wait3A_839 = tpu.memref_slice %arg15[%dma_wait3A_837, %dma_wait3A_838] : memref<160x64xf32, #tpu.memory_space<vmem>> -> memref<160x64xf32, #tpu.memory_space<vmem>>
        tpu.wait_dma2 semaphore(%run_scoped3A : memref<!tpu.dma_semaphore, #tpu.memory_space<semaphore_mem>>) src(%dma_wait3A_839 : memref<160x64xf32, #tpu.memory_space<vmem>>) dst(%dma_wait3A_836 : memref<160x64xf32, #tpu.memory_space<vmem_shared>>)
        tpu.yield
      }) : () -> ()
      %dma_wait3A_698 = arith.constant 0 : i32
      %dma_wait3A_699 = arith.constant 0 : i32
      %dma_wait3A_700 = tpu.memref_slice %arg13[%dma_wait3A_698, %dma_wait3A_699] : memref<160x64xf32, #tpu.memory_space<vmem>> -> memref<160x64xf32, #tpu.memory_space<vmem>>
      %dma_wait3A_701 = arith.constant 0 : i32
      %dma_wait3A_702 = tpu.memref_slice %arg5[%arg0, %scan3A_181, %multiple_of3A_624, %dma_wait3A_701] : memref<2x16x10112x64xf32, #tpu.memory_space<hbm>> -> memref<1x1x160x64xf32, #tpu.memory_space<hbm>>
      %dma_wait3A_703 = tpu.memref_squeeze %dma_wait3A_702 : memref<1x1x160x64xf32, #tpu.memory_space<hbm>> -> memref<160x64xf32, #tpu.memory_space<hbm>>
      %dma_wait3A_704 = arith.constant 0 : i32
      %dma_wait3A_705 = tpu.memref_slice %arg5[%arg0, %scan3A_181, %multiple_of3A_624, %dma_wait3A_704] : memref<2x16x10112x64xf32, #tpu.memory_space<hbm>> -> memref<1x1x160x64xf32, #tpu.memory_space<hbm>>
      %dma_wait3A_706 = tpu.memref_squeeze %dma_wait3A_705 : memref<1x1x160x64xf32, #tpu.memory_space<hbm>> -> memref<160x64xf32, #tpu.memory_space<hbm>>
      %dma_wait3A_707 = arith.constant 0 : i32
      %dma_wait3A_708 = arith.constant 0 : i32
      %dma_wait3A_709 = tpu.memref_slice %arg13[%dma_wait3A_707, %dma_wait3A_708] : memref<160x64xf32, #tpu.memory_space<vmem>> -> memref<160x64xf32, #tpu.memory_space<vmem>>
      tpu.wait_dma2 semaphore(%arg21 : memref<!tpu.dma_semaphore, #tpu.memory_space<semaphore_mem>>) src(%dma_wait3A_709 : memref<160x64xf32, #tpu.memory_space<vmem>>) dst(%dma_wait3A_706 : memref<160x64xf32, #tpu.memory_space<hbm>>)
      %dma_wait3A_710 = arith.constant 0 : i32
      %dma_wait3A_711 = arith.constant 0 : i32
      %dma_wait3A_712 = tpu.memref_slice %arg14[%dma_wait3A_710, %dma_wait3A_711] : memref<160x64xf32, #tpu.memory_space<vmem>> -> memref<160x64xf32, #tpu.memory_space<vmem>>
      %dma_wait3A_713 = arith.constant 0 : i32
      %dma_wait3A_714 = tpu.memref_slice %arg7[%multiple_of3A_675, %dma_wait3A_713] : memref<20224x64xf32, #tpu.memory_space<hbm>> -> memref<160x64xf32, #tpu.memory_space<hbm>>
      %dma_wait3A_715 = arith.constant 0 : i32
      %dma_wait3A_716 = tpu.memref_slice %arg7[%multiple_of3A_675, %dma_wait3A_715] : memref<20224x64xf32, #tpu.memory_space<hbm>> -> memref<160x64xf32, #tpu.memory_space<hbm>>
      %dma_wait3A_717 = arith.constant 0 : i32
      %dma_wait3A_718 = arith.constant 0 : i32
      %dma_wait3A_719 = tpu.memref_slice %arg14[%dma_wait3A_717, %dma_wait3A_718] : memref<160x64xf32, #tpu.memory_space<vmem>> -> memref<160x64xf32, #tpu.memory_space<vmem>>
      tpu.wait_dma2 semaphore(%arg22 : memref<!tpu.dma_semaphore, #tpu.memory_space<semaphore_mem>>) src(%dma_wait3A_719 : memref<160x64xf32, #tpu.memory_space<vmem>>) dst(%dma_wait3A_716 : memref<160x64xf32, #tpu.memory_space<hbm>>)
      %add3A_720 = arith.constant 480 : i32
      %add3A_721 = arith.addi %multiple_of3A, %add3A_720 : i32
      %multiple_of3A_722 = tpu.assume_multiple %add3A_721, 8 : i32
      %dma_start3A_723 = arith.constant 0 : i32
      %dma_start3A_724 = arith.constant 0 : i32
      %dma_start3A_725 = tpu.memref_slice %arg13[%dma_start3A_723, %dma_start3A_724] : memref<160x64xf32, #tpu.memory_space<vmem>> -> memref<152x64xf32, #tpu.memory_space<vmem>>
      %dma_start3A_726 = arith.constant 0 : i32
      %dma_start3A_727 = tpu.memref_slice %arg20[%multiple_of3A_722, %dma_start3A_726] : memref<10112x64xf32, #tpu.memory_space<vmem_shared>> -> memref<152x64xf32, #tpu.memory_space<vmem_shared>>
      %dma_start3A_728 = arith.constant 0 : i32
      %dma_start3A_729 = arith.constant 0 : i32
      %dma_start3A_730 = tpu.memref_slice %arg13[%dma_start3A_728, %dma_start3A_729] : memref<160x64xf32, #tpu.memory_space<vmem>> -> memref<152x64xf32, #tpu.memory_space<vmem>>
      %dma_start3A_731 = arith.constant 0 : i32
      %dma_start3A_732 = tpu.memref_slice %arg20[%multiple_of3A_722, %dma_start3A_731] : memref<10112x64xf32, #tpu.memory_space<vmem_shared>> -> memref<152x64xf32, #tpu.memory_space<vmem_shared>>
      tpu.enqueue_dma source(%dma_start3A_732 : memref<152x64xf32, #tpu.memory_space<vmem_shared>>) target(%dma_start3A_730 : memref<152x64xf32, #tpu.memory_space<vmem>>) target_semaphore(%arg21 : memref<!tpu.dma_semaphore, #tpu.memory_space<semaphore_mem>>)
      %dma_start3A_733 = arith.constant 0 : i32
      %dma_start3A_734 = arith.constant 0 : i32
      %dma_start3A_735 = tpu.memref_slice %arg14[%dma_start3A_733, %dma_start3A_734] : memref<160x64xf32, #tpu.memory_space<vmem>> -> memref<152x64xf32, #tpu.memory_space<vmem>>
      %dma_start3A_736 = arith.constant 0 : i32
      %dma_start3A_737 = tpu.memref_slice %arg9[%multiple_of3A_722, %dma_start3A_736] : memref<10112x64xf32, #tpu.memory_space<hbm>> -> memref<152x64xf32, #tpu.memory_space<hbm>>
      %dma_start3A_738 = arith.constant 0 : i32
      %dma_start3A_739 = arith.constant 0 : i32
      %dma_start3A_740 = tpu.memref_slice %arg14[%dma_start3A_738, %dma_start3A_739] : memref<160x64xf32, #tpu.memory_space<vmem>> -> memref<152x64xf32, #tpu.memory_space<vmem>>
      %dma_start3A_741 = arith.constant 0 : i32
      %dma_start3A_742 = tpu.memref_slice %arg9[%multiple_of3A_722, %dma_start3A_741] : memref<10112x64xf32, #tpu.memory_space<hbm>> -> memref<152x64xf32, #tpu.memory_space<hbm>>
      tpu.enqueue_dma source(%dma_start3A_742 : memref<152x64xf32, #tpu.memory_space<hbm>>) target(%dma_start3A_740 : memref<152x64xf32, #tpu.memory_space<vmem>>) target_semaphore(%arg22 : memref<!tpu.dma_semaphore, #tpu.memory_space<semaphore_mem>>)
      %dma_wait3A_743 = arith.constant 0 : i32
      %dma_wait3A_744 = arith.constant 0 : i32
      %dma_wait3A_745 = tpu.memref_slice %arg13[%dma_wait3A_743, %dma_wait3A_744] : memref<160x64xf32, #tpu.memory_space<vmem>> -> memref<152x64xf32, #tpu.memory_space<vmem>>
      %dma_wait3A_746 = arith.constant 0 : i32
      %dma_wait3A_747 = tpu.memref_slice %arg20[%multiple_of3A_722, %dma_wait3A_746] : memref<10112x64xf32, #tpu.memory_space<vmem_shared>> -> memref<152x64xf32, #tpu.memory_space<vmem_shared>>
      %dma_wait3A_748 = arith.constant 0 : i32
      %dma_wait3A_749 = arith.constant 0 : i32
      %dma_wait3A_750 = tpu.memref_slice %arg13[%dma_wait3A_748, %dma_wait3A_749] : memref<160x64xf32, #tpu.memory_space<vmem>> -> memref<152x64xf32, #tpu.memory_space<vmem>>
      %dma_wait3A_751 = arith.constant 0 : i32
      %dma_wait3A_752 = tpu.memref_slice %arg20[%multiple_of3A_722, %dma_wait3A_751] : memref<10112x64xf32, #tpu.memory_space<vmem_shared>> -> memref<152x64xf32, #tpu.memory_space<vmem_shared>>
      tpu.wait_dma2 semaphore(%arg21 : memref<!tpu.dma_semaphore, #tpu.memory_space<semaphore_mem>>) src(%dma_wait3A_752 : memref<152x64xf32, #tpu.memory_space<vmem_shared>>) dst(%dma_wait3A_750 : memref<152x64xf32, #tpu.memory_space<vmem>>)
      %dma_wait3A_753 = arith.constant 0 : i32
      %dma_wait3A_754 = arith.constant 0 : i32
      %dma_wait3A_755 = tpu.memref_slice %arg14[%dma_wait3A_753, %dma_wait3A_754] : memref<160x64xf32, #tpu.memory_space<vmem>> -> memref<152x64xf32, #tpu.memory_space<vmem>>
      %dma_wait3A_756 = arith.constant 0 : i32
      %dma_wait3A_757 = tpu.memref_slice %arg9[%multiple_of3A_722, %dma_wait3A_756] : memref<10112x64xf32, #tpu.memory_space<hbm>> -> memref<152x64xf32, #tpu.memory_space<hbm>>
      %dma_wait3A_758 = arith.constant 0 : i32
      %dma_wait3A_759 = arith.constant 0 : i32
      %dma_wait3A_760 = tpu.memref_slice %arg14[%dma_wait3A_758, %dma_wait3A_759] : memref<160x64xf32, #tpu.memory_space<vmem>> -> memref<152x64xf32, #tpu.memory_space<vmem>>
      %dma_wait3A_761 = arith.constant 0 : i32
      %dma_wait3A_762 = tpu.memref_slice %arg9[%multiple_of3A_722, %dma_wait3A_761] : memref<10112x64xf32, #tpu.memory_space<hbm>> -> memref<152x64xf32, #tpu.memory_space<hbm>>
      tpu.wait_dma2 semaphore(%arg22 : memref<!tpu.dma_semaphore, #tpu.memory_space<semaphore_mem>>) src(%dma_wait3A_762 : memref<152x64xf32, #tpu.memory_space<hbm>>) dst(%dma_wait3A_760 : memref<152x64xf32, #tpu.memory_space<vmem>>)
      %scan3A_763 = arith.constant 0 : i32
      %scan3A_764 = arith.constant 0 : i32
      %scan3A_765 = arith.constant 152 : i32
      %scan3A_766 = arith.addi %scan3A_764, %scan3A_765 : i32
      %scan3A_767 = arith.constant 1 : i32
      %scan3A_768 = scf.for %scan3A_820 = %scan3A_764 to %scan3A_766 step %scan3A_767 iter_args(%scan3A_821 = %scan3A_763) -> (i32)  : i32 {
        %get3A = arith.index_cast %scan3A_820 : i32 to index
        %get3A_822 = arith.constant 0 : index
        %get3A_823 = tpu.vector_load %arg13[%get3A, %get3A_822] {strides = array<i32>} : memref<160x64xf32, #tpu.memory_space<vmem>>, vector<1x16xf32>,
        %get3A_824 = vector.shape_cast %get3A_823 : vector<1x16xf32> to vector<16xf32>
        %get3A_825 = arith.index_cast %scan3A_820 : i32 to index
        %get3A_826 = arith.constant 0 : index
        %get3A_827 = tpu.vector_load %arg14[%get3A_825, %get3A_826] {strides = array<i32>} : memref<160x64xf32, #tpu.memory_space<vmem>>, vector<1x16xf32>,
        %get3A_828 = vector.shape_cast %get3A_827 : vector<1x16xf32> to vector<16xf32>
        %mul3A_829 = arith.mulf %get3A_824, %get3A_828 : vector<16xf32>
        %swap3A = arith.index_cast %scan3A_820 : i32 to index
        %swap3A_830 = arith.constant 0 : index
        %swap3A_831 = tpu.vector_load %arg14[%swap3A, %swap3A_830] {strides = array<i32>} : memref<160x64xf32, #tpu.memory_space<vmem>>, vector<1x16xf32>,
        %swap3A_832 = vector.shape_cast %swap3A_831 : vector<1x16xf32> to vector<16xf32>
        %swap3A_833 = vector.shape_cast %mul3A_829 : vector<16xf32> to vector<1x16xf32>
        tpu.vector_store %arg14[%swap3A, %swap3A_830], %swap3A_833 {strides = array<i32>} : memref<160x64xf32, #tpu.memory_space<vmem>>, vector<1x16xf32>,
        %get3A_834 = arith.index_cast %scan3A_820 : i32 to index
        %get3A_835 = arith.constant 16 : index
        %get3A_836 = tpu.vector_load %arg13[%get3A_834, %get3A_835] {strides = array<i32>} : memref<160x64xf32, #tpu.memory_space<vmem>>, vector<1x16xf32>,
        %get3A_837 = vector.shape_cast %get3A_836 : vector<1x16xf32> to vector<16xf32>
        %get3A_838 = arith.index_cast %scan3A_820 : i32 to index
        %get3A_839 = arith.constant 16 : index
        %get3A_840 = tpu.vector_load %arg14[%get3A_838, %get3A_839] {strides = array<i32>} : memref<160x64xf32, #tpu.memory_space<vmem>>, vector<1x16xf32>,
        %get3A_841 = vector.shape_cast %get3A_840 : vector<1x16xf32> to vector<16xf32>
        %mul3A_842 = arith.mulf %get3A_837, %get3A_841 : vector<16xf32>
        %swap3A_843 = arith.index_cast %scan3A_820 : i32 to index
        %swap3A_844 = arith.constant 16 : index
        %swap3A_845 = tpu.vector_load %arg14[%swap3A_843, %swap3A_844] {strides = array<i32>} : memref<160x64xf32, #tpu.memory_space<vmem>>, vector<1x16xf32>,
        %swap3A_846 = vector.shape_cast %swap3A_845 : vector<1x16xf32> to vector<16xf32>
        %swap3A_847 = vector.shape_cast %mul3A_842 : vector<16xf32> to vector<1x16xf32>
        tpu.vector_store %arg14[%swap3A_843, %swap3A_844], %swap3A_847 {strides = array<i32>} : memref<160x64xf32, #tpu.memory_space<vmem>>, vector<1x16xf32>,
        %get3A_848 = arith.index_cast %scan3A_820 : i32 to index
        %get3A_849 = arith.constant 32 : index
        %get3A_850 = tpu.vector_load %arg13[%get3A_848, %get3A_849] {strides = array<i32>} : memref<160x64xf32, #tpu.memory_space<vmem>>, vector<1x16xf32>,
        %get3A_851 = vector.shape_cast %get3A_850 : vector<1x16xf32> to vector<16xf32>
        %get3A_852 = arith.index_cast %scan3A_820 : i32 to index
        %get3A_853 = arith.constant 32 : index
        %get3A_854 = tpu.vector_load %arg14[%get3A_852, %get3A_853] {strides = array<i32>} : memref<160x64xf32, #tpu.memory_space<vmem>>, vector<1x16xf32>,
        %get3A_855 = vector.shape_cast %get3A_854 : vector<1x16xf32> to vector<16xf32>
        %mul3A_856 = arith.mulf %get3A_851, %get3A_855 : vector<16xf32>
        %swap3A_857 = arith.index_cast %scan3A_820 : i32 to index
        %swap3A_858 = arith.constant 32 : index
        %swap3A_859 = tpu.vector_load %arg14[%swap3A_857, %swap3A_858] {strides = array<i32>} : memref<160x64xf32, #tpu.memory_space<vmem>>, vector<1x16xf32>,
        %swap3A_860 = vector.shape_cast %swap3A_859 : vector<1x16xf32> to vector<16xf32>
        %swap3A_861 = vector.shape_cast %mul3A_856 : vector<16xf32> to vector<1x16xf32>
        tpu.vector_store %arg14[%swap3A_857, %swap3A_858], %swap3A_861 {strides = array<i32>} : memref<160x64xf32, #tpu.memory_space<vmem>>, vector<1x16xf32>,
        %get3A_862 = arith.index_cast %scan3A_820 : i32 to index
        %get3A_863 = arith.constant 48 : index
        %get3A_864 = tpu.vector_load %arg13[%get3A_862, %get3A_863] {strides = array<i32>} : memref<160x64xf32, #tpu.memory_space<vmem>>, vector<1x16xf32>,
        %get3A_865 = vector.shape_cast %get3A_864 : vector<1x16xf32> to vector<16xf32>
        %get3A_866 = arith.index_cast %scan3A_820 : i32 to index
        %get3A_867 = arith.constant 48 : index
        %get3A_868 = tpu.vector_load %arg14[%get3A_866, %get3A_867] {strides = array<i32>} : memref<160x64xf32, #tpu.memory_space<vmem>>, vector<1x16xf32>,
        %get3A_869 = vector.shape_cast %get3A_868 : vector<1x16xf32> to vector<16xf32>
        %mul3A_870 = arith.mulf %get3A_865, %get3A_869 : vector<16xf32>
        %swap3A_871 = arith.index_cast %scan3A_820 : i32 to index
        %swap3A_872 = arith.constant 48 : index
        %swap3A_873 = tpu.vector_load %arg14[%swap3A_871, %swap3A_872] {strides = array<i32>} : memref<160x64xf32, #tpu.memory_space<vmem>>, vector<1x16xf32>,
        %swap3A_874 = vector.shape_cast %swap3A_873 : vector<1x16xf32> to vector<16xf32>
        %swap3A_875 = vector.shape_cast %mul3A_870 : vector<16xf32> to vector<1x16xf32>
        tpu.vector_store %arg14[%swap3A_871, %swap3A_872], %swap3A_875 {strides = array<i32>} : memref<160x64xf32, #tpu.memory_space<vmem>>, vector<1x16xf32>,
        %scan3A_876 = arith.constant 0 : i32
        scf.yield %scan3A_876 : i32
      }
      %scan3A_769 = arith.constant 152 : i32
      %add3A_770 = arith.addi %mul3A_425, %multiple_of3A : i32
      %add3A_771 = arith.constant 480 : i32
      %add3A_772 = arith.addi %add3A_770, %add3A_771 : i32
      %multiple_of3A_773 = tpu.assume_multiple %add3A_772, 8 : i32
      %dma_start3A_774 = arith.constant 0 : i32
      %dma_start3A_775 = arith.constant 0 : i32
      %dma_start3A_776 = tpu.memref_slice %arg13[%dma_start3A_774, %dma_start3A_775] : memref<160x64xf32, #tpu.memory_space<vmem>> -> memref<152x64xf32, #tpu.memory_space<vmem>>
      %dma_start3A_777 = arith.constant 0 : i32
      %dma_start3A_778 = tpu.memref_slice %arg5[%arg0, %scan3A_181, %multiple_of3A_722, %dma_start3A_777] : memref<2x16x10112x64xf32, #tpu.memory_space<hbm>> -> memref<1x1x152x64xf32, #tpu.memory_space<hbm>>
      %dma_start3A_779 = tpu.memref_squeeze %dma_start3A_778 : memref<1x1x152x64xf32, #tpu.memory_space<hbm>> -> memref<152x64xf32, #tpu.memory_space<hbm>>
      %dma_start3A_780 = arith.constant 0 : i32
      %dma_start3A_781 = tpu.memref_slice %arg5[%arg0, %scan3A_181, %multiple_of3A_722, %dma_start3A_780] : memref<2x16x10112x64xf32, #tpu.memory_space<hbm>> -> memref<1x1x152x64xf32, #tpu.memory_space<hbm>>
      %dma_start3A_782 = tpu.memref_squeeze %dma_start3A_781 : memref<1x1x152x64xf32, #tpu.memory_space<hbm>> -> memref<152x64xf32, #tpu.memory_space<hbm>>
      %dma_start3A_783 = arith.constant 0 : i32
      %dma_start3A_784 = arith.constant 0 : i32
      %dma_start3A_785 = tpu.memref_slice %arg13[%dma_start3A_783, %dma_start3A_784] : memref<160x64xf32, #tpu.memory_space<vmem>> -> memref<152x64xf32, #tpu.memory_space<vmem>>
      tpu.enqueue_dma source(%dma_start3A_785 : memref<152x64xf32, #tpu.memory_space<vmem>>) target(%dma_start3A_782 : memref<152x64xf32, #tpu.memory_space<hbm>>) target_semaphore(%arg21 : memref<!tpu.dma_semaphore, #tpu.memory_space<semaphore_mem>>)
      %dma_start3A_786 = arith.constant 0 : i32
      %dma_start3A_787 = arith.constant 0 : i32
      %dma_start3A_788 = tpu.memref_slice %arg14[%dma_start3A_786, %dma_start3A_787] : memref<160x64xf32, #tpu.memory_space<vmem>> -> memref<152x64xf32, #tpu.memory_space<vmem>>
      %dma_start3A_789 = arith.constant 0 : i32
      %dma_start3A_790 = tpu.memref_slice %arg7[%multiple_of3A_773, %dma_start3A_789] : memref<20224x64xf32, #tpu.memory_space<hbm>> -> memref<152x64xf32, #tpu.memory_space<hbm>>
      %dma_start3A_791 = arith.constant 0 : i32
      %dma_start3A_792 = tpu.memref_slice %arg7[%multiple_of3A_773, %dma_start3A_791] : memref<20224x64xf32, #tpu.memory_space<hbm>> -> memref<152x64xf32, #tpu.memory_space<hbm>>
      %dma_start3A_793 = arith.constant 0 : i32
      %dma_start3A_794 = arith.constant 0 : i32
      %dma_start3A_795 = tpu.memref_slice %arg14[%dma_start3A_793, %dma_start3A_794] : memref<160x64xf32, #tpu.memory_space<vmem>> -> memref<152x64xf32, #tpu.memory_space<vmem>>
      tpu.enqueue_dma source(%dma_start3A_795 : memref<152x64xf32, #tpu.memory_space<vmem>>) target(%dma_start3A_792 : memref<152x64xf32, #tpu.memory_space<hbm>>) target_semaphore(%arg22 : memref<!tpu.dma_semaphore, #tpu.memory_space<semaphore_mem>>)
      "tpu.region"() ({
        %run_scoped3A = tpu.sem_alloc : memref<!tpu.dma_semaphore, #tpu.memory_space<semaphore_mem>>
        %dma_start3A_820 = arith.constant 0 : i32
        %dma_start3A_821 = arith.constant 0 : i32
        %dma_start3A_822 = tpu.memref_slice %arg15[%dma_start3A_820, %dma_start3A_821] : memref<160x64xf32, #tpu.memory_space<vmem>> -> memref<152x64xf32, #tpu.memory_space<vmem>>
        %dma_start3A_823 = arith.constant 0 : i32
        %dma_start3A_824 = tpu.memref_slice %arg20[%multiple_of3A_722, %dma_start3A_823] : memref<10112x64xf32, #tpu.memory_space<vmem_shared>> -> memref<152x64xf32, #tpu.memory_space<vmem_shared>>
        %dma_start3A_825 = arith.constant 0 : i32
        %dma_start3A_826 = tpu.memref_slice %arg20[%multiple_of3A_722, %dma_start3A_825] : memref<10112x64xf32, #tpu.memory_space<vmem_shared>> -> memref<152x64xf32, #tpu.memory_space<vmem_shared>>
        %dma_start3A_827 = arith.constant 0 : i32
        %dma_start3A_828 = arith.constant 0 : i32
        %dma_start3A_829 = tpu.memref_slice %arg15[%dma_start3A_827, %dma_start3A_828] : memref<160x64xf32, #tpu.memory_space<vmem>> -> memref<152x64xf32, #tpu.memory_space<vmem>>
        tpu.enqueue_dma source(%dma_start3A_829 : memref<152x64xf32, #tpu.memory_space<vmem>>) target(%dma_start3A_826 : memref<152x64xf32, #tpu.memory_space<vmem_shared>>) target_semaphore(%run_scoped3A : memref<!tpu.dma_semaphore, #tpu.memory_space<semaphore_mem>>)
        %dma_wait3A_830 = arith.constant 0 : i32
        %dma_wait3A_831 = arith.constant 0 : i32
        %dma_wait3A_832 = tpu.memref_slice %arg15[%dma_wait3A_830, %dma_wait3A_831] : memref<160x64xf32, #tpu.memory_space<vmem>> -> memref<152x64xf32, #tpu.memory_space<vmem>>
        %dma_wait3A_833 = arith.constant 0 : i32
        %dma_wait3A_834 = tpu.memref_slice %arg20[%multiple_of3A_722, %dma_wait3A_833] : memref<10112x64xf32, #tpu.memory_space<vmem_shared>> -> memref<152x64xf32, #tpu.memory_space<vmem_shared>>
        %dma_wait3A_835 = arith.constant 0 : i32
        %dma_wait3A_836 = tpu.memref_slice %arg20[%multiple_of3A_722, %dma_wait3A_835] : memref<10112x64xf32, #tpu.memory_space<vmem_shared>> -> memref<152x64xf32, #tpu.memory_space<vmem_shared>>
        %dma_wait3A_837 = arith.constant 0 : i32
        %dma_wait3A_838 = arith.constant 0 : i32
        %dma_wait3A_839 = tpu.memref_slice %arg15[%dma_wait3A_837, %dma_wait3A_838] : memref<160x64xf32, #tpu.memory_space<vmem>> -> memref<152x64xf32, #tpu.memory_space<vmem>>
        tpu.wait_dma2 semaphore(%run_scoped3A : memref<!tpu.dma_semaphore, #tpu.memory_space<semaphore_mem>>) src(%dma_wait3A_839 : memref<152x64xf32, #tpu.memory_space<vmem>>) dst(%dma_wait3A_836 : memref<152x64xf32, #tpu.memory_space<vmem_shared>>)
        tpu.yield
      }) : () -> ()
      %dma_wait3A_796 = arith.constant 0 : i32
      %dma_wait3A_797 = arith.constant 0 : i32
      %dma_wait3A_798 = tpu.memref_slice %arg13[%dma_wait3A_796, %dma_wait3A_797] : memref<160x64xf32, #tpu.memory_space<vmem>> -> memref<152x64xf32, #tpu.memory_space<vmem>>
      %dma_wait3A_799 = arith.constant 0 : i32
      %dma_wait3A_800 = tpu.memref_slice %arg5[%arg0, %scan3A_181, %multiple_of3A_722, %dma_wait3A_799] : memref<2x16x10112x64xf32, #tpu.memory_space<hbm>> -> memref<1x1x152x64xf32, #tpu.memory_space<hbm>>
      %dma_wait3A_801 = tpu.memref_squeeze %dma_wait3A_800 : memref<1x1x152x64xf32, #tpu.memory_space<hbm>> -> memref<152x64xf32, #tpu.memory_space<hbm>>
      %dma_wait3A_802 = arith.constant 0 : i32
      %dma_wait3A_803 = tpu.memref_slice %arg5[%arg0, %scan3A_181, %multiple_of3A_722, %dma_wait3A_802] : memref<2x16x10112x64xf32, #tpu.memory_space<hbm>> -> memref<1x1x152x64xf32, #tpu.memory_space<hbm>>
      %dma_wait3A_804 = tpu.memref_squeeze %dma_wait3A_803 : memref<1x1x152x64xf32, #tpu.memory_space<hbm>> -> memref<152x64xf32, #tpu.memory_space<hbm>>
      %dma_wait3A_805 = arith.constant 0 : i32
      %dma_wait3A_806 = arith.constant 0 : i32
      %dma_wait3A_807 = tpu.memref_slice %arg13[%dma_wait3A_805, %dma_wait3A_806] : memref<160x64xf32, #tpu.memory_space<vmem>> -> memref<152x64xf32, #tpu.memory_space<vmem>>
      tpu.wait_dma2 semaphore(%arg21 : memref<!tpu.dma_semaphore, #tpu.memory_space<semaphore_mem>>) src(%dma_wait3A_807 : memref<152x64xf32, #tpu.memory_space<vmem>>) dst(%dma_wait3A_804 : memref<152x64xf32, #tpu.memory_space<hbm>>)
      %dma_wait3A_808 = arith.constant 0 : i32
      %dma_wait3A_809 = arith.constant 0 : i32
      %dma_wait3A_810 = tpu.memref_slice %arg14[%dma_wait3A_808, %dma_wait3A_809] : memref<160x64xf32, #tpu.memory_space<vmem>> -> memref<152x64xf32, #tpu.memory_space<vmem>>
      %dma_wait3A_811 = arith.constant 0 : i32
      %dma_wait3A_812 = tpu.memref_slice %arg7[%multiple_of3A_773, %dma_wait3A_811] : memref<20224x64xf32, #tpu.memory_space<hbm>> -> memref<152x64xf32, #tpu.memory_space<hbm>>
      %dma_wait3A_813 = arith.constant 0 : i32
      %dma_wait3A_814 = tpu.memref_slice %arg7[%multiple_of3A_773, %dma_wait3A_813] : memref<20224x64xf32, #tpu.memory_space<hbm>> -> memref<152x64xf32, #tpu.memory_space<hbm>>
      %dma_wait3A_815 = arith.constant 0 : i32
      %dma_wait3A_816 = arith.constant 0 : i32
      %dma_wait3A_817 = tpu.memref_slice %arg14[%dma_wait3A_815, %dma_wait3A_816] : memref<160x64xf32, #tpu.memory_space<vmem>> -> memref<152x64xf32, #tpu.memory_space<vmem>>
      tpu.wait_dma2 semaphore(%arg22 : memref<!tpu.dma_semaphore, #tpu.memory_space<semaphore_mem>>) src(%dma_wait3A_817 : memref<152x64xf32, #tpu.memory_space<vmem>>) dst(%dma_wait3A_814 : memref<152x64xf32, #tpu.memory_space<hbm>>)
      %barrier3A_818 = arith.constant 0 : index
      tpu.barrier barrier_id(%barrier3A_818)
      %scan3A_819 = arith.constant 0 : i32
      scf.yield %scan3A_819 : i32
    }
    %scan3A_180 = arith.constant 16 : i32
    return
  }
}

module attributes {stable_mosaic.version = 14 : i64} {
  func.func @_wavelet_body(%arg0: i32, %arg1: memref<40x64xf32, #tpu.memory_space<vmem>>, %arg2: memref<40x64xf32, #tpu.memory_space<vmem>>, %arg3: memref<40x64xf32, #tpu.memory_space<vmem>>, %arg4: memref<40x64xf32, #tpu.memory_space<vmem>>, %arg5: memref<40x64xf32, #tpu.memory_space<vmem>>, %arg6: memref<40x64xf32, #tpu.memory_space<vmem>>, %arg7: memref<40x64xf32, #tpu.memory_space<vmem>>, %arg8: memref<40x64xf32, #tpu.memory_space<vmem>>, %arg9: memref<40x64xf32, #tpu.memory_space<vmem>>, %arg10: memref<40x64xf32, #tpu.memory_space<vmem>>, %arg11: memref<40x64xf32, #tpu.memory_space<vmem>>, %arg12: memref<40x64xf32, #tpu.memory_space<vmem>>, %arg13: memref<40x1536xf32, #tpu.memory_space<vmem>>) attributes {dimension_semantics = [#tpu.dimension_semantics<arbitrary>], iteration_bounds = array<i64: 125>, scalar_prefetch = 0 : i64, scratch_operands = 0 : i64, tpu.core_type = #tpu.core_type<tc>, window_params = [{transform_indices = @transform_0, window_bounds = array<i64: 40, 64>}, {transform_indices = @transform_1, window_bounds = array<i64: 40, 64>}, {transform_indices = @transform_2, window_bounds = array<i64: 40, 64>}, {transform_indices = @transform_3, window_bounds = array<i64: 40, 64>}, {transform_indices = @transform_4, window_bounds = array<i64: 40, 64>}, {transform_indices = @transform_5, window_bounds = array<i64: 40, 64>}, {transform_indices = @transform_6, window_bounds = array<i64: 40, 64>}, {transform_indices = @transform_7, window_bounds = array<i64: 40, 64>}, {transform_indices = @transform_8, window_bounds = array<i64: 40, 64>}, {transform_indices = @transform_9, window_bounds = array<i64: 40, 64>}, {transform_indices = @transform_10, window_bounds = array<i64: 40, 64>}, {transform_indices = @transform_11, window_bounds = array<i64: 40, 64>}, {transform_indices = @transform_12, window_bounds = array<i64: 40, 1536>}]} {
    %get3A = arith.constant 0 : index
    %get3A_0 = arith.constant 0 : index
    %get3A_1 = vector.load %arg1[%get3A, %get3A_0] : memref<40x64xf32, #tpu.memory_space<vmem>>, vector<40x64xf32>
    %get3A_2 = arith.constant 0 : index
    %get3A_3 = arith.constant 0 : index
    %get3A_4 = vector.load %arg2[%get3A_2, %get3A_3] : memref<40x64xf32, #tpu.memory_space<vmem>>, vector<40x64xf32>
    %sub3A = arith.subf %get3A_1, %get3A_4 : vector<40x64xf32>
    %max3A = arith.constant 0.000000e+00 : f32
    %max3A_5 = vector.broadcast %max3A : f32 to vector<40x64xf32>
    %max3A_6 = arith.maximumf %sub3A, %max3A_5 : vector<40x64xf32>
    %neg3A = arith.constant 0.000000e+00 : f32
    %neg3A_7 = vector.broadcast %neg3A : f32 to vector<40x64xf32>
    %neg3A_8 = arith.subf %neg3A_7, %sub3A : vector<40x64xf32>
    %max3A_9 = arith.constant 0.000000e+00 : f32
    %max3A_10 = vector.broadcast %max3A_9 : f32 to vector<40x64xf32>
    %max3A_11 = arith.maximumf %neg3A_8, %max3A_10 : vector<40x64xf32>
    %stack3A = vector.shape_cast %max3A_6 : vector<40x64xf32> to vector<40x64x1xf32>
    %stack3A_12 = vector.shape_cast %max3A_11 : vector<40x64xf32> to vector<40x64x1xf32>
    %stack3A_13 = tpu.concatenate %stack3A, %stack3A_12 in 2 : vector<40x64x1xf32>, vector<40x64x1xf32> -> vector<40x64x2xf32>
    %reshape3A = vector.shape_cast %stack3A_13 : vector<40x64x2xf32> to vector<40x128xf32>
    %swap3A = arith.constant 0 : index
    %swap3A_14 = arith.constant 0 : index
    %swap3A_15 = vector.load %arg13[%swap3A, %swap3A_14] : memref<40x1536xf32, #tpu.memory_space<vmem>>, vector<40x128xf32>
    tpu.vector_store %arg13[%swap3A, %swap3A_14], %reshape3A {strides = array<i32>} : memref<40x1536xf32, #tpu.memory_space<vmem>>, vector<40x128xf32>,
    %get3A_16 = arith.constant 0 : index
    %get3A_17 = arith.constant 0 : index
    %get3A_18 = vector.load %arg7[%get3A_16, %get3A_17] : memref<40x64xf32, #tpu.memory_space<vmem>>, vector<40x64xf32>
    %get3A_19 = arith.constant 0 : index
    %get3A_20 = arith.constant 0 : index
    %get3A_21 = vector.load %arg8[%get3A_19, %get3A_20] : memref<40x64xf32, #tpu.memory_space<vmem>>, vector<40x64xf32>
    %sub3A_22 = arith.subf %get3A_18, %get3A_21 : vector<40x64xf32>
    %max3A_23 = arith.constant 0.000000e+00 : f32
    %max3A_24 = vector.broadcast %max3A_23 : f32 to vector<40x64xf32>
    %max3A_25 = arith.maximumf %sub3A_22, %max3A_24 : vector<40x64xf32>
    %neg3A_26 = arith.constant 0.000000e+00 : f32
    %neg3A_27 = vector.broadcast %neg3A_26 : f32 to vector<40x64xf32>
    %neg3A_28 = arith.subf %neg3A_27, %sub3A_22 : vector<40x64xf32>
    %max3A_29 = arith.constant 0.000000e+00 : f32
    %max3A_30 = vector.broadcast %max3A_29 : f32 to vector<40x64xf32>
    %max3A_31 = arith.maximumf %neg3A_28, %max3A_30 : vector<40x64xf32>
    %stack3A_32 = vector.shape_cast %max3A_25 : vector<40x64xf32> to vector<40x64x1xf32>
    %stack3A_33 = vector.shape_cast %max3A_31 : vector<40x64xf32> to vector<40x64x1xf32>
    %stack3A_34 = tpu.concatenate %stack3A_32, %stack3A_33 in 2 : vector<40x64x1xf32>, vector<40x64x1xf32> -> vector<40x64x2xf32>
    %reshape3A_35 = vector.shape_cast %stack3A_34 : vector<40x64x2xf32> to vector<40x128xf32>
    %swap3A_36 = arith.constant 0 : index
    %swap3A_37 = arith.constant 128 : index
    %swap3A_38 = vector.load %arg13[%swap3A_36, %swap3A_37] : memref<40x1536xf32, #tpu.memory_space<vmem>>, vector<40x128xf32>
    tpu.vector_store %arg13[%swap3A_36, %swap3A_37], %reshape3A_35 {strides = array<i32>} : memref<40x1536xf32, #tpu.memory_space<vmem>>, vector<40x128xf32>,
    %get3A_39 = arith.constant 0 : index
    %get3A_40 = arith.constant 0 : index
    %get3A_41 = vector.load %arg2[%get3A_39, %get3A_40] : memref<40x64xf32, #tpu.memory_space<vmem>>, vector<40x64xf32>
    %get3A_42 = arith.constant 0 : index
    %get3A_43 = arith.constant 0 : index
    %get3A_44 = vector.load %arg3[%get3A_42, %get3A_43] : memref<40x64xf32, #tpu.memory_space<vmem>>, vector<40x64xf32>
    %sub3A_45 = arith.subf %get3A_41, %get3A_44 : vector<40x64xf32>
    %max3A_46 = arith.constant 0.000000e+00 : f32
    %max3A_47 = vector.broadcast %max3A_46 : f32 to vector<40x64xf32>
    %max3A_48 = arith.maximumf %sub3A_45, %max3A_47 : vector<40x64xf32>
    %neg3A_49 = arith.constant 0.000000e+00 : f32
    %neg3A_50 = vector.broadcast %neg3A_49 : f32 to vector<40x64xf32>
    %neg3A_51 = arith.subf %neg3A_50, %sub3A_45 : vector<40x64xf32>
    %max3A_52 = arith.constant 0.000000e+00 : f32
    %max3A_53 = vector.broadcast %max3A_52 : f32 to vector<40x64xf32>
    %max3A_54 = arith.maximumf %neg3A_51, %max3A_53 : vector<40x64xf32>
    %stack3A_55 = vector.shape_cast %max3A_48 : vector<40x64xf32> to vector<40x64x1xf32>
    %stack3A_56 = vector.shape_cast %max3A_54 : vector<40x64xf32> to vector<40x64x1xf32>
    %stack3A_57 = tpu.concatenate %stack3A_55, %stack3A_56 in 2 : vector<40x64x1xf32>, vector<40x64x1xf32> -> vector<40x64x2xf32>
    %reshape3A_58 = vector.shape_cast %stack3A_57 : vector<40x64x2xf32> to vector<40x128xf32>
    %swap3A_59 = arith.constant 0 : index
    %swap3A_60 = arith.constant 256 : index
    %swap3A_61 = vector.load %arg13[%swap3A_59, %swap3A_60] : memref<40x1536xf32, #tpu.memory_space<vmem>>, vector<40x128xf32>
    tpu.vector_store %arg13[%swap3A_59, %swap3A_60], %reshape3A_58 {strides = array<i32>} : memref<40x1536xf32, #tpu.memory_space<vmem>>, vector<40x128xf32>,
    %get3A_62 = arith.constant 0 : index
    %get3A_63 = arith.constant 0 : index
    %get3A_64 = vector.load %arg8[%get3A_62, %get3A_63] : memref<40x64xf32, #tpu.memory_space<vmem>>, vector<40x64xf32>
    %get3A_65 = arith.constant 0 : index
    %get3A_66 = arith.constant 0 : index
    %get3A_67 = vector.load %arg9[%get3A_65, %get3A_66] : memref<40x64xf32, #tpu.memory_space<vmem>>, vector<40x64xf32>
    %sub3A_68 = arith.subf %get3A_64, %get3A_67 : vector<40x64xf32>
    %max3A_69 = arith.constant 0.000000e+00 : f32
    %max3A_70 = vector.broadcast %max3A_69 : f32 to vector<40x64xf32>
    %max3A_71 = arith.maximumf %sub3A_68, %max3A_70 : vector<40x64xf32>
    %neg3A_72 = arith.constant 0.000000e+00 : f32
    %neg3A_73 = vector.broadcast %neg3A_72 : f32 to vector<40x64xf32>
    %neg3A_74 = arith.subf %neg3A_73, %sub3A_68 : vector<40x64xf32>
    %max3A_75 = arith.constant 0.000000e+00 : f32
    %max3A_76 = vector.broadcast %max3A_75 : f32 to vector<40x64xf32>
    %max3A_77 = arith.maximumf %neg3A_74, %max3A_76 : vector<40x64xf32>
    %stack3A_78 = vector.shape_cast %max3A_71 : vector<40x64xf32> to vector<40x64x1xf32>
    %stack3A_79 = vector.shape_cast %max3A_77 : vector<40x64xf32> to vector<40x64x1xf32>
    %stack3A_80 = tpu.concatenate %stack3A_78, %stack3A_79 in 2 : vector<40x64x1xf32>, vector<40x64x1xf32> -> vector<40x64x2xf32>
    %reshape3A_81 = vector.shape_cast %stack3A_80 : vector<40x64x2xf32> to vector<40x128xf32>
    %swap3A_82 = arith.constant 0 : index
    %swap3A_83 = arith.constant 384 : index
    %swap3A_84 = vector.load %arg13[%swap3A_82, %swap3A_83] : memref<40x1536xf32, #tpu.memory_space<vmem>>, vector<40x128xf32>
    tpu.vector_store %arg13[%swap3A_82, %swap3A_83], %reshape3A_81 {strides = array<i32>} : memref<40x1536xf32, #tpu.memory_space<vmem>>, vector<40x128xf32>,
    %get3A_85 = arith.constant 0 : index
    %get3A_86 = arith.constant 0 : index
    %get3A_87 = vector.load %arg3[%get3A_85, %get3A_86] : memref<40x64xf32, #tpu.memory_space<vmem>>, vector<40x64xf32>
    %get3A_88 = arith.constant 0 : index
    %get3A_89 = arith.constant 0 : index
    %get3A_90 = vector.load %arg4[%get3A_88, %get3A_89] : memref<40x64xf32, #tpu.memory_space<vmem>>, vector<40x64xf32>
    %sub3A_91 = arith.subf %get3A_87, %get3A_90 : vector<40x64xf32>
    %max3A_92 = arith.constant 0.000000e+00 : f32
    %max3A_93 = vector.broadcast %max3A_92 : f32 to vector<40x64xf32>
    %max3A_94 = arith.maximumf %sub3A_91, %max3A_93 : vector<40x64xf32>
    %neg3A_95 = arith.constant 0.000000e+00 : f32
    %neg3A_96 = vector.broadcast %neg3A_95 : f32 to vector<40x64xf32>
    %neg3A_97 = arith.subf %neg3A_96, %sub3A_91 : vector<40x64xf32>
    %max3A_98 = arith.constant 0.000000e+00 : f32
    %max3A_99 = vector.broadcast %max3A_98 : f32 to vector<40x64xf32>
    %max3A_100 = arith.maximumf %neg3A_97, %max3A_99 : vector<40x64xf32>
    %stack3A_101 = vector.shape_cast %max3A_94 : vector<40x64xf32> to vector<40x64x1xf32>
    %stack3A_102 = vector.shape_cast %max3A_100 : vector<40x64xf32> to vector<40x64x1xf32>
    %stack3A_103 = tpu.concatenate %stack3A_101, %stack3A_102 in 2 : vector<40x64x1xf32>, vector<40x64x1xf32> -> vector<40x64x2xf32>
    %reshape3A_104 = vector.shape_cast %stack3A_103 : vector<40x64x2xf32> to vector<40x128xf32>
    %swap3A_105 = arith.constant 0 : index
    %swap3A_106 = arith.constant 512 : index
    %swap3A_107 = vector.load %arg13[%swap3A_105, %swap3A_106] : memref<40x1536xf32, #tpu.memory_space<vmem>>, vector<40x128xf32>
    tpu.vector_store %arg13[%swap3A_105, %swap3A_106], %reshape3A_104 {strides = array<i32>} : memref<40x1536xf32, #tpu.memory_space<vmem>>, vector<40x128xf32>,
    %get3A_108 = arith.constant 0 : index
    %get3A_109 = arith.constant 0 : index
    %get3A_110 = vector.load %arg9[%get3A_108, %get3A_109] : memref<40x64xf32, #tpu.memory_space<vmem>>, vector<40x64xf32>
    %get3A_111 = arith.constant 0 : index
    %get3A_112 = arith.constant 0 : index
    %get3A_113 = vector.load %arg10[%get3A_111, %get3A_112] : memref<40x64xf32, #tpu.memory_space<vmem>>, vector<40x64xf32>
    %sub3A_114 = arith.subf %get3A_110, %get3A_113 : vector<40x64xf32>
    %max3A_115 = arith.constant 0.000000e+00 : f32
    %max3A_116 = vector.broadcast %max3A_115 : f32 to vector<40x64xf32>
    %max3A_117 = arith.maximumf %sub3A_114, %max3A_116 : vector<40x64xf32>
    %neg3A_118 = arith.constant 0.000000e+00 : f32
    %neg3A_119 = vector.broadcast %neg3A_118 : f32 to vector<40x64xf32>
    %neg3A_120 = arith.subf %neg3A_119, %sub3A_114 : vector<40x64xf32>
    %max3A_121 = arith.constant 0.000000e+00 : f32
    %max3A_122 = vector.broadcast %max3A_121 : f32 to vector<40x64xf32>
    %max3A_123 = arith.maximumf %neg3A_120, %max3A_122 : vector<40x64xf32>
    %stack3A_124 = vector.shape_cast %max3A_117 : vector<40x64xf32> to vector<40x64x1xf32>
    %stack3A_125 = vector.shape_cast %max3A_123 : vector<40x64xf32> to vector<40x64x1xf32>
    %stack3A_126 = tpu.concatenate %stack3A_124, %stack3A_125 in 2 : vector<40x64x1xf32>, vector<40x64x1xf32> -> vector<40x64x2xf32>
    %reshape3A_127 = vector.shape_cast %stack3A_126 : vector<40x64x2xf32> to vector<40x128xf32>
    %swap3A_128 = arith.constant 0 : index
    %swap3A_129 = arith.constant 640 : index
    %swap3A_130 = vector.load %arg13[%swap3A_128, %swap3A_129] : memref<40x1536xf32, #tpu.memory_space<vmem>>, vector<40x128xf32>
    tpu.vector_store %arg13[%swap3A_128, %swap3A_129], %reshape3A_127 {strides = array<i32>} : memref<40x1536xf32, #tpu.memory_space<vmem>>, vector<40x128xf32>,
    %get3A_131 = arith.constant 0 : index
    %get3A_132 = arith.constant 0 : index
    %get3A_133 = vector.load %arg4[%get3A_131, %get3A_132] : memref<40x64xf32, #tpu.memory_space<vmem>>, vector<40x64xf32>
    %get3A_134 = arith.constant 0 : index
    %get3A_135 = arith.constant 0 : index
    %get3A_136 = vector.load %arg5[%get3A_134, %get3A_135] : memref<40x64xf32, #tpu.memory_space<vmem>>, vector<40x64xf32>
    %sub3A_137 = arith.subf %get3A_133, %get3A_136 : vector<40x64xf32>
    %max3A_138 = arith.constant 0.000000e+00 : f32
    %max3A_139 = vector.broadcast %max3A_138 : f32 to vector<40x64xf32>
    %max3A_140 = arith.maximumf %sub3A_137, %max3A_139 : vector<40x64xf32>
    %neg3A_141 = arith.constant 0.000000e+00 : f32
    %neg3A_142 = vector.broadcast %neg3A_141 : f32 to vector<40x64xf32>
    %neg3A_143 = arith.subf %neg3A_142, %sub3A_137 : vector<40x64xf32>
    %max3A_144 = arith.constant 0.000000e+00 : f32
    %max3A_145 = vector.broadcast %max3A_144 : f32 to vector<40x64xf32>
    %max3A_146 = arith.maximumf %neg3A_143, %max3A_145 : vector<40x64xf32>
    %stack3A_147 = vector.shape_cast %max3A_140 : vector<40x64xf32> to vector<40x64x1xf32>
    %stack3A_148 = vector.shape_cast %max3A_146 : vector<40x64xf32> to vector<40x64x1xf32>
    %stack3A_149 = tpu.concatenate %stack3A_147, %stack3A_148 in 2 : vector<40x64x1xf32>, vector<40x64x1xf32> -> vector<40x64x2xf32>
    %reshape3A_150 = vector.shape_cast %stack3A_149 : vector<40x64x2xf32> to vector<40x128xf32>
    %swap3A_151 = arith.constant 0 : index
    %swap3A_152 = arith.constant 768 : index
    %swap3A_153 = vector.load %arg13[%swap3A_151, %swap3A_152] : memref<40x1536xf32, #tpu.memory_space<vmem>>, vector<40x128xf32>
    tpu.vector_store %arg13[%swap3A_151, %swap3A_152], %reshape3A_150 {strides = array<i32>} : memref<40x1536xf32, #tpu.memory_space<vmem>>, vector<40x128xf32>,
    %get3A_154 = arith.constant 0 : index
    %get3A_155 = arith.constant 0 : index
    %get3A_156 = vector.load %arg10[%get3A_154, %get3A_155] : memref<40x64xf32, #tpu.memory_space<vmem>>, vector<40x64xf32>
    %get3A_157 = arith.constant 0 : index
    %get3A_158 = arith.constant 0 : index
    %get3A_159 = vector.load %arg11[%get3A_157, %get3A_158] : memref<40x64xf32, #tpu.memory_space<vmem>>, vector<40x64xf32>
    %sub3A_160 = arith.subf %get3A_156, %get3A_159 : vector<40x64xf32>
    %max3A_161 = arith.constant 0.000000e+00 : f32
    %max3A_162 = vector.broadcast %max3A_161 : f32 to vector<40x64xf32>
    %max3A_163 = arith.maximumf %sub3A_160, %max3A_162 : vector<40x64xf32>
    %neg3A_164 = arith.constant 0.000000e+00 : f32
    %neg3A_165 = vector.broadcast %neg3A_164 : f32 to vector<40x64xf32>
    %neg3A_166 = arith.subf %neg3A_165, %sub3A_160 : vector<40x64xf32>
    %max3A_167 = arith.constant 0.000000e+00 : f32
    %max3A_168 = vector.broadcast %max3A_167 : f32 to vector<40x64xf32>
    %max3A_169 = arith.maximumf %neg3A_166, %max3A_168 : vector<40x64xf32>
    %stack3A_170 = vector.shape_cast %max3A_163 : vector<40x64xf32> to vector<40x64x1xf32>
    %stack3A_171 = vector.shape_cast %max3A_169 : vector<40x64xf32> to vector<40x64x1xf32>
    %stack3A_172 = tpu.concatenate %stack3A_170, %stack3A_171 in 2 : vector<40x64x1xf32>, vector<40x64x1xf32> -> vector<40x64x2xf32>
    %reshape3A_173 = vector.shape_cast %stack3A_172 : vector<40x64x2xf32> to vector<40x128xf32>
    %swap3A_174 = arith.constant 0 : index
    %swap3A_175 = arith.constant 896 : index
    %swap3A_176 = vector.load %arg13[%swap3A_174, %swap3A_175] : memref<40x1536xf32, #tpu.memory_space<vmem>>, vector<40x128xf32>
    tpu.vector_store %arg13[%swap3A_174, %swap3A_175], %reshape3A_173 {strides = array<i32>} : memref<40x1536xf32, #tpu.memory_space<vmem>>, vector<40x128xf32>,
    %get3A_177 = arith.constant 0 : index
    %get3A_178 = arith.constant 0 : index
    %get3A_179 = vector.load %arg5[%get3A_177, %get3A_178] : memref<40x64xf32, #tpu.memory_space<vmem>>, vector<40x64xf32>
    %get3A_180 = arith.constant 0 : index
    %get3A_181 = arith.constant 0 : index
    %get3A_182 = vector.load %arg6[%get3A_180, %get3A_181] : memref<40x64xf32, #tpu.memory_space<vmem>>, vector<40x64xf32>
    %sub3A_183 = arith.subf %get3A_179, %get3A_182 : vector<40x64xf32>
    %max3A_184 = arith.constant 0.000000e+00 : f32
    %max3A_185 = vector.broadcast %max3A_184 : f32 to vector<40x64xf32>
    %max3A_186 = arith.maximumf %sub3A_183, %max3A_185 : vector<40x64xf32>
    %neg3A_187 = arith.constant 0.000000e+00 : f32
    %neg3A_188 = vector.broadcast %neg3A_187 : f32 to vector<40x64xf32>
    %neg3A_189 = arith.subf %neg3A_188, %sub3A_183 : vector<40x64xf32>
    %max3A_190 = arith.constant 0.000000e+00 : f32
    %max3A_191 = vector.broadcast %max3A_190 : f32 to vector<40x64xf32>
    %max3A_192 = arith.maximumf %neg3A_189, %max3A_191 : vector<40x64xf32>
    %stack3A_193 = vector.shape_cast %max3A_186 : vector<40x64xf32> to vector<40x64x1xf32>
    %stack3A_194 = vector.shape_cast %max3A_192 : vector<40x64xf32> to vector<40x64x1xf32>
    %stack3A_195 = tpu.concatenate %stack3A_193, %stack3A_194 in 2 : vector<40x64x1xf32>, vector<40x64x1xf32> -> vector<40x64x2xf32>
    %reshape3A_196 = vector.shape_cast %stack3A_195 : vector<40x64x2xf32> to vector<40x128xf32>
    %swap3A_197 = arith.constant 0 : index
    %swap3A_198 = arith.constant 1024 : index
    %swap3A_199 = vector.load %arg13[%swap3A_197, %swap3A_198] : memref<40x1536xf32, #tpu.memory_space<vmem>>, vector<40x128xf32>
    tpu.vector_store %arg13[%swap3A_197, %swap3A_198], %reshape3A_196 {strides = array<i32>} : memref<40x1536xf32, #tpu.memory_space<vmem>>, vector<40x128xf32>,
    %get3A_200 = arith.constant 0 : index
    %get3A_201 = arith.constant 0 : index
    %get3A_202 = vector.load %arg11[%get3A_200, %get3A_201] : memref<40x64xf32, #tpu.memory_space<vmem>>, vector<40x64xf32>
    %get3A_203 = arith.constant 0 : index
    %get3A_204 = arith.constant 0 : index
    %get3A_205 = vector.load %arg12[%get3A_203, %get3A_204] : memref<40x64xf32, #tpu.memory_space<vmem>>, vector<40x64xf32>
    %sub3A_206 = arith.subf %get3A_202, %get3A_205 : vector<40x64xf32>
    %max3A_207 = arith.constant 0.000000e+00 : f32
    %max3A_208 = vector.broadcast %max3A_207 : f32 to vector<40x64xf32>
    %max3A_209 = arith.maximumf %sub3A_206, %max3A_208 : vector<40x64xf32>
    %neg3A_210 = arith.constant 0.000000e+00 : f32
    %neg3A_211 = vector.broadcast %neg3A_210 : f32 to vector<40x64xf32>
    %neg3A_212 = arith.subf %neg3A_211, %sub3A_206 : vector<40x64xf32>
    %max3A_213 = arith.constant 0.000000e+00 : f32
    %max3A_214 = vector.broadcast %max3A_213 : f32 to vector<40x64xf32>
    %max3A_215 = arith.maximumf %neg3A_212, %max3A_214 : vector<40x64xf32>
    %stack3A_216 = vector.shape_cast %max3A_209 : vector<40x64xf32> to vector<40x64x1xf32>
    %stack3A_217 = vector.shape_cast %max3A_215 : vector<40x64xf32> to vector<40x64x1xf32>
    %stack3A_218 = tpu.concatenate %stack3A_216, %stack3A_217 in 2 : vector<40x64x1xf32>, vector<40x64x1xf32> -> vector<40x64x2xf32>
    %reshape3A_219 = vector.shape_cast %stack3A_218 : vector<40x64x2xf32> to vector<40x128xf32>
    %swap3A_220 = arith.constant 0 : index
    %swap3A_221 = arith.constant 1152 : index
    %swap3A_222 = vector.load %arg13[%swap3A_220, %swap3A_221] : memref<40x1536xf32, #tpu.memory_space<vmem>>, vector<40x128xf32>
    tpu.vector_store %arg13[%swap3A_220, %swap3A_221], %reshape3A_219 {strides = array<i32>} : memref<40x1536xf32, #tpu.memory_space<vmem>>, vector<40x128xf32>,
    %get3A_223 = arith.constant 0 : index
    %get3A_224 = arith.constant 0 : index
    %get3A_225 = vector.load %arg6[%get3A_223, %get3A_224] : memref<40x64xf32, #tpu.memory_space<vmem>>, vector<40x64xf32>
    %max3A_226 = arith.constant 0.000000e+00 : f32
    %max3A_227 = vector.broadcast %max3A_226 : f32 to vector<40x64xf32>
    %max3A_228 = arith.maximumf %get3A_225, %max3A_227 : vector<40x64xf32>
    %neg3A_229 = arith.constant 0.000000e+00 : f32
    %neg3A_230 = vector.broadcast %neg3A_229 : f32 to vector<40x64xf32>
    %neg3A_231 = arith.subf %neg3A_230, %get3A_225 : vector<40x64xf32>
    %max3A_232 = arith.constant 0.000000e+00 : f32
    %max3A_233 = vector.broadcast %max3A_232 : f32 to vector<40x64xf32>
    %max3A_234 = arith.maximumf %neg3A_231, %max3A_233 : vector<40x64xf32>
    %stack3A_235 = vector.shape_cast %max3A_228 : vector<40x64xf32> to vector<40x64x1xf32>
    %stack3A_236 = vector.shape_cast %max3A_234 : vector<40x64xf32> to vector<40x64x1xf32>
    %stack3A_237 = tpu.concatenate %stack3A_235, %stack3A_236 in 2 : vector<40x64x1xf32>, vector<40x64x1xf32> -> vector<40x64x2xf32>
    %reshape3A_238 = vector.shape_cast %stack3A_237 : vector<40x64x2xf32> to vector<40x128xf32>
    %swap3A_239 = arith.constant 0 : index
    %swap3A_240 = arith.constant 1280 : index
    %swap3A_241 = vector.load %arg13[%swap3A_239, %swap3A_240] : memref<40x1536xf32, #tpu.memory_space<vmem>>, vector<40x128xf32>
    tpu.vector_store %arg13[%swap3A_239, %swap3A_240], %reshape3A_238 {strides = array<i32>} : memref<40x1536xf32, #tpu.memory_space<vmem>>, vector<40x128xf32>,
    %get3A_242 = arith.constant 0 : index
    %get3A_243 = arith.constant 0 : index
    %get3A_244 = vector.load %arg12[%get3A_242, %get3A_243] : memref<40x64xf32, #tpu.memory_space<vmem>>, vector<40x64xf32>
    %max3A_245 = arith.constant 0.000000e+00 : f32
    %max3A_246 = vector.broadcast %max3A_245 : f32 to vector<40x64xf32>
    %max3A_247 = arith.maximumf %get3A_244, %max3A_246 : vector<40x64xf32>
    %neg3A_248 = arith.constant 0.000000e+00 : f32
    %neg3A_249 = vector.broadcast %neg3A_248 : f32 to vector<40x64xf32>
    %neg3A_250 = arith.subf %neg3A_249, %get3A_244 : vector<40x64xf32>
    %max3A_251 = arith.constant 0.000000e+00 : f32
    %max3A_252 = vector.broadcast %max3A_251 : f32 to vector<40x64xf32>
    %max3A_253 = arith.maximumf %neg3A_250, %max3A_252 : vector<40x64xf32>
    %stack3A_254 = vector.shape_cast %max3A_247 : vector<40x64xf32> to vector<40x64x1xf32>
    %stack3A_255 = vector.shape_cast %max3A_253 : vector<40x64xf32> to vector<40x64x1xf32>
    %stack3A_256 = tpu.concatenate %stack3A_254, %stack3A_255 in 2 : vector<40x64x1xf32>, vector<40x64x1xf32> -> vector<40x64x2xf32>
    %reshape3A_257 = vector.shape_cast %stack3A_256 : vector<40x64x2xf32> to vector<40x128xf32>
    %swap3A_258 = arith.constant 0 : index
    %swap3A_259 = arith.constant 1408 : index
    %swap3A_260 = vector.load %arg13[%swap3A_258, %swap3A_259] : memref<40x1536xf32, #tpu.memory_space<vmem>>, vector<40x128xf32>
    tpu.vector_store %arg13[%swap3A_258, %swap3A_259], %reshape3A_257 {strides = array<i32>} : memref<40x1536xf32, #tpu.memory_space<vmem>>, vector<40x128xf32>,
    return
  }
  func.func @transform_0(%arg0: i32) -> (i32, i32) {
    %c0_i32 = arith.constant 0 : i32
    %c0_i32_0 = arith.constant 0 : i32
    return %arg0, %c0_i32 : i32, i32
  }
  func.func @transform_1(%arg0: i32) -> (i32, i32) {
    %c0_i32 = arith.constant 0 : i32
    %c0_i32_0 = arith.constant 0 : i32
    return %arg0, %c0_i32 : i32, i32
  }
  func.func @transform_2(%arg0: i32) -> (i32, i32) {
    %c0_i32 = arith.constant 0 : i32
    %c0_i32_0 = arith.constant 0 : i32
    return %arg0, %c0_i32 : i32, i32
  }
  func.func @transform_3(%arg0: i32) -> (i32, i32) {
    %c0_i32 = arith.constant 0 : i32
    %c0_i32_0 = arith.constant 0 : i32
    return %arg0, %c0_i32 : i32, i32
  }
  func.func @transform_4(%arg0: i32) -> (i32, i32) {
    %c0_i32 = arith.constant 0 : i32
    %c0_i32_0 = arith.constant 0 : i32
    return %arg0, %c0_i32 : i32, i32
  }
  func.func @transform_5(%arg0: i32) -> (i32, i32) {
    %c0_i32 = arith.constant 0 : i32
    %c0_i32_0 = arith.constant 0 : i32
    return %arg0, %c0_i32 : i32, i32
  }
  func.func @transform_6(%arg0: i32) -> (i32, i32) {
    %c0_i32 = arith.constant 0 : i32
    %c0_i32_0 = arith.constant 0 : i32
    return %arg0, %c0_i32 : i32, i32
  }
  func.func @transform_7(%arg0: i32) -> (i32, i32) {
    %c0_i32 = arith.constant 0 : i32
    %c0_i32_0 = arith.constant 0 : i32
    return %arg0, %c0_i32 : i32, i32
  }
  func.func @transform_8(%arg0: i32) -> (i32, i32) {
    %c0_i32 = arith.constant 0 : i32
    %c0_i32_0 = arith.constant 0 : i32
    return %arg0, %c0_i32 : i32, i32
  }
  func.func @transform_9(%arg0: i32) -> (i32, i32) {
    %c0_i32 = arith.constant 0 : i32
    %c0_i32_0 = arith.constant 0 : i32
    return %arg0, %c0_i32 : i32, i32
  }
  func.func @transform_10(%arg0: i32) -> (i32, i32) {
    %c0_i32 = arith.constant 0 : i32
    %c0_i32_0 = arith.constant 0 : i32
    return %arg0, %c0_i32 : i32, i32
  }
  func.func @transform_11(%arg0: i32) -> (i32, i32) {
    %c0_i32 = arith.constant 0 : i32
    %c0_i32_0 = arith.constant 0 : i32
    return %arg0, %c0_i32 : i32, i32
  }
  func.func @transform_12(%arg0: i32) -> (i32, i32) {
    %c0_i32 = arith.constant 0 : i32
    %c0_i32_0 = arith.constant 0 : i32
    return %arg0, %c0_i32 : i32, i32
  }
}

module attributes {stable_mosaic.version = 14 : i64} {
  func.func @_wavelet_body(%arg0: i32, %arg1: memref<80x64xf32, #tpu.memory_space<vmem>>, %arg2: memref<80x64xf32, #tpu.memory_space<vmem>>, %arg3: memref<80x64xf32, #tpu.memory_space<vmem>>, %arg4: memref<80x64xf32, #tpu.memory_space<vmem>>, %arg5: memref<80x64xf32, #tpu.memory_space<vmem>>, %arg6: memref<80x64xf32, #tpu.memory_space<vmem>>, %arg7: memref<80x64xf32, #tpu.memory_space<vmem>>, %arg8: memref<80x64xf32, #tpu.memory_space<vmem>>, %arg9: memref<80x64xf32, #tpu.memory_space<vmem>>, %arg10: memref<80x64xf32, #tpu.memory_space<vmem>>, %arg11: memref<80x64xf32, #tpu.memory_space<vmem>>, %arg12: memref<80x64xf32, #tpu.memory_space<vmem>>, %arg13: memref<80x1536xf32, #tpu.memory_space<vmem>>) attributes {dimension_semantics = [#tpu.dimension_semantics<arbitrary>], iteration_bounds = array<i64: 125>, scalar_prefetch = 0 : i64, scratch_operands = 0 : i64, tpu.core_type = #tpu.core_type<tc>, window_params = [{transform_indices = @transform_0, window_bounds = array<i64: 80, 64>}, {transform_indices = @transform_1, window_bounds = array<i64: 80, 64>}, {transform_indices = @transform_2, window_bounds = array<i64: 80, 64>}, {transform_indices = @transform_3, window_bounds = array<i64: 80, 64>}, {transform_indices = @transform_4, window_bounds = array<i64: 80, 64>}, {transform_indices = @transform_5, window_bounds = array<i64: 80, 64>}, {transform_indices = @transform_6, window_bounds = array<i64: 80, 64>}, {transform_indices = @transform_7, window_bounds = array<i64: 80, 64>}, {transform_indices = @transform_8, window_bounds = array<i64: 80, 64>}, {transform_indices = @transform_9, window_bounds = array<i64: 80, 64>}, {transform_indices = @transform_10, window_bounds = array<i64: 80, 64>}, {transform_indices = @transform_11, window_bounds = array<i64: 80, 64>}, {transform_indices = @transform_12, window_bounds = array<i64: 80, 1536>}]} {
    %get3A = arith.constant 0 : index
    %get3A_0 = arith.constant 0 : index
    %get3A_1 = vector.load %arg1[%get3A, %get3A_0] : memref<80x64xf32, #tpu.memory_space<vmem>>, vector<80x64xf32>
    %get3A_2 = arith.constant 0 : index
    %get3A_3 = arith.constant 0 : index
    %get3A_4 = vector.load %arg2[%get3A_2, %get3A_3] : memref<80x64xf32, #tpu.memory_space<vmem>>, vector<80x64xf32>
    %sub3A = arith.subf %get3A_1, %get3A_4 : vector<80x64xf32>
    %max3A = arith.constant 0.000000e+00 : f32
    %max3A_5 = vector.broadcast %max3A : f32 to vector<80x64xf32>
    %max3A_6 = arith.maximumf %sub3A, %max3A_5 : vector<80x64xf32>
    %neg3A = arith.constant 0.000000e+00 : f32
    %neg3A_7 = vector.broadcast %neg3A : f32 to vector<80x64xf32>
    %neg3A_8 = arith.subf %neg3A_7, %sub3A : vector<80x64xf32>
    %max3A_9 = arith.constant 0.000000e+00 : f32
    %max3A_10 = vector.broadcast %max3A_9 : f32 to vector<80x64xf32>
    %max3A_11 = arith.maximumf %neg3A_8, %max3A_10 : vector<80x64xf32>
    %stack3A = vector.shape_cast %max3A_6 : vector<80x64xf32> to vector<80x64x1xf32>
    %stack3A_12 = vector.shape_cast %max3A_11 : vector<80x64xf32> to vector<80x64x1xf32>
    %stack3A_13 = tpu.concatenate %stack3A, %stack3A_12 in 2 : vector<80x64x1xf32>, vector<80x64x1xf32> -> vector<80x64x2xf32>
    %reshape3A = vector.shape_cast %stack3A_13 : vector<80x64x2xf32> to vector<80x128xf32>
    %swap3A = arith.constant 0 : index
    %swap3A_14 = arith.constant 0 : index
    %swap3A_15 = vector.load %arg13[%swap3A, %swap3A_14] : memref<80x1536xf32, #tpu.memory_space<vmem>>, vector<80x128xf32>
    tpu.vector_store %arg13[%swap3A, %swap3A_14], %reshape3A {strides = array<i32>} : memref<80x1536xf32, #tpu.memory_space<vmem>>, vector<80x128xf32>,
    %get3A_16 = arith.constant 0 : index
    %get3A_17 = arith.constant 0 : index
    %get3A_18 = vector.load %arg7[%get3A_16, %get3A_17] : memref<80x64xf32, #tpu.memory_space<vmem>>, vector<80x64xf32>
    %get3A_19 = arith.constant 0 : index
    %get3A_20 = arith.constant 0 : index
    %get3A_21 = vector.load %arg8[%get3A_19, %get3A_20] : memref<80x64xf32, #tpu.memory_space<vmem>>, vector<80x64xf32>
    %sub3A_22 = arith.subf %get3A_18, %get3A_21 : vector<80x64xf32>
    %max3A_23 = arith.constant 0.000000e+00 : f32
    %max3A_24 = vector.broadcast %max3A_23 : f32 to vector<80x64xf32>
    %max3A_25 = arith.maximumf %sub3A_22, %max3A_24 : vector<80x64xf32>
    %neg3A_26 = arith.constant 0.000000e+00 : f32
    %neg3A_27 = vector.broadcast %neg3A_26 : f32 to vector<80x64xf32>
    %neg3A_28 = arith.subf %neg3A_27, %sub3A_22 : vector<80x64xf32>
    %max3A_29 = arith.constant 0.000000e+00 : f32
    %max3A_30 = vector.broadcast %max3A_29 : f32 to vector<80x64xf32>
    %max3A_31 = arith.maximumf %neg3A_28, %max3A_30 : vector<80x64xf32>
    %stack3A_32 = vector.shape_cast %max3A_25 : vector<80x64xf32> to vector<80x64x1xf32>
    %stack3A_33 = vector.shape_cast %max3A_31 : vector<80x64xf32> to vector<80x64x1xf32>
    %stack3A_34 = tpu.concatenate %stack3A_32, %stack3A_33 in 2 : vector<80x64x1xf32>, vector<80x64x1xf32> -> vector<80x64x2xf32>
    %reshape3A_35 = vector.shape_cast %stack3A_34 : vector<80x64x2xf32> to vector<80x128xf32>
    %swap3A_36 = arith.constant 0 : index
    %swap3A_37 = arith.constant 128 : index
    %swap3A_38 = vector.load %arg13[%swap3A_36, %swap3A_37] : memref<80x1536xf32, #tpu.memory_space<vmem>>, vector<80x128xf32>
    tpu.vector_store %arg13[%swap3A_36, %swap3A_37], %reshape3A_35 {strides = array<i32>} : memref<80x1536xf32, #tpu.memory_space<vmem>>, vector<80x128xf32>,
    %get3A_39 = arith.constant 0 : index
    %get3A_40 = arith.constant 0 : index
    %get3A_41 = vector.load %arg2[%get3A_39, %get3A_40] : memref<80x64xf32, #tpu.memory_space<vmem>>, vector<80x64xf32>
    %get3A_42 = arith.constant 0 : index
    %get3A_43 = arith.constant 0 : index
    %get3A_44 = vector.load %arg3[%get3A_42, %get3A_43] : memref<80x64xf32, #tpu.memory_space<vmem>>, vector<80x64xf32>
    %sub3A_45 = arith.subf %get3A_41, %get3A_44 : vector<80x64xf32>
    %max3A_46 = arith.constant 0.000000e+00 : f32
    %max3A_47 = vector.broadcast %max3A_46 : f32 to vector<80x64xf32>
    %max3A_48 = arith.maximumf %sub3A_45, %max3A_47 : vector<80x64xf32>
    %neg3A_49 = arith.constant 0.000000e+00 : f32
    %neg3A_50 = vector.broadcast %neg3A_49 : f32 to vector<80x64xf32>
    %neg3A_51 = arith.subf %neg3A_50, %sub3A_45 : vector<80x64xf32>
    %max3A_52 = arith.constant 0.000000e+00 : f32
    %max3A_53 = vector.broadcast %max3A_52 : f32 to vector<80x64xf32>
    %max3A_54 = arith.maximumf %neg3A_51, %max3A_53 : vector<80x64xf32>
    %stack3A_55 = vector.shape_cast %max3A_48 : vector<80x64xf32> to vector<80x64x1xf32>
    %stack3A_56 = vector.shape_cast %max3A_54 : vector<80x64xf32> to vector<80x64x1xf32>
    %stack3A_57 = tpu.concatenate %stack3A_55, %stack3A_56 in 2 : vector<80x64x1xf32>, vector<80x64x1xf32> -> vector<80x64x2xf32>
    %reshape3A_58 = vector.shape_cast %stack3A_57 : vector<80x64x2xf32> to vector<80x128xf32>
    %swap3A_59 = arith.constant 0 : index
    %swap3A_60 = arith.constant 256 : index
    %swap3A_61 = vector.load %arg13[%swap3A_59, %swap3A_60] : memref<80x1536xf32, #tpu.memory_space<vmem>>, vector<80x128xf32>
    tpu.vector_store %arg13[%swap3A_59, %swap3A_60], %reshape3A_58 {strides = array<i32>} : memref<80x1536xf32, #tpu.memory_space<vmem>>, vector<80x128xf32>,
    %get3A_62 = arith.constant 0 : index
    %get3A_63 = arith.constant 0 : index
    %get3A_64 = vector.load %arg8[%get3A_62, %get3A_63] : memref<80x64xf32, #tpu.memory_space<vmem>>, vector<80x64xf32>
    %get3A_65 = arith.constant 0 : index
    %get3A_66 = arith.constant 0 : index
    %get3A_67 = vector.load %arg9[%get3A_65, %get3A_66] : memref<80x64xf32, #tpu.memory_space<vmem>>, vector<80x64xf32>
    %sub3A_68 = arith.subf %get3A_64, %get3A_67 : vector<80x64xf32>
    %max3A_69 = arith.constant 0.000000e+00 : f32
    %max3A_70 = vector.broadcast %max3A_69 : f32 to vector<80x64xf32>
    %max3A_71 = arith.maximumf %sub3A_68, %max3A_70 : vector<80x64xf32>
    %neg3A_72 = arith.constant 0.000000e+00 : f32
    %neg3A_73 = vector.broadcast %neg3A_72 : f32 to vector<80x64xf32>
    %neg3A_74 = arith.subf %neg3A_73, %sub3A_68 : vector<80x64xf32>
    %max3A_75 = arith.constant 0.000000e+00 : f32
    %max3A_76 = vector.broadcast %max3A_75 : f32 to vector<80x64xf32>
    %max3A_77 = arith.maximumf %neg3A_74, %max3A_76 : vector<80x64xf32>
    %stack3A_78 = vector.shape_cast %max3A_71 : vector<80x64xf32> to vector<80x64x1xf32>
    %stack3A_79 = vector.shape_cast %max3A_77 : vector<80x64xf32> to vector<80x64x1xf32>
    %stack3A_80 = tpu.concatenate %stack3A_78, %stack3A_79 in 2 : vector<80x64x1xf32>, vector<80x64x1xf32> -> vector<80x64x2xf32>
    %reshape3A_81 = vector.shape_cast %stack3A_80 : vector<80x64x2xf32> to vector<80x128xf32>
    %swap3A_82 = arith.constant 0 : index
    %swap3A_83 = arith.constant 384 : index
    %swap3A_84 = vector.load %arg13[%swap3A_82, %swap3A_83] : memref<80x1536xf32, #tpu.memory_space<vmem>>, vector<80x128xf32>
    tpu.vector_store %arg13[%swap3A_82, %swap3A_83], %reshape3A_81 {strides = array<i32>} : memref<80x1536xf32, #tpu.memory_space<vmem>>, vector<80x128xf32>,
    %get3A_85 = arith.constant 0 : index
    %get3A_86 = arith.constant 0 : index
    %get3A_87 = vector.load %arg3[%get3A_85, %get3A_86] : memref<80x64xf32, #tpu.memory_space<vmem>>, vector<80x64xf32>
    %get3A_88 = arith.constant 0 : index
    %get3A_89 = arith.constant 0 : index
    %get3A_90 = vector.load %arg4[%get3A_88, %get3A_89] : memref<80x64xf32, #tpu.memory_space<vmem>>, vector<80x64xf32>
    %sub3A_91 = arith.subf %get3A_87, %get3A_90 : vector<80x64xf32>
    %max3A_92 = arith.constant 0.000000e+00 : f32
    %max3A_93 = vector.broadcast %max3A_92 : f32 to vector<80x64xf32>
    %max3A_94 = arith.maximumf %sub3A_91, %max3A_93 : vector<80x64xf32>
    %neg3A_95 = arith.constant 0.000000e+00 : f32
    %neg3A_96 = vector.broadcast %neg3A_95 : f32 to vector<80x64xf32>
    %neg3A_97 = arith.subf %neg3A_96, %sub3A_91 : vector<80x64xf32>
    %max3A_98 = arith.constant 0.000000e+00 : f32
    %max3A_99 = vector.broadcast %max3A_98 : f32 to vector<80x64xf32>
    %max3A_100 = arith.maximumf %neg3A_97, %max3A_99 : vector<80x64xf32>
    %stack3A_101 = vector.shape_cast %max3A_94 : vector<80x64xf32> to vector<80x64x1xf32>
    %stack3A_102 = vector.shape_cast %max3A_100 : vector<80x64xf32> to vector<80x64x1xf32>
    %stack3A_103 = tpu.concatenate %stack3A_101, %stack3A_102 in 2 : vector<80x64x1xf32>, vector<80x64x1xf32> -> vector<80x64x2xf32>
    %reshape3A_104 = vector.shape_cast %stack3A_103 : vector<80x64x2xf32> to vector<80x128xf32>
    %swap3A_105 = arith.constant 0 : index
    %swap3A_106 = arith.constant 512 : index
    %swap3A_107 = vector.load %arg13[%swap3A_105, %swap3A_106] : memref<80x1536xf32, #tpu.memory_space<vmem>>, vector<80x128xf32>
    tpu.vector_store %arg13[%swap3A_105, %swap3A_106], %reshape3A_104 {strides = array<i32>} : memref<80x1536xf32, #tpu.memory_space<vmem>>, vector<80x128xf32>,
    %get3A_108 = arith.constant 0 : index
    %get3A_109 = arith.constant 0 : index
    %get3A_110 = vector.load %arg9[%get3A_108, %get3A_109] : memref<80x64xf32, #tpu.memory_space<vmem>>, vector<80x64xf32>
    %get3A_111 = arith.constant 0 : index
    %get3A_112 = arith.constant 0 : index
    %get3A_113 = vector.load %arg10[%get3A_111, %get3A_112] : memref<80x64xf32, #tpu.memory_space<vmem>>, vector<80x64xf32>
    %sub3A_114 = arith.subf %get3A_110, %get3A_113 : vector<80x64xf32>
    %max3A_115 = arith.constant 0.000000e+00 : f32
    %max3A_116 = vector.broadcast %max3A_115 : f32 to vector<80x64xf32>
    %max3A_117 = arith.maximumf %sub3A_114, %max3A_116 : vector<80x64xf32>
    %neg3A_118 = arith.constant 0.000000e+00 : f32
    %neg3A_119 = vector.broadcast %neg3A_118 : f32 to vector<80x64xf32>
    %neg3A_120 = arith.subf %neg3A_119, %sub3A_114 : vector<80x64xf32>
    %max3A_121 = arith.constant 0.000000e+00 : f32
    %max3A_122 = vector.broadcast %max3A_121 : f32 to vector<80x64xf32>
    %max3A_123 = arith.maximumf %neg3A_120, %max3A_122 : vector<80x64xf32>
    %stack3A_124 = vector.shape_cast %max3A_117 : vector<80x64xf32> to vector<80x64x1xf32>
    %stack3A_125 = vector.shape_cast %max3A_123 : vector<80x64xf32> to vector<80x64x1xf32>
    %stack3A_126 = tpu.concatenate %stack3A_124, %stack3A_125 in 2 : vector<80x64x1xf32>, vector<80x64x1xf32> -> vector<80x64x2xf32>
    %reshape3A_127 = vector.shape_cast %stack3A_126 : vector<80x64x2xf32> to vector<80x128xf32>
    %swap3A_128 = arith.constant 0 : index
    %swap3A_129 = arith.constant 640 : index
    %swap3A_130 = vector.load %arg13[%swap3A_128, %swap3A_129] : memref<80x1536xf32, #tpu.memory_space<vmem>>, vector<80x128xf32>
    tpu.vector_store %arg13[%swap3A_128, %swap3A_129], %reshape3A_127 {strides = array<i32>} : memref<80x1536xf32, #tpu.memory_space<vmem>>, vector<80x128xf32>,
    %get3A_131 = arith.constant 0 : index
    %get3A_132 = arith.constant 0 : index
    %get3A_133 = vector.load %arg4[%get3A_131, %get3A_132] : memref<80x64xf32, #tpu.memory_space<vmem>>, vector<80x64xf32>
    %get3A_134 = arith.constant 0 : index
    %get3A_135 = arith.constant 0 : index
    %get3A_136 = vector.load %arg5[%get3A_134, %get3A_135] : memref<80x64xf32, #tpu.memory_space<vmem>>, vector<80x64xf32>
    %sub3A_137 = arith.subf %get3A_133, %get3A_136 : vector<80x64xf32>
    %max3A_138 = arith.constant 0.000000e+00 : f32
    %max3A_139 = vector.broadcast %max3A_138 : f32 to vector<80x64xf32>
    %max3A_140 = arith.maximumf %sub3A_137, %max3A_139 : vector<80x64xf32>
    %neg3A_141 = arith.constant 0.000000e+00 : f32
    %neg3A_142 = vector.broadcast %neg3A_141 : f32 to vector<80x64xf32>
    %neg3A_143 = arith.subf %neg3A_142, %sub3A_137 : vector<80x64xf32>
    %max3A_144 = arith.constant 0.000000e+00 : f32
    %max3A_145 = vector.broadcast %max3A_144 : f32 to vector<80x64xf32>
    %max3A_146 = arith.maximumf %neg3A_143, %max3A_145 : vector<80x64xf32>
    %stack3A_147 = vector.shape_cast %max3A_140 : vector<80x64xf32> to vector<80x64x1xf32>
    %stack3A_148 = vector.shape_cast %max3A_146 : vector<80x64xf32> to vector<80x64x1xf32>
    %stack3A_149 = tpu.concatenate %stack3A_147, %stack3A_148 in 2 : vector<80x64x1xf32>, vector<80x64x1xf32> -> vector<80x64x2xf32>
    %reshape3A_150 = vector.shape_cast %stack3A_149 : vector<80x64x2xf32> to vector<80x128xf32>
    %swap3A_151 = arith.constant 0 : index
    %swap3A_152 = arith.constant 768 : index
    %swap3A_153 = vector.load %arg13[%swap3A_151, %swap3A_152] : memref<80x1536xf32, #tpu.memory_space<vmem>>, vector<80x128xf32>
    tpu.vector_store %arg13[%swap3A_151, %swap3A_152], %reshape3A_150 {strides = array<i32>} : memref<80x1536xf32, #tpu.memory_space<vmem>>, vector<80x128xf32>,
    %get3A_154 = arith.constant 0 : index
    %get3A_155 = arith.constant 0 : index
    %get3A_156 = vector.load %arg10[%get3A_154, %get3A_155] : memref<80x64xf32, #tpu.memory_space<vmem>>, vector<80x64xf32>
    %get3A_157 = arith.constant 0 : index
    %get3A_158 = arith.constant 0 : index
    %get3A_159 = vector.load %arg11[%get3A_157, %get3A_158] : memref<80x64xf32, #tpu.memory_space<vmem>>, vector<80x64xf32>
    %sub3A_160 = arith.subf %get3A_156, %get3A_159 : vector<80x64xf32>
    %max3A_161 = arith.constant 0.000000e+00 : f32
    %max3A_162 = vector.broadcast %max3A_161 : f32 to vector<80x64xf32>
    %max3A_163 = arith.maximumf %sub3A_160, %max3A_162 : vector<80x64xf32>
    %neg3A_164 = arith.constant 0.000000e+00 : f32
    %neg3A_165 = vector.broadcast %neg3A_164 : f32 to vector<80x64xf32>
    %neg3A_166 = arith.subf %neg3A_165, %sub3A_160 : vector<80x64xf32>
    %max3A_167 = arith.constant 0.000000e+00 : f32
    %max3A_168 = vector.broadcast %max3A_167 : f32 to vector<80x64xf32>
    %max3A_169 = arith.maximumf %neg3A_166, %max3A_168 : vector<80x64xf32>
    %stack3A_170 = vector.shape_cast %max3A_163 : vector<80x64xf32> to vector<80x64x1xf32>
    %stack3A_171 = vector.shape_cast %max3A_169 : vector<80x64xf32> to vector<80x64x1xf32>
    %stack3A_172 = tpu.concatenate %stack3A_170, %stack3A_171 in 2 : vector<80x64x1xf32>, vector<80x64x1xf32> -> vector<80x64x2xf32>
    %reshape3A_173 = vector.shape_cast %stack3A_172 : vector<80x64x2xf32> to vector<80x128xf32>
    %swap3A_174 = arith.constant 0 : index
    %swap3A_175 = arith.constant 896 : index
    %swap3A_176 = vector.load %arg13[%swap3A_174, %swap3A_175] : memref<80x1536xf32, #tpu.memory_space<vmem>>, vector<80x128xf32>
    tpu.vector_store %arg13[%swap3A_174, %swap3A_175], %reshape3A_173 {strides = array<i32>} : memref<80x1536xf32, #tpu.memory_space<vmem>>, vector<80x128xf32>,
    %get3A_177 = arith.constant 0 : index
    %get3A_178 = arith.constant 0 : index
    %get3A_179 = vector.load %arg5[%get3A_177, %get3A_178] : memref<80x64xf32, #tpu.memory_space<vmem>>, vector<80x64xf32>
    %get3A_180 = arith.constant 0 : index
    %get3A_181 = arith.constant 0 : index
    %get3A_182 = vector.load %arg6[%get3A_180, %get3A_181] : memref<80x64xf32, #tpu.memory_space<vmem>>, vector<80x64xf32>
    %sub3A_183 = arith.subf %get3A_179, %get3A_182 : vector<80x64xf32>
    %max3A_184 = arith.constant 0.000000e+00 : f32
    %max3A_185 = vector.broadcast %max3A_184 : f32 to vector<80x64xf32>
    %max3A_186 = arith.maximumf %sub3A_183, %max3A_185 : vector<80x64xf32>
    %neg3A_187 = arith.constant 0.000000e+00 : f32
    %neg3A_188 = vector.broadcast %neg3A_187 : f32 to vector<80x64xf32>
    %neg3A_189 = arith.subf %neg3A_188, %sub3A_183 : vector<80x64xf32>
    %max3A_190 = arith.constant 0.000000e+00 : f32
    %max3A_191 = vector.broadcast %max3A_190 : f32 to vector<80x64xf32>
    %max3A_192 = arith.maximumf %neg3A_189, %max3A_191 : vector<80x64xf32>
    %stack3A_193 = vector.shape_cast %max3A_186 : vector<80x64xf32> to vector<80x64x1xf32>
    %stack3A_194 = vector.shape_cast %max3A_192 : vector<80x64xf32> to vector<80x64x1xf32>
    %stack3A_195 = tpu.concatenate %stack3A_193, %stack3A_194 in 2 : vector<80x64x1xf32>, vector<80x64x1xf32> -> vector<80x64x2xf32>
    %reshape3A_196 = vector.shape_cast %stack3A_195 : vector<80x64x2xf32> to vector<80x128xf32>
    %swap3A_197 = arith.constant 0 : index
    %swap3A_198 = arith.constant 1024 : index
    %swap3A_199 = vector.load %arg13[%swap3A_197, %swap3A_198] : memref<80x1536xf32, #tpu.memory_space<vmem>>, vector<80x128xf32>
    tpu.vector_store %arg13[%swap3A_197, %swap3A_198], %reshape3A_196 {strides = array<i32>} : memref<80x1536xf32, #tpu.memory_space<vmem>>, vector<80x128xf32>,
    %get3A_200 = arith.constant 0 : index
    %get3A_201 = arith.constant 0 : index
    %get3A_202 = vector.load %arg11[%get3A_200, %get3A_201] : memref<80x64xf32, #tpu.memory_space<vmem>>, vector<80x64xf32>
    %get3A_203 = arith.constant 0 : index
    %get3A_204 = arith.constant 0 : index
    %get3A_205 = vector.load %arg12[%get3A_203, %get3A_204] : memref<80x64xf32, #tpu.memory_space<vmem>>, vector<80x64xf32>
    %sub3A_206 = arith.subf %get3A_202, %get3A_205 : vector<80x64xf32>
    %max3A_207 = arith.constant 0.000000e+00 : f32
    %max3A_208 = vector.broadcast %max3A_207 : f32 to vector<80x64xf32>
    %max3A_209 = arith.maximumf %sub3A_206, %max3A_208 : vector<80x64xf32>
    %neg3A_210 = arith.constant 0.000000e+00 : f32
    %neg3A_211 = vector.broadcast %neg3A_210 : f32 to vector<80x64xf32>
    %neg3A_212 = arith.subf %neg3A_211, %sub3A_206 : vector<80x64xf32>
    %max3A_213 = arith.constant 0.000000e+00 : f32
    %max3A_214 = vector.broadcast %max3A_213 : f32 to vector<80x64xf32>
    %max3A_215 = arith.maximumf %neg3A_212, %max3A_214 : vector<80x64xf32>
    %stack3A_216 = vector.shape_cast %max3A_209 : vector<80x64xf32> to vector<80x64x1xf32>
    %stack3A_217 = vector.shape_cast %max3A_215 : vector<80x64xf32> to vector<80x64x1xf32>
    %stack3A_218 = tpu.concatenate %stack3A_216, %stack3A_217 in 2 : vector<80x64x1xf32>, vector<80x64x1xf32> -> vector<80x64x2xf32>
    %reshape3A_219 = vector.shape_cast %stack3A_218 : vector<80x64x2xf32> to vector<80x128xf32>
    %swap3A_220 = arith.constant 0 : index
    %swap3A_221 = arith.constant 1152 : index
    %swap3A_222 = vector.load %arg13[%swap3A_220, %swap3A_221] : memref<80x1536xf32, #tpu.memory_space<vmem>>, vector<80x128xf32>
    tpu.vector_store %arg13[%swap3A_220, %swap3A_221], %reshape3A_219 {strides = array<i32>} : memref<80x1536xf32, #tpu.memory_space<vmem>>, vector<80x128xf32>,
    %get3A_223 = arith.constant 0 : index
    %get3A_224 = arith.constant 0 : index
    %get3A_225 = vector.load %arg6[%get3A_223, %get3A_224] : memref<80x64xf32, #tpu.memory_space<vmem>>, vector<80x64xf32>
    %max3A_226 = arith.constant 0.000000e+00 : f32
    %max3A_227 = vector.broadcast %max3A_226 : f32 to vector<80x64xf32>
    %max3A_228 = arith.maximumf %get3A_225, %max3A_227 : vector<80x64xf32>
    %neg3A_229 = arith.constant 0.000000e+00 : f32
    %neg3A_230 = vector.broadcast %neg3A_229 : f32 to vector<80x64xf32>
    %neg3A_231 = arith.subf %neg3A_230, %get3A_225 : vector<80x64xf32>
    %max3A_232 = arith.constant 0.000000e+00 : f32
    %max3A_233 = vector.broadcast %max3A_232 : f32 to vector<80x64xf32>
    %max3A_234 = arith.maximumf %neg3A_231, %max3A_233 : vector<80x64xf32>
    %stack3A_235 = vector.shape_cast %max3A_228 : vector<80x64xf32> to vector<80x64x1xf32>
    %stack3A_236 = vector.shape_cast %max3A_234 : vector<80x64xf32> to vector<80x64x1xf32>
    %stack3A_237 = tpu.concatenate %stack3A_235, %stack3A_236 in 2 : vector<80x64x1xf32>, vector<80x64x1xf32> -> vector<80x64x2xf32>
    %reshape3A_238 = vector.shape_cast %stack3A_237 : vector<80x64x2xf32> to vector<80x128xf32>
    %swap3A_239 = arith.constant 0 : index
    %swap3A_240 = arith.constant 1280 : index
    %swap3A_241 = vector.load %arg13[%swap3A_239, %swap3A_240] : memref<80x1536xf32, #tpu.memory_space<vmem>>, vector<80x128xf32>
    tpu.vector_store %arg13[%swap3A_239, %swap3A_240], %reshape3A_238 {strides = array<i32>} : memref<80x1536xf32, #tpu.memory_space<vmem>>, vector<80x128xf32>,
    %get3A_242 = arith.constant 0 : index
    %get3A_243 = arith.constant 0 : index
    %get3A_244 = vector.load %arg12[%get3A_242, %get3A_243] : memref<80x64xf32, #tpu.memory_space<vmem>>, vector<80x64xf32>
    %max3A_245 = arith.constant 0.000000e+00 : f32
    %max3A_246 = vector.broadcast %max3A_245 : f32 to vector<80x64xf32>
    %max3A_247 = arith.maximumf %get3A_244, %max3A_246 : vector<80x64xf32>
    %neg3A_248 = arith.constant 0.000000e+00 : f32
    %neg3A_249 = vector.broadcast %neg3A_248 : f32 to vector<80x64xf32>
    %neg3A_250 = arith.subf %neg3A_249, %get3A_244 : vector<80x64xf32>
    %max3A_251 = arith.constant 0.000000e+00 : f32
    %max3A_252 = vector.broadcast %max3A_251 : f32 to vector<80x64xf32>
    %max3A_253 = arith.maximumf %neg3A_250, %max3A_252 : vector<80x64xf32>
    %stack3A_254 = vector.shape_cast %max3A_247 : vector<80x64xf32> to vector<80x64x1xf32>
    %stack3A_255 = vector.shape_cast %max3A_253 : vector<80x64xf32> to vector<80x64x1xf32>
    %stack3A_256 = tpu.concatenate %stack3A_254, %stack3A_255 in 2 : vector<80x64x1xf32>, vector<80x64x1xf32> -> vector<80x64x2xf32>
    %reshape3A_257 = vector.shape_cast %stack3A_256 : vector<80x64x2xf32> to vector<80x128xf32>
    %swap3A_258 = arith.constant 0 : index
    %swap3A_259 = arith.constant 1408 : index
    %swap3A_260 = vector.load %arg13[%swap3A_258, %swap3A_259] : memref<80x1536xf32, #tpu.memory_space<vmem>>, vector<80x128xf32>
    tpu.vector_store %arg13[%swap3A_258, %swap3A_259], %reshape3A_257 {strides = array<i32>} : memref<80x1536xf32, #tpu.memory_space<vmem>>, vector<80x128xf32>,
    return
  }
  func.func @transform_0(%arg0: i32) -> (i32, i32) {
    %c0_i32 = arith.constant 0 : i32
    %c0_i32_0 = arith.constant 0 : i32
    return %arg0, %c0_i32 : i32, i32
  }
  func.func @transform_1(%arg0: i32) -> (i32, i32) {
    %c0_i32 = arith.constant 0 : i32
    %c0_i32_0 = arith.constant 0 : i32
    return %arg0, %c0_i32 : i32, i32
  }
  func.func @transform_2(%arg0: i32) -> (i32, i32) {
    %c0_i32 = arith.constant 0 : i32
    %c0_i32_0 = arith.constant 0 : i32
    return %arg0, %c0_i32 : i32, i32
  }
  func.func @transform_3(%arg0: i32) -> (i32, i32) {
    %c0_i32 = arith.constant 0 : i32
    %c0_i32_0 = arith.constant 0 : i32
    return %arg0, %c0_i32 : i32, i32
  }
  func.func @transform_4(%arg0: i32) -> (i32, i32) {
    %c0_i32 = arith.constant 0 : i32
    %c0_i32_0 = arith.constant 0 : i32
    return %arg0, %c0_i32 : i32, i32
  }
  func.func @transform_5(%arg0: i32) -> (i32, i32) {
    %c0_i32 = arith.constant 0 : i32
    %c0_i32_0 = arith.constant 0 : i32
    return %arg0, %c0_i32 : i32, i32
  }
  func.func @transform_6(%arg0: i32) -> (i32, i32) {
    %c0_i32 = arith.constant 0 : i32
    %c0_i32_0 = arith.constant 0 : i32
    return %arg0, %c0_i32 : i32, i32
  }
  func.func @transform_7(%arg0: i32) -> (i32, i32) {
    %c0_i32 = arith.constant 0 : i32
    %c0_i32_0 = arith.constant 0 : i32
    return %arg0, %c0_i32 : i32, i32
  }
  func.func @transform_8(%arg0: i32) -> (i32, i32) {
    %c0_i32 = arith.constant 0 : i32
    %c0_i32_0 = arith.constant 0 : i32
    return %arg0, %c0_i32 : i32, i32
  }
  func.func @transform_9(%arg0: i32) -> (i32, i32) {
    %c0_i32 = arith.constant 0 : i32
    %c0_i32_0 = arith.constant 0 : i32
    return %arg0, %c0_i32 : i32, i32
  }
  func.func @transform_10(%arg0: i32) -> (i32, i32) {
    %c0_i32 = arith.constant 0 : i32
    %c0_i32_0 = arith.constant 0 : i32
    return %arg0, %c0_i32 : i32, i32
  }
  func.func @transform_11(%arg0: i32) -> (i32, i32) {
    %c0_i32 = arith.constant 0 : i32
    %c0_i32_0 = arith.constant 0 : i32
    return %arg0, %c0_i32 : i32, i32
  }
  func.func @transform_12(%arg0: i32) -> (i32, i32) {
    %c0_i32 = arith.constant 0 : i32
    %c0_i32_0 = arith.constant 0 : i32
    return %arg0, %c0_i32 : i32, i32
  }
}

</mosaic_0001>

<sc_bundles>
// kernel: kernel.5.cloned.1.call-start
scs
__scs_entry_jumppad:
0x0: {  	(pc) =	sbr.rel $0x88, $3  }
0x1: {  	(tag) =	ssettag $0x0;
	lr =	simm.s32 $0x1  }
0x2: {  	[smem:$0x3F9D] =	sst lr;
	_ =	strace $0xD0000000  }
0x3: {  	_ = 	snop  }
0x4: {  	_ = 	snop  }
0x5: {  	_ = 	snop  }
0x6: {  	_ = 	snop  }
0x7: {  	_ = 	snop  }
__scs_overlays_trampoline_lowered:
0x8: {  	[smem:$0x3FAC] =	sst s0  }
0x9: {  	[smem:$0x3FAD] =	sst s1  }
0xa: {  	[smem:$0x3FAE] =	sst s2  }
0xb: {  	[smem:$0x3FAF] =	sst s3  }
0xc: {  	[smem:$0x3FB0] =	sst s4  }
0xd: {  	[smem:$0x3FB1] =	sst s5  }
0xe: {  	[smem:$0x3FB2] =	sst s6  }
0xf: {  	[smem:$0x3FB3] =	sst s7  }
0x10: {  	[smem:$0x3FB4] =	sst s8  }
0x11: {  	[smem:$0x3FB5] =	sst s9;
	s0 =	simm.s32 @!p0 $0x0  }
0x12: {  	s1 =	sld [smem:$0x3F9B];
	s0 =	simm.s32 @p0 $0x1  }
0x13: {  	[smem:$0x3FB6] =	sst s0;
	s0 =	simm.s32 @!p1 $0x0  }
0x14: {  	s2 =	sld [smem:$0x3F9A];
	s0 =	simm.s32 @p1 $0x1  }
0x15: {  	[smem:$0x3FB7] =	sst s0;
	s0 =	simm.s32 @!p2 $0x0  }
0x16: {  	s3 =	sld [smem:$0x3FDB];
	s0 =	simm.s32 @p2 $0x1  }
0x17: {  	s4 =	simm.s32 $0x1BF5;
	[smem:$0x3FB9] =	sst s0  }
0x18: {  	s0 =	sld [smem:$0x3F9C];
	_ =	swait.ge [sflag:s4], $0x0  }
0x19: {  	s7 =	sld [smem:$0x3F9D]  }
0x1a: {  	s8 =	sadd.s32 $0xFFFFE003, lr  }
0x1b: {  	s9 =	sadd.s32 $0xFFFFFEF7, lr;
	s5 =	simm.s32 $0xFFFFFFFF;
	p2 =	slt.u32 s8, $0xFFFFF086  }
0x1c: {  	p1 =	slt.u32 s9, $0xF7A;
	s5 =	simm.s32 @!p2 $0x0  }
0x1d: {  	s5 =	simm.s32 @p1 $0x1;
	p0 =	seq.s32 s7, s2  }
0x1e: {  	s7 =	smul.u32 @!p0 $0xF7A, s2;
	p2 =	seq.s32 @!p0 s5, $0x0  }
0x1f: {  	s9 =	smul.u32 $0xF7A, s1;
	s8 =	simm.s32 @!p0 $0x1BF5;
	p2 =	por !p2, p0  }
0x20: {  	[sflag:s8] =	ssyncset.s32 @!p0 $0xFFFFF086;
	s6 =	sadd.s32 @!p0 s3, s7;
	s7 =	simm.s32 @!p0 $0x108  }
0x21: {  	s3 =	sadd.s32 s3, s9;
	s6 =	sadd.s32 @!p0 $0x88, s6;
	s7 =	simm.s32 @p2 $0x1082  }
0x22: {  	[simem:s7], [sflag:s8] =	dma.local @!p0 [hbm:s6], $0xF7A  }
0x23: {  	s9 =	sor.u32 $0xD0000000, s2;
	s6 =	simm.s32 $0x108;
	_ =	swait.ge @!p0 [sflag:s8], $0x0  }
0x24: {  	s3 =	sadd.s32 $0x88, s3;
	s6 =	simm.s32 @!p1 $0x1082;
	[sflag:s4] =	ssyncset.s32 $0xFFFFF086  }
0x25: {  	[simem:s6], [sflag:s4] =	dma.local [hbm:s3], $0xF7A  }
0x26: {  	[smem:$0x3F9D] =	sst s1;
	(tag) =	ssettag s2;
	_ =	strace s9  }
0x27: {  	s1 =	sld [smem:$0x3FAD]  }
0x28: {  	s2 =	sld [smem:$0x3FAE]  }
0x29: {  	s4 =	sld [smem:$0x3FB0]  }
0x2a: {  	p0 =	seq.s32 s5, $0x0;
	s5 =	sld [smem:$0x3FB1]  }
0x2b: {  	s6 =	sld [smem:$0x3FB2]  }
0x2c: {  	s7 =	sld [smem:$0x3FB3]  }
0x2d: {  	s3 =	simm.s32 $0x108;
	s8 =	sld [smem:$0x3FB4]  }
0x2e: {  	s3 =	simm.s32 @!p0 $0x1082;
	s9 =	sld [smem:$0x3FB5]  }
0x2f: {  	lr =	sadd.s32 s0, s3;
	s0 =	sld [smem:$0x3FAC]  }
0x30: {  	s3 =	sld [smem:$0x3FAF]  }
0x31: {  	[smem:$0x3FB8] =	sst s10  }
0x32: {  	s10 =	sld [smem:$0x3FB6];
	_ =	sdelay $0x3  }
0x33: {  	p0 =	seq.s32 s10, $0x1;
	s10 =	sld [smem:$0x3FB8];
	_ =	sdelay $0x3  }
0x34: {  	[smem:$0x3FB8] =	sst s10  }
0x35: {  	s10 =	sld [smem:$0x3FB7];
	_ =	sdelay $0x3  }
0x36: {  	p1 =	seq.s32 s10, $0x1;
	s10 =	sld [smem:$0x3FB8];
	_ =	sdelay $0x3  }
0x37: {  	[smem:$0x3FB8] =	sst s10  }
0x38: {  	s10 =	sld [smem:$0x3FB9]  }
0x39: {  	_ = 	snop;
	(pc) =	sbr.ind lr, $3  }
0x3a: {  	_ = 	snop  }
0x3b: {  	_ = 	snop  }
0x3c: {  	p2 =	seq.s32 s10, $0x1;
	s10 =	sld [smem:$0x3FB8]  }
0x3d: {  	_ =	shalt  }
0x3e: {  	_ =	shalt  }
0x3f: {  	_ =	shalt  }
0x40: {  	_ =	shalt  }
0x41: {  	_ =	shalt  }
0x42: {  	_ =	shalt  }
0x43: {  	_ =	shalt  }
0x44: {  	_ =	shalt  }
0x45: {  	_ =	shalt  }
0x46: {  	_ =	shalt  }
0x47: {  	_ =	shalt  }
0x48: {  	_ =	shalt  }
0x49: {  	_ =	shalt  }
0x4a: {  	_ =	shalt  }
0x4b: {  	_ =	shalt  }
0x4c: {  	_ =	shalt  }
0x4d: {  	_ =	shalt  }
0x4e: {  	_ =	shalt  }
0x4f: {  	_ =	shalt  }
0x50: {  	_ =	shalt  }
0x51: {  	_ =	shalt  }
0x52: {  	_ =	shalt  }
0x53: {  	_ =	shalt  }
0x54: {  	_ =	shalt  }
0x55: {  	_ =	shalt  }
0x56: {  	_ =	shalt  }
0x57: {  	_ =	shalt  }
0x58: {  	_ =	shalt  }
0x59: {  	_ =	shalt  }
0x5a: {  	_ =	shalt  }
0x5b: {  	_ =	shalt  }
0x5c: {  	_ =	shalt  }
0x5d: {  	_ =	shalt  }
0x5e: {  	_ =	shalt  }
0x5f: {  	_ =	shalt  }
0x60: {  	_ =	shalt  }
0x61: {  	_ =	shalt  }
0x62: {  	_ =	shalt  }
0x63: {  	_ =	shalt  }
0x64: {  	_ =	shalt  }
0x65: {  	_ =	shalt  }
0x66: {  	_ =	shalt  }
0x67: {  	_ =	shalt  }
0x68: {  	_ =	shalt  }
0x69: {  	_ =	shalt  }
0x6a: {  	_ =	shalt  }
0x6b: {  	_ =	shalt  }
0x6c: {  	_ =	shalt  }
0x6d: {  	_ =	shalt  }
0x6e: {  	_ =	shalt  }
0x6f: {  	_ =	shalt  }
0x70: {  	_ =	shalt  }
0x71: {  	_ =	shalt  }
0x72: {  	_ =	shalt  }
0x73: {  	_ =	shalt  }
0x74: {  	_ =	shalt  }
0x75: {  	_ =	shalt  }
0x76: {  	_ =	shalt  }
0x77: {  	_ =	shalt  }
0x78: {  	_ =	shalt  }
0x79: {  	_ =	shalt  }
0x7a: {  	_ =	shalt  }
0x7b: {  	_ =	shalt  }
0x7c: {  	_ =	shalt  }
0x7d: {  	_ =	shalt  }
0x7e: {  	_ =	shalt  }
0x7f: {  	_ =	shalt  }
0x80: {  	_ =	shalt  }
0x81: {  	_ =	shalt  }
0x82: {  	_ =	shalt  }
0x83: {  	_ =	shalt  }
0x84: {  	_ =	shalt  }
0x85: {  	_ =	shalt  }
0x86: {  	_ =	shalt  }
0x87: {  	_ =	shalt  }
.Lfunc_end0:
.L_simem_size_0:
called_computation_lowered:
.L_overlay_start_0:
0x88: {  	s2 =	sld [smem:$0x3FD9]  }
0x89: {  	s3 =	sld [smem:$0x3FFE];
	_ =	sdelay $0x1  }
0x8a: {  	s1 =	srdreg.scid  }
0x8b: {  	s0 =	sand.u32 $0x1, s1  }
0x8c: {  	s14 =	sshll.u32 s0, $0xA;
	s2 =	sadd.s32 s3, s2  }
0x8d: {  	s2 =	sadd.s32 s2, s14  }
0x8e: {  	[smem:$0x3FC4] =	sst s2  }
0x8f: {  	_ = 	snop  }
0x90: {  	s2 =	sld [smem:$0x3FD0];
	_ =	sdelay $0x1  }
0x91: {  	s15 =	sld [smem:$0x3FC7]  }
0x92: {  	s5 =	simm.s32 $0xA;
	s6 =	simm.s32 $0x10;
	s4 =	sld [smem:$0x3FC6]  }
0x93: {  	[smem:s6], [sflag:s5] =	dma.local [hbm:s2], $0x1  }
0x94: {  	_ =	swait.eq [sflag:s5], $0x1  }
0x95: {  	[sflag:s5] =	ssyncset.done $0x0  }
0x96: {  	s16 =	sld [smem:$0x10];
	[sflag:s5] =	ssyncadd.s32 $0xFFFFFFFF  }
0x97: {  	s17 =	sld [smem:$0x11];
	(tm) =	ssettm $0x1  }
0x98: {  	s18 =	sld [smem:$0x3FFB];
	_ =	sdelay $0x3  }
0x99: {  	_ =	strace s18  }
0x9a: {  	s6 =	sld [smem:$0x3FFC];
	_ =	sdelay $0x3  }
0x9b: {  	_ =	strace s6  }
0x9c: {  	s6 =	sld [smem:$0x3FFD];
	_ =	sdelay $0x3  }
0x9d: {  	_ =	strace s6  }
0x9e: {  	_ =	strace $0x8FFFFFFF  }
0x9f: {  	s19 =	sld [smem:$0x3FDB];
	_ =	sdelay $0x1  }
0xa0: {  	s7 =	simm.s32 $_scs_section_size  }
0xa1: {  	s8 =	simm.s32 $_size__tile_overlayer_lowered;
	s9 =	simm.s32 $_tile_overlayer_lowered  }
0xa2: {  	s22 =	simm.s32 $0x1BFF;
	s21 =	sshll.u32 s9, $0x1;
	s6 =	sadd.s32 s7, s19  }
0xa3: {  	s10 =	simm.s32 $0x0;
	s20 =	sshll.u32 s8, $0x1;
	s8 =	sadd.s32 s21, s6  }
0xa4: {  	[timem:s10], [sflag:s22] =	dma.local [hbm:s8], s20  }
0xa5: {  	_ =	swait.ge [sflag:s22], s20  }
0xa6: {  	s7 =	ssub.s32 $0x0, s20;
	[sflag:s22] =	ssyncset.done $0x0  }
0xa7: {  	[sflag:s22] =	ssyncadd.s32 s7;
	_ =	sdelay $0x1  }
0xa8: {  	s23 =	simm.s32 $0x1B8B  }
0xa9: {  	_ =	swait.ge [sflag:s23], $0x1  }
0xaa: {  	[sflag:s23] =	ssyncset.done $0x0  }
0xab: {  	s25 =	simm.s32 $0x1B8E;
	s24 =	sld [smem:$0x3FFE];
	[sflag:s23] =	ssyncadd.s32 $0xFFFFFFFF  }
0xac: {  	s26 =	simm.s32 $execute0_lowered;
	[smem:$0x3FD2] =	sst s25  }
0xad: {  	s8 =	sshll.u32 s26, $0x1;
	_ =	strace $0x80000046;
	[dreg:$0x1] =	wrdreg $0xFFFFFFFF  }
0xae: {  	s28 =	simm.s32 $_size_execute0_lowered;
	s6 =	sadd.s32 s6, s8;
	[dreg:$0x0] =	wrdreg $0x0  }
0xaf: {  	s8 =	sshll.u32 s28, $0x1;
	[dreg:$0x2] =	wrdreg s6  }
0xb0: {  	[dreg:$0x3] =	wrdreg s8  }
0xb1: {  	[dreg:$0x4] =	wrdreg $0xC0  }
0xb2: {  	_ =	task [dreg:s10], $0x5FFFF  }
0xb3: {  	[dreg:$0x1] =	wrdreg $0xFFFFFFFF  }
0xb4: {  	[dreg:$0x0] =	wrdreg $0x60  }
0xb5: {  	[dreg:$0x2] =	wrdreg s17  }
0xb6: {  	[dreg:$0x3] =	wrdreg s15  }
0xb7: {  	[dreg:$0x4] =	wrdreg s4  }
0xb8: {  	[dreg:$0x5] =	wrdreg s24  }
0xb9: {  	[dreg:$0x6] =	wrdreg s16  }
0xba: {  	[dreg:$0x7] =	wrdreg $0x146400  }
0xbb: {  	[dreg:$0x8] =	wrdreg $0x9  }
0xbc: {  	_ =	task.clear_ibuf [dreg:s10], $0x9FFFF;
	_ =	strace $0x90000046  }
0xbd: {  	s29 =	simm.s32 $0x9;
	_ =	strace $0x80000048  }
0xbe: {  	_ =	swait.ge [sflag:s29], $0x1  }
0xbf: {  	[sflag:s29] =	ssyncadd.s32 $0xFFFFFFFF  }
0xc0: {  	_ =	strace $0x90000048  }
0xc1: {  	_ =	sfence  }
0xc2: {  	s30 =	sld [smem:$0x0];
	_ =	sdelay $0x2  }
0xc3: {  	s31 =	sshll.u32 s1, $0xD;
	s1 =	sshrl.u32 s1, $0x2  }
0xc4: {  	s3 =	sand.u32 $0x4000, s31;
	s1 =	sadd.s32 s1, s30  }
0xc5: {  	s0 =	sor.u32 s3, s0;
	s1 =	sshll.u32 s1, $0x11  }
0xc6: {  	s0 =	sor.u32 s1, s0  }
0xc7: {  	s0 =	sadd.s32 $0x8F2B, s0  }
0xc8: {  	[sflag:s0] =	ssyncadd.remote.s32 $0x1  }
0xc9: {  	_ =	sfence.sel $0xFFFF  }
0xca: {  	[dreg:$0x0] =	wrdreg $0xFFFFFFFF;
	(pc) =	sbr.abs _section_cstart, $3  }
0xcb: {  	[dreg:$0x1] =	wrdreg $0xFFFFFFFF  }
0xcc: {  	_ =	task.clear_ibuf [dreg:s10], $0x2FFFF;
	_ =	strace $0x9FFFFFFF  }
0xcd: {  	(tm) =	ssettm $0x7FFFFFFF  }
tec
execute0_lowered:
.L_overlay_start_1:
0x0: {  	(tag) =	ssettag $0x1  }
0x1: {  	s0 =	rddreg [dreg:$0x0]  }
0x2: {  	s1 =	rddreg [dreg:$0x1]  }
0x3: {  	s3 =	rddreg [dreg:$0x2]  }
0x4: {  	s4 =	rddreg [dreg:$0x3];
	s2 =	simm.s32 $0x0;
	s15 =	stileid.u32  }
0x5: {  	s5 =	srdreg.scid;
	s30 =	simm.s32 $0xC800;
	s16 =	smul.u32 $0x9E00, s15  }
0x6: {  	s29 =	simm.s32 $0xF000;
	s28 =	simm.s32 $0x1;
	s10 =	smul.u32 $0x278, s15  }
0x7: {  	[smem:$0x7FF] =	sst s2;
	s5 =	sand.u32 $0x1, s5;
	s11 =	smul.u32 $0x9C4, s15  }
0x8: {  	s6 =	sadd.s32 $0x8B200, s4;
	s22 =	smul.u32 $0x5000, s15;
	s7 =	ssub.s32 $0x2, s5  }
0x9: {  	s8 =	sadd.s32 $0x9EE00, s4;
	s26 =	smul.u32 $0x9E000, s5;
	s9 =	sshrl.u32 s7, $0x1  }
0xa: {  	s17 =	sadd.s32 $0x2800, s16;
	s18 =	sadd.s32 $0x5000, s16;
	s19 =	sadd.s32 $0x7800, s16  }
0xb: {  	s12 =	sshrl.u32 s16, $0x3;
	s25 =	sshrl.u32 s22, $0x3;
	s9 =	ssub.s32 s7, s9  }
0xc: {  	s7 =	sadd.s32 s1, s11;
	s14 =	sadd.s32 s6, s12;
	s20 =	sshrl.u32 s17, $0x3  }
0xd: {  	s21 =	sshrl.u32 s18, $0x3;
	s13 =	sshrl.u32 s19, $0x3;
	s12 =	sadd.s32 $0x2800, s22  }
0xe: {  	[dreg:$0xb] =	wrdreg s14;
	s1 =	sadd.s32 s6, s20;
	s23 =	sadd.s32 s6, s21  }
0xf: {  	s24 =	sadd.s32 s6, s13;
	s14 =	sadd.s32 s3, s11;
	[dreg:$0xd] =	wrdreg s1  }
0x10: {  	s11 =	sshrl.u32 s12, $0x3;
	s13 =	sadd.s32 s16, s26;
	[dreg:$0xe] =	wrdreg s23  }
0x11: {  	s20 =	sadd.s32 s26, s17;
	s21 =	sadd.s32 s26, s18;
	[dreg:$0xf] =	wrdreg s24  }
0x12: {  	s1 =	sadd.s32 s8, s25;
	s24 =	sshrl.u32 s21, $0x3;
	s21 =	rddreg [dreg:$0x5]  }
0x13: {  	s3 =	sshrl.u32 s20, $0x3;
	[dreg:$0x11] =	wrdreg s1;
	s1 =	sadd.s32 s8, s11  }
0x14: {  	s23 =	sadd.s32 s0, s3;
	[dreg:$0x12] =	wrdreg s1;
	s1 =	sshrl.u32 s13, $0x3  }
0x15: {  	s25 =	sadd.s32 s26, s19;
	[dreg:$0x14] =	wrdreg s23;
	s1 =	sadd.s32 s0, s1  }
0x16: {  	s8 =	smul.u32 $0x2780, s5;
	[dreg:$0x13] =	wrdreg s1;
	s1 =	sadd.s32 s0, s24  }
0x17: {  	s26 =	smul.u32 $0x140, s15;
	[dreg:$0x15] =	wrdreg s1;
	s1 =	sshrl.u32 s25, $0x3  }
0x18: {  	s6 =	sadd.s32 s10, s8;
	s10 =	smul.u32 $0x500000, s5;
	s0 =	sadd.s32 s0, s1  }
0x19: {  	s31 =	simm.s32 $0x2;
	s13 =	smul.u32 $0x9E0000, s5;
	[dreg:$0x16] =	wrdreg s0  }
0x1a: {  	s15 =	smax.u32 s9, $0x1;
	_ =	strace $0x80000047;
	[dreg:$0x17] =	wrdreg s10  }
0x1b: {  	s9 =	simm.s32 $0x14000;
	s20 =	sadd.s32 s16, s21;
	[dreg:$0x1a] =	wrdreg s13  }
0x1c: {  	s23 =	sadd.s32 $0xA8E00, s4;
	s24 =	sadd.s32 $0x4FA00, s4;
	[dreg:$0x1b] =	wrdreg s15  }
0x1d: {  	s25 =	sadd.s32 $0x77200, s4;
	s1 =	smul.u32 $0x1400, s5;
	[dreg:$0x7] =	wrdreg s16  }
0x1e: {  	s5 =	simm.s32 $0x11800;
	s0 =	sshll.u32 s6, $0x3;
	[dreg:$0x8] =	wrdreg s17  }
0x1f: {  	s6 =	simm.s32 $0x3;
	s3 =	sadd.s32 s26, s1;
	[dreg:$0x9] =	wrdreg s18  }
0x20: {  	s11 =	sadd.s32 s24, s0;
	s0 =	sadd.s32 s17, s21;
	[dreg:$0xa] =	wrdreg s19  }
0x21: {  	s17 =	sadd.s32 s18, s21;
	s18 =	sadd.s32 s19, s21;
	[dreg:$0xc] =	wrdreg s22  }
0x22: {  	s19 =	sadd.s32 s22, s21;
	[dreg:$0x10] =	wrdreg s12;
	s22 =	sadd.s32 s12, s21  }
0x23: {  	s13 =	simm.s32 $0x14190;
	s16 =	sadd.s32 $0x500, s11;
	[dreg:$0x18] =	wrdreg s11  }
0x24: {  	s15 =	simm.s32 $0x144B0;
	s26 =	sadd.s32 $0xA00, s11;
	[dreg:$0x1c] =	wrdreg s16  }
0x25: {  	s3 =	sshll.u32 s3, $0x3;
	s4 =	sadd.s32 $0xF00, s11;
	[dreg:$0x1d] =	wrdreg s26  }
0x26: {  	s3 =	sadd.s32 s25, s3;
	[dreg:$0x1e] =	wrdreg s4;
	s26 =	simm.s32 $0x190  }
0x27: {  	v2 =	vimm.f32 $0.0e+00;
	s16 =	simm.s32 $0x6400;
	[dreg:$0x19] =	wrdreg s3;
	s3 =	sadd.s32 $0x500, s3  }
0x28: {  	v3 =	vimm.f32 $1.000000000e+00;
	v0 =	vmov s8;
	v1 =	vmov s1;
	s4 =	simm.s32 $0x0;
	[dreg:$0x1f] =	wrdreg s3;
	s3 =	simm.s32 $0x14320  }
.LBB2_1:
0x29: {  	[smem:$0x7FD] =	sst s4;
	s4 =	simm.s32 $0x100;
	s1 =	simm.s32 $0x0  }
.LBB2_2:
0x2a: {  	p0 =	sne.s32 s4, $0x9F00;
	[tilespmem:s1+$0x11830] =	vst v2;
	s8 =	smov.u32 s4;
	s4 =	sadd.s32 $0x100, s4  }
.Ltmp0:
0x2b: {  	[tilespmem:s1+$0x11820] =	vst v2;
	(pc) =	sbr.rel @p0 .LBB2_2-.Ltmp0, $3  }
0x2c: {  	[tilespmem:s1+$0x11800] =	vst v2  }
0x2d: {  	[tilespmem:s1+$0x11810] =	vst v2;
	_ =	sdelay $0x1  }
0x2e: {  	s1 =	sshra.s32 s8, $0x2  }
0x2f: {  	[tilespmem:s1+$0x11830] =	vst v2  }
0x30: {  	[tilespmem:s1+$0x11820] =	vst v2  }
0x31: {  	[tilespmem:s1+$0x11800] =	vst v2  }
0x32: {  	[tilespmem:s1+$0x11810] =	vst v2  }
0x33: {  	[spmem:s20] =	stream.linear.scatter [tilespmem:s5], [sflag:$0x3], $0x2800, $0x38;
	[tilespmem:$0x1E440] =	vst v63  }
0x34: {  	_ =	swait.ge [sflag:s6], $0x2800  }
0x35: {  	[sflag:s6] =	ssyncset.done $0x0  }
0x36: {  	[sflag:s6] =	ssyncadd.s32 $0xFFFFD800  }
0x37: {  	[spmem:s0] =	stream.linear.scatter [tilespmem:s5], [sflag:$0x3], $0x2800, $0x38;
	[tilespmem:$0x1E440] =	vst v63  }
0x38: {  	_ =	swait.ge [sflag:s6], $0x2800  }
0x39: {  	[sflag:s6] =	ssyncset.done $0x0  }
0x3a: {  	[sflag:s6] =	ssyncadd.s32 $0xFFFFD800  }
0x3b: {  	[spmem:s17] =	stream.linear.scatter [tilespmem:s5], [sflag:$0x3], $0x2800, $0x38;
	[tilespmem:$0x1E440] =	vst v63  }
0x3c: {  	_ =	swait.ge [sflag:s6], $0x2800  }
0x3d: {  	[sflag:s6] =	ssyncset.done $0x0  }
0x3e: {  	[sflag:s6] =	ssyncadd.s32 $0xFFFFD800  }
0x3f: {  	[spmem:s18] =	stream.linear.scatter [tilespmem:s5], [sflag:$0x3], $0x2600, $0x38;
	[tilespmem:$0x1E440] =	vst v63  }
0x40: {  	_ =	swait.ge [sflag:s6], $0x2600  }
0x41: {  	[sflag:s6] =	ssyncset.done $0x0  }
0x42: {  	[sflag:s6] =	ssyncadd.s32 $0xFFFFDA00  }
0x43: {  	s4 =	simm.s32 $0x100;
	s1 =	simm.s32 $0x0;
	[bflag:$0x0] =	sbarrier.arrive $0xFFFF  }
.LBB2_4:
0x44: {  	p0 =	seq.s32 s4, $0x18F00;
	[tilespmem:s1+$0x30] =	vst v3;
	s8 =	smov.u32 s4;
	s4 =	sadd.s32 $0x100, s4  }
.Ltmp1:
0x45: {  	[tilespmem:s1+$0x20] =	vst v3;
	(pc) =	sbr.rel @!p0 .LBB2_4-.Ltmp1, $3  }
0x46: {  	[tilespmem:s1+$0x0] =	vst v3  }
0x47: {  	[tilespmem:s1+$0x10] =	vst v3;
	_ =	sdelay $0x1  }
0x48: {  	s1 =	sshra.s32 s8, $0x2  }
0x49: {  	[tilespmem:s1+$0x30] =	vst v3  }
0x4a: {  	[tilespmem:s1+$0x20] =	vst v3  }
0x4b: {  	[tilespmem:s1+$0x0] =	vst v3  }
0x4c: {  	[tilespmem:s1+$0x10] =	vst v3;
	s12 =	sadd.s32 $0x0, s7  }
0x4d: {  	[tilespmem:s9], [sflag:$0x3] =	stream.linear.gather [hbm4b:s12+s2], $0x190, $0x38;
	[tilespmem:$0x1E440] =	vst v63  }
0x4e: {  	_ =	swait.ge [sflag:s6], $0x190  }
0x4f: {  	[sflag:s6] =	ssyncset.done $0x0  }
0x50: {  	s1 =	sadd.s32 $0x32, s12;
	[sflag:s6] =	ssyncadd.s32 $0xFFFFFE70  }
0x51: {  	[tilespmem:s13], [sflag:$0x3] =	stream.linear.gather [hbm4b:s1+s2], $0x190, $0x38;
	[tilespmem:$0x1E440] =	vst v63  }
0x52: {  	_ =	swait.ge [sflag:s6], $0x190  }
0x53: {  	[sflag:s6] =	ssyncset.done $0x0  }
0x54: {  	[sflag:s6] =	ssyncadd.s32 $0xFFFFFE70  }
0x55: {  	[spmem:s21] =	stream.indirect.scatter.add.f32 [tilespmem:s2], [sflag:$0x3], $0x40, s9, s26, $0xb8;
	[tilespmem:$0x1E440] =	vst v63  }
0x56: {  	_ =	swait.ge [sflag:s6], $0x6400  }
0x57: {  	[sflag:s6] =	ssyncset.done $0x0  }
0x58: {  	[sflag:s6] =	ssyncadd.s32 $0xFFFF9C00  }
0x59: {  	[spmem:s21] =	stream.indirect.scatter.add.f32 [tilespmem:s2], [sflag:$0x3], $0x40, s13, s26, $0xb8;
	[tilespmem:$0x1E440] =	vst v63  }
0x5a: {  	_ =	swait.ge [sflag:s6], $0x6400  }
0x5b: {  	s4 =	simm.s32 $0xC8;
	s1 =	simm.s32 $0x64;
	[sflag:s6] =	ssyncset.done $0x0  }
.LBB2_6:
0x5c: {  	s8 =	sadd.s32 s1, s7  }
0x5d: {  	[sflag:s6] =	ssyncadd.s32 $0xFFFF9C00;
	s1 =	smov.u32 s4;
	s10 =	sadd.s32 $0x64, s4  }
0x5e: {  	[tilespmem:s9], [sflag:$0x3] =	stream.linear.gather [hbm4b:s8+s2], $0x190, $0x38;
	[tilespmem:$0x1E440] =	vst v63  }
0x5f: {  	p0 =	sne.s32 s4, $0x960;
	_ =	swait.ge [sflag:s6], $0x190  }
0x60: {  	[sflag:s6] =	ssyncset.done $0x0  }
0x61: {  	s4 =	sadd.s32 $0x32, s8;
	[sflag:s6] =	ssyncadd.s32 $0xFFFFFE70  }
0x62: {  	[tilespmem:s13], [sflag:$0x3] =	stream.linear.gather [hbm4b:s4+s2], $0x190, $0x38;
	[tilespmem:$0x1E440] =	vst v63  }
0x63: {  	_ =	swait.ge [sflag:s6], $0x190  }
0x64: {  	[sflag:s6] =	ssyncset.done $0x0  }
0x65: {  	[sflag:s6] =	ssyncadd.s32 $0xFFFFFE70  }
0x66: {  	[spmem:s21] =	stream.indirect.scatter.add.f32 [tilespmem:s2], [sflag:$0x3], $0x40, s9, s26, $0xb8;
	[tilespmem:$0x1E440] =	vst v63  }
0x67: {  	_ =	swait.ge [sflag:s6], $0x6400  }
.Ltmp2:
0x68: {  	[sflag:s6] =	ssyncset.done $0x0;
	(pc) =	sbr.rel @p0 .LBB2_6-.Ltmp2, $4  }
0x69: {  	[sflag:s6] =	ssyncadd.s32 $0xFFFF9C00  }
0x6a: {  	[spmem:s21] =	stream.indirect.scatter.add.f32 [tilespmem:s2], [sflag:$0x3], $0x40, s13, s26, $0xb8;
	[tilespmem:$0x1E440] =	vst v63  }
0x6b: {  	_ =	swait.ge [sflag:s6], $0x6400  }
0x6c: {  	s4 =	smov.u32 s10;
	[sflag:s6] =	ssyncset.done $0x0  }
0x6d: {  	s1 =	sadd.s32 s1, s7;
	[sflag:s6] =	ssyncadd.s32 $0xFFFF9C00  }
0x6e: {  	[tilespmem:s9], [sflag:$0x3] =	stream.linear.gather [hbm4b:s1+s2], $0x190, $0x38;
	[tilespmem:$0x1E440] =	vst v63  }
0x6f: {  	_ =	swait.ge [sflag:s6], $0x190  }
0x70: {  	[sflag:s6] =	ssyncset.done $0x0  }
0x71: {  	s1 =	sadd.s32 $0x32, s1;
	[sflag:s6] =	ssyncadd.s32 $0xFFFFFE70  }
0x72: {  	[tilespmem:s13], [sflag:$0x3] =	stream.linear.gather [hbm4b:s1+s2], $0x190, $0x38;
	[tilespmem:$0x1E440] =	vst v63  }
0x73: {  	_ =	swait.ge [sflag:s6], $0x190  }
0x74: {  	[sflag:s6] =	ssyncset.done $0x0  }
0x75: {  	[sflag:s6] =	ssyncadd.s32 $0xFFFFFE70  }
0x76: {  	[spmem:s21] =	stream.indirect.scatter.add.f32 [tilespmem:s2], [sflag:$0x3], $0x40, s9, s26, $0xb8;
	[tilespmem:$0x1E440] =	vst v63  }
0x77: {  	_ =	swait.ge [sflag:s6], $0x6400  }
0x78: {  	[sflag:s6] =	ssyncset.done $0x0  }
0x79: {  	[sflag:s6] =	ssyncadd.s32 $0xFFFF9C00  }
0x7a: {  	[spmem:s21] =	stream.indirect.scatter.add.f32 [tilespmem:s2], [sflag:$0x3], $0x40, s13, s26, $0xb8;
	[tilespmem:$0x1E440] =	vst v63  }
0x7b: {  	_ =	swait.ge [sflag:s6], $0x6400  }
0x7c: {  	[sflag:s6] =	ssyncset.done $0x0  }
0x7d: {  	[sflag:s6] =	ssyncadd.s32 $0xFFFF9C00  }
0x7e: {  	[bflag:$0x0] =	sbarrier.arrive $0xFFFF  }
0x7f: {  	[tilespmem:s30], [sflag:$0x3] =	stream.linear.gather [spmem:s20], $0x2800, $0x38;
	[tilespmem:$0x1E440] =	vst v63  }
0x80: {  	_ =	swait.ge [sflag:s6], $0x2800  }
0x81: {  	[sflag:s6] =	ssyncset.done $0x0  }
0x82: {  	s1 =	simm.s32 $0x0;
	[sflag:s6] =	ssyncadd.s32 $0xFFFFD800  }
0x83: {  	v5 =	vld [tilespmem:s1+$0xC800]  }
0x84: {  	v6 =	vld [tilespmem:s1+$0xC810]  }
0x85: {  	s4 =	simm.s32 $0x100;
	v4 =	vld [tilespmem:s1+$0xC820]  }
.LBB2_8:
0x86: {  	p0 =	sne.s32 s4, $0x9F00;
	v7 =	vld [tilespmem:s1+$0xC830];
	_ =	sdelay $0x1  }
0x87: {  	(erf) = vrcp.f32 v5  }
0x88: {  	(erf) = vrcp.f32 v6  }
0x89: {  	(erf) = vrcp.f32 v4  }
0x8a: {  	(erf) = vrcp.f32 v7;
	_ =	sdelay $0x5  }
0x8b: {  	vm0 =	vgt.f32 v5, $0.0e+00;
	v5 =	vpop (erf)  }
.Ltmp3:
0x8c: {  	v5 =	vnsel vm0, $0x0, v5;
	vm0 =	vgt.f32 v6, $0.0e+00;
	v6 =	vpop (erf);
	(pc) =	sbr.rel @p0 .LBB2_8-.Ltmp3, $4  }
0x8d: {  	s8 =	sshra.s32 s4, $0x2;
	[tilespmem:s1+$0xC800] =	vst v5;
	v6 =	vnsel vm0, $0x0, v6;
	vm0 =	vgt.f32 v4, $0.0e+00;
	v4 =	vpop (erf)  }
0x8e: {  	v5 =	vld [tilespmem:s8+$0xC800];
	[tilespmem:s1+$0xC810] =	vst v6;
	v4 =	vnsel vm0, $0x0, v4;
	vm0 =	vgt.f32 v7, $0.0e+00;
	v7 =	vpop (erf)  }
0x8f: {  	v6 =	vld [tilespmem:s8+$0xC810];
	[tilespmem:s1+$0xC820] =	vst v4;
	v7 =	vnsel vm0, $0x0, v7  }
0x90: {  	s4 =	sadd.s32 $0x100, s4;
	v4 =	vld [tilespmem:s8+$0xC820];
	[tilespmem:s1+$0xC830] =	vst v7;
	s1 =	smov.u32 s8  }
0x91: {  	_ =	sdelay $0x1  }
0x92: {  	v7 =	vld [tilespmem:s1+$0xC830];
	(erf) = vrcp.f32 v5  }
0x93: {  	(erf) = vrcp.f32 v6;
	_ =	sdelay $0x2  }
0x94: {  	(erf) = vrcp.f32 v4  }
0x95: {  	(erf) = vrcp.f32 v7;
	_ =	sdelay $0x3  }
0x96: {  	vm0 =	vgt.f32 v5, $0.0e+00;
	v5 =	vpop (erf)  }
0x97: {  	vm13 =	vgt.f32 v6, $0.0e+00;
	v5 =	vnsel vm0, $0x0, v5;
	v6 =	vpop (erf)  }
0x98: {  	[tilespmem:s1+$0xC800] =	vst v5;
	v5 =	vnsel vm13, $0x0, v6;
	_ =	sdelay $0x1  }
0x99: {  	vm14 =	vgt.f32 v4, $0.0e+00;
	v4 =	vpop (erf)  }
0x9a: {  	vm15 =	vgt.f32 v7, $0.0e+00;
	[tilespmem:s1+$0xC810] =	vst v5;
	v4 =	vnsel vm14, $0x0, v4;
	v5 =	vpop (erf)  }
0x9b: {  	[tilespmem:s1+$0xC820] =	vst v4;
	v4 =	vnsel vm15, $0x0, v5  }
0x9c: {  	s12 =	simm.s32 $0x0;
	s4 =	rddreg [dreg:$0xb];
	[tilespmem:s1+$0xC830] =	vst v4  }
0x9d: {  	[hbm4b:s4+s12] =	stream.linear.scatter [tilespmem:s30], [sflag:$0x3], $0x2800, $0x38;
	[tilespmem:$0x1E440] =	vst v63  }
0x9e: {  	_ =	swait.ge [sflag:s6], $0x2800  }
0x9f: {  	[sflag:s6] =	ssyncset.done $0x0  }
0xa0: {  	[sflag:s6] =	ssyncadd.s32 $0xFFFFD800  }
0xa1: {  	[spmem:s20] =	stream.linear.scatter [tilespmem:s5], [sflag:$0x3], $0x2800, $0x38;
	[tilespmem:$0x1E440] =	vst v63  }
0xa2: {  	_ =	swait.ge [sflag:s6], $0x2800  }
0xa3: {  	[sflag:s6] =	ssyncset.done $0x0  }
0xa4: {  	[sflag:s6] =	ssyncadd.s32 $0xFFFFD800  }
0xa5: {  	[tilespmem:s30], [sflag:$0x3] =	stream.linear.gather [spmem:s0], $0x2800, $0x38;
	[tilespmem:$0x1E440] =	vst v63  }
0xa6: {  	_ =	swait.ge [sflag:s6], $0x2800  }
0xa7: {  	[sflag:s6] =	ssyncset.done $0x0  }
0xa8: {  	s1 =	simm.s32 $0x0;
	[sflag:s6] =	ssyncadd.s32 $0xFFFFD800  }
0xa9: {  	v5 =	vld [tilespmem:s1+$0xC800]  }
0xaa: {  	v6 =	vld [tilespmem:s1+$0xC810]  }
0xab: {  	s4 =	simm.s32 $0x100;
	v4 =	vld [tilespmem:s1+$0xC820]  }
.LBB2_10:
0xac: {  	p0 =	sne.s32 s4, $0x9F00;
	v7 =	vld [tilespmem:s1+$0xC830];
	_ =	sdelay $0x1  }
0xad: {  	(erf) = vrcp.f32 v5  }
0xae: {  	(erf) = vrcp.f32 v6  }
0xaf: {  	(erf) = vrcp.f32 v4  }
0xb0: {  	(erf) = vrcp.f32 v7;
	_ =	sdelay $0x5  }
0xb1: {  	vm0 =	vgt.f32 v5, $0.0e+00;
	v5 =	vpop (erf)  }
.Ltmp4:
0xb2: {  	v5 =	vnsel vm0, $0x0, v5;
	vm0 =	vgt.f32 v6, $0.0e+00;
	v6 =	vpop (erf);
	(pc) =	sbr.rel @p0 .LBB2_10-.Ltmp4, $4  }
0xb3: {  	s8 =	sshra.s32 s4, $0x2;
	[tilespmem:s1+$0xC800] =	vst v5;
	v6 =	vnsel vm0, $0x0, v6;
	vm0 =	vgt.f32 v4, $0.0e+00;
	v4 =	vpop (erf)  }
0xb4: {  	v5 =	vld [tilespmem:s8+$0xC800];
	[tilespmem:s1+$0xC810] =	vst v6;
	v4 =	vnsel vm0, $0x0, v4;
	vm0 =	vgt.f32 v7, $0.0e+00;
	v7 =	vpop (erf)  }
0xb5: {  	v6 =	vld [tilespmem:s8+$0xC810];
	[tilespmem:s1+$0xC820] =	vst v4;
	v7 =	vnsel vm0, $0x0, v7  }
0xb6: {  	s4 =	sadd.s32 $0x100, s4;
	v4 =	vld [tilespmem:s8+$0xC820];
	[tilespmem:s1+$0xC830] =	vst v7;
	s1 =	smov.u32 s8  }
0xb7: {  	_ =	sdelay $0x1  }
0xb8: {  	v7 =	vld [tilespmem:s1+$0xC830];
	(erf) = vrcp.f32 v5  }
0xb9: {  	(erf) = vrcp.f32 v6;
	_ =	sdelay $0x2  }
0xba: {  	(erf) = vrcp.f32 v4  }
0xbb: {  	(erf) = vrcp.f32 v7;
	_ =	sdelay $0x3  }
0xbc: {  	vm0 =	vgt.f32 v5, $0.0e+00;
	v5 =	vpop (erf)  }
0xbd: {  	vm13 =	vgt.f32 v6, $0.0e+00;
	v5 =	vnsel vm0, $0x0, v5;
	v6 =	vpop (erf)  }
0xbe: {  	[tilespmem:s1+$0xC800] =	vst v5;
	v5 =	vnsel vm13, $0x0, v6;
	_ =	sdelay $0x1  }
0xbf: {  	vm14 =	vgt.f32 v4, $0.0e+00;
	v4 =	vpop (erf)  }
0xc0: {  	vm15 =	vgt.f32 v7, $0.0e+00;
	[tilespmem:s1+$0xC810] =	vst v5;
	v4 =	vnsel vm14, $0x0, v4;
	v5 =	vpop (erf)  }
0xc1: {  	[tilespmem:s1+$0xC820] =	vst v4;
	v4 =	vnsel vm15, $0x0, v5  }
0xc2: {  	s12 =	simm.s32 $0x0;
	s4 =	rddreg [dreg:$0xd];
	[tilespmem:s1+$0xC830] =	vst v4  }
0xc3: {  	[hbm4b:s4+s12] =	stream.linear.scatter [tilespmem:s30], [sflag:$0x3], $0x2800, $0x38;
	[tilespmem:$0x1E440] =	vst v63  }
0xc4: {  	_ =	swait.ge [sflag:s6], $0x2800  }
0xc5: {  	[sflag:s6] =	ssyncset.done $0x0  }
0xc6: {  	[sflag:s6] =	ssyncadd.s32 $0xFFFFD800  }
0xc7: {  	[spmem:s0] =	stream.linear.scatter [tilespmem:s5], [sflag:$0x3], $0x2800, $0x38;
	[tilespmem:$0x1E440] =	vst v63  }
0xc8: {  	_ =	swait.ge [sflag:s6], $0x2800  }
0xc9: {  	[sflag:s6] =	ssyncset.done $0x0  }
0xca: {  	[sflag:s6] =	ssyncadd.s32 $0xFFFFD800  }
0xcb: {  	[tilespmem:s30], [sflag:$0x3] =	stream.linear.gather [spmem:s17], $0x2800, $0x38;
	[tilespmem:$0x1E440] =	vst v63  }
0xcc: {  	_ =	swait.ge [sflag:s6], $0x2800  }
0xcd: {  	[sflag:s6] =	ssyncset.done $0x0  }
0xce: {  	s1 =	simm.s32 $0x0;
	[sflag:s6] =	ssyncadd.s32 $0xFFFFD800  }
0xcf: {  	v5 =	vld [tilespmem:s1+$0xC800]  }
0xd0: {  	v6 =	vld [tilespmem:s1+$0xC810]  }
0xd1: {  	s4 =	simm.s32 $0x100;
	v4 =	vld [tilespmem:s1+$0xC820]  }
.LBB2_12:
0xd2: {  	p0 =	sne.s32 s4, $0x9F00;
	v7 =	vld [tilespmem:s1+$0xC830];
	_ =	sdelay $0x1  }
0xd3: {  	(erf) = vrcp.f32 v5  }
0xd4: {  	(erf) = vrcp.f32 v6  }
0xd5: {  	(erf) = vrcp.f32 v4  }
0xd6: {  	(erf) = vrcp.f32 v7;
	_ =	sdelay $0x5  }
0xd7: {  	vm0 =	vgt.f32 v5, $0.0e+00;
	v5 =	vpop (erf)  }
.Ltmp5:
0xd8: {  	v5 =	vnsel vm0, $0x0, v5;
	vm0 =	vgt.f32 v6, $0.0e+00;
	v6 =	vpop (erf);
	(pc) =	sbr.rel @p0 .LBB2_12-.Ltmp5, $4  }
0xd9: {  	s8 =	sshra.s32 s4, $0x2;
	[tilespmem:s1+$0xC800] =	vst v5;
	v6 =	vnsel vm0, $0x0, v6;
	vm0 =	vgt.f32 v4, $0.0e+00;
	v4 =	vpop (erf)  }
0xda: {  	v5 =	vld [tilespmem:s8+$0xC800];
	[tilespmem:s1+$0xC810] =	vst v6;
	v4 =	vnsel vm0, $0x0, v4;
	vm0 =	vgt.f32 v7, $0.0e+00;
	v7 =	vpop (erf)  }
0xdb: {  	v6 =	vld [tilespmem:s8+$0xC810];
	[tilespmem:s1+$0xC820] =	vst v4;
	v7 =	vnsel vm0, $0x0, v7  }
0xdc: {  	s4 =	sadd.s32 $0x100, s4;
	v4 =	vld [tilespmem:s8+$0xC820];
	[tilespmem:s1+$0xC830] =	vst v7;
	s1 =	smov.u32 s8  }
0xdd: {  	_ =	sdelay $0x1  }
0xde: {  	v7 =	vld [tilespmem:s1+$0xC830];
	(erf) = vrcp.f32 v5  }
0xdf: {  	(erf) = vrcp.f32 v6;
	_ =	sdelay $0x2  }
0xe0: {  	(erf) = vrcp.f32 v4  }
0xe1: {  	(erf) = vrcp.f32 v7;
	_ =	sdelay $0x3  }
0xe2: {  	vm0 =	vgt.f32 v5, $0.0e+00;
	v5 =	vpop (erf)  }
0xe3: {  	vm13 =	vgt.f32 v6, $0.0e+00;
	v5 =	vnsel vm0, $0x0, v5;
	v6 =	vpop (erf)  }
0xe4: {  	[tilespmem:s1+$0xC800] =	vst v5;
	v5 =	vnsel vm13, $0x0, v6;
	_ =	sdelay $0x1  }
0xe5: {  	vm14 =	vgt.f32 v4, $0.0e+00;
	v4 =	vpop (erf)  }
0xe6: {  	vm15 =	vgt.f32 v7, $0.0e+00;
	[tilespmem:s1+$0xC810] =	vst v5;
	v4 =	vnsel vm14, $0x0, v4;
	v5 =	vpop (erf)  }
0xe7: {  	[tilespmem:s1+$0xC820] =	vst v4;
	v4 =	vnsel vm15, $0x0, v5  }
0xe8: {  	s12 =	simm.s32 $0x0;
	s4 =	rddreg [dreg:$0xe];
	[tilespmem:s1+$0xC830] =	vst v4  }
0xe9: {  	[hbm4b:s4+s12] =	stream.linear.scatter [tilespmem:s30], [sflag:$0x3], $0x2800, $0x38;
	[tilespmem:$0x1E440] =	vst v63  }
0xea: {  	_ =	swait.ge [sflag:s6], $0x2800  }
0xeb: {  	[sflag:s6] =	ssyncset.done $0x0  }
0xec: {  	[sflag:s6] =	ssyncadd.s32 $0xFFFFD800  }
0xed: {  	[spmem:s17] =	stream.linear.scatter [tilespmem:s5], [sflag:$0x3], $0x2800, $0x38;
	[tilespmem:$0x1E440] =	vst v63  }
0xee: {  	_ =	swait.ge [sflag:s6], $0x2800  }
0xef: {  	[sflag:s6] =	ssyncset.done $0x0  }
0xf0: {  	[sflag:s6] =	ssyncadd.s32 $0xFFFFD800  }
0xf1: {  	[tilespmem:s30], [sflag:$0x3] =	stream.linear.gather [spmem:s18], $0x2600, $0x38;
	[tilespmem:$0x1E440] =	vst v63  }
0xf2: {  	_ =	swait.ge [sflag:s6], $0x2600  }
0xf3: {  	[sflag:s6] =	ssyncset.done $0x0  }
0xf4: {  	s1 =	simm.s32 $0x0;
	[sflag:s6] =	ssyncadd.s32 $0xFFFFDA00  }
0xf5: {  	v5 =	vld [tilespmem:s1+$0xC800]  }
0xf6: {  	v6 =	vld [tilespmem:s1+$0xC810]  }
0xf7: {  	s4 =	simm.s32 $0x100;
	v4 =	vld [tilespmem:s1+$0xC820]  }
.LBB2_14:
0xf8: {  	p0 =	sne.s32 s4, $0x9700;
	v7 =	vld [tilespmem:s1+$0xC830];
	_ =	sdelay $0x1  }
0xf9: {  	(erf) = vrcp.f32 v5  }
0xfa: {  	(erf) = vrcp.f32 v6  }
0xfb: {  	(erf) = vrcp.f32 v4  }
0xfc: {  	(erf) = vrcp.f32 v7;
	_ =	sdelay $0x5  }
0xfd: {  	vm0 =	vgt.f32 v5, $0.0e+00;
	v5 =	vpop (erf)  }
.Ltmp6:
0xfe: {  	v5 =	vnsel vm0, $0x0, v5;
	vm0 =	vgt.f32 v6, $0.0e+00;
	v6 =	vpop (erf);
	(pc) =	sbr.rel @p0 .LBB2_14-.Ltmp6, $4  }
0xff: {  	s8 =	sshra.s32 s4, $0x2;
	[tilespmem:s1+$0xC800] =	vst v5;
	v6 =	vnsel vm0, $0x0, v6;
	vm0 =	vgt.f32 v4, $0.0e+00;
	v4 =	vpop (erf)  }
0x100: {  	v5 =	vld [tilespmem:s8+$0xC800];
	[tilespmem:s1+$0xC810] =	vst v6;
	v4 =	vnsel vm0, $0x0, v4;
	vm0 =	vgt.f32 v7, $0.0e+00;
	v7 =	vpop (erf)  }
0x101: {  	v6 =	vld [tilespmem:s8+$0xC810];
	[tilespmem:s1+$0xC820] =	vst v4;
	v7 =	vnsel vm0, $0x0, v7  }
0x102: {  	s4 =	sadd.s32 $0x100, s4;
	v4 =	vld [tilespmem:s8+$0xC820];
	[tilespmem:s1+$0xC830] =	vst v7;
	s1 =	smov.u32 s8  }
0x103: {  	_ =	sdelay $0x1  }
0x104: {  	v7 =	vld [tilespmem:s1+$0xC830];
	(erf) = vrcp.f32 v5  }
0x105: {  	(erf) = vrcp.f32 v6;
	_ =	sdelay $0x2  }
0x106: {  	(erf) = vrcp.f32 v4  }
0x107: {  	(erf) = vrcp.f32 v7;
	_ =	sdelay $0x3  }
0x108: {  	vm0 =	vgt.f32 v5, $0.0e+00;
	v5 =	vpop (erf)  }
0x109: {  	vm13 =	vgt.f32 v6, $0.0e+00;
	v5 =	vnsel vm0, $0x0, v5;
	v63 =	vpop (erf)  }
0x10a: {  	[tilespmem:s1+$0xC800] =	vst v5;
	v5 =	vnsel vm13, $0x0, v63;
	_ =	sdelay $0x1  }
0x10b: {  	vm14 =	vgt.f32 v4, $0.0e+00;
	v4 =	vpop (erf)  }
0x10c: {  	vm15 =	vgt.f32 v7, $0.0e+00;
	[tilespmem:s1+$0xC810] =	vst v5;
	v4 =	vnsel vm14, $0x0, v4;
	v5 =	vpop (erf)  }
0x10d: {  	[tilespmem:s1+$0xC820] =	vst v4;
	v4 =	vnsel vm15, $0x0, v5  }
0x10e: {  	s11 =	simm.s32 $0x0;
	s4 =	rddreg [dreg:$0xf];
	[tilespmem:s1+$0xC830] =	vst v4  }
0x10f: {  	[hbm4b:s4+s11] =	stream.linear.scatter [tilespmem:s30], [sflag:$0x3], $0x2600, $0x38;
	[tilespmem:$0x1E440] =	vst v63  }
0x110: {  	_ =	swait.ge [sflag:s6], $0x2600  }
0x111: {  	[sflag:s6] =	ssyncset.done $0x0  }
0x112: {  	[sflag:s6] =	ssyncadd.s32 $0xFFFFDA00  }
0x113: {  	[spmem:s18] =	stream.linear.scatter [tilespmem:s5], [sflag:$0x3], $0x2600, $0x38;
	[tilespmem:$0x1E440] =	vst v63  }
0x114: {  	_ =	swait.ge [sflag:s6], $0x2600  }
0x115: {  	[sflag:s6] =	ssyncset.done $0x0  }
0x116: {  	[sflag:s6] =	ssyncadd.s32 $0xFFFFDA00  }
0x117: {  	s12 =	sadd.s32 $0x0, s14;
	[bflag:$0x0] =	sbarrier.arrive $0xFFFF  }
0x118: {  	[tilespmem:s9], [sflag:$0x3] =	stream.linear.gather [hbm4b:s12+s2], $0x190, $0x38;
	[tilespmem:$0x1E440] =	vst v63  }
0x119: {  	_ =	swait.ge [sflag:s6], $0x190  }
0x11a: {  	[sflag:s6] =	ssyncset.done $0x0  }
0x11b: {  	s1 =	sadd.s32 $0x32, s12;
	[sflag:s6] =	ssyncadd.s32 $0xFFFFFE70  }
0x11c: {  	[tilespmem:s13], [sflag:$0x3] =	stream.linear.gather [hbm4b:s1+s2], $0x190, $0x38;
	[tilespmem:$0x1E440] =	vst v63  }
0x11d: {  	_ =	swait.ge [sflag:s6], $0x190  }
0x11e: {  	[sflag:s6] =	ssyncset.done $0x0  }
0x11f: {  	[sflag:s6] =	ssyncadd.s32 $0xFFFFFE70  }
0x120: {  	[spmem:s21] =	stream.indirect.scatter.add.f32 [tilespmem:s2], [sflag:$0x3], $0x40, s9, s26, $0xb8;
	[tilespmem:$0x1E440] =	vst v63  }
0x121: {  	_ =	swait.ge [sflag:s6], $0x6400  }
0x122: {  	[sflag:s6] =	ssyncset.done $0x0  }
0x123: {  	[sflag:s6] =	ssyncadd.s32 $0xFFFF9C00  }
0x124: {  	[spmem:s21] =	stream.indirect.scatter.add.f32 [tilespmem:s2], [sflag:$0x3], $0x40, s13, s26, $0xb8;
	[tilespmem:$0x1E440] =	vst v63  }
0x125: {  	_ =	swait.ge [sflag:s6], $0x6400  }
0x126: {  	s4 =	simm.s32 $0xC8;
	s1 =	simm.s32 $0x64;
	[sflag:s6] =	ssyncset.done $0x0  }
.LBB2_16:
0x127: {  	s8 =	sadd.s32 s1, s14  }
0x128: {  	[sflag:s6] =	ssyncadd.s32 $0xFFFF9C00;
	s1 =	smov.u32 s4;
	s10 =	sadd.s32 $0x64, s4  }
0x129: {  	[tilespmem:s9], [sflag:$0x3] =	stream.linear.gather [hbm4b:s8+s2], $0x190, $0x38;
	[tilespmem:$0x1E440] =	vst v63  }
0x12a: {  	p0 =	sne.s32 s4, $0x960;
	_ =	swait.ge [sflag:s6], $0x190  }
0x12b: {  	[sflag:s6] =	ssyncset.done $0x0  }
0x12c: {  	s4 =	sadd.s32 $0x32, s8;
	[sflag:s6] =	ssyncadd.s32 $0xFFFFFE70  }
0x12d: {  	[tilespmem:s13], [sflag:$0x3] =	stream.linear.gather [hbm4b:s4+s2], $0x190, $0x38;
	[tilespmem:$0x1E440] =	vst v63  }
0x12e: {  	_ =	swait.ge [sflag:s6], $0x190  }
0x12f: {  	[sflag:s6] =	ssyncset.done $0x0  }
0x130: {  	[sflag:s6] =	ssyncadd.s32 $0xFFFFFE70  }
0x131: {  	[spmem:s21] =	stream.indirect.scatter.add.f32 [tilespmem:s2], [sflag:$0x3], $0x40, s9, s26, $0xb8;
	[tilespmem:$0x1E440] =	vst v63  }
0x132: {  	_ =	swait.ge [sflag:s6], $0x6400  }
.Ltmp7:
0x133: {  	[sflag:s6] =	ssyncset.done $0x0;
	(pc) =	sbr.rel @p0 .LBB2_16-.Ltmp7, $4  }
0x134: {  	[sflag:s6] =	ssyncadd.s32 $0xFFFF9C00  }
0x135: {  	[spmem:s21] =	stream.indirect.scatter.add.f32 [tilespmem:s2], [sflag:$0x3], $0x40, s13, s26, $0xb8;
	[tilespmem:$0x1E440] =	vst v63  }
0x136: {  	_ =	swait.ge [sflag:s6], $0x6400  }
0x137: {  	s4 =	smov.u32 s10;
	[sflag:s6] =	ssyncset.done $0x0  }
0x138: {  	s1 =	sadd.s32 s1, s14;
	[sflag:s6] =	ssyncadd.s32 $0xFFFF9C00  }
0x139: {  	[tilespmem:s9], [sflag:$0x3] =	stream.linear.gather [hbm4b:s1+s2], $0x190, $0x38;
	[tilespmem:$0x1E440] =	vst v63  }
0x13a: {  	_ =	swait.ge [sflag:s6], $0x190  }
0x13b: {  	[sflag:s6] =	ssyncset.done $0x0  }
0x13c: {  	s1 =	sadd.s32 $0x32, s1;
	[sflag:s6] =	ssyncadd.s32 $0xFFFFFE70  }
0x13d: {  	[tilespmem:s13], [sflag:$0x3] =	stream.linear.gather [hbm4b:s1+s2], $0x190, $0x38;
	[tilespmem:$0x1E440] =	vst v63  }
0x13e: {  	_ =	swait.ge [sflag:s6], $0x190  }
0x13f: {  	[sflag:s6] =	ssyncset.done $0x0  }
0x140: {  	[sflag:s6] =	ssyncadd.s32 $0xFFFFFE70  }
0x141: {  	[spmem:s21] =	stream.indirect.scatter.add.f32 [tilespmem:s2], [sflag:$0x3], $0x40, s9, s26, $0xb8;
	[tilespmem:$0x1E440] =	vst v63  }
0x142: {  	_ =	swait.ge [sflag:s6], $0x6400  }
0x143: {  	[sflag:s6] =	ssyncset.done $0x0  }
0x144: {  	[sflag:s6] =	ssyncadd.s32 $0xFFFF9C00  }
0x145: {  	[spmem:s21] =	stream.indirect.scatter.add.f32 [tilespmem:s2], [sflag:$0x3], $0x40, s13, s26, $0xb8;
	[tilespmem:$0x1E440] =	vst v63  }
0x146: {  	_ =	swait.ge [sflag:s6], $0x6400  }
0x147: {  	[sflag:s6] =	ssyncset.done $0x0  }
0x148: {  	[sflag:s6] =	ssyncadd.s32 $0xFFFF9C00  }
0x149: {  	[bflag:$0x0] =	sbarrier.arrive $0xFFFF  }
0x14a: {  	[tilespmem:s30], [sflag:$0x3] =	stream.linear.gather [spmem:s19], $0x2800, $0x38;
	[tilespmem:$0x1E440] =	vst v63  }
0x14b: {  	_ =	swait.ge [sflag:s6], $0x2800  }
0x14c: {  	[sflag:s6] =	ssyncset.done $0x0  }
0x14d: {  	s1 =	simm.s32 $0x0;
	[sflag:s6] =	ssyncadd.s32 $0xFFFFD800  }
0x14e: {  	v5 =	vld [tilespmem:s1+$0xC800]  }
0x14f: {  	v6 =	vld [tilespmem:s1+$0xC810]  }
0x150: {  	s4 =	simm.s32 $0x100;
	v4 =	vld [tilespmem:s1+$0xC820]  }
.LBB2_18:
0x151: {  	p0 =	sne.s32 s4, $0x9F00;
	v7 =	vld [tilespmem:s1+$0xC830];
	_ =	sdelay $0x1  }
0x152: {  	(erf) = vrcp.f32 v5  }
0x153: {  	(erf) = vrcp.f32 v6  }
0x154: {  	(erf) = vrcp.f32 v4  }
0x155: {  	(erf) = vrcp.f32 v7;
	_ =	sdelay $0x5  }
0x156: {  	vm0 =	vgt.f32 v5, $0.0e+00;
	v5 =	vpop (erf)  }
.Ltmp8:
0x157: {  	v5 =	vnsel vm0, $0x0, v5;
	vm0 =	vgt.f32 v6, $0.0e+00;
	v6 =	vpop (erf);
	(pc) =	sbr.rel @p0 .LBB2_18-.Ltmp8, $4  }
0x158: {  	s8 =	sshra.s32 s4, $0x2;
	[tilespmem:s1+$0xC800] =	vst v5;
	v6 =	vnsel vm0, $0x0, v6;
	vm0 =	vgt.f32 v4, $0.0e+00;
	v4 =	vpop (erf)  }
0x159: {  	v5 =	vld [tilespmem:s8+$0xC800];
	[tilespmem:s1+$0xC810] =	vst v6;
	v4 =	vnsel vm0, $0x0, v4;
	vm0 =	vgt.f32 v7, $0.0e+00;
	v7 =	vpop (erf)  }
0x15a: {  	v6 =	vld [tilespmem:s8+$0xC810];
	[tilespmem:s1+$0xC820] =	vst v4;
	v7 =	vnsel vm0, $0x0, v7  }
0x15b: {  	s4 =	sadd.s32 $0x100, s4;
	v4 =	vld [tilespmem:s8+$0xC820];
	[tilespmem:s1+$0xC830] =	vst v7;
	s1 =	smov.u32 s8  }
0x15c: {  	_ =	sdelay $0x1  }
0x15d: {  	v7 =	vld [tilespmem:s1+$0xC830];
	(erf) = vrcp.f32 v5  }
0x15e: {  	(erf) = vrcp.f32 v6;
	_ =	sdelay $0x2  }
0x15f: {  	(erf) = vrcp.f32 v4  }
0x160: {  	(erf) = vrcp.f32 v7;
	_ =	sdelay $0x3  }
0x161: {  	vm0 =	vgt.f32 v5, $0.0e+00;
	v5 =	vpop (erf)  }
0x162: {  	vm13 =	vgt.f32 v6, $0.0e+00;
	v5 =	vnsel vm0, $0x0, v5;
	v6 =	vpop (erf)  }
0x163: {  	[tilespmem:s1+$0xC800] =	vst v5;
	v5 =	vnsel vm13, $0x0, v6;
	_ =	sdelay $0x1  }
0x164: {  	vm14 =	vgt.f32 v4, $0.0e+00;
	v4 =	vpop (erf)  }
0x165: {  	vm15 =	vgt.f32 v7, $0.0e+00;
	[tilespmem:s1+$0xC810] =	vst v5;
	v4 =	vnsel vm14, $0x0, v4;
	v5 =	vpop (erf)  }
0x166: {  	[tilespmem:s1+$0xC820] =	vst v4;
	v4 =	vnsel vm15, $0x0, v5  }
0x167: {  	s12 =	simm.s32 $0x0;
	s4 =	rddreg [dreg:$0x11];
	[tilespmem:s1+$0xC830] =	vst v4  }
0x168: {  	[hbm4b:s4+s12] =	stream.linear.scatter [tilespmem:s30], [sflag:$0x3], $0x2800, $0x38;
	[tilespmem:$0x1E440] =	vst v63  }
0x169: {  	_ =	swait.ge [sflag:s6], $0x2800  }
0x16a: {  	[sflag:s6] =	ssyncset.done $0x0  }
0x16b: {  	[sflag:s6] =	ssyncadd.s32 $0xFFFFD800  }
0x16c: {  	[spmem:s19] =	stream.linear.scatter [tilespmem:s5], [sflag:$0x3], $0x2800, $0x38;
	[tilespmem:$0x1E440] =	vst v63  }
0x16d: {  	_ =	swait.ge [sflag:s6], $0x2800  }
0x16e: {  	[sflag:s6] =	ssyncset.done $0x0  }
0x16f: {  	[sflag:s6] =	ssyncadd.s32 $0xFFFFD800  }
0x170: {  	[tilespmem:s30], [sflag:$0x3] =	stream.linear.gather [spmem:s22], $0x2800, $0x38;
	[tilespmem:$0x1E440] =	vst v63  }
0x171: {  	_ =	swait.ge [sflag:s6], $0x2800  }
0x172: {  	[sflag:s6] =	ssyncset.done $0x0  }
0x173: {  	s1 =	simm.s32 $0x0;
	[sflag:s6] =	ssyncadd.s32 $0xFFFFD800  }
0x174: {  	v5 =	vld [tilespmem:s1+$0xC800]  }
0x175: {  	v6 =	vld [tilespmem:s1+$0xC810]  }
0x176: {  	s4 =	simm.s32 $0x100;
	v4 =	vld [tilespmem:s1+$0xC820]  }
.LBB2_20:
0x177: {  	p0 =	sne.s32 s4, $0x9F00;
	v7 =	vld [tilespmem:s1+$0xC830];
	_ =	sdelay $0x1  }
0x178: {  	(erf) = vrcp.f32 v5  }
0x179: {  	(erf) = vrcp.f32 v6  }
0x17a: {  	(erf) = vrcp.f32 v4  }
0x17b: {  	(erf) = vrcp.f32 v7;
	_ =	sdelay $0x5  }
0x17c: {  	vm0 =	vgt.f32 v5, $0.0e+00;
	v5 =	vpop (erf)  }
.Ltmp9:
0x17d: {  	v5 =	vnsel vm0, $0x0, v5;
	vm0 =	vgt.f32 v6, $0.0e+00;
	v6 =	vpop (erf);
	(pc) =	sbr.rel @p0 .LBB2_20-.Ltmp9, $4  }
0x17e: {  	s8 =	sshra.s32 s4, $0x2;
	[tilespmem:s1+$0xC800] =	vst v5;
	v6 =	vnsel vm0, $0x0, v6;
	vm0 =	vgt.f32 v4, $0.0e+00;
	v4 =	vpop (erf)  }
0x17f: {  	v5 =	vld [tilespmem:s8+$0xC800];
	[tilespmem:s1+$0xC810] =	vst v6;
	v4 =	vnsel vm0, $0x0, v4;
	vm0 =	vgt.f32 v7, $0.0e+00;
	v7 =	vpop (erf)  }
0x180: {  	v6 =	vld [tilespmem:s8+$0xC810];
	[tilespmem:s1+$0xC820] =	vst v4;
	v7 =	vnsel vm0, $0x0, v7  }
0x181: {  	s4 =	sadd.s32 $0x100, s4;
	v4 =	vld [tilespmem:s8+$0xC820];
	[tilespmem:s1+$0xC830] =	vst v7;
	s1 =	smov.u32 s8  }
0x182: {  	_ =	sdelay $0x1  }
0x183: {  	v7 =	vld [tilespmem:s1+$0xC830];
	(erf) = vrcp.f32 v5  }
0x184: {  	(erf) = vrcp.f32 v6;
	_ =	sdelay $0x2  }
0x185: {  	(erf) = vrcp.f32 v4  }
0x186: {  	(erf) = vrcp.f32 v7;
	_ =	sdelay $0x3  }
0x187: {  	vm0 =	vgt.f32 v5, $0.0e+00;
	v5 =	vpop (erf)  }
0x188: {  	vm13 =	vgt.f32 v6, $0.0e+00;
	v5 =	vnsel vm0, $0x0, v5;
	v6 =	vpop (erf)  }
0x189: {  	[tilespmem:s1+$0xC800] =	vst v5;
	v5 =	vnsel vm13, $0x0, v6;
	_ =	sdelay $0x1  }
0x18a: {  	vm14 =	vgt.f32 v4, $0.0e+00;
	v4 =	vpop (erf)  }
0x18b: {  	vm15 =	vgt.f32 v7, $0.0e+00;
	[tilespmem:s1+$0xC810] =	vst v5;
	v4 =	vnsel vm14, $0x0, v4;
	v5 =	vpop (erf)  }
0x18c: {  	[tilespmem:s1+$0xC820] =	vst v4;
	v4 =	vnsel vm15, $0x0, v5  }
0x18d: {  	s10 =	simm.s32 $0x0;
	s4 =	rddreg [dreg:$0x12];
	[tilespmem:s1+$0xC830] =	vst v4  }
0x18e: {  	[hbm4b:s4+s10] =	stream.linear.scatter [tilespmem:s30], [sflag:$0x3], $0x2800, $0x38;
	[tilespmem:$0x1E440] =	vst v63  }
0x18f: {  	_ =	swait.ge [sflag:s6], $0x2800  }
0x190: {  	[sflag:s6] =	ssyncset.done $0x0  }
0x191: {  	[sflag:s6] =	ssyncadd.s32 $0xFFFFD800  }
0x192: {  	[spmem:s22] =	stream.linear.scatter [tilespmem:s5], [sflag:$0x3], $0x2800, $0x38;
	[tilespmem:$0x1E440] =	vst v63  }
0x193: {  	_ =	swait.ge [sflag:s6], $0x2800  }
0x194: {  	[sflag:s6] =	ssyncset.done $0x0  }
0x195: {  	[sflag:s6] =	ssyncadd.s32 $0xFFFFD800  }
0x196: {  	[bflag:$0x0] =	sbarrier.arrive $0xFFFF  }
0x197: {  	s11 =	rddreg [dreg:$0x13]  }
0x198: {  	[tilespmem:s30], [sflag:$0x3] =	stream.linear.gather [hbm4b:s11+s10], $0x2800, $0x38;
	[tilespmem:$0x1E440] =	vst v63  }
0x199: {  	_ =	swait.ge [sflag:s6], $0x2800  }
0x19a: {  	[sflag:s6] =	ssyncset.done $0x0  }
0x19b: {  	s12 =	rddreg [dreg:$0xb];
	[sflag:s6] =	ssyncadd.s32 $0xFFFFD800  }
0x19c: {  	[tilespmem:s29], [sflag:$0x3] =	stream.linear.gather [hbm4b:s12+s10], $0x2800, $0x38;
	[tilespmem:$0x1E440] =	vst v63  }
0x19d: {  	_ =	swait.ge [sflag:s6], $0x2800  }
0x19e: {  	[sflag:s6] =	ssyncset.done $0x0  }
0x19f: {  	s1 =	simm.s32 $0x0;
	[sflag:s6] =	ssyncadd.s32 $0xFFFFD800  }
0x1a0: {  	v9 =	vld [tilespmem:s1+$0xF000]  }
0x1a1: {  	v10 =	vld [tilespmem:s1+$0xF010]  }
0x1a2: {  	v5 =	vld [tilespmem:s1+$0xF020]  }
0x1a3: {  	v4 =	vld [tilespmem:s1+$0xF030]  }
0x1a4: {  	v6 =	vld [tilespmem:s1+$0xC800]  }
0x1a5: {  	v8 =	vld [tilespmem:s1+$0xC810]  }
0x1a6: {  	s4 =	simm.s32 $0x100;
	v7 =	vld [tilespmem:s1+$0xC820]  }
.LBB2_22:
0x1a7: {  	s8 =	sshra.s32 s4, $0x2;
	p0 =	sne.s32 s4, $0x9F00;
	v11 =	vld [tilespmem:s1+$0xC830];
	v12 =	vmov v5  }
0x1a8: {  	v13 =	vld [tilespmem:s8+$0xF000];
	v14 =	vmov v4  }
0x1a9: {  	v15 =	vld [tilespmem:s8+$0xF010];
	v6 =	vmul.f32 v9, v6  }
.Ltmp10:
0x1aa: {  	v5 =	vld [tilespmem:s8+$0xF020];
	v8 =	vmul.f32 v10, v8;
	(pc) =	sbr.rel @p0 .LBB2_22-.Ltmp10, $4  }
0x1ab: {  	v4 =	vld [tilespmem:s8+$0xF030];
	[tilespmem:s1+$0xC800] =	vst v6;
	v7 =	vmul.f32 v12, v7  }
0x1ac: {  	v6 =	vld [tilespmem:s8+$0xC800];
	[tilespmem:s1+$0xC810] =	vst v8;
	v11 =	vmul.f32 v14, v11  }
0x1ad: {  	v8 =	vld [tilespmem:s8+$0xC810];
	[tilespmem:s1+$0xC820] =	vst v7;
	v9 =	vmov v13  }
0x1ae: {  	s4 =	sadd.s32 $0x100, s4;
	v7 =	vld [tilespmem:s8+$0xC820];
	[tilespmem:s1+$0xC830] =	vst v11;
	v10 =	vmov v15;
	s1 =	smov.u32 s8  }
0x1af: {  	v11 =	vld [tilespmem:s1+$0xC830];
	_ =	sdelay $0x1  }
0x1b0: {  	v6 =	vmul.f32 v9, v6  }
0x1b1: {  	v8 =	vmul.f32 v10, v8  }
0x1b2: {  	[tilespmem:s1+$0xC800] =	vst v6;
	v5 =	vmul.f32 v5, v7  }
0x1b3: {  	[tilespmem:s1+$0xC810] =	vst v8;
	v4 =	vmul.f32 v4, v11  }
0x1b4: {  	[tilespmem:s1+$0xC820] =	vst v5  }
0x1b5: {  	s10 =	simm.s32 $0x0;
	s4 =	rddreg [dreg:$0x18];
	[tilespmem:s1+$0xC830] =	vst v4  }
0x1b6: {  	[hbm4b:s4+s10] =	stream.linear.scatter [tilespmem:s30], [sflag:$0x3], $0x2800, $0x38;
	[tilespmem:$0x1E440] =	vst v63  }
0x1b7: {  	_ =	swait.ge [sflag:s6], $0x2800  }
0x1b8: {  	[sflag:s6] =	ssyncset.done $0x0  }
0x1b9: {  	s11 =	rddreg [dreg:$0x14];
	[sflag:s6] =	ssyncadd.s32 $0xFFFFD800  }
0x1ba: {  	[tilespmem:s30], [sflag:$0x3] =	stream.linear.gather [hbm4b:s11+s10], $0x2800, $0x38;
	[tilespmem:$0x1E440] =	vst v63  }
0x1bb: {  	_ =	swait.ge [sflag:s6], $0x2800  }
0x1bc: {  	[sflag:s6] =	ssyncset.done $0x0  }
0x1bd: {  	s12 =	rddreg [dreg:$0xd];
	[sflag:s6] =	ssyncadd.s32 $0xFFFFD800  }
0x1be: {  	[tilespmem:s29], [sflag:$0x3] =	stream.linear.gather [hbm4b:s12+s10], $0x2800, $0x38;
	[tilespmem:$0x1E440] =	vst v63  }
0x1bf: {  	_ =	swait.ge [sflag:s6], $0x2800  }
0x1c0: {  	[sflag:s6] =	ssyncset.done $0x0  }
0x1c1: {  	s1 =	simm.s32 $0x0;
	[sflag:s6] =	ssyncadd.s32 $0xFFFFD800  }
0x1c2: {  	v9 =	vld [tilespmem:s1+$0xF000]  }
0x1c3: {  	v10 =	vld [tilespmem:s1+$0xF010]  }
0x1c4: {  	v5 =	vld [tilespmem:s1+$0xF020]  }
0x1c5: {  	v4 =	vld [tilespmem:s1+$0xF030]  }
0x1c6: {  	v6 =	vld [tilespmem:s1+$0xC800]  }
0x1c7: {  	v8 =	vld [tilespmem:s1+$0xC810]  }
0x1c8: {  	s4 =	simm.s32 $0x100;
	v7 =	vld [tilespmem:s1+$0xC820]  }
.LBB2_24:
0x1c9: {  	s8 =	sshra.s32 s4, $0x2;
	p0 =	sne.s32 s4, $0x9F00;
	v11 =	vld [tilespmem:s1+$0xC830];
	v12 =	vmov v5  }
0x1ca: {  	v13 =	vld [tilespmem:s8+$0xF000];
	v14 =	vmov v4  }
0x1cb: {  	v15 =	vld [tilespmem:s8+$0xF010];
	v6 =	vmul.f32 v9, v6  }
.Ltmp11:
0x1cc: {  	v5 =	vld [tilespmem:s8+$0xF020];
	v8 =	vmul.f32 v10, v8;
	(pc) =	sbr.rel @p0 .LBB2_24-.Ltmp11, $4  }
0x1cd: {  	v4 =	vld [tilespmem:s8+$0xF030];
	[tilespmem:s1+$0xC800] =	vst v6;
	v7 =	vmul.f32 v12, v7  }
0x1ce: {  	v6 =	vld [tilespmem:s8+$0xC800];
	[tilespmem:s1+$0xC810] =	vst v8;
	v11 =	vmul.f32 v14, v11  }
0x1cf: {  	v8 =	vld [tilespmem:s8+$0xC810];
	[tilespmem:s1+$0xC820] =	vst v7;
	v9 =	vmov v13  }
0x1d0: {  	s4 =	sadd.s32 $0x100, s4;
	v7 =	vld [tilespmem:s8+$0xC820];
	[tilespmem:s1+$0xC830] =	vst v11;
	v10 =	vmov v15;
	s1 =	smov.u32 s8  }
0x1d1: {  	v11 =	vld [tilespmem:s1+$0xC830];
	_ =	sdelay $0x1  }
0x1d2: {  	v6 =	vmul.f32 v9, v6  }
0x1d3: {  	v8 =	vmul.f32 v10, v8  }
0x1d4: {  	[tilespmem:s1+$0xC800] =	vst v6;
	v5 =	vmul.f32 v5, v7  }
0x1d5: {  	[tilespmem:s1+$0xC810] =	vst v8;
	v4 =	vmul.f32 v4, v11  }
0x1d6: {  	[tilespmem:s1+$0xC820] =	vst v5  }
0x1d7: {  	s10 =	simm.s32 $0x0;
	s4 =	rddreg [dreg:$0x1c];
	[tilespmem:s1+$0xC830] =	vst v4  }
0x1d8: {  	[hbm4b:s4+s10] =	stream.linear.scatter [tilespmem:s30], [sflag:$0x3], $0x2800, $0x38;
	[tilespmem:$0x1E440] =	vst v63  }
0x1d9: {  	_ =	swait.ge [sflag:s6], $0x2800  }
0x1da: {  	[sflag:s6] =	ssyncset.done $0x0  }
0x1db: {  	s11 =	rddreg [dreg:$0x15];
	[sflag:s6] =	ssyncadd.s32 $0xFFFFD800  }
0x1dc: {  	[tilespmem:s30], [sflag:$0x3] =	stream.linear.gather [hbm4b:s11+s10], $0x2800, $0x38;
	[tilespmem:$0x1E440] =	vst v63  }
0x1dd: {  	_ =	swait.ge [sflag:s6], $0x2800  }
0x1de: {  	[sflag:s6] =	ssyncset.done $0x0  }
0x1df: {  	s12 =	rddreg [dreg:$0xe];
	[sflag:s6] =	ssyncadd.s32 $0xFFFFD800  }
0x1e0: {  	[tilespmem:s29], [sflag:$0x3] =	stream.linear.gather [hbm4b:s12+s10], $0x2800, $0x38;
	[tilespmem:$0x1E440] =	vst v63  }
0x1e1: {  	_ =	swait.ge [sflag:s6], $0x2800  }
0x1e2: {  	[sflag:s6] =	ssyncset.done $0x0  }
0x1e3: {  	s1 =	simm.s32 $0x0;
	[sflag:s6] =	ssyncadd.s32 $0xFFFFD800  }
0x1e4: {  	v9 =	vld [tilespmem:s1+$0xF000]  }
0x1e5: {  	v10 =	vld [tilespmem:s1+$0xF010]  }
0x1e6: {  	v5 =	vld [tilespmem:s1+$0xF020]  }
0x1e7: {  	v4 =	vld [tilespmem:s1+$0xF030]  }
0x1e8: {  	v6 =	vld [tilespmem:s1+$0xC800]  }
0x1e9: {  	v8 =	vld [tilespmem:s1+$0xC810]  }
0x1ea: {  	s4 =	simm.s32 $0x100;
	v7 =	vld [tilespmem:s1+$0xC820]  }
.LBB2_26:
0x1eb: {  	s8 =	sshra.s32 s4, $0x2;
	p0 =	sne.s32 s4, $0x9F00;
	v11 =	vld [tilespmem:s1+$0xC830];
	v12 =	vmov v5  }
0x1ec: {  	v13 =	vld [tilespmem:s8+$0xF000];
	v14 =	vmov v4  }
0x1ed: {  	v15 =	vld [tilespmem:s8+$0xF010];
	v6 =	vmul.f32 v9, v6  }
.Ltmp12:
0x1ee: {  	v5 =	vld [tilespmem:s8+$0xF020];
	v8 =	vmul.f32 v10, v8;
	(pc) =	sbr.rel @p0 .LBB2_26-.Ltmp12, $4  }
0x1ef: {  	v4 =	vld [tilespmem:s8+$0xF030];
	[tilespmem:s1+$0xC800] =	vst v6;
	v7 =	vmul.f32 v12, v7  }
0x1f0: {  	v6 =	vld [tilespmem:s8+$0xC800];
	[tilespmem:s1+$0xC810] =	vst v8;
	v11 =	vmul.f32 v14, v11  }
0x1f1: {  	v8 =	vld [tilespmem:s8+$0xC810];
	[tilespmem:s1+$0xC820] =	vst v7;
	v9 =	vmov v13  }
0x1f2: {  	s4 =	sadd.s32 $0x100, s4;
	v7 =	vld [tilespmem:s8+$0xC820];
	[tilespmem:s1+$0xC830] =	vst v11;
	v10 =	vmov v15;
	s1 =	smov.u32 s8  }
0x1f3: {  	v11 =	vld [tilespmem:s1+$0xC830];
	_ =	sdelay $0x1  }
0x1f4: {  	v6 =	vmul.f32 v9, v6  }
0x1f5: {  	v8 =	vmul.f32 v10, v8  }
0x1f6: {  	[tilespmem:s1+$0xC800] =	vst v6;
	v5 =	vmul.f32 v5, v7  }
0x1f7: {  	[tilespmem:s1+$0xC810] =	vst v8;
	v4 =	vmul.f32 v4, v11  }
0x1f8: {  	[tilespmem:s1+$0xC820] =	vst v5  }
0x1f9: {  	s10 =	simm.s32 $0x0;
	s4 =	rddreg [dreg:$0x1d];
	[tilespmem:s1+$0xC830] =	vst v4  }
0x1fa: {  	[hbm4b:s4+s10] =	stream.linear.scatter [tilespmem:s30], [sflag:$0x3], $0x2800, $0x38;
	[tilespmem:$0x1E440] =	vst v63  }
0x1fb: {  	_ =	swait.ge [sflag:s6], $0x2800  }
0x1fc: {  	[sflag:s6] =	ssyncset.done $0x0  }
0x1fd: {  	s11 =	rddreg [dreg:$0x16];
	[sflag:s6] =	ssyncadd.s32 $0xFFFFD800  }
0x1fe: {  	[tilespmem:s30], [sflag:$0x3] =	stream.linear.gather [hbm4b:s11+s10], $0x2600, $0x38;
	[tilespmem:$0x1E440] =	vst v63  }
0x1ff: {  	_ =	swait.ge [sflag:s6], $0x2600  }
0x200: {  	[sflag:s6] =	ssyncset.done $0x0  }
0x201: {  	s12 =	rddreg [dreg:$0xf];
	[sflag:s6] =	ssyncadd.s32 $0xFFFFDA00  }
0x202: {  	[tilespmem:s29], [sflag:$0x3] =	stream.linear.gather [hbm4b:s12+s10], $0x2600, $0x38;
	[tilespmem:$0x1E440] =	vst v63  }
0x203: {  	_ =	swait.ge [sflag:s6], $0x2600  }
0x204: {  	[sflag:s6] =	ssyncset.done $0x0  }
0x205: {  	s1 =	simm.s32 $0x0;
	[sflag:s6] =	ssyncadd.s32 $0xFFFFDA00  }
0x206: {  	v9 =	vld [tilespmem:s1+$0xF000]  }
0x207: {  	v10 =	vld [tilespmem:s1+$0xF010]  }
0x208: {  	v5 =	vld [tilespmem:s1+$0xF020]  }
0x209: {  	v4 =	vld [tilespmem:s1+$0xF030]  }
0x20a: {  	v6 =	vld [tilespmem:s1+$0xC800]  }
0x20b: {  	v8 =	vld [tilespmem:s1+$0xC810]  }
0x20c: {  	s4 =	simm.s32 $0x100;
	v7 =	vld [tilespmem:s1+$0xC820]  }
.LBB2_28:
0x20d: {  	s8 =	sshra.s32 s4, $0x2;
	p0 =	sne.s32 s4, $0x9700;
	v11 =	vld [tilespmem:s1+$0xC830];
	v12 =	vmov v5  }
0x20e: {  	v13 =	vld [tilespmem:s8+$0xF000];
	v14 =	vmov v4  }
0x20f: {  	v15 =	vld [tilespmem:s8+$0xF010];
	v6 =	vmul.f32 v9, v6  }
.Ltmp13:
0x210: {  	v5 =	vld [tilespmem:s8+$0xF020];
	v8 =	vmul.f32 v10, v8;
	(pc) =	sbr.rel @p0 .LBB2_28-.Ltmp13, $4  }
0x211: {  	v4 =	vld [tilespmem:s8+$0xF030];
	[tilespmem:s1+$0xC800] =	vst v6;
	v7 =	vmul.f32 v12, v7  }
0x212: {  	v6 =	vld [tilespmem:s8+$0xC800];
	[tilespmem:s1+$0xC810] =	vst v8;
	v11 =	vmul.f32 v14, v11  }
0x213: {  	v8 =	vld [tilespmem:s8+$0xC810];
	[tilespmem:s1+$0xC820] =	vst v7;
	v9 =	vmov v13  }
0x214: {  	s4 =	sadd.s32 $0x100, s4;
	v7 =	vld [tilespmem:s8+$0xC820];
	[tilespmem:s1+$0xC830] =	vst v11;
	v10 =	vmov v15;
	s1 =	smov.u32 s8  }
0x215: {  	v11 =	vld [tilespmem:s1+$0xC830];
	_ =	sdelay $0x1  }
0x216: {  	v6 =	vmul.f32 v9, v6  }
0x217: {  	v8 =	vmul.f32 v10, v8  }
0x218: {  	[tilespmem:s1+$0xC800] =	vst v6;
	v5 =	vmul.f32 v5, v7  }
0x219: {  	[tilespmem:s1+$0xC810] =	vst v8;
	v4 =	vmul.f32 v4, v11  }
0x21a: {  	[tilespmem:s1+$0xC820] =	vst v5  }
0x21b: {  	s4 =	rddreg [dreg:$0x1e];
	[tilespmem:s1+$0xC830] =	vst v4;
	s1 =	simm.s32 $0x0  }
0x21c: {  	[hbm4b:s4+s1] =	stream.linear.scatter [tilespmem:s30], [sflag:$0x3], $0x2600, $0x38;
	[tilespmem:$0x1E440] =	vst v63  }
0x21d: {  	_ =	swait.ge [sflag:s6], $0x2600  }
0x21e: {  	[sflag:s6] =	ssyncset.done $0x0  }
0x21f: {  	[sflag:s6] =	ssyncadd.s32 $0xFFFFDA00  }
0x220: {  	s4 =	simm.s32 $0x0;
	[bflag:$0x0] =	sbarrier.arrive $0xFFFF  }
.LBB2_30:
0x221: {  	[tilespmem:s9], [sflag:$0x3] =	stream.linear.gather [hbm4b:s7+s1], $0x190, $0x38;
	[tilespmem:$0x1E440] =	vst v63  }
0x222: {  	_ =	swait.ge [sflag:s6], $0x190  }
0x223: {  	[sflag:s6] =	ssyncset.done $0x0  }
0x224: {  	[sflag:s6] =	ssyncadd.s32 $0xFFFFFE70  }
0x225: {  	[tilespmem:s3], [sflag:$0x3] =	stream.linear.gather [hbm4b:s14+s1], $0x190, $0x38;
	[tilespmem:$0x1E440] =	vst v63  }
0x226: {  	_ =	swait.ge [sflag:s6], $0x190  }
0x227: {  	[sflag:s6] =	ssyncset.done $0x0  }
0x228: {  	[sflag:s6] =	ssyncadd.s32 $0xFFFFFE70  }
0x229: {  	v4 =	vld [tilespmem:$0x14000]  }
0x22a: {  	v5 =	vld [tilespmem:$0x14010]  }
0x22b: {  	v6 =	vld [tilespmem:$0x14020]  }
0x22c: {  	v7 =	vld [tilespmem:$0x14030]  }
0x22d: {  	v8 =	vld [tilespmem:$0x14040]  }
0x22e: {  	v9 =	vld [tilespmem:$0x14050];
	v4 =	vadd.s32 v0, v4  }
0x22f: {  	[tilespmem:$0x14000] =	vst v4;
	v4 =	vadd.s32 v0, v5;
	v5 =	vld [tilespmem:$0x14060]  }
0x230: {  	v49 =	vld [tilespmem:$0x14070];
	[tilespmem:$0x14010] =	vst v4;
	v4 =	vadd.s32 v0, v6  }
0x231: {  	v50 =	vld [tilespmem:$0x14080];
	[tilespmem:$0x14020] =	vst v4;
	v4 =	vadd.s32 v0, v7  }
0x232: {  	v51 =	vld [tilespmem:$0x14090];
	[tilespmem:$0x14030] =	vst v4;
	v4 =	vadd.s32 v0, v8  }
0x233: {  	v52 =	vld [tilespmem:$0x140A0];
	[tilespmem:$0x14040] =	vst v4;
	v4 =	vadd.s32 v0, v9  }
0x234: {  	[tilespmem:$0x14050] =	vst v4;
	v4 =	vadd.s32 v0, v5;
	v5 =	vld [tilespmem:$0x140B0]  }
0x235: {  	v53 =	vld [tilespmem:$0x140C0];
	[tilespmem:$0x14060] =	vst v4;
	v4 =	vadd.s32 v0, v49  }
0x236: {  	v54 =	vld [tilespmem:$0x140D0];
	[tilespmem:$0x14070] =	vst v4;
	v4 =	vadd.s32 v0, v50  }
0x237: {  	v55 =	vld [tilespmem:$0x140E0];
	[tilespmem:$0x14080] =	vst v4;
	v4 =	vadd.s32 v0, v51  }
0x238: {  	v56 =	vld [tilespmem:$0x140F0];
	[tilespmem:$0x14090] =	vst v4;
	v4 =	vadd.s32 v0, v52  }
0x239: {  	[tilespmem:$0x140A0] =	vst v4;
	v4 =	vadd.s32 v0, v5;
	v5 =	vld [tilespmem:$0x14100]  }
0x23a: {  	v57 =	vld [tilespmem:$0x14110];
	[tilespmem:$0x140B0] =	vst v4;
	v4 =	vadd.s32 v0, v53  }
0x23b: {  	v58 =	vld [tilespmem:$0x14120];
	[tilespmem:$0x140C0] =	vst v4;
	v4 =	vadd.s32 v0, v54  }
0x23c: {  	v59 =	vld [tilespmem:$0x14130];
	[tilespmem:$0x140D0] =	vst v4;
	v4 =	vadd.s32 v0, v55  }
0x23d: {  	v60 =	vld [tilespmem:$0x14140];
	[tilespmem:$0x140E0] =	vst v4;
	v4 =	vadd.s32 v0, v56  }
0x23e: {  	[tilespmem:$0x140F0] =	vst v4;
	v4 =	vadd.s32 v0, v5;
	v5 =	vld [tilespmem:$0x14150]  }
0x23f: {  	v61 =	vld [tilespmem:$0x14160];
	[tilespmem:$0x14100] =	vst v4;
	v4 =	vadd.s32 v0, v57  }
0x240: {  	v62 =	vld [tilespmem:$0x14170];
	[tilespmem:$0x14110] =	vst v4;
	v4 =	vadd.s32 v0, v58  }
0x241: {  	v63 =	vld [tilespmem:$0x14180];
	[tilespmem:$0x14120] =	vst v4;
	v4 =	vadd.s32 v0, v59  }
0x242: {  	[tilespmem:$0x14130] =	vst v4;
	v4 =	vadd.s32 v0, v60  }
0x243: {  	[tilespmem:$0x14140] =	vst v4;
	v4 =	vadd.s32 v0, v5  }
.Ltmp14:
0x244: {  	[tilespmem:$0x14150] =	vst v4;
	v4 =	vadd.s32 v0, v61;
	(pc) =	sbr.rel .LBB2_31-.Ltmp14, $4  }
0x245: {  	[tilespmem:$0x14160] =	vst v4;
	v4 =	vadd.s32 v0, v62  }
0x246: {  	[tilespmem:$0x14170] =	vst v4;
	v4 =	vadd.s32 v0, v63  }
0x247: {  	s8 =	simm.s32 $0x0;
	[tilespmem:$0x14180] =	vst v4  }
0x248: {  	[tilespmem:s1], [sflag:$0x1] =	stream.indirect.gather [hbm4b:s24+s26], $0x40, s9, s26, $0xb8;
	[tilespmem:$0x1E440] =	vst v63  }
.LBB2_33:
0x249: {  	_ =	swait.ge [sflag:s31], $0x6400;
	s8 =	sadd.s32 $0x64, s8  }
0x24a: {  	[sflag:s31] =	ssyncset.done $0x0;
	p0 =	sne.s32 s8, $0x9C4  }
.Ltmp15:
0x24b: {  	[sflag:s31] =	ssyncadd.s32 $0xFFFF9C00;
	(pc) =	sbr.rel @!p0 .LBB2_34-.Ltmp15, $4  }
0x24c: {  	[spmem:s21] =	stream.indirect.scatter.add.f32 [tilespmem:s16], [sflag:$0x3], $0x40, s15, s26, $0xb8;
	[tilespmem:$0x1E440] =	vst v63  }
0x24d: {  	_ =	swait.ge [sflag:s6], $0x6400  }
0x24e: {  	[sflag:s6] =	ssyncset.done $0x0  }
0x24f: {  	[sflag:s6] =	ssyncadd.s32 $0xFFFF9C00  }
.LBB2_31:
0x250: {  	s10 =	sadd.s32 s8, s7  }
0x251: {  	s11 =	sadd.s32 $0x32, s10  }
0x252: {  	[tilespmem:s13], [sflag:$0x3] =	stream.linear.gather [hbm4b:s11+s2], $0x190, $0x38;
	[tilespmem:$0x1E440] =	vst v63  }
0x253: {  	_ =	swait.ge [sflag:s6], $0x190  }
0x254: {  	s11 =	sadd.s32 s8, s14;
	[sflag:s6] =	ssyncset.done $0x0  }
0x255: {  	s12 =	sadd.s32 $0x32, s11;
	[sflag:s6] =	ssyncadd.s32 $0xFFFFFE70  }
0x256: {  	[tilespmem:s15], [sflag:$0x3] =	stream.linear.gather [hbm4b:s12+s2], $0x190, $0x38;
	[tilespmem:$0x1E440] =	vst v63  }
0x257: {  	_ =	swait.ge [sflag:s6], $0x190  }
0x258: {  	[sflag:s6] =	ssyncset.done $0x0  }
0x259: {  	[sflag:s6] =	ssyncadd.s32 $0xFFFFFE70  }
0x25a: {  	v4 =	vld [tilespmem:$0x14190]  }
0x25b: {  	v5 =	vld [tilespmem:$0x141A0]  }
0x25c: {  	v6 =	vld [tilespmem:$0x141B0]  }
0x25d: {  	v7 =	vld [tilespmem:$0x141C0]  }
0x25e: {  	v8 =	vld [tilespmem:$0x141D0]  }
0x25f: {  	v9 =	vld [tilespmem:$0x141E0];
	v4 =	vadd.s32 v0, v4  }
0x260: {  	[tilespmem:$0x14190] =	vst v4;
	v4 =	vadd.s32 v0, v5;
	v5 =	vld [tilespmem:$0x141F0]  }
0x261: {  	v49 =	vld [tilespmem:$0x14200];
	[tilespmem:$0x141A0] =	vst v4;
	v4 =	vadd.s32 v0, v6  }
0x262: {  	v50 =	vld [tilespmem:$0x14210];
	[tilespmem:$0x141B0] =	vst v4;
	v4 =	vadd.s32 v0, v7  }
0x263: {  	v51 =	vld [tilespmem:$0x14220];
	[tilespmem:$0x141C0] =	vst v4;
	v4 =	vadd.s32 v0, v8  }
0x264: {  	v52 =	vld [tilespmem:$0x14230];
	[tilespmem:$0x141D0] =	vst v4;
	v4 =	vadd.s32 v0, v9  }
0x265: {  	[tilespmem:$0x141E0] =	vst v4;
	v4 =	vadd.s32 v0, v5;
	v5 =	vld [tilespmem:$0x14240]  }
0x266: {  	v53 =	vld [tilespmem:$0x14250];
	[tilespmem:$0x141F0] =	vst v4;
	v4 =	vadd.s32 v0, v49  }
0x267: {  	v54 =	vld [tilespmem:$0x14260];
	[tilespmem:$0x14200] =	vst v4;
	v4 =	vadd.s32 v0, v50  }
0x268: {  	v55 =	vld [tilespmem:$0x14270];
	[tilespmem:$0x14210] =	vst v4;
	v4 =	vadd.s32 v0, v51  }
0x269: {  	v56 =	vld [tilespmem:$0x14280];
	[tilespmem:$0x14220] =	vst v4;
	v4 =	vadd.s32 v0, v52  }
0x26a: {  	[tilespmem:$0x14230] =	vst v4;
	v4 =	vadd.s32 v0, v5;
	v5 =	vld [tilespmem:$0x14290]  }
0x26b: {  	v57 =	vld [tilespmem:$0x142A0];
	[tilespmem:$0x14240] =	vst v4;
	v4 =	vadd.s32 v0, v53  }
0x26c: {  	v58 =	vld [tilespmem:$0x142B0];
	[tilespmem:$0x14250] =	vst v4;
	v4 =	vadd.s32 v0, v54  }
0x26d: {  	v59 =	vld [tilespmem:$0x142C0];
	[tilespmem:$0x14260] =	vst v4;
	v4 =	vadd.s32 v0, v55  }
0x26e: {  	v60 =	vld [tilespmem:$0x142D0];
	[tilespmem:$0x14270] =	vst v4;
	v4 =	vadd.s32 v0, v56  }
0x26f: {  	[tilespmem:$0x14280] =	vst v4;
	v4 =	vadd.s32 v0, v5;
	v5 =	vld [tilespmem:$0x142E0]  }
0x270: {  	v61 =	vld [tilespmem:$0x142F0];
	[tilespmem:$0x14290] =	vst v4;
	v4 =	vadd.s32 v0, v57  }
0x271: {  	v62 =	vld [tilespmem:$0x14300];
	[tilespmem:$0x142A0] =	vst v4;
	v4 =	vadd.s32 v0, v58  }
0x272: {  	v63 =	vld [tilespmem:$0x14310];
	[tilespmem:$0x142B0] =	vst v4;
	v4 =	vadd.s32 v0, v59  }
0x273: {  	[tilespmem:$0x142C0] =	vst v4;
	v4 =	vadd.s32 v0, v60  }
0x274: {  	[tilespmem:$0x142D0] =	vst v4;
	v4 =	vadd.s32 v0, v5  }
0x275: {  	[tilespmem:$0x142E0] =	vst v4;
	v4 =	vadd.s32 v0, v61  }
0x276: {  	[tilespmem:$0x142F0] =	vst v4;
	v4 =	vadd.s32 v0, v62  }
0x277: {  	[tilespmem:$0x14300] =	vst v4;
	v4 =	vadd.s32 v0, v63  }
0x278: {  	[tilespmem:$0x14310] =	vst v4  }
0x279: {  	[tilespmem:s16], [sflag:$0x2] =	stream.indirect.gather [hbm4b:s24+s26], $0x40, s13, s26, $0xb8;
	[tilespmem:$0x1E440] =	vst v63  }
0x27a: {  	_ =	swait.ge [sflag:s28], $0x6400  }
0x27b: {  	p0 =	seq.s32 s8, $0x960;
	[sflag:s28] =	ssyncset.done $0x0  }
.Ltmp16:
0x27c: {  	[sflag:s28] =	ssyncadd.s32 $0xFFFF9C00;
	(pc) =	sbr.rel @p0 .LBB2_33-.Ltmp16, $4  }
0x27d: {  	[spmem:s21] =	stream.indirect.scatter.add.f32 [tilespmem:s2], [sflag:$0x3], $0x40, s3, s26, $0xb8;
	[tilespmem:$0x1E440] =	vst v63  }
0x27e: {  	_ =	swait.ge [sflag:s6], $0x6400  }
0x27f: {  	[sflag:s6] =	ssyncset.done $0x0  }
0x280: {  	[sflag:s6] =	ssyncadd.s32 $0xFFFF9C00  }
0x281: {  	s10 =	sadd.s32 $0x64, s10  }
0x282: {  	[tilespmem:s9], [sflag:$0x3] =	stream.linear.gather [hbm4b:s10+s2], $0x190, $0x38;
	[tilespmem:$0x1E440] =	vst v63  }
0x283: {  	_ =	swait.ge [sflag:s6], $0x190  }
0x284: {  	[sflag:s6] =	ssyncset.done $0x0  }
0x285: {  	s12 =	sadd.s32 $0x64, s11;
	[sflag:s6] =	ssyncadd.s32 $0xFFFFFE70  }
0x286: {  	[tilespmem:s3], [sflag:$0x3] =	stream.linear.gather [hbm4b:s12+s2], $0x190, $0x38;
	[tilespmem:$0x1E440] =	vst v63  }
0x287: {  	_ =	swait.ge [sflag:s6], $0x190  }
0x288: {  	[sflag:s6] =	ssyncset.done $0x0  }
0x289: {  	[sflag:s6] =	ssyncadd.s32 $0xFFFFFE70  }
0x28a: {  	v4 =	vld [tilespmem:$0x14000]  }
0x28b: {  	v5 =	vld [tilespmem:$0x14010]  }
0x28c: {  	v6 =	vld [tilespmem:$0x14020]  }
0x28d: {  	v7 =	vld [tilespmem:$0x14030]  }
0x28e: {  	v8 =	vld [tilespmem:$0x14040]  }
0x28f: {  	v9 =	vld [tilespmem:$0x14050];
	v4 =	vadd.s32 v0, v4  }
0x290: {  	[tilespmem:$0x14000] =	vst v4;
	v4 =	vadd.s32 v0, v5;
	v5 =	vld [tilespmem:$0x14060]  }
0x291: {  	v49 =	vld [tilespmem:$0x14070];
	[tilespmem:$0x14010] =	vst v4;
	v4 =	vadd.s32 v0, v6  }
0x292: {  	v50 =	vld [tilespmem:$0x14080];
	[tilespmem:$0x14020] =	vst v4;
	v4 =	vadd.s32 v0, v7  }
0x293: {  	v51 =	vld [tilespmem:$0x14090];
	[tilespmem:$0x14030] =	vst v4;
	v4 =	vadd.s32 v0, v8  }
0x294: {  	v52 =	vld [tilespmem:$0x140A0];
	[tilespmem:$0x14040] =	vst v4;
	v4 =	vadd.s32 v0, v9  }
0x295: {  	[tilespmem:$0x14050] =	vst v4;
	v4 =	vadd.s32 v0, v5;
	v5 =	vld [tilespmem:$0x140B0]  }
0x296: {  	v53 =	vld [tilespmem:$0x140C0];
	[tilespmem:$0x14060] =	vst v4;
	v4 =	vadd.s32 v0, v49  }
0x297: {  	v54 =	vld [tilespmem:$0x140D0];
	[tilespmem:$0x14070] =	vst v4;
	v4 =	vadd.s32 v0, v50  }
0x298: {  	v55 =	vld [tilespmem:$0x140E0];
	[tilespmem:$0x14080] =	vst v4;
	v4 =	vadd.s32 v0, v51  }
0x299: {  	v56 =	vld [tilespmem:$0x140F0];
	[tilespmem:$0x14090] =	vst v4;
	v4 =	vadd.s32 v0, v52  }
0x29a: {  	[tilespmem:$0x140A0] =	vst v4;
	v4 =	vadd.s32 v0, v5;
	v5 =	vld [tilespmem:$0x14100]  }
0x29b: {  	v57 =	vld [tilespmem:$0x14110];
	[tilespmem:$0x140B0] =	vst v4;
	v4 =	vadd.s32 v0, v53  }
0x29c: {  	v58 =	vld [tilespmem:$0x14120];
	[tilespmem:$0x140C0] =	vst v4;
	v4 =	vadd.s32 v0, v54  }
0x29d: {  	v59 =	vld [tilespmem:$0x14130];
	[tilespmem:$0x140D0] =	vst v4;
	v4 =	vadd.s32 v0, v55  }
0x29e: {  	v60 =	vld [tilespmem:$0x14140];
	[tilespmem:$0x140E0] =	vst v4;
	v4 =	vadd.s32 v0, v56  }
0x29f: {  	[tilespmem:$0x140F0] =	vst v4;
	v4 =	vadd.s32 v0, v5;
	v5 =	vld [tilespmem:$0x14150]  }
0x2a0: {  	v61 =	vld [tilespmem:$0x14160];
	[tilespmem:$0x14100] =	vst v4;
	v4 =	vadd.s32 v0, v57  }
0x2a1: {  	v62 =	vld [tilespmem:$0x14170];
	[tilespmem:$0x14110] =	vst v4;
	v4 =	vadd.s32 v0, v58  }
0x2a2: {  	v63 =	vld [tilespmem:$0x14180];
	[tilespmem:$0x14120] =	vst v4;
	v4 =	vadd.s32 v0, v59  }
0x2a3: {  	[tilespmem:$0x14130] =	vst v4;
	v4 =	vadd.s32 v0, v60  }
0x2a4: {  	[tilespmem:$0x14140] =	vst v4;
	v4 =	vadd.s32 v0, v5  }
.Ltmp17:
0x2a5: {  	[tilespmem:$0x14150] =	vst v4;
	v4 =	vadd.s32 v0, v61;
	(pc) =	sbr.rel .LBB2_33-.Ltmp17, $4  }
0x2a6: {  	[tilespmem:$0x14160] =	vst v4;
	v4 =	vadd.s32 v0, v62  }
0x2a7: {  	[tilespmem:$0x14170] =	vst v4;
	v4 =	vadd.s32 v0, v63  }
0x2a8: {  	[tilespmem:$0x14180] =	vst v4  }
0x2a9: {  	[tilespmem:s2], [sflag:$0x1] =	stream.indirect.gather [hbm4b:s24+s26], $0x40, s9, s26, $0xb8;
	[tilespmem:$0x1E440] =	vst v63  }
.LBB2_34:
0x2aa: {  	[bflag:$0x0] =	sbarrier.arrive $0xFFFF  }
0x2ab: {  	[tilespmem:s30], [sflag:$0x1] =	stream.linear.gather [spmem:s19], $0x2800, $0x38;
	[tilespmem:$0x1E440] =	vst v63  }
0x2ac: {  	s8 =	simm.s32 $0x0;
	s10 =	rddreg [dreg:$0x11]  }
0x2ad: {  	[tilespmem:s29], [sflag:$0x2] =	stream.linear.gather [hbm4b:s10+s8], $0x2800, $0x38;
	[tilespmem:$0x1E440] =	vst v63  }
0x2ae: {  	_ =	swait.ge [sflag:s28], $0x2800  }
0x2af: {  	[sflag:s28] =	ssyncset.done $0x0  }
0x2b0: {  	[sflag:s28] =	ssyncadd.s32 $0xFFFFD800  }
0x2b1: {  	_ =	swait.ge [sflag:s31], $0x2800  }
0x2b2: {  	[sflag:s31] =	ssyncset.done $0x0  }
0x2b3: {  	s10 =	simm.s32 $0x0;
	[sflag:s31] =	ssyncadd.s32 $0xFFFFD800  }
0x2b4: {  	v9 =	vld [tilespmem:s10+$0xC800]  }
0x2b5: {  	v10 =	vld [tilespmem:s10+$0xC810]  }
0x2b6: {  	v5 =	vld [tilespmem:s10+$0xC820]  }
0x2b7: {  	v4 =	vld [tilespmem:s10+$0xC830]  }
0x2b8: {  	v7 =	vld [tilespmem:s10+$0xF000]  }
0x2b9: {  	v8 =	vld [tilespmem:s10+$0xF010]  }
0x2ba: {  	s8 =	simm.s32 $0x100;
	v6 =	vld [tilespmem:s10+$0xF020]  }
.LBB2_35:
0x2bb: {  	s11 =	sshra.s32 s8, $0x2;
	p0 =	sne.s32 s8, $0x9F00;
	v11 =	vld [tilespmem:s10+$0xF030];
	v12 =	vmov v5  }
0x2bc: {  	v13 =	vld [tilespmem:s11+$0xC800];
	v14 =	vmov v4  }
0x2bd: {  	v15 =	vld [tilespmem:s11+$0xC810];
	v7 =	vmul.f32 v7, v9  }
.Ltmp18:
0x2be: {  	v5 =	vld [tilespmem:s11+$0xC820];
	v8 =	vmul.f32 v8, v10;
	(pc) =	sbr.rel @p0 .LBB2_35-.Ltmp18, $4  }
0x2bf: {  	v4 =	vld [tilespmem:s11+$0xC830];
	[tilespmem:s10+$0xF000] =	vst v7;
	v6 =	vmul.f32 v6, v12  }
0x2c0: {  	v7 =	vld [tilespmem:s11+$0xF000];
	[tilespmem:s10+$0xF010] =	vst v8;
	v11 =	vmul.f32 v11, v14  }
0x2c1: {  	v8 =	vld [tilespmem:s11+$0xF010];
	[tilespmem:s10+$0xF020] =	vst v6;
	v9 =	vmov v13  }
0x2c2: {  	s8 =	sadd.s32 $0x100, s8;
	v6 =	vld [tilespmem:s11+$0xF020];
	[tilespmem:s10+$0xF030] =	vst v11;
	v10 =	vmov v15;
	s10 =	smov.u32 s11  }
0x2c3: {  	v11 =	vld [tilespmem:s10+$0xF030];
	_ =	sdelay $0x1  }
0x2c4: {  	s8 =	smul.u32 $0x50000, s4;
	v7 =	vmul.f32 v7, v9  }
0x2c5: {  	s11 =	rddreg [dreg:$0x17];
	v8 =	vmul.f32 v8, v10  }
0x2c6: {  	s12 =	rddreg [dreg:$0xc];
	s8 =	sadd.s32 s11, s8;
	[tilespmem:s10+$0xF000] =	vst v7;
	v5 =	vmul.f32 v6, v5  }
0x2c7: {  	s11 =	sadd.s32 s12, s8;
	[tilespmem:s10+$0xF010] =	vst v8;
	v4 =	vmul.f32 v11, v4  }
0x2c8: {  	s12 =	rddreg [dreg:$0x4];
	s11 =	sshrl.u32 s11, $0x3;
	[tilespmem:s10+$0xF020] =	vst v5  }
0x2c9: {  	[tilespmem:s10+$0xF030] =	vst v4;
	s10 =	sadd.s32 s12, s11;
	s11 =	simm.s32 $0x0  }
0x2ca: {  	[hbm4b:s10+s11] =	stream.linear.scatter [tilespmem:s30], [sflag:$0x1], $0x2800, $0x38;
	[tilespmem:$0x1E440] =	vst v63  }
0x2cb: {  	s12 =	rddreg [dreg:$0x19]  }
0x2cc: {  	[hbm4b:s12+s11] =	stream.linear.scatter [tilespmem:s29], [sflag:$0x2], $0x2800, $0x38;
	[tilespmem:$0x1E440] =	vst v63  }
0x2cd: {  	_ = 	snop  }
0x2ce: {  	[spmem:s19] =	stream.linear.scatter [tilespmem:s5], [sflag:$0x3], $0x2800, $0x38;
	[tilespmem:$0x1E440] =	vst v63  }
0x2cf: {  	_ =	swait.ge [sflag:s6], $0x2800  }
0x2d0: {  	[sflag:s6] =	ssyncset.done $0x0  }
0x2d1: {  	[sflag:s6] =	ssyncadd.s32 $0xFFFFD800  }
0x2d2: {  	_ =	swait.ge [sflag:s28], $0x2800  }
0x2d3: {  	[sflag:s28] =	ssyncset.done $0x0  }
0x2d4: {  	[sflag:s28] =	ssyncadd.s32 $0xFFFFD800  }
0x2d5: {  	_ =	swait.ge [sflag:s31], $0x2800  }
0x2d6: {  	[sflag:s31] =	ssyncset.done $0x0  }
0x2d7: {  	[sflag:s31] =	ssyncadd.s32 $0xFFFFD800  }
0x2d8: {  	[tilespmem:s30], [sflag:$0x1] =	stream.linear.gather [spmem:s22], $0x2800, $0x38;
	[tilespmem:$0x1E440] =	vst v63  }
0x2d9: {  	s12 =	rddreg [dreg:$0x12]  }
0x2da: {  	[tilespmem:s29], [sflag:$0x2] =	stream.linear.gather [hbm4b:s12+s11], $0x2800, $0x38;
	[tilespmem:$0x1E440] =	vst v63  }
0x2db: {  	_ =	swait.ge [sflag:s28], $0x2800  }
0x2dc: {  	[sflag:s28] =	ssyncset.done $0x0  }
0x2dd: {  	[sflag:s28] =	ssyncadd.s32 $0xFFFFD800  }
0x2de: {  	_ =	swait.ge [sflag:s31], $0x2800  }
0x2df: {  	[sflag:s31] =	ssyncset.done $0x0  }
0x2e0: {  	s10 =	simm.s32 $0x0;
	[sflag:s31] =	ssyncadd.s32 $0xFFFFD800  }
0x2e1: {  	v9 =	vld [tilespmem:s10+$0xC800]  }
0x2e2: {  	v10 =	vld [tilespmem:s10+$0xC810]  }
0x2e3: {  	v5 =	vld [tilespmem:s10+$0xC820]  }
0x2e4: {  	v4 =	vld [tilespmem:s10+$0xC830]  }
0x2e5: {  	v6 =	vld [tilespmem:s10+$0xF000]  }
0x2e6: {  	v8 =	vld [tilespmem:s10+$0xF010]  }
0x2e7: {  	s11 =	simm.s32 $0x100;
	v7 =	vld [tilespmem:s10+$0xF020]  }
.LBB2_37:
0x2e8: {  	s12 =	sshra.s32 s11, $0x2;
	p0 =	sne.s32 s11, $0x9F00;
	v11 =	vld [tilespmem:s10+$0xF030];
	v12 =	vmov v5  }
0x2e9: {  	v13 =	vld [tilespmem:s12+$0xC800];
	v14 =	vmov v4  }
0x2ea: {  	v15 =	vld [tilespmem:s12+$0xC810];
	v6 =	vmul.f32 v6, v9  }
.Ltmp19:
0x2eb: {  	v5 =	vld [tilespmem:s12+$0xC820];
	v8 =	vmul.f32 v8, v10;
	(pc) =	sbr.rel @p0 .LBB2_37-.Ltmp19, $4  }
0x2ec: {  	v4 =	vld [tilespmem:s12+$0xC830];
	[tilespmem:s10+$0xF000] =	vst v6;
	v7 =	vmul.f32 v7, v12  }
0x2ed: {  	v6 =	vld [tilespmem:s12+$0xF000];
	[tilespmem:s10+$0xF010] =	vst v8;
	v11 =	vmul.f32 v11, v14  }
0x2ee: {  	v8 =	vld [tilespmem:s12+$0xF010];
	[tilespmem:s10+$0xF020] =	vst v7;
	v9 =	vmov v13  }
0x2ef: {  	s11 =	sadd.s32 $0x100, s11;
	v7 =	vld [tilespmem:s12+$0xF020];
	[tilespmem:s10+$0xF030] =	vst v11;
	v10 =	vmov v15;
	s10 =	smov.u32 s12  }
0x2f0: {  	v11 =	vld [tilespmem:s10+$0xF030];
	_ =	sdelay $0x1  }
0x2f1: {  	v6 =	vmul.f32 v6, v9  }
0x2f2: {  	v8 =	vmul.f32 v8, v10  }
0x2f3: {  	s11 =	rddreg [dreg:$0x10];
	[tilespmem:s10+$0xF000] =	vst v6;
	v5 =	vmul.f32 v7, v5  }
0x2f4: {  	s8 =	sadd.s32 s11, s8;
	[tilespmem:s10+$0xF010] =	vst v8;
	v4 =	vmul.f32 v11, v4  }
0x2f5: {  	s11 =	rddreg [dreg:$0x4];
	s8 =	sshrl.u32 s8, $0x3;
	[tilespmem:s10+$0xF020] =	vst v5  }
0x2f6: {  	[tilespmem:s10+$0xF030] =	vst v4;
	s10 =	sadd.s32 s11, s8;
	s8 =	simm.s32 $0x0  }
0x2f7: {  	[hbm4b:s10+s8] =	stream.linear.scatter [tilespmem:s30], [sflag:$0x1], $0x2800, $0x38;
	[tilespmem:$0x1E440] =	vst v63  }
0x2f8: {  	s12 =	rddreg [dreg:$0x1f]  }
0x2f9: {  	[hbm4b:s12+s8] =	stream.linear.scatter [tilespmem:s29], [sflag:$0x2], $0x2800, $0x38;
	[tilespmem:$0x1E440] =	vst v63  }
0x2fa: {  	_ = 	snop  }
0x2fb: {  	[spmem:s22] =	stream.linear.scatter [tilespmem:s5], [sflag:$0x3], $0x2800, $0x38;
	[tilespmem:$0x1E440] =	vst v63  }
0x2fc: {  	_ =	swait.ge [sflag:s6], $0x2800  }
0x2fd: {  	[sflag:s6] =	ssyncset.done $0x0  }
0x2fe: {  	[sflag:s6] =	ssyncadd.s32 $0xFFFFD800  }
0x2ff: {  	_ =	swait.ge [sflag:s28], $0x2800  }
0x300: {  	[sflag:s28] =	ssyncset.done $0x0  }
0x301: {  	[sflag:s28] =	ssyncadd.s32 $0xFFFFD800  }
0x302: {  	_ =	swait.ge [sflag:s31], $0x2800  }
0x303: {  	[sflag:s31] =	ssyncset.done $0x0  }
0x304: {  	[sflag:s31] =	ssyncadd.s32 $0xFFFFD800  }
0x305: {  	[bflag:$0x0] =	sbarrier.arrive $0xFFFF  }
0x306: {  	[tilespmem:s9], [sflag:$0x3] =	stream.linear.gather [hbm4b:s14+s8], $0x190, $0x38;
	[tilespmem:$0x1E440] =	vst v63  }
0x307: {  	_ =	swait.ge [sflag:s6], $0x190  }
0x308: {  	[sflag:s6] =	ssyncset.done $0x0  }
0x309: {  	[sflag:s6] =	ssyncadd.s32 $0xFFFFFE70  }
0x30a: {  	[tilespmem:s3], [sflag:$0x3] =	stream.linear.gather [hbm4b:s7+s8], $0x190, $0x38;
	[tilespmem:$0x1E440] =	vst v63  }
0x30b: {  	_ =	swait.ge [sflag:s6], $0x190  }
0x30c: {  	[sflag:s6] =	ssyncset.done $0x0  }
0x30d: {  	[sflag:s6] =	ssyncadd.s32 $0xFFFFFE70  }
0x30e: {  	v4 =	vld [tilespmem:$0x14000]  }
0x30f: {  	v5 =	vld [tilespmem:$0x14010]  }
0x310: {  	v45 =	vld [tilespmem:$0x14020]  }
0x311: {  	v46 =	vld [tilespmem:$0x14030]  }
0x312: {  	v47 =	vld [tilespmem:$0x14040]  }
0x313: {  	v48 =	vld [tilespmem:$0x14050];
	v4 =	vadd.s32 v1, v4  }
0x314: {  	[tilespmem:$0x14000] =	vst v4;
	v4 =	vadd.s32 v1, v5;
	v5 =	vld [tilespmem:$0x14060]  }
0x315: {  	v49 =	vld [tilespmem:$0x14070];
	[tilespmem:$0x14010] =	vst v4;
	v4 =	vadd.s32 v1, v45  }
0x316: {  	v50 =	vld [tilespmem:$0x14080];
	[tilespmem:$0x14020] =	vst v4;
	v4 =	vadd.s32 v1, v46  }
0x317: {  	v51 =	vld [tilespmem:$0x14090];
	[tilespmem:$0x14030] =	vst v4;
	v4 =	vadd.s32 v1, v47  }
0x318: {  	v52 =	vld [tilespmem:$0x140A0];
	[tilespmem:$0x14040] =	vst v4;
	v4 =	vadd.s32 v1, v48  }
0x319: {  	[tilespmem:$0x14050] =	vst v4;
	v4 =	vadd.s32 v1, v5;
	v5 =	vld [tilespmem:$0x140B0]  }
0x31a: {  	v53 =	vld [tilespmem:$0x140C0];
	[tilespmem:$0x14060] =	vst v4;
	v4 =	vadd.s32 v1, v49  }
0x31b: {  	v54 =	vld [tilespmem:$0x140D0];
	[tilespmem:$0x14070] =	vst v4;
	v4 =	vadd.s32 v1, v50  }
0x31c: {  	v55 =	vld [tilespmem:$0x140E0];
	[tilespmem:$0x14080] =	vst v4;
	v4 =	vadd.s32 v1, v51  }
0x31d: {  	v56 =	vld [tilespmem:$0x140F0];
	[tilespmem:$0x14090] =	vst v4;
	v4 =	vadd.s32 v1, v52  }
0x31e: {  	[tilespmem:$0x140A0] =	vst v4;
	v4 =	vadd.s32 v1, v5;
	v5 =	vld [tilespmem:$0x14100]  }
0x31f: {  	v57 =	vld [tilespmem:$0x14110];
	[tilespmem:$0x140B0] =	vst v4;
	v4 =	vadd.s32 v1, v53  }
0x320: {  	v58 =	vld [tilespmem:$0x14120];
	[tilespmem:$0x140C0] =	vst v4;
	v4 =	vadd.s32 v1, v54  }
0x321: {  	v59 =	vld [tilespmem:$0x14130];
	[tilespmem:$0x140D0] =	vst v4;
	v4 =	vadd.s32 v1, v55  }
0x322: {  	v60 =	vld [tilespmem:$0x14140];
	[tilespmem:$0x140E0] =	vst v4;
	v4 =	vadd.s32 v1, v56  }
0x323: {  	[tilespmem:$0x140F0] =	vst v4;
	v4 =	vadd.s32 v1, v5;
	v5 =	vld [tilespmem:$0x14150]  }
0x324: {  	v61 =	vld [tilespmem:$0x14160];
	[tilespmem:$0x14100] =	vst v4;
	v4 =	vadd.s32 v1, v57  }
0x325: {  	v62 =	vld [tilespmem:$0x14170];
	[tilespmem:$0x14110] =	vst v4;
	v4 =	vadd.s32 v1, v58  }
0x326: {  	v63 =	vld [tilespmem:$0x14180];
	[tilespmem:$0x14120] =	vst v4;
	v4 =	vadd.s32 v1, v59  }
0x327: {  	[tilespmem:$0x14130] =	vst v4;
	v4 =	vadd.s32 v1, v60  }
0x328: {  	[tilespmem:$0x14140] =	vst v4;
	v4 =	vadd.s32 v1, v5  }
.Ltmp20:
0x329: {  	[tilespmem:$0x14150] =	vst v4;
	v4 =	vadd.s32 v1, v61;
	(pc) =	sbr.rel .LBB2_39-.Ltmp20, $4  }
0x32a: {  	[tilespmem:$0x14160] =	vst v4;
	v4 =	vadd.s32 v1, v62  }
0x32b: {  	[tilespmem:$0x14170] =	vst v4;
	v4 =	vadd.s32 v1, v63  }
0x32c: {  	[tilespmem:$0x14180] =	vst v4  }
0x32d: {  	[tilespmem:s8], [sflag:$0x1] =	stream.indirect.gather [hbm4b:s25+s26], $0x40, s9, s26, $0xb8;
	[tilespmem:$0x1E440] =	vst v63  }
.LBB2_41:
0x32e: {  	_ =	swait.ge [sflag:s31], $0x6400;
	s8 =	sadd.s32 $0x64, s8  }
0x32f: {  	[sflag:s31] =	ssyncset.done $0x0;
	p0 =	sne.s32 s8, $0x9C4  }
.Ltmp21:
0x330: {  	[sflag:s31] =	ssyncadd.s32 $0xFFFF9C00;
	(pc) =	sbr.rel @!p0 .LBB2_42-.Ltmp21, $4  }
0x331: {  	[spmem:s21] =	stream.indirect.scatter.add.f32 [tilespmem:s16], [sflag:$0x3], $0x40, s15, s26, $0xb8;
	[tilespmem:$0x1E440] =	vst v63  }
0x332: {  	_ =	swait.ge [sflag:s6], $0x6400  }
0x333: {  	[sflag:s6] =	ssyncset.done $0x0  }
0x334: {  	[sflag:s6] =	ssyncadd.s32 $0xFFFF9C00  }
.LBB2_39:
0x335: {  	s10 =	sadd.s32 s8, s14  }
0x336: {  	s11 =	sadd.s32 $0x32, s10  }
0x337: {  	[tilespmem:s13], [sflag:$0x3] =	stream.linear.gather [hbm4b:s11+s2], $0x190, $0x38;
	[tilespmem:$0x1E440] =	vst v63  }
0x338: {  	_ =	swait.ge [sflag:s6], $0x190  }
0x339: {  	s11 =	sadd.s32 s8, s7;
	[sflag:s6] =	ssyncset.done $0x0  }
0x33a: {  	s12 =	sadd.s32 $0x32, s11;
	[sflag:s6] =	ssyncadd.s32 $0xFFFFFE70  }
0x33b: {  	[tilespmem:s15], [sflag:$0x3] =	stream.linear.gather [hbm4b:s12+s2], $0x190, $0x38;
	[tilespmem:$0x1E440] =	vst v63  }
0x33c: {  	_ =	swait.ge [sflag:s6], $0x190  }
0x33d: {  	[sflag:s6] =	ssyncset.done $0x0  }
0x33e: {  	[sflag:s6] =	ssyncadd.s32 $0xFFFFFE70  }
0x33f: {  	v4 =	vld [tilespmem:$0x14190]  }
0x340: {  	v5 =	vld [tilespmem:$0x141A0]  }
0x341: {  	v6 =	vld [tilespmem:$0x141B0]  }
0x342: {  	v7 =	vld [tilespmem:$0x141C0]  }
0x343: {  	v8 =	vld [tilespmem:$0x141D0]  }
0x344: {  	v9 =	vld [tilespmem:$0x141E0];
	v4 =	vadd.s32 v1, v4  }
0x345: {  	[tilespmem:$0x14190] =	vst v4;
	v4 =	vadd.s32 v1, v5;
	v5 =	vld [tilespmem:$0x141F0]  }
0x346: {  	v49 =	vld [tilespmem:$0x14200];
	[tilespmem:$0x141A0] =	vst v4;
	v4 =	vadd.s32 v1, v6  }
0x347: {  	v50 =	vld [tilespmem:$0x14210];
	[tilespmem:$0x141B0] =	vst v4;
	v4 =	vadd.s32 v1, v7  }
0x348: {  	v51 =	vld [tilespmem:$0x14220];
	[tilespmem:$0x141C0] =	vst v4;
	v4 =	vadd.s32 v1, v8  }
0x349: {  	v52 =	vld [tilespmem:$0x14230];
	[tilespmem:$0x141D0] =	vst v4;
	v4 =	vadd.s32 v1, v9  }
0x34a: {  	[tilespmem:$0x141E0] =	vst v4;
	v4 =	vadd.s32 v1, v5;
	v5 =	vld [tilespmem:$0x14240]  }
0x34b: {  	v53 =	vld [tilespmem:$0x14250];
	[tilespmem:$0x141F0] =	vst v4;
	v4 =	vadd.s32 v1, v49  }
0x34c: {  	v54 =	vld [tilespmem:$0x14260];
	[tilespmem:$0x14200] =	vst v4;
	v4 =	vadd.s32 v1, v50  }
0x34d: {  	v55 =	vld [tilespmem:$0x14270];
	[tilespmem:$0x14210] =	vst v4;
	v4 =	vadd.s32 v1, v51  }
0x34e: {  	v56 =	vld [tilespmem:$0x14280];
	[tilespmem:$0x14220] =	vst v4;
	v4 =	vadd.s32 v1, v52  }
0x34f: {  	[tilespmem:$0x14230] =	vst v4;
	v4 =	vadd.s32 v1, v5;
	v5 =	vld [tilespmem:$0x14290]  }
0x350: {  	v57 =	vld [tilespmem:$0x142A0];
	[tilespmem:$0x14240] =	vst v4;
	v4 =	vadd.s32 v1, v53  }
0x351: {  	v58 =	vld [tilespmem:$0x142B0];
	[tilespmem:$0x14250] =	vst v4;
	v4 =	vadd.s32 v1, v54  }
0x352: {  	v59 =	vld [tilespmem:$0x142C0];
	[tilespmem:$0x14260] =	vst v4;
	v4 =	vadd.s32 v1, v55  }
0x353: {  	v60 =	vld [tilespmem:$0x142D0];
	[tilespmem:$0x14270] =	vst v4;
	v4 =	vadd.s32 v1, v56  }
0x354: {  	[tilespmem:$0x14280] =	vst v4;
	v4 =	vadd.s32 v1, v5;
	v5 =	vld [tilespmem:$0x142E0]  }
0x355: {  	v61 =	vld [tilespmem:$0x142F0];
	[tilespmem:$0x14290] =	vst v4;
	v4 =	vadd.s32 v1, v57  }
0x356: {  	v62 =	vld [tilespmem:$0x14300];
	[tilespmem:$0x142A0] =	vst v4;
	v4 =	vadd.s32 v1, v58  }
0x357: {  	v63 =	vld [tilespmem:$0x14310];
	[tilespmem:$0x142B0] =	vst v4;
	v4 =	vadd.s32 v1, v59  }
0x358: {  	[tilespmem:$0x142C0] =	vst v4;
	v4 =	vadd.s32 v1, v60  }
0x359: {  	[tilespmem:$0x142D0] =	vst v4;
	v4 =	vadd.s32 v1, v5  }
0x35a: {  	[tilespmem:$0x142E0] =	vst v4;
	v4 =	vadd.s32 v1, v61  }
0x35b: {  	[tilespmem:$0x142F0] =	vst v4;
	v4 =	vadd.s32 v1, v62  }
0x35c: {  	[tilespmem:$0x14300] =	vst v4;
	v4 =	vadd.s32 v1, v63  }
0x35d: {  	[tilespmem:$0x14310] =	vst v4  }
0x35e: {  	[tilespmem:s16], [sflag:$0x2] =	stream.indirect.gather [hbm4b:s25+s26], $0x40, s13, s26, $0xb8;
	[tilespmem:$0x1E440] =	vst v63  }
0x35f: {  	_ =	swait.ge [sflag:s28], $0x6400  }
0x360: {  	p0 =	seq.s32 s8, $0x960;
	[sflag:s28] =	ssyncset.done $0x0  }
.Ltmp22:
0x361: {  	[sflag:s28] =	ssyncadd.s32 $0xFFFF9C00;
	(pc) =	sbr.rel @p0 .LBB2_41-.Ltmp22, $4  }
0x362: {  	[spmem:s21] =	stream.indirect.scatter.add.f32 [tilespmem:s2], [sflag:$0x3], $0x40, s3, s26, $0xb8;
	[tilespmem:$0x1E440] =	vst v63  }
0x363: {  	_ =	swait.ge [sflag:s6], $0x6400  }
0x364: {  	[sflag:s6] =	ssyncset.done $0x0  }
0x365: {  	[sflag:s6] =	ssyncadd.s32 $0xFFFF9C00  }
0x366: {  	s10 =	sadd.s32 $0x64, s10  }
0x367: {  	[tilespmem:s9], [sflag:$0x3] =	stream.linear.gather [hbm4b:s10+s2], $0x190, $0x38;
	[tilespmem:$0x1E440] =	vst v63  }
0x368: {  	_ =	swait.ge [sflag:s6], $0x190  }
0x369: {  	[sflag:s6] =	ssyncset.done $0x0  }
0x36a: {  	s12 =	sadd.s32 $0x64, s11;
	[sflag:s6] =	ssyncadd.s32 $0xFFFFFE70  }
0x36b: {  	[tilespmem:s3], [sflag:$0x3] =	stream.linear.gather [hbm4b:s12+s2], $0x190, $0x38;
	[tilespmem:$0x1E440] =	vst v63  }
0x36c: {  	_ =	swait.ge [sflag:s6], $0x190  }
0x36d: {  	[sflag:s6] =	ssyncset.done $0x0  }
0x36e: {  	[sflag:s6] =	ssyncadd.s32 $0xFFFFFE70  }
0x36f: {  	v4 =	vld [tilespmem:$0x14000]  }
0x370: {  	v5 =	vld [tilespmem:$0x14010]  }
0x371: {  	v6 =	vld [tilespmem:$0x14020]  }
0x372: {  	v7 =	vld [tilespmem:$0x14030]  }
0x373: {  	v8 =	vld [tilespmem:$0x14040]  }
0x374: {  	v9 =	vld [tilespmem:$0x14050];
	v4 =	vadd.s32 v1, v4  }
0x375: {  	[tilespmem:$0x14000] =	vst v4;
	v4 =	vadd.s32 v1, v5;
	v5 =	vld [tilespmem:$0x14060]  }
0x376: {  	v49 =	vld [tilespmem:$0x14070];
	[tilespmem:$0x14010] =	vst v4;
	v4 =	vadd.s32 v1, v6  }
0x377: {  	v50 =	vld [tilespmem:$0x14080];
	[tilespmem:$0x14020] =	vst v4;
	v4 =	vadd.s32 v1, v7  }
0x378: {  	v51 =	vld [tilespmem:$0x14090];
	[tilespmem:$0x14030] =	vst v4;
	v4 =	vadd.s32 v1, v8  }
0x379: {  	v52 =	vld [tilespmem:$0x140A0];
	[tilespmem:$0x14040] =	vst v4;
	v4 =	vadd.s32 v1, v9  }
0x37a: {  	[tilespmem:$0x14050] =	vst v4;
	v4 =	vadd.s32 v1, v5;
	v5 =	vld [tilespmem:$0x140B0]  }
0x37b: {  	v53 =	vld [tilespmem:$0x140C0];
	[tilespmem:$0x14060] =	vst v4;
	v4 =	vadd.s32 v1, v49  }
0x37c: {  	v54 =	vld [tilespmem:$0x140D0];
	[tilespmem:$0x14070] =	vst v4;
	v4 =	vadd.s32 v1, v50  }
0x37d: {  	v55 =	vld [tilespmem:$0x140E0];
	[tilespmem:$0x14080] =	vst v4;
	v4 =	vadd.s32 v1, v51  }
0x37e: {  	v56 =	vld [tilespmem:$0x140F0];
	[tilespmem:$0x14090] =	vst v4;
	v4 =	vadd.s32 v1, v52  }
0x37f: {  	[tilespmem:$0x140A0] =	vst v4;
	v4 =	vadd.s32 v1, v5;
	v5 =	vld [tilespmem:$0x14100]  }
0x380: {  	v57 =	vld [tilespmem:$0x14110];
	[tilespmem:$0x140B0] =	vst v4;
	v4 =	vadd.s32 v1, v53  }
0x381: {  	v58 =	vld [tilespmem:$0x14120];
	[tilespmem:$0x140C0] =	vst v4;
	v4 =	vadd.s32 v1, v54  }
0x382: {  	v59 =	vld [tilespmem:$0x14130];
	[tilespmem:$0x140D0] =	vst v4;
	v4 =	vadd.s32 v1, v55  }
0x383: {  	v60 =	vld [tilespmem:$0x14140];
	[tilespmem:$0x140E0] =	vst v4;
	v4 =	vadd.s32 v1, v56  }
0x384: {  	[tilespmem:$0x140F0] =	vst v4;
	v4 =	vadd.s32 v1, v5;
	v5 =	vld [tilespmem:$0x14150]  }
0x385: {  	v61 =	vld [tilespmem:$0x14160];
	[tilespmem:$0x14100] =	vst v4;
	v4 =	vadd.s32 v1, v57  }
0x386: {  	v62 =	vld [tilespmem:$0x14170];
	[tilespmem:$0x14110] =	vst v4;
	v4 =	vadd.s32 v1, v58  }
0x387: {  	v63 =	vld [tilespmem:$0x14180];
	[tilespmem:$0x14120] =	vst v4;
	v4 =	vadd.s32 v1, v59  }
0x388: {  	[tilespmem:$0x14130] =	vst v4;
	v4 =	vadd.s32 v1, v60  }
0x389: {  	[tilespmem:$0x14140] =	vst v4;
	v4 =	vadd.s32 v1, v5  }
.Ltmp23:
0x38a: {  	[tilespmem:$0x14150] =	vst v4;
	v4 =	vadd.s32 v1, v61;
	(pc) =	sbr.rel .LBB2_41-.Ltmp23, $4  }
0x38b: {  	[tilespmem:$0x14160] =	vst v4;
	v4 =	vadd.s32 v1, v62  }
0x38c: {  	[tilespmem:$0x14170] =	vst v4;
	v4 =	vadd.s32 v1, v63  }
0x38d: {  	[tilespmem:$0x14180] =	vst v4  }
0x38e: {  	[tilespmem:s2], [sflag:$0x1] =	stream.indirect.gather [hbm4b:s25+s26], $0x40, s9, s26, $0xb8;
	[tilespmem:$0x1E440] =	vst v63  }
.LBB2_42:
0x38f: {  	[bflag:$0x0] =	sbarrier.arrive $0xFFFF  }
0x390: {  	[tilespmem:s30], [sflag:$0x1] =	stream.linear.gather [spmem:s20], $0x2800, $0x38;
	[tilespmem:$0x1E440] =	vst v63  }
0x391: {  	s8 =	simm.s32 $0x0;
	s10 =	rddreg [dreg:$0xb]  }
0x392: {  	[tilespmem:s29], [sflag:$0x2] =	stream.linear.gather [hbm4b:s10+s8], $0x2800, $0x38;
	[tilespmem:$0x1E440] =	vst v63  }
0x393: {  	_ =	swait.ge [sflag:s28], $0x2800  }
0x394: {  	[sflag:s28] =	ssyncset.done $0x0  }
0x395: {  	[sflag:s28] =	ssyncadd.s32 $0xFFFFD800  }
0x396: {  	_ =	swait.ge [sflag:s31], $0x2800  }
0x397: {  	[sflag:s31] =	ssyncset.done $0x0  }
0x398: {  	s10 =	simm.s32 $0x0;
	[sflag:s31] =	ssyncadd.s32 $0xFFFFD800  }
0x399: {  	v9 =	vld [tilespmem:s10+$0xC800]  }
0x39a: {  	v10 =	vld [tilespmem:s10+$0xC810]  }
0x39b: {  	v5 =	vld [tilespmem:s10+$0xC820]  }
0x39c: {  	v4 =	vld [tilespmem:s10+$0xC830]  }
0x39d: {  	v7 =	vld [tilespmem:s10+$0xF000]  }
0x39e: {  	v8 =	vld [tilespmem:s10+$0xF010]  }
0x39f: {  	s8 =	simm.s32 $0x100;
	v6 =	vld [tilespmem:s10+$0xF020]  }
.LBB2_43:
0x3a0: {  	s11 =	sshra.s32 s8, $0x2;
	p0 =	sne.s32 s8, $0x9F00;
	v11 =	vld [tilespmem:s10+$0xF030];
	v12 =	vmov v5  }
0x3a1: {  	v13 =	vld [tilespmem:s11+$0xC800];
	v14 =	vmov v4  }
0x3a2: {  	v15 =	vld [tilespmem:s11+$0xC810];
	v7 =	vmul.f32 v7, v9  }
.Ltmp24:
0x3a3: {  	v5 =	vld [tilespmem:s11+$0xC820];
	v8 =	vmul.f32 v8, v10;
	(pc) =	sbr.rel @p0 .LBB2_43-.Ltmp24, $4  }
0x3a4: {  	v4 =	vld [tilespmem:s11+$0xC830];
	[tilespmem:s10+$0xF000] =	vst v7;
	v6 =	vmul.f32 v6, v12  }
0x3a5: {  	v7 =	vld [tilespmem:s11+$0xF000];
	[tilespmem:s10+$0xF010] =	vst v8;
	v11 =	vmul.f32 v11, v14  }
0x3a6: {  	v8 =	vld [tilespmem:s11+$0xF010];
	[tilespmem:s10+$0xF020] =	vst v6;
	v9 =	vmov v13  }
0x3a7: {  	s8 =	sadd.s32 $0x100, s8;
	v6 =	vld [tilespmem:s11+$0xF020];
	[tilespmem:s10+$0xF030] =	vst v11;
	v10 =	vmov v15;
	s10 =	smov.u32 s11  }
0x3a8: {  	v11 =	vld [tilespmem:s10+$0xF030];
	_ =	sdelay $0x1  }
0x3a9: {  	s8 =	smul.u32 $0x9E000, s4;
	v7 =	vmul.f32 v7, v9  }
0x3aa: {  	s11 =	rddreg [dreg:$0x1a];
	v8 =	vmul.f32 v8, v10  }
0x3ab: {  	s12 =	rddreg [dreg:$0x7];
	s8 =	sadd.s32 s11, s8;
	[tilespmem:s10+$0xF000] =	vst v7;
	v5 =	vmul.f32 v6, v5  }
0x3ac: {  	s11 =	sadd.s32 s12, s8;
	[tilespmem:s10+$0xF010] =	vst v8;
	v4 =	vmul.f32 v11, v4  }
0x3ad: {  	s11 =	sshrl.u32 s11, $0x3;
	[tilespmem:s10+$0xF020] =	vst v5  }
0x3ae: {  	s12 =	sadd.s32 s23, s11;
	s11 =	simm.s32 $0x0;
	[tilespmem:s10+$0xF030] =	vst v4  }
0x3af: {  	[hbm4b:s12+s11] =	stream.linear.scatter [tilespmem:s30], [sflag:$0x1], $0x2800, $0x38;
	[tilespmem:$0x1E440] =	vst v63  }
0x3b0: {  	s12 =	rddreg [dreg:$0x18]  }
0x3b1: {  	[hbm4b:s12+s11] =	stream.linear.scatter [tilespmem:s29], [sflag:$0x2], $0x2800, $0x38;
	[tilespmem:$0x1E440] =	vst v63  }
0x3b2: {  	_ = 	snop  }
0x3b3: {  	[spmem:s20] =	stream.linear.scatter [tilespmem:s5], [sflag:$0x3], $0x2800, $0x38;
	[tilespmem:$0x1E440] =	vst v63  }
0x3b4: {  	_ =	swait.ge [sflag:s6], $0x2800  }
0x3b5: {  	[sflag:s6] =	ssyncset.done $0x0  }
0x3b6: {  	[sflag:s6] =	ssyncadd.s32 $0xFFFFD800  }
0x3b7: {  	_ =	swait.ge [sflag:s28], $0x2800  }
0x3b8: {  	[sflag:s28] =	ssyncset.done $0x0  }
0x3b9: {  	[sflag:s28] =	ssyncadd.s32 $0xFFFFD800  }
0x3ba: {  	_ =	swait.ge [sflag:s31], $0x2800  }
0x3bb: {  	[sflag:s31] =	ssyncset.done $0x0  }
0x3bc: {  	[sflag:s31] =	ssyncadd.s32 $0xFFFFD800  }
0x3bd: {  	[tilespmem:s30], [sflag:$0x1] =	stream.linear.gather [spmem:s0], $0x2800, $0x38;
	[tilespmem:$0x1E440] =	vst v63  }
0x3be: {  	s12 =	rddreg [dreg:$0xd]  }
0x3bf: {  	[tilespmem:s29], [sflag:$0x2] =	stream.linear.gather [hbm4b:s12+s11], $0x2800, $0x38;
	[tilespmem:$0x1E440] =	vst v63  }
0x3c0: {  	_ =	swait.ge [sflag:s28], $0x2800  }
0x3c1: {  	[sflag:s28] =	ssyncset.done $0x0  }
0x3c2: {  	[sflag:s28] =	ssyncadd.s32 $0xFFFFD800  }
0x3c3: {  	_ =	swait.ge [sflag:s31], $0x2800  }
0x3c4: {  	[sflag:s31] =	ssyncset.done $0x0  }
0x3c5: {  	s10 =	simm.s32 $0x0;
	[sflag:s31] =	ssyncadd.s32 $0xFFFFD800  }
0x3c6: {  	v9 =	vld [tilespmem:s10+$0xC800]  }
0x3c7: {  	v10 =	vld [tilespmem:s10+$0xC810]  }
0x3c8: {  	v5 =	vld [tilespmem:s10+$0xC820]  }
0x3c9: {  	v4 =	vld [tilespmem:s10+$0xC830]  }
0x3ca: {  	v6 =	vld [tilespmem:s10+$0xF000]  }
0x3cb: {  	v8 =	vld [tilespmem:s10+$0xF010]  }
0x3cc: {  	s11 =	simm.s32 $0x100;
	v7 =	vld [tilespmem:s10+$0xF020]  }
.LBB2_45:
0x3cd: {  	s12 =	sshra.s32 s11, $0x2;
	p0 =	sne.s32 s11, $0x9F00;
	v11 =	vld [tilespmem:s10+$0xF030];
	v12 =	vmov v5  }
0x3ce: {  	v13 =	vld [tilespmem:s12+$0xC800];
	v14 =	vmov v4  }
0x3cf: {  	v15 =	vld [tilespmem:s12+$0xC810];
	v6 =	vmul.f32 v6, v9  }
.Ltmp25:
0x3d0: {  	v5 =	vld [tilespmem:s12+$0xC820];
	v8 =	vmul.f32 v8, v10;
	(pc) =	sbr.rel @p0 .LBB2_45-.Ltmp25, $4  }
0x3d1: {  	v4 =	vld [tilespmem:s12+$0xC830];
	[tilespmem:s10+$0xF000] =	vst v6;
	v7 =	vmul.f32 v7, v12  }
0x3d2: {  	v6 =	vld [tilespmem:s12+$0xF000];
	[tilespmem:s10+$0xF010] =	vst v8;
	v11 =	vmul.f32 v11, v14  }
0x3d3: {  	v8 =	vld [tilespmem:s12+$0xF010];
	[tilespmem:s10+$0xF020] =	vst v7;
	v9 =	vmov v13  }
0x3d4: {  	s11 =	sadd.s32 $0x100, s11;
	v7 =	vld [tilespmem:s12+$0xF020];
	[tilespmem:s10+$0xF030] =	vst v11;
	v10 =	vmov v15;
	s10 =	smov.u32 s12  }
0x3d5: {  	v11 =	vld [tilespmem:s10+$0xF030];
	_ =	sdelay $0x1  }
0x3d6: {  	v6 =	vmul.f32 v6, v9  }
0x3d7: {  	v8 =	vmul.f32 v8, v10  }
0x3d8: {  	s11 =	rddreg [dreg:$0x8];
	[tilespmem:s10+$0xF000] =	vst v6;
	v5 =	vmul.f32 v7, v5  }
0x3d9: {  	s11 =	sadd.s32 s11, s8;
	[tilespmem:s10+$0xF010] =	vst v8;
	v4 =	vmul.f32 v11, v4  }
0x3da: {  	s11 =	sshrl.u32 s11, $0x3;
	[tilespmem:s10+$0xF020] =	vst v5  }
0x3db: {  	s12 =	sadd.s32 s23, s11;
	s11 =	simm.s32 $0x0;
	[tilespmem:s10+$0xF030] =	vst v4  }
0x3dc: {  	[hbm4b:s12+s11] =	stream.linear.scatter [tilespmem:s30], [sflag:$0x1], $0x2800, $0x38;
	[tilespmem:$0x1E440] =	vst v63  }
0x3dd: {  	s12 =	rddreg [dreg:$0x1c]  }
0x3de: {  	[hbm4b:s12+s11] =	stream.linear.scatter [tilespmem:s29], [sflag:$0x2], $0x2800, $0x38;
	[tilespmem:$0x1E440] =	vst v63  }
0x3df: {  	_ = 	snop  }
0x3e0: {  	[spmem:s0] =	stream.linear.scatter [tilespmem:s5], [sflag:$0x3], $0x2800, $0x38;
	[tilespmem:$0x1E440] =	vst v63  }
0x3e1: {  	_ =	swait.ge [sflag:s6], $0x2800  }
0x3e2: {  	[sflag:s6] =	ssyncset.done $0x0  }
0x3e3: {  	[sflag:s6] =	ssyncadd.s32 $0xFFFFD800  }
0x3e4: {  	_ =	swait.ge [sflag:s28], $0x2800  }
0x3e5: {  	[sflag:s28] =	ssyncset.done $0x0  }
0x3e6: {  	[sflag:s28] =	ssyncadd.s32 $0xFFFFD800  }
0x3e7: {  	_ =	swait.ge [sflag:s31], $0x2800  }
0x3e8: {  	[sflag:s31] =	ssyncset.done $0x0  }
0x3e9: {  	[sflag:s31] =	ssyncadd.s32 $0xFFFFD800  }
0x3ea: {  	[tilespmem:s30], [sflag:$0x1] =	stream.linear.gather [spmem:s17], $0x2800, $0x38;
	[tilespmem:$0x1E440] =	vst v63  }
0x3eb: {  	s12 =	rddreg [dreg:$0xe]  }
0x3ec: {  	[tilespmem:s29], [sflag:$0x2] =	stream.linear.gather [hbm4b:s12+s11], $0x2800, $0x38;
	[tilespmem:$0x1E440] =	vst v63  }
0x3ed: {  	_ =	swait.ge [sflag:s28], $0x2800  }
0x3ee: {  	[sflag:s28] =	ssyncset.done $0x0  }
0x3ef: {  	[sflag:s28] =	ssyncadd.s32 $0xFFFFD800  }
0x3f0: {  	_ =	swait.ge [sflag:s31], $0x2800  }
0x3f1: {  	[sflag:s31] =	ssyncset.done $0x0  }
0x3f2: {  	s10 =	simm.s32 $0x0;
	[sflag:s31] =	ssyncadd.s32 $0xFFFFD800  }
0x3f3: {  	v9 =	vld [tilespmem:s10+$0xC800]  }
0x3f4: {  	v10 =	vld [tilespmem:s10+$0xC810]  }
0x3f5: {  	v5 =	vld [tilespmem:s10+$0xC820]  }
0x3f6: {  	v4 =	vld [tilespmem:s10+$0xC830]  }
0x3f7: {  	v6 =	vld [tilespmem:s10+$0xF000]  }
0x3f8: {  	v8 =	vld [tilespmem:s10+$0xF010]  }
0x3f9: {  	s11 =	simm.s32 $0x100;
	v7 =	vld [tilespmem:s10+$0xF020]  }
.LBB2_47:
0x3fa: {  	s12 =	sshra.s32 s11, $0x2;
	p0 =	sne.s32 s11, $0x9F00;
	v11 =	vld [tilespmem:s10+$0xF030];
	v12 =	vmov v5  }
0x3fb: {  	v13 =	vld [tilespmem:s12+$0xC800];
	v14 =	vmov v4  }
0x3fc: {  	v15 =	vld [tilespmem:s12+$0xC810];
	v6 =	vmul.f32 v6, v9  }
.Ltmp26:
0x3fd: {  	v5 =	vld [tilespmem:s12+$0xC820];
	v8 =	vmul.f32 v8, v10;
	(pc) =	sbr.rel @p0 .LBB2_47-.Ltmp26, $4  }
0x3fe: {  	v4 =	vld [tilespmem:s12+$0xC830];
	[tilespmem:s10+$0xF000] =	vst v6;
	v7 =	vmul.f32 v7, v12  }
0x3ff: {  	v6 =	vld [tilespmem:s12+$0xF000];
	[tilespmem:s10+$0xF010] =	vst v8;
	v11 =	vmul.f32 v11, v14  }
0x400: {  	v8 =	vld [tilespmem:s12+$0xF010];
	[tilespmem:s10+$0xF020] =	vst v7;
	v9 =	vmov v13  }
0x401: {  	s11 =	sadd.s32 $0x100, s11;
	v7 =	vld [tilespmem:s12+$0xF020];
	[tilespmem:s10+$0xF030] =	vst v11;
	v10 =	vmov v15;
	s10 =	smov.u32 s12  }
0x402: {  	v11 =	vld [tilespmem:s10+$0xF030];
	_ =	sdelay $0x1  }
0x403: {  	v6 =	vmul.f32 v6, v9  }
0x404: {  	v8 =	vmul.f32 v8, v10  }
0x405: {  	s11 =	rddreg [dreg:$0x9];
	[tilespmem:s10+$0xF000] =	vst v6;
	v5 =	vmul.f32 v7, v5  }
0x406: {  	s11 =	sadd.s32 s11, s8;
	[tilespmem:s10+$0xF010] =	vst v8;
	v4 =	vmul.f32 v11, v4  }
0x407: {  	s11 =	sshrl.u32 s11, $0x3;
	[tilespmem:s10+$0xF020] =	vst v5  }
0x408: {  	s12 =	sadd.s32 s23, s11;
	s11 =	simm.s32 $0x0;
	[tilespmem:s10+$0xF030] =	vst v4  }
0x409: {  	[hbm4b:s12+s11] =	stream.linear.scatter [tilespmem:s30], [sflag:$0x1], $0x2800, $0x38;
	[tilespmem:$0x1E440] =	vst v63  }
0x40a: {  	s12 =	rddreg [dreg:$0x1d]  }
0x40b: {  	[hbm4b:s12+s11] =	stream.linear.scatter [tilespmem:s29], [sflag:$0x2], $0x2800, $0x38;
	[tilespmem:$0x1E440] =	vst v63  }
0x40c: {  	_ = 	snop  }
0x40d: {  	[spmem:s17] =	stream.linear.scatter [tilespmem:s5], [sflag:$0x3], $0x2800, $0x38;
	[tilespmem:$0x1E440] =	vst v63  }
0x40e: {  	_ =	swait.ge [sflag:s6], $0x2800  }
0x40f: {  	[sflag:s6] =	ssyncset.done $0x0  }
0x410: {  	[sflag:s6] =	ssyncadd.s32 $0xFFFFD800  }
0x411: {  	_ =	swait.ge [sflag:s28], $0x2800  }
0x412: {  	[sflag:s28] =	ssyncset.done $0x0  }
0x413: {  	[sflag:s28] =	ssyncadd.s32 $0xFFFFD800  }
0x414: {  	_ =	swait.ge [sflag:s31], $0x2800  }
0x415: {  	[sflag:s31] =	ssyncset.done $0x0  }
0x416: {  	[sflag:s31] =	ssyncadd.s32 $0xFFFFD800  }
0x417: {  	[tilespmem:s30], [sflag:$0x1] =	stream.linear.gather [spmem:s18], $0x2600, $0x38;
	[tilespmem:$0x1E440] =	vst v63  }
0x418: {  	s12 =	rddreg [dreg:$0xf]  }
0x419: {  	[tilespmem:s29], [sflag:$0x2] =	stream.linear.gather [hbm4b:s12+s11], $0x2600, $0x38;
	[tilespmem:$0x1E440] =	vst v63  }
0x41a: {  	_ =	swait.ge [sflag:s28], $0x2600  }
0x41b: {  	[sflag:s28] =	ssyncset.done $0x0  }
0x41c: {  	[sflag:s28] =	ssyncadd.s32 $0xFFFFDA00  }
0x41d: {  	_ =	swait.ge [sflag:s31], $0x2600  }
0x41e: {  	[sflag:s31] =	ssyncset.done $0x0  }
0x41f: {  	s10 =	simm.s32 $0x0;
	[sflag:s31] =	ssyncadd.s32 $0xFFFFDA00  }
0x420: {  	v9 =	vld [tilespmem:s10+$0xC800]  }
0x421: {  	v10 =	vld [tilespmem:s10+$0xC810]  }
0x422: {  	v5 =	vld [tilespmem:s10+$0xC820]  }
0x423: {  	v4 =	vld [tilespmem:s10+$0xC830]  }
0x424: {  	v6 =	vld [tilespmem:s10+$0xF000]  }
0x425: {  	v8 =	vld [tilespmem:s10+$0xF010]  }
0x426: {  	s11 =	simm.s32 $0x100;
	v7 =	vld [tilespmem:s10+$0xF020]  }
.LBB2_49:
0x427: {  	s12 =	sshra.s32 s11, $0x2;
	p0 =	sne.s32 s11, $0x9700;
	v11 =	vld [tilespmem:s10+$0xF030];
	v12 =	vmov v5  }
0x428: {  	v13 =	vld [tilespmem:s12+$0xC800];
	v14 =	vmov v4  }
0x429: {  	v15 =	vld [tilespmem:s12+$0xC810];
	v6 =	vmul.f32 v6, v9  }
.Ltmp27:
0x42a: {  	v5 =	vld [tilespmem:s12+$0xC820];
	v8 =	vmul.f32 v8, v10;
	(pc) =	sbr.rel @p0 .LBB2_49-.Ltmp27, $4  }
0x42b: {  	v4 =	vld [tilespmem:s12+$0xC830];
	[tilespmem:s10+$0xF000] =	vst v6;
	v7 =	vmul.f32 v7, v12  }
0x42c: {  	v6 =	vld [tilespmem:s12+$0xF000];
	[tilespmem:s10+$0xF010] =	vst v8;
	v11 =	vmul.f32 v11, v14  }
0x42d: {  	v8 =	vld [tilespmem:s12+$0xF010];
	[tilespmem:s10+$0xF020] =	vst v7;
	v9 =	vmov v13  }
0x42e: {  	s11 =	sadd.s32 $0x100, s11;
	v7 =	vld [tilespmem:s12+$0xF020];
	[tilespmem:s10+$0xF030] =	vst v11;
	v10 =	vmov v15;
	s10 =	smov.u32 s12  }
0x42f: {  	v11 =	vld [tilespmem:s10+$0xF030];
	_ =	sdelay $0x1  }
0x430: {  	v6 =	vmul.f32 v6, v9  }
0x431: {  	v8 =	vmul.f32 v8, v10  }
0x432: {  	s11 =	rddreg [dreg:$0xa];
	[tilespmem:s10+$0xF000] =	vst v6;
	v5 =	vmul.f32 v7, v5  }
0x433: {  	s8 =	sadd.s32 s11, s8;
	[tilespmem:s10+$0xF010] =	vst v8;
	v4 =	vmul.f32 v11, v4  }
0x434: {  	s8 =	sshrl.u32 s8, $0x3;
	[tilespmem:s10+$0xF020] =	vst v5  }
0x435: {  	s8 =	sadd.s32 s23, s8;
	[tilespmem:s10+$0xF030] =	vst v4  }
0x436: {  	[hbm4b:s8+s2] =	stream.linear.scatter [tilespmem:s30], [sflag:$0x1], $0x2600, $0x38;
	[tilespmem:$0x1E440] =	vst v63  }
0x437: {  	s12 =	rddreg [dreg:$0x1e]  }
0x438: {  	[hbm4b:s12+s2] =	stream.linear.scatter [tilespmem:s29], [sflag:$0x2], $0x2600, $0x38;
	[tilespmem:$0x1E440] =	vst v63  }
0x439: {  	_ = 	snop  }
0x43a: {  	[spmem:s18] =	stream.linear.scatter [tilespmem:s5], [sflag:$0x3], $0x2600, $0x38;
	[tilespmem:$0x1E440] =	vst v63  }
0x43b: {  	_ =	swait.ge [sflag:s6], $0x2600  }
0x43c: {  	[sflag:s6] =	ssyncset.done $0x0  }
0x43d: {  	[sflag:s6] =	ssyncadd.s32 $0xFFFFDA00  }
0x43e: {  	_ =	swait.ge [sflag:s28], $0x2600  }
0x43f: {  	s4 =	sadd.s32 $0x1, s4;
	[sflag:s28] =	ssyncset.done $0x0  }
0x440: {  	p0 =	sne.s32 s4, $0x10;
	[sflag:s28] =	ssyncadd.s32 $0xFFFFDA00  }
.Ltmp28:
0x441: {  	_ =	swait.ge [sflag:s31], $0x2600;
	(pc) =	sbr.rel @p0 .LBB2_30-.Ltmp28, $3  }
0x442: {  	[sflag:s31] =	ssyncset.done $0x0  }
0x443: {  	[sflag:s31] =	ssyncadd.s32 $0xFFFFDA00  }
0x444: {  	[bflag:$0x0] =	sbarrier.arrive $0xFFFF;
	_ =	sdelay $0x1  }
0x445: {  	s4 =	sld [smem:$0x7FD];
	_ =	sdelay $0x2  }
0x446: {  	s1 =	rddreg [dreg:$0x1b];
	s4 =	sadd.s32 $0x1, s4  }
0x447: {  	p0 =	sne.s32 s4, s1  }
.Ltmp29:
0x448: {  	_ = 	snop;
	(pc) =	sbr.rel @p0 .LBB2_1-.Ltmp29, $1  }
0x449: {  	_ =	sdelay $0x3  }
0x44a: {  	_ =	sfence.sel $0x180000  }
0x44b: {  	[bflag:$0x0] =	sbarrier.arrive $0xFFFF  }
0x44c: {  	_ =	strace $0x90000047  }
0x44d: {  	s0 =	stileid.u32;
	[bflag:$0x2] =	sbarrier.arrive $0xFFFF  }
0x44e: {  	p0 =	sne.s32 s0, $0x0;
	s0 =	rddreg [dreg:$0x6]  }
0x44f: {  	s0 =	sadd.s32 @!p0 $0x100000, s0  }
0x450: {  	[sflag:s0] =	ssyncadd.tile.s32 @!p0 $0x1;
	_ =	shalt  }
.Lfunc_end2:
_tile_overlayer_lowered:
.L_overlay_start_2:
0x451: {  	(tag) =	ssettag $0x2  }
0x452: {  	s0 =	rddreg [dreg:$0x0];
	s2 =	stileid.u32  }
0x453: {  	s1 =	rddreg [dreg:$0x1];
	p0 =	sne.s32 s2, $0x0  }
0x454: {  	s3 =	rddreg [dreg:$0x2];
	[bflag:$0x3] =	sbarrier.arrive $0xFFFF;
	s2 =	simm.s32 @!p0 $0x1C03  }
0x455: {  	[timem:s3], [sflag:s2] =	dma.local @!p0 [hbm:s0], s1  }
0x456: {  	s0 =	simm.s32 @!p0 $0x3  }
0x457: {  	_ =	swait.ge @!p0 [sflag:s0], s1  }
0x458: {  	s1 =	ssub.s32 @!p0 $0x0, s1;
	[sflag:s0] =	ssyncset.done @!p0 $0x0  }
0x459: {  	[sflag:s0] =	ssyncadd.s32 @!p0 s1  }
0x45a: {  	[bflag:$0x3] =	sbarrier.arrive $0xFFFF  }
0x45b: {  	_ =	shalt  }

</sc_bundles>
